<compile_context>
chip_gen: v7x
topology: tpu7x:2x2x1
jax: 0.10.2.dev20260603
libtpu: 0.0.44.dev20260713+nightly
codegen_flags: <defaults>
</compile_context>

<pallas_src>
import functools

import jax
import jax.numpy as jnp
import numpy as np
from jax import lax
from jax.experimental import pallas as pl
from jax.experimental.pallas import tpu as pltpu
from jax.experimental.pallas import tpu_sc as plsc

NC = 2
NS = 16
GRP = 64
UNIT = 8 * GRP


def _mesh():
    return plsc.VectorSubcoreMesh(core_axis_name="c", subcore_axis_name="s")


def _node_split(n, w):
    blocks = n // 8
    q, rr = blocks // NS, blocks % NS
    start = 8 * (w * q + jnp.minimum(w, rr))
    return start, 8 * q, w < rr


def _deg_call(n, u_total):
    u_per = u_total // (NC * NS)

    @functools.partial(
        pl.kernel,
        out_type=jax.ShapeDtypeStruct((NC, n, 16), jnp.float32),
        mesh=_mesh(),
        scratch_types=[
            pltpu.VMEM_SHARED((n + 8, 16), jnp.float32),
            pltpu.VMEM((8 * (n // 8 // NS + 1), 16), jnp.float32),
            pltpu.VMEM((GRP, 16), jnp.float32),
            pltpu.VMEM((8, GRP), jnp.int32),
        ],
    )
    def deg_kernel(dst_hbm, out_hbm, acc, zbuf, ones, idx):
        c = lax.axis_index("c")
        s = lax.axis_index("s")
        w = c * NS + s
        zrows = zbuf.shape[0]

        def fill(i, _):
            zbuf[i] = jnp.zeros((16,), jnp.float32)
            return 0

        lax.fori_loop(0, zrows, fill, 0)

        def fill1(i, _):
            ones[i] = jnp.ones((16,), jnp.float32)
            return 0

        lax.fori_loop(0, GRP, fill1, 0)

        start, main, extra = _node_split(n, s)
        pltpu.sync_copy(zbuf.at[pl.ds(0, main)], acc.at[pl.ds(start, main)])

        @pl.when(extra)
        def _():
            pltpu.sync_copy(zbuf.at[pl.ds(0, 8)],
                            acc.at[pl.ds(start + main, 8)])

        @pl.when(s == 0)
        def _():
            pltpu.sync_copy(zbuf.at[pl.ds(0, 8)], acc.at[pl.ds(n, 8)])

        plsc.subcore_barrier()

        def body(i, _):
            pltpu.sync_copy(dst_hbm.at[w * u_per + i], idx)
            for j in range(8):
                pltpu.sync_copy(ones, acc.at[idx.at[j]], add=True)
            return 0

        lax.fori_loop(0, u_per, body, 0)
        plsc.subcore_barrier()
        pltpu.sync_copy(acc.at[pl.ds(start, main)],
                        out_hbm.at[c, pl.ds(start, main)])

        @pl.when(extra)
        def _():
            pltpu.sync_copy(acc.at[pl.ds(start + main, 8)],
                            out_hbm.at[c, pl.ds(start + main, 8)])

    return deg_kernel


NSLOT = 4
AHEAD = 3


def _prop_call(n, nu):

    @functools.partial(
        pl.kernel,
        out_type=jax.ShapeDtypeStruct((NC, n, 128), jnp.float32),
        mesh=_mesh(),
        scratch_types=[
            pltpu.VMEM_SHARED((n + 8, 128), jnp.float32),
            pltpu.VMEM((2, 8, GRP), jnp.int32),
            pltpu.VMEM((2, 8, GRP), jnp.int32),
            [pltpu.VMEM((GRP, 128), jnp.float32)] * NSLOT,
            [pltpu.SemaphoreType.DMA] * NSLOT,
            [pltpu.SemaphoreType.DMA] * NSLOT,
            pltpu.SemaphoreType.DMA,
            pltpu.SemaphoreType.DMA,
        ],
    )
    def prop_kernel(y_hbm, src_hbm, dst_hbm, out_hbm,
                    acc, idx_s, idx_d, rows, sg, ss, sis, sid):
        c = lax.axis_index("c")
        s = lax.axis_index("s")
        g_total = 8 * nu
        start, main, extra = _node_split(n, s)
        pltpu.sync_copy(y_hbm.at[c, pl.ds(start, main)],
                        acc.at[pl.ds(start, main)])

        @pl.when(extra)
        def _():
            pltpu.sync_copy(y_hbm.at[c, pl.ds(start + main, 8)],
                            acc.at[pl.ds(start + main, 8)])

        pltpu.sync_copy(src_hbm.at[s, 0], idx_s.at[0])
        pltpu.sync_copy(dst_hbm.at[s, 0], idx_d.at[0])
        plsc.subcore_barrier()

        def gather(p, j, slot):
            pltpu.async_copy(y_hbm.at[c].at[idx_s.at[p, j]], rows[slot],
                             sg[slot])

        def wait_gather(p, j, slot):
            pltpu.make_async_copy(y_hbm.at[c].at[idx_s.at[p, j]], rows[slot],
                                  sg[slot]).wait()

        def wait_scatter(p, j, slot):
            pltpu.make_async_copy(rows[slot], acc.at[idx_d.at[p, j]],
                                  ss[slot]).wait()

        for g in range(AHEAD):
            gather(0, g, g)

        def body(u, _):
            p = u % 2

            @pl.when(u + 1 < nu)
            def _():
                pltpu.async_copy(src_hbm.at[s, u + 1], idx_s.at[1 - p], sis)
                pltpu.async_copy(dst_hbm.at[s, u + 1], idx_d.at[1 - p], sid)

            for j in range(8):
                g = 8 * u + j
                k = j % NSLOT
                k2 = (j + AHEAD) % NSLOT
                wait_gather(p, j, k)
                pltpu.async_copy(rows[k], acc.at[idx_d.at[p, j]], ss[k],
                                 add=True)

                @pl.when(g >= NSLOT - AHEAD)
                def _():
                    wait_scatter(p, j, k2)

                ja = j + AHEAD
                if ja >= 8:
                    @pl.when(u + 1 < nu)
                    def _():
                        if ja == 8:
                            pltpu.make_async_copy(src_hbm.at[s, u],
                                                  idx_s.at[p], sis).wait()
                            pltpu.make_async_copy(dst_hbm.at[s, u],
                                                  idx_d.at[p], sid).wait()
                        gather(1 - p, ja - 8, k2)
                else:
                    @pl.when(g + AHEAD < g_total)
                    def _():
                        gather(p, ja, k2)
            return 0

        lax.fori_loop(0, nu, body, 0)
        for i in range(NSLOT - AHEAD):
            slot = (g_total - (NSLOT - AHEAD) + i) % NSLOT
            wait_scatter((nu - 1) % 2, 0, slot)
        plsc.subcore_barrier()
        pltpu.sync_copy(acc.at[pl.ds(start, main)],
                        out_hbm.at[c, pl.ds(start, main)])

        @pl.when(extra)
        def _():
            pltpu.sync_copy(acc.at[pl.ds(start + main, 8)],
                            out_hbm.at[c, pl.ds(start + main, 8)])

    return prop_kernel


def _dinv_of(deg_ref):
    d = deg_ref[0, :, 0:1] + deg_ref[1, :, 0:1] + 1.0
    return lax.rsqrt(d)


def _tc_pre_body(x_ref, wp_ref, bp_ref, w1_ref, deg_ref, y_ref):
    h0 = jnp.dot(x_ref[...], wp_ref[...], preferred_element_type=jnp.float32)
    h0 = jnp.maximum(h0 + bp_ref[...], 0.0)
    dinv = _dinv_of(deg_ref)
    y = jnp.dot(h0, w1_ref[...], preferred_element_type=jnp.float32) * dinv
    y_ref[0] = y[:, :128]
    y_ref[1] = y[:, 128:]


def _tc_mid_body(s_ref, deg_ref, g_ref, beta_ref, w_ref, y_ref):
    dinv = _dinv_of(deg_ref)
    s_cat = jnp.concatenate([s_ref[0], s_ref[1]], axis=1)
    h = jnp.maximum(s_cat * dinv * g_ref[...] + beta_ref[...], 0.0)
    y = jnp.dot(h, w_ref[...], preferred_element_type=jnp.float32) * dinv
    y_ref[0] = y[:, :128]
    y_ref[1] = y[:, 128:]


def _tc_post_body(s_ref, deg_ref, g3_ref, beta3_ref, wo1_ref, g4_ref,
                  beta4_ref, wo2_ref, bo2_ref, out_ref):
    dinv = _dinv_of(deg_ref)
    s_cat = jnp.concatenate([s_ref[0], s_ref[1]], axis=1)
    h = jnp.maximum(s_cat * dinv * g3_ref[...] + beta3_ref[...], 0.0)
    h4 = jnp.dot(h, wo1_ref[...], preferred_element_type=jnp.float32)
    h4 = jnp.maximum(h4 * g4_ref[...] + beta4_ref[...], 0.0)
    lg = jnp.dot(h4, wo2_ref[...], preferred_element_type=jnp.float32)
    lg = lg + bo2_ref[...]
    m = jnp.max(lg, axis=1, keepdims=True)
    lse = m + jnp.log(jnp.sum(jnp.exp(lg - m), axis=1, keepdims=True))
    out_ref[...] = lg - lse


def _row(r, h):
    return pl.BlockSpec((r, h), lambda i: (i, 0))


def _fixed(*shape):
    nd = len(shape)
    return pl.BlockSpec(shape, lambda i, _n=nd: (0,) * _n)


def _half(r):
    return pl.BlockSpec((NC, r, 128), lambda i: (0, i, 0))


def _degspec(r):
    return pl.BlockSpec((NC, r, 16), lambda i: (0, i, 0))


def kernel(x, edge_index, Wp, bp, W1, b1, W2, b2, W3, b3, Wo1, bo1, Wo2, bo2,
           gn1, bnb1, gn2, bnb2, gn3, bnb3, gn4, bnb4):
    n, f_in = x.shape
    h_dim = W1.shape[0]
    e = edge_index.shape[1]
    c_dim = Wo2.shape[1]
    assert n % 8 == 0 and h_dim == 256

    e2 = -(-e // (NS * UNIT)) * (NS * UNIT)
    pad = e2 - e
    src_p = jnp.concatenate(
        [edge_index[0], jnp.zeros((pad,), edge_index.dtype)])
    dst_p = jnp.concatenate(
        [edge_index[1], n + (jnp.arange(pad, dtype=edge_index.dtype) % 8)])
    dst3 = dst_p.reshape(e2 // UNIT, 8, GRP)
    u_total = e2 // UNIT
    nu = e2 // (NS * UNIT)
    src5 = src_p.reshape(NS, nu, 8, GRP)
    dst5 = dst_p.reshape(NS, nu, 8, GRP)

    sc = 1.0 / np.sqrt(1.0 + 1e-5)
    g1 = (gn1 * sc).reshape(1, h_dim)
    g2 = (gn2 * sc).reshape(1, h_dim)
    g3 = (gn3 * sc).reshape(1, h_dim)
    g4 = (gn4 * sc).reshape(1, h_dim)
    beta1 = (b1 * g1[0] + bnb1).reshape(1, h_dim)
    beta2 = (b2 * g2[0] + bnb2).reshape(1, h_dim)
    beta3 = (b3 * g3[0] + bnb3).reshape(1, h_dim)
    beta4 = (bo1 * g4[0] + bnb4).reshape(1, h_dim)

    deg = _deg_call(n, u_total)(dst3)

    r = 2000
    grid = (n // r,)

    y1 = pl.pallas_call(
        _tc_pre_body,
        grid=grid,
        in_specs=[_row(r, f_in), _fixed(f_in, h_dim), _fixed(1, h_dim),
                  _fixed(h_dim, h_dim), _degspec(r)],
        out_specs=_half(r),
        out_shape=jax.ShapeDtypeStruct((NC, n, 128), jnp.float32),
    )(x, Wp, bp.reshape(1, h_dim), W1, deg)

    prop = _prop_call(n, nu)
    s1 = prop(y1, src5, dst5)

    def mid(s_in, g, beta, w):
        return pl.pallas_call(
            _tc_mid_body,
            grid=grid,
            in_specs=[_half(r), _degspec(r), _fixed(1, h_dim),
                      _fixed(1, h_dim), _fixed(h_dim, h_dim)],
            out_specs=_half(r),
            out_shape=jax.ShapeDtypeStruct((NC, n, 128), jnp.float32),
        )(s_in, deg, g, beta, w)

    y2 = mid(s1, g1, beta1, W2)
    s2 = prop(y2, src5, dst5)
    y3 = mid(s2, g2, beta2, W3)
    s3 = prop(y3, src5, dst5)

    out = pl.pallas_call(
        _tc_post_body,
        grid=grid,
        in_specs=[_half(r), _degspec(r), _fixed(1, h_dim), _fixed(1, h_dim),
                  _fixed(h_dim, h_dim), _fixed(1, h_dim), _fixed(1, h_dim),
                  _fixed(h_dim, c_dim), _fixed(1, c_dim)],
        out_specs=_row(r, c_dim),
        out_shape=jax.ShapeDtypeStruct((n, c_dim), jnp.float32),
    )(s3, deg, g3, beta3, Wo1, g4, beta4, Wo2, bo2.reshape(1, c_dim))
    return out

# --- scband reference (transcript-rebuilt; emitter-appended) ---
"""Pipeline reference for scband-aaf-gcnconv-32804960207311 (READ-ONLY COPY).

The authoritative reference and input builder live on the scoring server;
editing this copy changes nothing except your own understanding.
"""

import jax, jax.numpy as jnp
import numpy as np


def _gcn(x, src, dst, W, b):
    N = x.shape[0]
    deg = jax.ops.segment_sum(jnp.ones_like(dst, dtype=x.dtype), dst, num_segments=N)
    dinv = jnp.where(deg > 0, 1.0 / jnp.sqrt(deg), 0.0)
    norm = dinv[src] * dinv[dst]
    xw = x @ W
    msg = xw[src] * norm[:, None]
    return jax.ops.segment_sum(msg, dst, num_segments=N) + b


def _bn(x, g, b):
    # eval-mode BatchNorm1d with running_mean=0, running_var=1 (fresh init)
    return x / jnp.sqrt(1.0 + 1e-5) * g + b


def setup_inputs(seed: int = 0):
    key = jax.random.key(seed)
    ks = jax.random.split(key, 12)
    N, E, F_in, H, C = 10000, 320000, 128, 256, 40
    inp = {}
    inp["x"] = jax.random.normal(ks[0], (N, F_in), dtype=jnp.float32)
    inp["edge_index"] = jax.random.randint(ks[1], (2, E), 0, N)
    inp["Wp"] = jax.random.normal(ks[2], (F_in, H), dtype=jnp.float32) / np.sqrt(F_in)
    inp["bp"] = jnp.zeros((H,), dtype=jnp.float32)
    inp["W1"] = jax.random.normal(ks[3], (H, H), dtype=jnp.float32) / np.sqrt(H)
    inp["b1"] = jnp.zeros((H,), dtype=jnp.float32)
    inp["W2"] = jax.random.normal(ks[4], (H, H), dtype=jnp.float32) / np.sqrt(H)
    inp["b2"] = jnp.zeros((H,), dtype=jnp.float32)
    inp["W3"] = jax.random.normal(ks[5], (H, H), dtype=jnp.float32) / np.sqrt(H)
    inp["b3"] = jnp.zeros((H,), dtype=jnp.float32)
    inp["Wo1"] = jax.random.normal(ks[6], (H, H), dtype=jnp.float32) / np.sqrt(H)
    inp["bo1"] = jnp.zeros((H,), dtype=jnp.float32)
    inp["Wo2"] = jax.random.normal(ks[7], (H, C), dtype=jnp.float32) / np.sqrt(H)
    inp["bo2"] = jnp.zeros((C,), dtype=jnp.float32)
    for i in range(1, 5):
        inp[f"gn{i}"] = jnp.ones((H,), dtype=jnp.float32)
        inp[f"bnb{i}"] = jnp.zeros((H,), dtype=jnp.float32)
    return inp


def reference(x, edge_index, Wp, bp, W1, b1, W2, b2, W3, b3, Wo1, bo1, Wo2, bo2, gn1, bnb1, gn2, bnb2, gn3, bnb3, gn4, bnb4):
    N = x.shape[0]
    loops = jnp.arange(N, dtype=edge_index.dtype)
    src = jnp.concatenate([edge_index[0], loops])
    dst = jnp.concatenate([edge_index[1], loops])
    h = jax.nn.relu(x @ Wp + bp)  # dropout is identity in eval mode
    h = jax.nn.relu(_bn(_gcn(h, src, dst, W1, b1), gn1, bnb1))
    h = jax.nn.relu(_bn(_gcn(h, src, dst, W2, b2), gn2, bnb2))
    h = jax.nn.relu(_bn(_gcn(h, src, dst, W3, b3), gn3, bnb3))
    h = jax.nn.relu(_bn(h @ Wo1 + bo1, gn4, bnb4))
    h = h @ Wo2 + bo2
    return jax.nn.log_softmax(h, axis=1)

if __name__ == "__main__":
    import jax
    _d = setup_inputs()
    print(jax.jit(kernel)(*tuple(_d.values())))

</pallas_src>

<mosaic_0001>
#map = affine_map<(d0, d1) -> (0, 0, 0)>
module attributes {stable_mosaic.version = 14 : i64} {
  func.func @deg_kernel(%arg0: i32, %arg1: i32, %arg2: memref<640x8x64xi32, #tpu.memory_space<hbm>>, %arg3: memref<2x10000x16xf32, #tpu.memory_space<hbm>>, %arg4: memref<10008x16xf32, #tpu.memory_space<vmem_shared>>, %arg5: memref<632x16xf32, #tpu.memory_space<vmem>>, %arg6: memref<64x16xf32, #tpu.memory_space<vmem>>, %arg7: memref<8x64xi32, #tpu.memory_space<vmem>>) attributes {dimension_semantics = [#tpu.dimension_semantics<core_parallel>, #tpu.dimension_semantics<subcore_parallel>], iteration_bounds = array<i64: 2, 16>, scalar_prefetch = 0 : i64, scratch_operands = 4 : i64, tpu.core_type = #tpu.core_type<sc_vector_subcore>, window_params = [{transform_indices = #map}, {transform_indices = #map}]} {
    %mul3A = arith.constant 16 : i32
    %mul3A_0 = arith.muli %arg0, %mul3A : i32
    %add3A = arith.addi %mul3A_0, %arg1 : i32
    %scan3A = arith.constant 0 : i32
    %scan3A_1 = arith.constant 0 : i32
    %scan3A_2 = arith.constant 632 : i32
    %scan3A_3 = arith.addi %scan3A_1, %scan3A_2 : i32
    %scan3A_4 = arith.constant 1 : i32
    %scan3A_5 = scf.for %scan3A_37 = %scan3A_1 to %scan3A_3 step %scan3A_4 iter_args(%scan3A_38 = %scan3A) -> (i32)  : i32 {
      %broadcast_in_dim3A = arith.constant 0.000000e+00 : f32
      %broadcast_in_dim3A_39 = vector.broadcast %broadcast_in_dim3A : f32 to vector<16xf32>
      %swap3A = arith.index_cast %scan3A_37 : i32 to index
      %swap3A_40 = arith.constant 0 : index
      %swap3A_41 = tpu.vector_load %arg5[%swap3A, %swap3A_40] {strides = array<i32>} : memref<632x16xf32, #tpu.memory_space<vmem>>, vector<1x16xf32>,
      %swap3A_42 = vector.shape_cast %swap3A_41 : vector<1x16xf32> to vector<16xf32>
      %swap3A_43 = vector.shape_cast %broadcast_in_dim3A_39 : vector<16xf32> to vector<1x16xf32>
      tpu.vector_store %arg5[%swap3A, %swap3A_40], %swap3A_43 {strides = array<i32>} : memref<632x16xf32, #tpu.memory_space<vmem>>, vector<1x16xf32>,
      %scan3A_44 = arith.constant 0 : i32
      scf.yield %scan3A_44 : i32
    }
    %scan3A_6 = arith.constant 632 : i32
    %scan3A_7 = arith.constant 0 : i32
    %scan3A_8 = arith.constant 0 : i32
    %scan3A_9 = arith.constant 64 : i32
    %scan3A_10 = arith.addi %scan3A_8, %scan3A_9 : i32
    %scan3A_11 = arith.constant 1 : i32
    %scan3A_12 = scf.for %scan3A_37 = %scan3A_8 to %scan3A_10 step %scan3A_11 iter_args(%scan3A_38 = %scan3A_7) -> (i32)  : i32 {
      %broadcast_in_dim3A = arith.constant 1.000000e+00 : f32
      %broadcast_in_dim3A_39 = vector.broadcast %broadcast_in_dim3A : f32 to vector<16xf32>
      %swap3A = arith.index_cast %scan3A_37 : i32 to index
      %swap3A_40 = arith.constant 0 : index
      %swap3A_41 = tpu.vector_load %arg6[%swap3A, %swap3A_40] {strides = array<i32>} : memref<64x16xf32, #tpu.memory_space<vmem>>, vector<1x16xf32>,
      %swap3A_42 = vector.shape_cast %swap3A_41 : vector<1x16xf32> to vector<16xf32>
      %swap3A_43 = vector.shape_cast %broadcast_in_dim3A_39 : vector<16xf32> to vector<1x16xf32>
      tpu.vector_store %arg6[%swap3A, %swap3A_40], %swap3A_43 {strides = array<i32>} : memref<64x16xf32, #tpu.memory_space<vmem>>, vector<1x16xf32>,
      %scan3A_44 = arith.constant 0 : i32
      scf.yield %scan3A_44 : i32
    }
    %scan3A_13 = arith.constant 64 : i32
    %mul3A_14 = arith.constant 78 : i32
    %mul3A_15 = arith.muli %arg1, %mul3A_14 : i32
    %min3A = arith.constant 2 : i32
    %min3A_16 = arith.minsi %arg1, %min3A : i32
    %add3A_17 = arith.addi %mul3A_15, %min3A_16 : i32
    %mul3A_18 = arith.constant 8 : i32
    %mul3A_19 = arith.muli %mul3A_18, %add3A_17 : i32
    %lt3A = arith.constant 2 : i32
    %lt3A_20 = arith.cmpi slt, %arg1, %lt3A : i32
    "tpu.region"() ({
      %run_scoped3A = tpu.sem_alloc : memref<!tpu.dma_semaphore, #tpu.memory_space<semaphore_mem>>
      %dma_start3A = arith.constant 0 : i32
      %dma_start3A_37 = arith.constant 0 : i32
      %dma_start3A_38 = tpu.memref_slice %arg5[%dma_start3A, %dma_start3A_37] : memref<632x16xf32, #tpu.memory_space<vmem>> -> memref<624x16xf32, #tpu.memory_space<vmem>>
      %dma_start3A_39 = arith.constant 0 : i32
      %dma_start3A_40 = tpu.memref_slice %arg4[%mul3A_19, %dma_start3A_39] : memref<10008x16xf32, #tpu.memory_space<vmem_shared>> -> memref<624x16xf32, #tpu.memory_space<vmem_shared>>
      %dma_start3A_41 = arith.constant 0 : i32
      %dma_start3A_42 = tpu.memref_slice %arg4[%mul3A_19, %dma_start3A_41] : memref<10008x16xf32, #tpu.memory_space<vmem_shared>> -> memref<624x16xf32, #tpu.memory_space<vmem_shared>>
      %dma_start3A_43 = arith.constant 0 : i32
      %dma_start3A_44 = arith.constant 0 : i32
      %dma_start3A_45 = tpu.memref_slice %arg5[%dma_start3A_43, %dma_start3A_44] : memref<632x16xf32, #tpu.memory_space<vmem>> -> memref<624x16xf32, #tpu.memory_space<vmem>>
      tpu.enqueue_dma source(%dma_start3A_45 : memref<624x16xf32, #tpu.memory_space<vmem>>) target(%dma_start3A_42 : memref<624x16xf32, #tpu.memory_space<vmem_shared>>) target_semaphore(%run_scoped3A : memref<!tpu.dma_semaphore, #tpu.memory_space<semaphore_mem>>)
      %dma_wait3A = arith.constant 0 : i32
      %dma_wait3A_46 = arith.constant 0 : i32
      %dma_wait3A_47 = tpu.memref_slice %arg5[%dma_wait3A, %dma_wait3A_46] : memref<632x16xf32, #tpu.memory_space<vmem>> -> memref<624x16xf32, #tpu.memory_space<vmem>>
      %dma_wait3A_48 = arith.constant 0 : i32
      %dma_wait3A_49 = tpu.memref_slice %arg4[%mul3A_19, %dma_wait3A_48] : memref<10008x16xf32, #tpu.memory_space<vmem_shared>> -> memref<624x16xf32, #tpu.memory_space<vmem_shared>>
      %dma_wait3A_50 = arith.constant 0 : i32
      %dma_wait3A_51 = tpu.memref_slice %arg4[%mul3A_19, %dma_wait3A_50] : memref<10008x16xf32, #tpu.memory_space<vmem_shared>> -> memref<624x16xf32, #tpu.memory_space<vmem_shared>>
      %dma_wait3A_52 = arith.constant 0 : i32
      %dma_wait3A_53 = arith.constant 0 : i32
      %dma_wait3A_54 = tpu.memref_slice %arg5[%dma_wait3A_52, %dma_wait3A_53] : memref<632x16xf32, #tpu.memory_space<vmem>> -> memref<624x16xf32, #tpu.memory_space<vmem>>
      tpu.wait_dma2 semaphore(%run_scoped3A : memref<!tpu.dma_semaphore, #tpu.memory_space<semaphore_mem>>) src(%dma_wait3A_54 : memref<624x16xf32, #tpu.memory_space<vmem>>) dst(%dma_wait3A_51 : memref<624x16xf32, #tpu.memory_space<vmem_shared>>)
      tpu.yield
    }) : () -> ()
    %convert_element_type3A = arith.extui %lt3A_20 : i1 to i32
    %cond3A = arith.constant 0 : i32
    %cond3A_21 = arith.cmpi ne, %convert_element_type3A, %cond3A : i32
    scf.if %cond3A_21 {
      %add3A_37 = arith.constant 624 : i32
      %add3A_38 = arith.addi %mul3A_19, %add3A_37 : i32
      "tpu.region"() ({
        %run_scoped3A = tpu.sem_alloc : memref<!tpu.dma_semaphore, #tpu.memory_space<semaphore_mem>>
        %dma_start3A = arith.constant 0 : i32
        %dma_start3A_39 = arith.constant 0 : i32
        %dma_start3A_40 = tpu.memref_slice %arg5[%dma_start3A, %dma_start3A_39] : memref<632x16xf32, #tpu.memory_space<vmem>> -> memref<8x16xf32, #tpu.memory_space<vmem>>
        %dma_start3A_41 = arith.constant 0 : i32
        %dma_start3A_42 = tpu.memref_slice %arg4[%add3A_38, %dma_start3A_41] : memref<10008x16xf32, #tpu.memory_space<vmem_shared>> -> memref<8x16xf32, #tpu.memory_space<vmem_shared>>
        %dma_start3A_43 = arith.constant 0 : i32
        %dma_start3A_44 = tpu.memref_slice %arg4[%add3A_38, %dma_start3A_43] : memref<10008x16xf32, #tpu.memory_space<vmem_shared>> -> memref<8x16xf32, #tpu.memory_space<vmem_shared>>
        %dma_start3A_45 = arith.constant 0 : i32
        %dma_start3A_46 = arith.constant 0 : i32
        %dma_start3A_47 = tpu.memref_slice %arg5[%dma_start3A_45, %dma_start3A_46] : memref<632x16xf32, #tpu.memory_space<vmem>> -> memref<8x16xf32, #tpu.memory_space<vmem>>
        tpu.enqueue_dma source(%dma_start3A_47 : memref<8x16xf32, #tpu.memory_space<vmem>>) target(%dma_start3A_44 : memref<8x16xf32, #tpu.memory_space<vmem_shared>>) target_semaphore(%run_scoped3A : memref<!tpu.dma_semaphore, #tpu.memory_space<semaphore_mem>>)
        %dma_wait3A = arith.constant 0 : i32
        %dma_wait3A_48 = arith.constant 0 : i32
        %dma_wait3A_49 = tpu.memref_slice %arg5[%dma_wait3A, %dma_wait3A_48] : memref<632x16xf32, #tpu.memory_space<vmem>> -> memref<8x16xf32, #tpu.memory_space<vmem>>
        %dma_wait3A_50 = arith.constant 0 : i32
        %dma_wait3A_51 = tpu.memref_slice %arg4[%add3A_38, %dma_wait3A_50] : memref<10008x16xf32, #tpu.memory_space<vmem_shared>> -> memref<8x16xf32, #tpu.memory_space<vmem_shared>>
        %dma_wait3A_52 = arith.constant 0 : i32
        %dma_wait3A_53 = tpu.memref_slice %arg4[%add3A_38, %dma_wait3A_52] : memref<10008x16xf32, #tpu.memory_space<vmem_shared>> -> memref<8x16xf32, #tpu.memory_space<vmem_shared>>
        %dma_wait3A_54 = arith.constant 0 : i32
        %dma_wait3A_55 = arith.constant 0 : i32
        %dma_wait3A_56 = tpu.memref_slice %arg5[%dma_wait3A_54, %dma_wait3A_55] : memref<632x16xf32, #tpu.memory_space<vmem>> -> memref<8x16xf32, #tpu.memory_space<vmem>>
        tpu.wait_dma2 semaphore(%run_scoped3A : memref<!tpu.dma_semaphore, #tpu.memory_space<semaphore_mem>>) src(%dma_wait3A_56 : memref<8x16xf32, #tpu.memory_space<vmem>>) dst(%dma_wait3A_53 : memref<8x16xf32, #tpu.memory_space<vmem_shared>>)
        tpu.yield
      }) : () -> ()
    } else {
    }
    %eq3A = arith.constant 0 : i32
    %eq3A_22 = arith.cmpi eq, %arg1, %eq3A : i32
    %convert_element_type3A_23 = arith.extui %eq3A_22 : i1 to i32
    %cond3A_24 = arith.constant 0 : i32
    %cond3A_25 = arith.cmpi ne, %convert_element_type3A_23, %cond3A_24 : i32
    scf.if %cond3A_25 {
      "tpu.region"() ({
        %run_scoped3A = tpu.sem_alloc : memref<!tpu.dma_semaphore, #tpu.memory_space<semaphore_mem>>
        %dma_start3A = arith.constant 0 : i32
        %dma_start3A_37 = arith.constant 0 : i32
        %dma_start3A_38 = tpu.memref_slice %arg5[%dma_start3A, %dma_start3A_37] : memref<632x16xf32, #tpu.memory_space<vmem>> -> memref<8x16xf32, #tpu.memory_space<vmem>>
        %dma_start3A_39 = arith.constant 10000 : i32
        %dma_start3A_40 = arith.constant 0 : i32
        %dma_start3A_41 = tpu.memref_slice %arg4[%dma_start3A_39, %dma_start3A_40] : memref<10008x16xf32, #tpu.memory_space<vmem_shared>> -> memref<8x16xf32, #tpu.memory_space<vmem_shared>>
        %dma_start3A_42 = arith.constant 10000 : i32
        %dma_start3A_43 = arith.constant 0 : i32
        %dma_start3A_44 = tpu.memref_slice %arg4[%dma_start3A_42, %dma_start3A_43] : memref<10008x16xf32, #tpu.memory_space<vmem_shared>> -> memref<8x16xf32, #tpu.memory_space<vmem_shared>>
        %dma_start3A_45 = arith.constant 0 : i32
        %dma_start3A_46 = arith.constant 0 : i32
        %dma_start3A_47 = tpu.memref_slice %arg5[%dma_start3A_45, %dma_start3A_46] : memref<632x16xf32, #tpu.memory_space<vmem>> -> memref<8x16xf32, #tpu.memory_space<vmem>>
        tpu.enqueue_dma source(%dma_start3A_47 : memref<8x16xf32, #tpu.memory_space<vmem>>) target(%dma_start3A_44 : memref<8x16xf32, #tpu.memory_space<vmem_shared>>) target_semaphore(%run_scoped3A : memref<!tpu.dma_semaphore, #tpu.memory_space<semaphore_mem>>)
        %dma_wait3A = arith.constant 0 : i32
        %dma_wait3A_48 = arith.constant 0 : i32
        %dma_wait3A_49 = tpu.memref_slice %arg5[%dma_wait3A, %dma_wait3A_48] : memref<632x16xf32, #tpu.memory_space<vmem>> -> memref<8x16xf32, #tpu.memory_space<vmem>>
        %dma_wait3A_50 = arith.constant 10000 : i32
        %dma_wait3A_51 = arith.constant 0 : i32
        %dma_wait3A_52 = tpu.memref_slice %arg4[%dma_wait3A_50, %dma_wait3A_51] : memref<10008x16xf32, #tpu.memory_space<vmem_shared>> -> memref<8x16xf32, #tpu.memory_space<vmem_shared>>
        %dma_wait3A_53 = arith.constant 10000 : i32
        %dma_wait3A_54 = arith.constant 0 : i32
        %dma_wait3A_55 = tpu.memref_slice %arg4[%dma_wait3A_53, %dma_wait3A_54] : memref<10008x16xf32, #tpu.memory_space<vmem_shared>> -> memref<8x16xf32, #tpu.memory_space<vmem_shared>>
        %dma_wait3A_56 = arith.constant 0 : i32
        %dma_wait3A_57 = arith.constant 0 : i32
        %dma_wait3A_58 = tpu.memref_slice %arg5[%dma_wait3A_56, %dma_wait3A_57] : memref<632x16xf32, #tpu.memory_space<vmem>> -> memref<8x16xf32, #tpu.memory_space<vmem>>
        tpu.wait_dma2 semaphore(%run_scoped3A : memref<!tpu.dma_semaphore, #tpu.memory_space<semaphore_mem>>) src(%dma_wait3A_58 : memref<8x16xf32, #tpu.memory_space<vmem>>) dst(%dma_wait3A_55 : memref<8x16xf32, #tpu.memory_space<vmem_shared>>)
        tpu.yield
      }) : () -> ()
    } else {
    }
    %barrier3A = arith.constant 0 : index
    tpu.barrier barrier_id(%barrier3A)
    %scan3A_26 = arith.constant 0 : i32
    %scan3A_27 = arith.constant 0 : i32
    %scan3A_28 = arith.constant 20 : i32
    %scan3A_29 = arith.addi %scan3A_27, %scan3A_28 : i32
    %scan3A_30 = arith.constant 1 : i32
    %scan3A_31 = scf.for %scan3A_37 = %scan3A_27 to %scan3A_29 step %scan3A_30 iter_args(%scan3A_38 = %scan3A_26) -> (i32)  : i32 {
      %mul3A_39 = arith.constant 20 : i32
      %mul3A_40 = arith.muli %add3A, %mul3A_39 : i32
      %add3A_41 = arith.addi %mul3A_40, %scan3A_37 : i32
      "tpu.region"() ({
        %run_scoped3A_50 = tpu.sem_alloc : memref<!tpu.dma_semaphore, #tpu.memory_space<semaphore_mem>>
        %dma_start3A = arith.constant 0 : i32
        %dma_start3A_51 = arith.constant 0 : i32
        %dma_start3A_52 = tpu.memref_slice %arg2[%add3A_41, %dma_start3A, %dma_start3A_51] : memref<640x8x64xi32, #tpu.memory_space<hbm>> -> memref<1x8x64xi32, #tpu.memory_space<hbm>>
        %dma_start3A_53 = tpu.memref_squeeze %dma_start3A_52 : memref<1x8x64xi32, #tpu.memory_space<hbm>> -> memref<8x64xi32, #tpu.memory_space<hbm>>
        %dma_start3A_54 = arith.constant 0 : i32
        %dma_start3A_55 = arith.constant 0 : i32
        %dma_start3A_56 = tpu.memref_slice %arg2[%add3A_41, %dma_start3A_54, %dma_start3A_55] : memref<640x8x64xi32, #tpu.memory_space<hbm>> -> memref<1x8x64xi32, #tpu.memory_space<hbm>>
        %dma_start3A_57 = tpu.memref_squeeze %dma_start3A_56 : memref<1x8x64xi32, #tpu.memory_space<hbm>> -> memref<8x64xi32, #tpu.memory_space<hbm>>
        tpu.enqueue_dma source(%dma_start3A_57 : memref<8x64xi32, #tpu.memory_space<hbm>>) target(%arg7 : memref<8x64xi32, #tpu.memory_space<vmem>>) target_semaphore(%run_scoped3A_50 : memref<!tpu.dma_semaphore, #tpu.memory_space<semaphore_mem>>)
        %dma_wait3A = arith.constant 0 : i32
        %dma_wait3A_58 = arith.constant 0 : i32
        %dma_wait3A_59 = tpu.memref_slice %arg2[%add3A_41, %dma_wait3A, %dma_wait3A_58] : memref<640x8x64xi32, #tpu.memory_space<hbm>> -> memref<1x8x64xi32, #tpu.memory_space<hbm>>
        %dma_wait3A_60 = tpu.memref_squeeze %dma_wait3A_59 : memref<1x8x64xi32, #tpu.memory_space<hbm>> -> memref<8x64xi32, #tpu.memory_space<hbm>>
        %dma_wait3A_61 = arith.constant 0 : i32
        %dma_wait3A_62 = arith.constant 0 : i32
        %dma_wait3A_63 = tpu.memref_slice %arg2[%add3A_41, %dma_wait3A_61, %dma_wait3A_62] : memref<640x8x64xi32, #tpu.memory_space<hbm>> -> memref<1x8x64xi32, #tpu.memory_space<hbm>>
        %dma_wait3A_64 = tpu.memref_squeeze %dma_wait3A_63 : memref<1x8x64xi32, #tpu.memory_space<hbm>> -> memref<8x64xi32, #tpu.memory_space<hbm>>
        tpu.wait_dma2 semaphore(%run_scoped3A_50 : memref<!tpu.dma_semaphore, #tpu.memory_space<semaphore_mem>>) src(%dma_wait3A_64 : memref<8x64xi32, #tpu.memory_space<hbm>>) dst(%arg7 : memref<8x64xi32, #tpu.memory_space<vmem>>)
        tpu.yield
      }) : () -> ()
      %run_scoped3A = arith.constant 0 : i32
      "tpu.region"() ({
        %run_scoped3A_50 = tpu.sem_alloc : memref<!tpu.dma_semaphore, #tpu.memory_space<semaphore_mem>>
        %dma_start3A = arith.constant 0 : i32
        %dma_start3A_51 = tpu.memref_slice %arg7[%run_scoped3A, %dma_start3A] : memref<8x64xi32, #tpu.memory_space<vmem>> -> memref<1x64xi32, #tpu.memory_space<vmem>>
        %dma_start3A_52 = tpu.memref_squeeze %dma_start3A_51 : memref<1x64xi32, #tpu.memory_space<vmem>> -> memref<64xi32, #tpu.memory_space<vmem>>
        %dma_start3A_53 = arith.constant 0 : i32
        %dma_start3A_54 = arith.constant 0 : i32
        %dma_start3A_55 = tpu.memref_slice %arg4[%dma_start3A_53, %dma_start3A_54] : memref<10008x16xf32, #tpu.memory_space<vmem_shared>> -> memref<10008x16xf32, #tpu.memory_space<vmem_shared>>
        tpu.enqueue_indirect_dma source(%arg6 : memref<64x16xf32, #tpu.memory_space<vmem>>) target(%dma_start3A_55 : memref<10008x16xf32, #tpu.memory_space<vmem_shared>>) offsets(%dma_start3A_52 : memref<64xi32, #tpu.memory_space<vmem>>) semaphore(%run_scoped3A_50 : memref<!tpu.dma_semaphore, #tpu.memory_space<semaphore_mem>>) {add = true}
        %dma_wait3A = arith.constant 0 : i32
        %dma_wait3A_56 = tpu.memref_slice %arg7[%run_scoped3A, %dma_wait3A] : memref<8x64xi32, #tpu.memory_space<vmem>> -> memref<1x64xi32, #tpu.memory_space<vmem>>
        %dma_wait3A_57 = tpu.memref_squeeze %dma_wait3A_56 : memref<1x64xi32, #tpu.memory_space<vmem>> -> memref<64xi32, #tpu.memory_space<vmem>>
        %dma_wait3A_58 = arith.constant 0 : i32
        %dma_wait3A_59 = arith.constant 0 : i32
        %dma_wait3A_60 = tpu.memref_slice %arg4[%dma_wait3A_58, %dma_wait3A_59] : memref<10008x16xf32, #tpu.memory_space<vmem_shared>> -> memref<10008x16xf32, #tpu.memory_space<vmem_shared>>
        tpu.wait_indirect_dma semaphore(%run_scoped3A_50 : memref<!tpu.dma_semaphore, #tpu.memory_space<semaphore_mem>>) src(%arg6 : memref<64x16xf32, #tpu.memory_space<vmem>>) dst(%dma_wait3A_60 : memref<10008x16xf32, #tpu.memory_space<vmem_shared>>)
        tpu.yield
      }) : () -> ()
      %run_scoped3A_42 = arith.constant 1 : i32
      "tpu.region"() ({
        %run_scoped3A_50 = tpu.sem_alloc : memref<!tpu.dma_semaphore, #tpu.memory_space<semaphore_mem>>
        %dma_start3A = arith.constant 0 : i32
        %dma_start3A_51 = tpu.memref_slice %arg7[%run_scoped3A_42, %dma_start3A] : memref<8x64xi32, #tpu.memory_space<vmem>> -> memref<1x64xi32, #tpu.memory_space<vmem>>
        %dma_start3A_52 = tpu.memref_squeeze %dma_start3A_51 : memref<1x64xi32, #tpu.memory_space<vmem>> -> memref<64xi32, #tpu.memory_space<vmem>>
        %dma_start3A_53 = arith.constant 0 : i32
        %dma_start3A_54 = arith.constant 0 : i32
        %dma_start3A_55 = tpu.memref_slice %arg4[%dma_start3A_53, %dma_start3A_54] : memref<10008x16xf32, #tpu.memory_space<vmem_shared>> -> memref<10008x16xf32, #tpu.memory_space<vmem_shared>>
        tpu.enqueue_indirect_dma source(%arg6 : memref<64x16xf32, #tpu.memory_space<vmem>>) target(%dma_start3A_55 : memref<10008x16xf32, #tpu.memory_space<vmem_shared>>) offsets(%dma_start3A_52 : memref<64xi32, #tpu.memory_space<vmem>>) semaphore(%run_scoped3A_50 : memref<!tpu.dma_semaphore, #tpu.memory_space<semaphore_mem>>) {add = true}
        %dma_wait3A = arith.constant 0 : i32
        %dma_wait3A_56 = tpu.memref_slice %arg7[%run_scoped3A_42, %dma_wait3A] : memref<8x64xi32, #tpu.memory_space<vmem>> -> memref<1x64xi32, #tpu.memory_space<vmem>>
        %dma_wait3A_57 = tpu.memref_squeeze %dma_wait3A_56 : memref<1x64xi32, #tpu.memory_space<vmem>> -> memref<64xi32, #tpu.memory_space<vmem>>
        %dma_wait3A_58 = arith.constant 0 : i32
        %dma_wait3A_59 = arith.constant 0 : i32
        %dma_wait3A_60 = tpu.memref_slice %arg4[%dma_wait3A_58, %dma_wait3A_59] : memref<10008x16xf32, #tpu.memory_space<vmem_shared>> -> memref<10008x16xf32, #tpu.memory_space<vmem_shared>>
        tpu.wait_indirect_dma semaphore(%run_scoped3A_50 : memref<!tpu.dma_semaphore, #tpu.memory_space<semaphore_mem>>) src(%arg6 : memref<64x16xf32, #tpu.memory_space<vmem>>) dst(%dma_wait3A_60 : memref<10008x16xf32, #tpu.memory_space<vmem_shared>>)
        tpu.yield
      }) : () -> ()
      %run_scoped3A_43 = arith.constant 2 : i32
      "tpu.region"() ({
        %run_scoped3A_50 = tpu.sem_alloc : memref<!tpu.dma_semaphore, #tpu.memory_space<semaphore_mem>>
        %dma_start3A = arith.constant 0 : i32
        %dma_start3A_51 = tpu.memref_slice %arg7[%run_scoped3A_43, %dma_start3A] : memref<8x64xi32, #tpu.memory_space<vmem>> -> memref<1x64xi32, #tpu.memory_space<vmem>>
        %dma_start3A_52 = tpu.memref_squeeze %dma_start3A_51 : memref<1x64xi32, #tpu.memory_space<vmem>> -> memref<64xi32, #tpu.memory_space<vmem>>
        %dma_start3A_53 = arith.constant 0 : i32
        %dma_start3A_54 = arith.constant 0 : i32
        %dma_start3A_55 = tpu.memref_slice %arg4[%dma_start3A_53, %dma_start3A_54] : memref<10008x16xf32, #tpu.memory_space<vmem_shared>> -> memref<10008x16xf32, #tpu.memory_space<vmem_shared>>
        tpu.enqueue_indirect_dma source(%arg6 : memref<64x16xf32, #tpu.memory_space<vmem>>) target(%dma_start3A_55 : memref<10008x16xf32, #tpu.memory_space<vmem_shared>>) offsets(%dma_start3A_52 : memref<64xi32, #tpu.memory_space<vmem>>) semaphore(%run_scoped3A_50 : memref<!tpu.dma_semaphore, #tpu.memory_space<semaphore_mem>>) {add = true}
        %dma_wait3A = arith.constant 0 : i32
        %dma_wait3A_56 = tpu.memref_slice %arg7[%run_scoped3A_43, %dma_wait3A] : memref<8x64xi32, #tpu.memory_space<vmem>> -> memref<1x64xi32, #tpu.memory_space<vmem>>
        %dma_wait3A_57 = tpu.memref_squeeze %dma_wait3A_56 : memref<1x64xi32, #tpu.memory_space<vmem>> -> memref<64xi32, #tpu.memory_space<vmem>>
        %dma_wait3A_58 = arith.constant 0 : i32
        %dma_wait3A_59 = arith.constant 0 : i32
        %dma_wait3A_60 = tpu.memref_slice %arg4[%dma_wait3A_58, %dma_wait3A_59] : memref<10008x16xf32, #tpu.memory_space<vmem_shared>> -> memref<10008x16xf32, #tpu.memory_space<vmem_shared>>
        tpu.wait_indirect_dma semaphore(%run_scoped3A_50 : memref<!tpu.dma_semaphore, #tpu.memory_space<semaphore_mem>>) src(%arg6 : memref<64x16xf32, #tpu.memory_space<vmem>>) dst(%dma_wait3A_60 : memref<10008x16xf32, #tpu.memory_space<vmem_shared>>)
        tpu.yield
      }) : () -> ()
      %run_scoped3A_44 = arith.constant 3 : i32
      "tpu.region"() ({
        %run_scoped3A_50 = tpu.sem_alloc : memref<!tpu.dma_semaphore, #tpu.memory_space<semaphore_mem>>
        %dma_start3A = arith.constant 0 : i32
        %dma_start3A_51 = tpu.memref_slice %arg7[%run_scoped3A_44, %dma_start3A] : memref<8x64xi32, #tpu.memory_space<vmem>> -> memref<1x64xi32, #tpu.memory_space<vmem>>
        %dma_start3A_52 = tpu.memref_squeeze %dma_start3A_51 : memref<1x64xi32, #tpu.memory_space<vmem>> -> memref<64xi32, #tpu.memory_space<vmem>>
        %dma_start3A_53 = arith.constant 0 : i32
        %dma_start3A_54 = arith.constant 0 : i32
        %dma_start3A_55 = tpu.memref_slice %arg4[%dma_start3A_53, %dma_start3A_54] : memref<10008x16xf32, #tpu.memory_space<vmem_shared>> -> memref<10008x16xf32, #tpu.memory_space<vmem_shared>>
        tpu.enqueue_indirect_dma source(%arg6 : memref<64x16xf32, #tpu.memory_space<vmem>>) target(%dma_start3A_55 : memref<10008x16xf32, #tpu.memory_space<vmem_shared>>) offsets(%dma_start3A_52 : memref<64xi32, #tpu.memory_space<vmem>>) semaphore(%run_scoped3A_50 : memref<!tpu.dma_semaphore, #tpu.memory_space<semaphore_mem>>) {add = true}
        %dma_wait3A = arith.constant 0 : i32
        %dma_wait3A_56 = tpu.memref_slice %arg7[%run_scoped3A_44, %dma_wait3A] : memref<8x64xi32, #tpu.memory_space<vmem>> -> memref<1x64xi32, #tpu.memory_space<vmem>>
        %dma_wait3A_57 = tpu.memref_squeeze %dma_wait3A_56 : memref<1x64xi32, #tpu.memory_space<vmem>> -> memref<64xi32, #tpu.memory_space<vmem>>
        %dma_wait3A_58 = arith.constant 0 : i32
        %dma_wait3A_59 = arith.constant 0 : i32
        %dma_wait3A_60 = tpu.memref_slice %arg4[%dma_wait3A_58, %dma_wait3A_59] : memref<10008x16xf32, #tpu.memory_space<vmem_shared>> -> memref<10008x16xf32, #tpu.memory_space<vmem_shared>>
        tpu.wait_indirect_dma semaphore(%run_scoped3A_50 : memref<!tpu.dma_semaphore, #tpu.memory_space<semaphore_mem>>) src(%arg6 : memref<64x16xf32, #tpu.memory_space<vmem>>) dst(%dma_wait3A_60 : memref<10008x16xf32, #tpu.memory_space<vmem_shared>>)
        tpu.yield
      }) : () -> ()
      %run_scoped3A_45 = arith.constant 4 : i32
      "tpu.region"() ({
        %run_scoped3A_50 = tpu.sem_alloc : memref<!tpu.dma_semaphore, #tpu.memory_space<semaphore_mem>>
        %dma_start3A = arith.constant 0 : i32
        %dma_start3A_51 = tpu.memref_slice %arg7[%run_scoped3A_45, %dma_start3A] : memref<8x64xi32, #tpu.memory_space<vmem>> -> memref<1x64xi32, #tpu.memory_space<vmem>>
        %dma_start3A_52 = tpu.memref_squeeze %dma_start3A_51 : memref<1x64xi32, #tpu.memory_space<vmem>> -> memref<64xi32, #tpu.memory_space<vmem>>
        %dma_start3A_53 = arith.constant 0 : i32
        %dma_start3A_54 = arith.constant 0 : i32
        %dma_start3A_55 = tpu.memref_slice %arg4[%dma_start3A_53, %dma_start3A_54] : memref<10008x16xf32, #tpu.memory_space<vmem_shared>> -> memref<10008x16xf32, #tpu.memory_space<vmem_shared>>
        tpu.enqueue_indirect_dma source(%arg6 : memref<64x16xf32, #tpu.memory_space<vmem>>) target(%dma_start3A_55 : memref<10008x16xf32, #tpu.memory_space<vmem_shared>>) offsets(%dma_start3A_52 : memref<64xi32, #tpu.memory_space<vmem>>) semaphore(%run_scoped3A_50 : memref<!tpu.dma_semaphore, #tpu.memory_space<semaphore_mem>>) {add = true}
        %dma_wait3A = arith.constant 0 : i32
        %dma_wait3A_56 = tpu.memref_slice %arg7[%run_scoped3A_45, %dma_wait3A] : memref<8x64xi32, #tpu.memory_space<vmem>> -> memref<1x64xi32, #tpu.memory_space<vmem>>
        %dma_wait3A_57 = tpu.memref_squeeze %dma_wait3A_56 : memref<1x64xi32, #tpu.memory_space<vmem>> -> memref<64xi32, #tpu.memory_space<vmem>>
        %dma_wait3A_58 = arith.constant 0 : i32
        %dma_wait3A_59 = arith.constant 0 : i32
        %dma_wait3A_60 = tpu.memref_slice %arg4[%dma_wait3A_58, %dma_wait3A_59] : memref<10008x16xf32, #tpu.memory_space<vmem_shared>> -> memref<10008x16xf32, #tpu.memory_space<vmem_shared>>
        tpu.wait_indirect_dma semaphore(%run_scoped3A_50 : memref<!tpu.dma_semaphore, #tpu.memory_space<semaphore_mem>>) src(%arg6 : memref<64x16xf32, #tpu.memory_space<vmem>>) dst(%dma_wait3A_60 : memref<10008x16xf32, #tpu.memory_space<vmem_shared>>)
        tpu.yield
      }) : () -> ()
      %run_scoped3A_46 = arith.constant 5 : i32
      "tpu.region"() ({
        %run_scoped3A_50 = tpu.sem_alloc : memref<!tpu.dma_semaphore, #tpu.memory_space<semaphore_mem>>
        %dma_start3A = arith.constant 0 : i32
        %dma_start3A_51 = tpu.memref_slice %arg7[%run_scoped3A_46, %dma_start3A] : memref<8x64xi32, #tpu.memory_space<vmem>> -> memref<1x64xi32, #tpu.memory_space<vmem>>
        %dma_start3A_52 = tpu.memref_squeeze %dma_start3A_51 : memref<1x64xi32, #tpu.memory_space<vmem>> -> memref<64xi32, #tpu.memory_space<vmem>>
        %dma_start3A_53 = arith.constant 0 : i32
        %dma_start3A_54 = arith.constant 0 : i32
        %dma_start3A_55 = tpu.memref_slice %arg4[%dma_start3A_53, %dma_start3A_54] : memref<10008x16xf32, #tpu.memory_space<vmem_shared>> -> memref<10008x16xf32, #tpu.memory_space<vmem_shared>>
        tpu.enqueue_indirect_dma source(%arg6 : memref<64x16xf32, #tpu.memory_space<vmem>>) target(%dma_start3A_55 : memref<10008x16xf32, #tpu.memory_space<vmem_shared>>) offsets(%dma_start3A_52 : memref<64xi32, #tpu.memory_space<vmem>>) semaphore(%run_scoped3A_50 : memref<!tpu.dma_semaphore, #tpu.memory_space<semaphore_mem>>) {add = true}
        %dma_wait3A = arith.constant 0 : i32
        %dma_wait3A_56 = tpu.memref_slice %arg7[%run_scoped3A_46, %dma_wait3A] : memref<8x64xi32, #tpu.memory_space<vmem>> -> memref<1x64xi32, #tpu.memory_space<vmem>>
        %dma_wait3A_57 = tpu.memref_squeeze %dma_wait3A_56 : memref<1x64xi32, #tpu.memory_space<vmem>> -> memref<64xi32, #tpu.memory_space<vmem>>
        %dma_wait3A_58 = arith.constant 0 : i32
        %dma_wait3A_59 = arith.constant 0 : i32
        %dma_wait3A_60 = tpu.memref_slice %arg4[%dma_wait3A_58, %dma_wait3A_59] : memref<10008x16xf32, #tpu.memory_space<vmem_shared>> -> memref<10008x16xf32, #tpu.memory_space<vmem_shared>>
        tpu.wait_indirect_dma semaphore(%run_scoped3A_50 : memref<!tpu.dma_semaphore, #tpu.memory_space<semaphore_mem>>) src(%arg6 : memref<64x16xf32, #tpu.memory_space<vmem>>) dst(%dma_wait3A_60 : memref<10008x16xf32, #tpu.memory_space<vmem_shared>>)
        tpu.yield
      }) : () -> ()
      %run_scoped3A_47 = arith.constant 6 : i32
      "tpu.region"() ({
        %run_scoped3A_50 = tpu.sem_alloc : memref<!tpu.dma_semaphore, #tpu.memory_space<semaphore_mem>>
        %dma_start3A = arith.constant 0 : i32
        %dma_start3A_51 = tpu.memref_slice %arg7[%run_scoped3A_47, %dma_start3A] : memref<8x64xi32, #tpu.memory_space<vmem>> -> memref<1x64xi32, #tpu.memory_space<vmem>>
        %dma_start3A_52 = tpu.memref_squeeze %dma_start3A_51 : memref<1x64xi32, #tpu.memory_space<vmem>> -> memref<64xi32, #tpu.memory_space<vmem>>
        %dma_start3A_53 = arith.constant 0 : i32
        %dma_start3A_54 = arith.constant 0 : i32
        %dma_start3A_55 = tpu.memref_slice %arg4[%dma_start3A_53, %dma_start3A_54] : memref<10008x16xf32, #tpu.memory_space<vmem_shared>> -> memref<10008x16xf32, #tpu.memory_space<vmem_shared>>
        tpu.enqueue_indirect_dma source(%arg6 : memref<64x16xf32, #tpu.memory_space<vmem>>) target(%dma_start3A_55 : memref<10008x16xf32, #tpu.memory_space<vmem_shared>>) offsets(%dma_start3A_52 : memref<64xi32, #tpu.memory_space<vmem>>) semaphore(%run_scoped3A_50 : memref<!tpu.dma_semaphore, #tpu.memory_space<semaphore_mem>>) {add = true}
        %dma_wait3A = arith.constant 0 : i32
        %dma_wait3A_56 = tpu.memref_slice %arg7[%run_scoped3A_47, %dma_wait3A] : memref<8x64xi32, #tpu.memory_space<vmem>> -> memref<1x64xi32, #tpu.memory_space<vmem>>
        %dma_wait3A_57 = tpu.memref_squeeze %dma_wait3A_56 : memref<1x64xi32, #tpu.memory_space<vmem>> -> memref<64xi32, #tpu.memory_space<vmem>>
        %dma_wait3A_58 = arith.constant 0 : i32
        %dma_wait3A_59 = arith.constant 0 : i32
        %dma_wait3A_60 = tpu.memref_slice %arg4[%dma_wait3A_58, %dma_wait3A_59] : memref<10008x16xf32, #tpu.memory_space<vmem_shared>> -> memref<10008x16xf32, #tpu.memory_space<vmem_shared>>
        tpu.wait_indirect_dma semaphore(%run_scoped3A_50 : memref<!tpu.dma_semaphore, #tpu.memory_space<semaphore_mem>>) src(%arg6 : memref<64x16xf32, #tpu.memory_space<vmem>>) dst(%dma_wait3A_60 : memref<10008x16xf32, #tpu.memory_space<vmem_shared>>)
        tpu.yield
      }) : () -> ()
      %run_scoped3A_48 = arith.constant 7 : i32
      "tpu.region"() ({
        %run_scoped3A_50 = tpu.sem_alloc : memref<!tpu.dma_semaphore, #tpu.memory_space<semaphore_mem>>
        %dma_start3A = arith.constant 0 : i32
        %dma_start3A_51 = tpu.memref_slice %arg7[%run_scoped3A_48, %dma_start3A] : memref<8x64xi32, #tpu.memory_space<vmem>> -> memref<1x64xi32, #tpu.memory_space<vmem>>
        %dma_start3A_52 = tpu.memref_squeeze %dma_start3A_51 : memref<1x64xi32, #tpu.memory_space<vmem>> -> memref<64xi32, #tpu.memory_space<vmem>>
        %dma_start3A_53 = arith.constant 0 : i32
        %dma_start3A_54 = arith.constant 0 : i32
        %dma_start3A_55 = tpu.memref_slice %arg4[%dma_start3A_53, %dma_start3A_54] : memref<10008x16xf32, #tpu.memory_space<vmem_shared>> -> memref<10008x16xf32, #tpu.memory_space<vmem_shared>>
        tpu.enqueue_indirect_dma source(%arg6 : memref<64x16xf32, #tpu.memory_space<vmem>>) target(%dma_start3A_55 : memref<10008x16xf32, #tpu.memory_space<vmem_shared>>) offsets(%dma_start3A_52 : memref<64xi32, #tpu.memory_space<vmem>>) semaphore(%run_scoped3A_50 : memref<!tpu.dma_semaphore, #tpu.memory_space<semaphore_mem>>) {add = true}
        %dma_wait3A = arith.constant 0 : i32
        %dma_wait3A_56 = tpu.memref_slice %arg7[%run_scoped3A_48, %dma_wait3A] : memref<8x64xi32, #tpu.memory_space<vmem>> -> memref<1x64xi32, #tpu.memory_space<vmem>>
        %dma_wait3A_57 = tpu.memref_squeeze %dma_wait3A_56 : memref<1x64xi32, #tpu.memory_space<vmem>> -> memref<64xi32, #tpu.memory_space<vmem>>
        %dma_wait3A_58 = arith.constant 0 : i32
        %dma_wait3A_59 = arith.constant 0 : i32
        %dma_wait3A_60 = tpu.memref_slice %arg4[%dma_wait3A_58, %dma_wait3A_59] : memref<10008x16xf32, #tpu.memory_space<vmem_shared>> -> memref<10008x16xf32, #tpu.memory_space<vmem_shared>>
        tpu.wait_indirect_dma semaphore(%run_scoped3A_50 : memref<!tpu.dma_semaphore, #tpu.memory_space<semaphore_mem>>) src(%arg6 : memref<64x16xf32, #tpu.memory_space<vmem>>) dst(%dma_wait3A_60 : memref<10008x16xf32, #tpu.memory_space<vmem_shared>>)
        tpu.yield
      }) : () -> ()
      %scan3A_49 = arith.constant 0 : i32
      scf.yield %scan3A_49 : i32
    }
    %scan3A_32 = arith.constant 20 : i32
    %barrier3A_33 = arith.constant 0 : index
    tpu.barrier barrier_id(%barrier3A_33)
    "tpu.region"() ({
      %run_scoped3A = tpu.sem_alloc : memref<!tpu.dma_semaphore, #tpu.memory_space<semaphore_mem>>
      %dma_start3A = arith.constant 0 : i32
      %dma_start3A_37 = tpu.memref_slice %arg3[%arg0, %mul3A_19, %dma_start3A] : memref<2x10000x16xf32, #tpu.memory_space<hbm>> -> memref<1x624x16xf32, #tpu.memory_space<hbm>>
      %dma_start3A_38 = tpu.memref_squeeze %dma_start3A_37 : memref<1x624x16xf32, #tpu.memory_space<hbm>> -> memref<624x16xf32, #tpu.memory_space<hbm>>
      %dma_start3A_39 = arith.constant 0 : i32
      %dma_start3A_40 = tpu.memref_slice %arg4[%mul3A_19, %dma_start3A_39] : memref<10008x16xf32, #tpu.memory_space<vmem_shared>> -> memref<624x16xf32, #tpu.memory_space<vmem_shared>>
      tpu.enqueue_dma source(%dma_start3A_40 : memref<624x16xf32, #tpu.memory_space<vmem_shared>>) target(%dma_start3A_38 : memref<624x16xf32, #tpu.memory_space<hbm>>) target_semaphore(%run_scoped3A : memref<!tpu.dma_semaphore, #tpu.memory_space<semaphore_mem>>)
      %dma_wait3A = arith.constant 0 : i32
      %dma_wait3A_41 = tpu.memref_slice %arg3[%arg0, %mul3A_19, %dma_wait3A] : memref<2x10000x16xf32, #tpu.memory_space<hbm>> -> memref<1x624x16xf32, #tpu.memory_space<hbm>>
      %dma_wait3A_42 = tpu.memref_squeeze %dma_wait3A_41 : memref<1x624x16xf32, #tpu.memory_space<hbm>> -> memref<624x16xf32, #tpu.memory_space<hbm>>
      %dma_wait3A_43 = arith.constant 0 : i32
      %dma_wait3A_44 = tpu.memref_slice %arg4[%mul3A_19, %dma_wait3A_43] : memref<10008x16xf32, #tpu.memory_space<vmem_shared>> -> memref<624x16xf32, #tpu.memory_space<vmem_shared>>
      tpu.wait_dma2 semaphore(%run_scoped3A : memref<!tpu.dma_semaphore, #tpu.memory_space<semaphore_mem>>) src(%dma_wait3A_44 : memref<624x16xf32, #tpu.memory_space<vmem_shared>>) dst(%dma_wait3A_42 : memref<624x16xf32, #tpu.memory_space<hbm>>)
      tpu.yield
    }) : () -> ()
    %convert_element_type3A_34 = arith.extui %lt3A_20 : i1 to i32
    %cond3A_35 = arith.constant 0 : i32
    %cond3A_36 = arith.cmpi ne, %convert_element_type3A_34, %cond3A_35 : i32
    scf.if %cond3A_36 {
      %add3A_37 = arith.constant 624 : i32
      %add3A_38 = arith.addi %mul3A_19, %add3A_37 : i32
      %add3A_39 = arith.constant 624 : i32
      %add3A_40 = arith.addi %mul3A_19, %add3A_39 : i32
      "tpu.region"() ({
        %run_scoped3A = tpu.sem_alloc : memref<!tpu.dma_semaphore, #tpu.memory_space<semaphore_mem>>
        %dma_start3A = arith.constant 0 : i32
        %dma_start3A_41 = tpu.memref_slice %arg3[%arg0, %add3A_40, %dma_start3A] : memref<2x10000x16xf32, #tpu.memory_space<hbm>> -> memref<1x8x16xf32, #tpu.memory_space<hbm>>
        %dma_start3A_42 = tpu.memref_squeeze %dma_start3A_41 : memref<1x8x16xf32, #tpu.memory_space<hbm>> -> memref<8x16xf32, #tpu.memory_space<hbm>>
        %dma_start3A_43 = arith.constant 0 : i32
        %dma_start3A_44 = tpu.memref_slice %arg4[%add3A_38, %dma_start3A_43] : memref<10008x16xf32, #tpu.memory_space<vmem_shared>> -> memref<8x16xf32, #tpu.memory_space<vmem_shared>>
        tpu.enqueue_dma source(%dma_start3A_44 : memref<8x16xf32, #tpu.memory_space<vmem_shared>>) target(%dma_start3A_42 : memref<8x16xf32, #tpu.memory_space<hbm>>) target_semaphore(%run_scoped3A : memref<!tpu.dma_semaphore, #tpu.memory_space<semaphore_mem>>)
        %dma_wait3A = arith.constant 0 : i32
        %dma_wait3A_45 = tpu.memref_slice %arg3[%arg0, %add3A_40, %dma_wait3A] : memref<2x10000x16xf32, #tpu.memory_space<hbm>> -> memref<1x8x16xf32, #tpu.memory_space<hbm>>
        %dma_wait3A_46 = tpu.memref_squeeze %dma_wait3A_45 : memref<1x8x16xf32, #tpu.memory_space<hbm>> -> memref<8x16xf32, #tpu.memory_space<hbm>>
        %dma_wait3A_47 = arith.constant 0 : i32
        %dma_wait3A_48 = tpu.memref_slice %arg4[%add3A_38, %dma_wait3A_47] : memref<10008x16xf32, #tpu.memory_space<vmem_shared>> -> memref<8x16xf32, #tpu.memory_space<vmem_shared>>
        tpu.wait_dma2 semaphore(%run_scoped3A : memref<!tpu.dma_semaphore, #tpu.memory_space<semaphore_mem>>) src(%dma_wait3A_48 : memref<8x16xf32, #tpu.memory_space<vmem_shared>>) dst(%dma_wait3A_46 : memref<8x16xf32, #tpu.memory_space<hbm>>)
        tpu.yield
      }) : () -> ()
    } else {
    }
    return
  }
}

#map = affine_map<(d0, d1) -> (0, 0, 0)>
#map1 = affine_map<(d0, d1) -> (0, 0, 0, 0)>
module attributes {stable_mosaic.version = 14 : i64} {
  func.func @prop_kernel(%arg0: i32, %arg1: i32, %arg2: memref<2x10000x128xf32, #tpu.memory_space<hbm>>, %arg3: memref<16x40x8x64xi32, #tpu.memory_space<hbm>>, %arg4: memref<16x40x8x64xi32, #tpu.memory_space<hbm>>, %arg5: memref<2x10000x128xf32, #tpu.memory_space<hbm>>, %arg6: memref<10008x128xf32, #tpu.memory_space<vmem_shared>>, %arg7: memref<2x8x64xi32, #tpu.memory_space<vmem>>, %arg8: memref<2x8x64xi32, #tpu.memory_space<vmem>>, %arg9: memref<64x128xf32, #tpu.memory_space<vmem>>, %arg10: memref<64x128xf32, #tpu.memory_space<vmem>>, %arg11: memref<64x128xf32, #tpu.memory_space<vmem>>, %arg12: memref<64x128xf32, #tpu.memory_space<vmem>>, %arg13: memref<!tpu.dma_semaphore, #tpu.memory_space<semaphore_mem>>, %arg14: memref<!tpu.dma_semaphore, #tpu.memory_space<semaphore_mem>>, %arg15: memref<!tpu.dma_semaphore, #tpu.memory_space<semaphore_mem>>, %arg16: memref<!tpu.dma_semaphore, #tpu.memory_space<semaphore_mem>>, %arg17: memref<!tpu.dma_semaphore, #tpu.memory_space<semaphore_mem>>, %arg18: memref<!tpu.dma_semaphore, #tpu.memory_space<semaphore_mem>>, %arg19: memref<!tpu.dma_semaphore, #tpu.memory_space<semaphore_mem>>, %arg20: memref<!tpu.dma_semaphore, #tpu.memory_space<semaphore_mem>>, %arg21: memref<!tpu.dma_semaphore, #tpu.memory_space<semaphore_mem>>, %arg22: memref<!tpu.dma_semaphore, #tpu.memory_space<semaphore_mem>>) attributes {dimension_semantics = [#tpu.dimension_semantics<core_parallel>, #tpu.dimension_semantics<subcore_parallel>], iteration_bounds = array<i64: 2, 16>, scalar_prefetch = 0 : i64, scratch_operands = 17 : i64, tpu.core_type = #tpu.core_type<sc_vector_subcore>, window_params = [{transform_indices = #map}, {transform_indices = #map1}, {transform_indices = #map1}, {transform_indices = #map}]} {
    %mul3A = arith.constant 78 : i32
    %mul3A_0 = arith.muli %arg1, %mul3A : i32
    %min3A = arith.constant 2 : i32
    %min3A_1 = arith.minsi %arg1, %min3A : i32
    %add3A = arith.addi %mul3A_0, %min3A_1 : i32
    %mul3A_2 = arith.constant 8 : i32
    %mul3A_3 = arith.muli %mul3A_2, %add3A : i32
    %lt3A = arith.constant 2 : i32
    %lt3A_4 = arith.cmpi slt, %arg1, %lt3A : i32
    "tpu.region"() ({
      %run_scoped3A_61 = tpu.sem_alloc : memref<!tpu.dma_semaphore, #tpu.memory_space<semaphore_mem>>
      %dma_start3A_62 = arith.constant 0 : i32
      %dma_start3A_63 = tpu.memref_slice %arg6[%mul3A_3, %dma_start3A_62] : memref<10008x128xf32, #tpu.memory_space<vmem_shared>> -> memref<624x128xf32, #tpu.memory_space<vmem_shared>>
      %dma_start3A_64 = arith.constant 0 : i32
      %dma_start3A_65 = tpu.memref_slice %arg2[%arg0, %mul3A_3, %dma_start3A_64] : memref<2x10000x128xf32, #tpu.memory_space<hbm>> -> memref<1x624x128xf32, #tpu.memory_space<hbm>>
      %dma_start3A_66 = tpu.memref_squeeze %dma_start3A_65 : memref<1x624x128xf32, #tpu.memory_space<hbm>> -> memref<624x128xf32, #tpu.memory_space<hbm>>
      tpu.enqueue_dma source(%dma_start3A_66 : memref<624x128xf32, #tpu.memory_space<hbm>>) target(%dma_start3A_63 : memref<624x128xf32, #tpu.memory_space<vmem_shared>>) target_semaphore(%run_scoped3A_61 : memref<!tpu.dma_semaphore, #tpu.memory_space<semaphore_mem>>)
      %dma_wait3A_67 = arith.constant 0 : i32
      %dma_wait3A_68 = tpu.memref_slice %arg6[%mul3A_3, %dma_wait3A_67] : memref<10008x128xf32, #tpu.memory_space<vmem_shared>> -> memref<624x128xf32, #tpu.memory_space<vmem_shared>>
      %dma_wait3A_69 = arith.constant 0 : i32
      %dma_wait3A_70 = tpu.memref_slice %arg2[%arg0, %mul3A_3, %dma_wait3A_69] : memref<2x10000x128xf32, #tpu.memory_space<hbm>> -> memref<1x624x128xf32, #tpu.memory_space<hbm>>
      %dma_wait3A_71 = tpu.memref_squeeze %dma_wait3A_70 : memref<1x624x128xf32, #tpu.memory_space<hbm>> -> memref<624x128xf32, #tpu.memory_space<hbm>>
      tpu.wait_dma2 semaphore(%run_scoped3A_61 : memref<!tpu.dma_semaphore, #tpu.memory_space<semaphore_mem>>) src(%dma_wait3A_71 : memref<624x128xf32, #tpu.memory_space<hbm>>) dst(%dma_wait3A_68 : memref<624x128xf32, #tpu.memory_space<vmem_shared>>)
      tpu.yield
    }) : () -> ()
    %convert_element_type3A = arith.extui %lt3A_4 : i1 to i32
    %cond3A = arith.constant 0 : i32
    %cond3A_5 = arith.cmpi ne, %convert_element_type3A, %cond3A : i32
    scf.if %cond3A_5 {
      %add3A_61 = arith.constant 624 : i32
      %add3A_62 = arith.addi %mul3A_3, %add3A_61 : i32
      %add3A_63 = arith.constant 624 : i32
      %add3A_64 = arith.addi %mul3A_3, %add3A_63 : i32
      "tpu.region"() ({
        %run_scoped3A_65 = tpu.sem_alloc : memref<!tpu.dma_semaphore, #tpu.memory_space<semaphore_mem>>
        %dma_start3A_66 = arith.constant 0 : i32
        %dma_start3A_67 = tpu.memref_slice %arg6[%add3A_64, %dma_start3A_66] : memref<10008x128xf32, #tpu.memory_space<vmem_shared>> -> memref<8x128xf32, #tpu.memory_space<vmem_shared>>
        %dma_start3A_68 = arith.constant 0 : i32
        %dma_start3A_69 = tpu.memref_slice %arg2[%arg0, %add3A_62, %dma_start3A_68] : memref<2x10000x128xf32, #tpu.memory_space<hbm>> -> memref<1x8x128xf32, #tpu.memory_space<hbm>>
        %dma_start3A_70 = tpu.memref_squeeze %dma_start3A_69 : memref<1x8x128xf32, #tpu.memory_space<hbm>> -> memref<8x128xf32, #tpu.memory_space<hbm>>
        tpu.enqueue_dma source(%dma_start3A_70 : memref<8x128xf32, #tpu.memory_space<hbm>>) target(%dma_start3A_67 : memref<8x128xf32, #tpu.memory_space<vmem_shared>>) target_semaphore(%run_scoped3A_65 : memref<!tpu.dma_semaphore, #tpu.memory_space<semaphore_mem>>)
        %dma_wait3A_71 = arith.constant 0 : i32
        %dma_wait3A_72 = tpu.memref_slice %arg6[%add3A_64, %dma_wait3A_71] : memref<10008x128xf32, #tpu.memory_space<vmem_shared>> -> memref<8x128xf32, #tpu.memory_space<vmem_shared>>
        %dma_wait3A_73 = arith.constant 0 : i32
        %dma_wait3A_74 = tpu.memref_slice %arg2[%arg0, %add3A_62, %dma_wait3A_73] : memref<2x10000x128xf32, #tpu.memory_space<hbm>> -> memref<1x8x128xf32, #tpu.memory_space<hbm>>
        %dma_wait3A_75 = tpu.memref_squeeze %dma_wait3A_74 : memref<1x8x128xf32, #tpu.memory_space<hbm>> -> memref<8x128xf32, #tpu.memory_space<hbm>>
        tpu.wait_dma2 semaphore(%run_scoped3A_65 : memref<!tpu.dma_semaphore, #tpu.memory_space<semaphore_mem>>) src(%dma_wait3A_75 : memref<8x128xf32, #tpu.memory_space<hbm>>) dst(%dma_wait3A_72 : memref<8x128xf32, #tpu.memory_space<vmem_shared>>)
        tpu.yield
      }) : () -> ()
    } else {
    }
    %run_scoped3A = arith.constant 0 : i32
    %run_scoped3A_6 = arith.constant 0 : i32
    "tpu.region"() ({
      %run_scoped3A_61 = tpu.sem_alloc : memref<!tpu.dma_semaphore, #tpu.memory_space<semaphore_mem>>
      %dma_start3A_62 = arith.constant 0 : i32
      %dma_start3A_63 = arith.constant 0 : i32
      %dma_start3A_64 = tpu.memref_slice %arg7[%run_scoped3A_6, %dma_start3A_62, %dma_start3A_63] : memref<2x8x64xi32, #tpu.memory_space<vmem>> -> memref<1x8x64xi32, #tpu.memory_space<vmem>>
      %dma_start3A_65 = tpu.memref_squeeze %dma_start3A_64 : memref<1x8x64xi32, #tpu.memory_space<vmem>> -> memref<8x64xi32, #tpu.memory_space<vmem>>
      %dma_start3A_66 = arith.constant 0 : i32
      %dma_start3A_67 = arith.constant 0 : i32
      %dma_start3A_68 = tpu.memref_slice %arg3[%arg1, %run_scoped3A, %dma_start3A_66, %dma_start3A_67] : memref<16x40x8x64xi32, #tpu.memory_space<hbm>> -> memref<1x1x8x64xi32, #tpu.memory_space<hbm>>
      %dma_start3A_69 = tpu.memref_squeeze %dma_start3A_68 : memref<1x1x8x64xi32, #tpu.memory_space<hbm>> -> memref<8x64xi32, #tpu.memory_space<hbm>>
      %dma_start3A_70 = arith.constant 0 : i32
      %dma_start3A_71 = arith.constant 0 : i32
      %dma_start3A_72 = tpu.memref_slice %arg7[%run_scoped3A_6, %dma_start3A_70, %dma_start3A_71] : memref<2x8x64xi32, #tpu.memory_space<vmem>> -> memref<1x8x64xi32, #tpu.memory_space<vmem>>
      %dma_start3A_73 = tpu.memref_squeeze %dma_start3A_72 : memref<1x8x64xi32, #tpu.memory_space<vmem>> -> memref<8x64xi32, #tpu.memory_space<vmem>>
      %dma_start3A_74 = arith.constant 0 : i32
      %dma_start3A_75 = arith.constant 0 : i32
      %dma_start3A_76 = tpu.memref_slice %arg3[%arg1, %run_scoped3A, %dma_start3A_74, %dma_start3A_75] : memref<16x40x8x64xi32, #tpu.memory_space<hbm>> -> memref<1x1x8x64xi32, #tpu.memory_space<hbm>>
      %dma_start3A_77 = tpu.memref_squeeze %dma_start3A_76 : memref<1x1x8x64xi32, #tpu.memory_space<hbm>> -> memref<8x64xi32, #tpu.memory_space<hbm>>
      tpu.enqueue_dma source(%dma_start3A_77 : memref<8x64xi32, #tpu.memory_space<hbm>>) target(%dma_start3A_73 : memref<8x64xi32, #tpu.memory_space<vmem>>) target_semaphore(%run_scoped3A_61 : memref<!tpu.dma_semaphore, #tpu.memory_space<semaphore_mem>>)
      %dma_wait3A_78 = arith.constant 0 : i32
      %dma_wait3A_79 = arith.constant 0 : i32
      %dma_wait3A_80 = tpu.memref_slice %arg7[%run_scoped3A_6, %dma_wait3A_78, %dma_wait3A_79] : memref<2x8x64xi32, #tpu.memory_space<vmem>> -> memref<1x8x64xi32, #tpu.memory_space<vmem>>
      %dma_wait3A_81 = tpu.memref_squeeze %dma_wait3A_80 : memref<1x8x64xi32, #tpu.memory_space<vmem>> -> memref<8x64xi32, #tpu.memory_space<vmem>>
      %dma_wait3A_82 = arith.constant 0 : i32
      %dma_wait3A_83 = arith.constant 0 : i32
      %dma_wait3A_84 = tpu.memref_slice %arg3[%arg1, %run_scoped3A, %dma_wait3A_82, %dma_wait3A_83] : memref<16x40x8x64xi32, #tpu.memory_space<hbm>> -> memref<1x1x8x64xi32, #tpu.memory_space<hbm>>
      %dma_wait3A_85 = tpu.memref_squeeze %dma_wait3A_84 : memref<1x1x8x64xi32, #tpu.memory_space<hbm>> -> memref<8x64xi32, #tpu.memory_space<hbm>>
      %dma_wait3A_86 = arith.constant 0 : i32
      %dma_wait3A_87 = arith.constant 0 : i32
      %dma_wait3A_88 = tpu.memref_slice %arg7[%run_scoped3A_6, %dma_wait3A_86, %dma_wait3A_87] : memref<2x8x64xi32, #tpu.memory_space<vmem>> -> memref<1x8x64xi32, #tpu.memory_space<vmem>>
      %dma_wait3A_89 = tpu.memref_squeeze %dma_wait3A_88 : memref<1x8x64xi32, #tpu.memory_space<vmem>> -> memref<8x64xi32, #tpu.memory_space<vmem>>
      %dma_wait3A_90 = arith.constant 0 : i32
      %dma_wait3A_91 = arith.constant 0 : i32
      %dma_wait3A_92 = tpu.memref_slice %arg3[%arg1, %run_scoped3A, %dma_wait3A_90, %dma_wait3A_91] : memref<16x40x8x64xi32, #tpu.memory_space<hbm>> -> memref<1x1x8x64xi32, #tpu.memory_space<hbm>>
      %dma_wait3A_93 = tpu.memref_squeeze %dma_wait3A_92 : memref<1x1x8x64xi32, #tpu.memory_space<hbm>> -> memref<8x64xi32, #tpu.memory_space<hbm>>
      tpu.wait_dma2 semaphore(%run_scoped3A_61 : memref<!tpu.dma_semaphore, #tpu.memory_space<semaphore_mem>>) src(%dma_wait3A_93 : memref<8x64xi32, #tpu.memory_space<hbm>>) dst(%dma_wait3A_89 : memref<8x64xi32, #tpu.memory_space<vmem>>)
      tpu.yield
    }) : () -> ()
    %run_scoped3A_7 = arith.constant 0 : i32
    %run_scoped3A_8 = arith.constant 0 : i32
    "tpu.region"() ({
      %run_scoped3A_61 = tpu.sem_alloc : memref<!tpu.dma_semaphore, #tpu.memory_space<semaphore_mem>>
      %dma_start3A_62 = arith.constant 0 : i32
      %dma_start3A_63 = arith.constant 0 : i32
      %dma_start3A_64 = tpu.memref_slice %arg8[%run_scoped3A_8, %dma_start3A_62, %dma_start3A_63] : memref<2x8x64xi32, #tpu.memory_space<vmem>> -> memref<1x8x64xi32, #tpu.memory_space<vmem>>
      %dma_start3A_65 = tpu.memref_squeeze %dma_start3A_64 : memref<1x8x64xi32, #tpu.memory_space<vmem>> -> memref<8x64xi32, #tpu.memory_space<vmem>>
      %dma_start3A_66 = arith.constant 0 : i32
      %dma_start3A_67 = arith.constant 0 : i32
      %dma_start3A_68 = tpu.memref_slice %arg4[%arg1, %run_scoped3A_7, %dma_start3A_66, %dma_start3A_67] : memref<16x40x8x64xi32, #tpu.memory_space<hbm>> -> memref<1x1x8x64xi32, #tpu.memory_space<hbm>>
      %dma_start3A_69 = tpu.memref_squeeze %dma_start3A_68 : memref<1x1x8x64xi32, #tpu.memory_space<hbm>> -> memref<8x64xi32, #tpu.memory_space<hbm>>
      %dma_start3A_70 = arith.constant 0 : i32
      %dma_start3A_71 = arith.constant 0 : i32
      %dma_start3A_72 = tpu.memref_slice %arg8[%run_scoped3A_8, %dma_start3A_70, %dma_start3A_71] : memref<2x8x64xi32, #tpu.memory_space<vmem>> -> memref<1x8x64xi32, #tpu.memory_space<vmem>>
      %dma_start3A_73 = tpu.memref_squeeze %dma_start3A_72 : memref<1x8x64xi32, #tpu.memory_space<vmem>> -> memref<8x64xi32, #tpu.memory_space<vmem>>
      %dma_start3A_74 = arith.constant 0 : i32
      %dma_start3A_75 = arith.constant 0 : i32
      %dma_start3A_76 = tpu.memref_slice %arg4[%arg1, %run_scoped3A_7, %dma_start3A_74, %dma_start3A_75] : memref<16x40x8x64xi32, #tpu.memory_space<hbm>> -> memref<1x1x8x64xi32, #tpu.memory_space<hbm>>
      %dma_start3A_77 = tpu.memref_squeeze %dma_start3A_76 : memref<1x1x8x64xi32, #tpu.memory_space<hbm>> -> memref<8x64xi32, #tpu.memory_space<hbm>>
      tpu.enqueue_dma source(%dma_start3A_77 : memref<8x64xi32, #tpu.memory_space<hbm>>) target(%dma_start3A_73 : memref<8x64xi32, #tpu.memory_space<vmem>>) target_semaphore(%run_scoped3A_61 : memref<!tpu.dma_semaphore, #tpu.memory_space<semaphore_mem>>)
      %dma_wait3A_78 = arith.constant 0 : i32
      %dma_wait3A_79 = arith.constant 0 : i32
      %dma_wait3A_80 = tpu.memref_slice %arg8[%run_scoped3A_8, %dma_wait3A_78, %dma_wait3A_79] : memref<2x8x64xi32, #tpu.memory_space<vmem>> -> memref<1x8x64xi32, #tpu.memory_space<vmem>>
      %dma_wait3A_81 = tpu.memref_squeeze %dma_wait3A_80 : memref<1x8x64xi32, #tpu.memory_space<vmem>> -> memref<8x64xi32, #tpu.memory_space<vmem>>
      %dma_wait3A_82 = arith.constant 0 : i32
      %dma_wait3A_83 = arith.constant 0 : i32
      %dma_wait3A_84 = tpu.memref_slice %arg4[%arg1, %run_scoped3A_7, %dma_wait3A_82, %dma_wait3A_83] : memref<16x40x8x64xi32, #tpu.memory_space<hbm>> -> memref<1x1x8x64xi32, #tpu.memory_space<hbm>>
      %dma_wait3A_85 = tpu.memref_squeeze %dma_wait3A_84 : memref<1x1x8x64xi32, #tpu.memory_space<hbm>> -> memref<8x64xi32, #tpu.memory_space<hbm>>
      %dma_wait3A_86 = arith.constant 0 : i32
      %dma_wait3A_87 = arith.constant 0 : i32
      %dma_wait3A_88 = tpu.memref_slice %arg8[%run_scoped3A_8, %dma_wait3A_86, %dma_wait3A_87] : memref<2x8x64xi32, #tpu.memory_space<vmem>> -> memref<1x8x64xi32, #tpu.memory_space<vmem>>
      %dma_wait3A_89 = tpu.memref_squeeze %dma_wait3A_88 : memref<1x8x64xi32, #tpu.memory_space<vmem>> -> memref<8x64xi32, #tpu.memory_space<vmem>>
      %dma_wait3A_90 = arith.constant 0 : i32
      %dma_wait3A_91 = arith.constant 0 : i32
      %dma_wait3A_92 = tpu.memref_slice %arg4[%arg1, %run_scoped3A_7, %dma_wait3A_90, %dma_wait3A_91] : memref<16x40x8x64xi32, #tpu.memory_space<hbm>> -> memref<1x1x8x64xi32, #tpu.memory_space<hbm>>
      %dma_wait3A_93 = tpu.memref_squeeze %dma_wait3A_92 : memref<1x1x8x64xi32, #tpu.memory_space<hbm>> -> memref<8x64xi32, #tpu.memory_space<hbm>>
      tpu.wait_dma2 semaphore(%run_scoped3A_61 : memref<!tpu.dma_semaphore, #tpu.memory_space<semaphore_mem>>) src(%dma_wait3A_93 : memref<8x64xi32, #tpu.memory_space<hbm>>) dst(%dma_wait3A_89 : memref<8x64xi32, #tpu.memory_space<vmem>>)
      tpu.yield
    }) : () -> ()
    %barrier3A = arith.constant 0 : index
    tpu.barrier barrier_id(%barrier3A)
    %dma_start3A = arith.constant 0 : i32
    %dma_start3A_9 = arith.constant 0 : i32
    %dma_start3A_10 = arith.constant 0 : i32
    %dma_start3A_11 = tpu.memref_slice %arg7[%dma_start3A, %dma_start3A_9, %dma_start3A_10] : memref<2x8x64xi32, #tpu.memory_space<vmem>> -> memref<1x1x64xi32, #tpu.memory_space<vmem>>
    %dma_start3A_12 = tpu.memref_squeeze %dma_start3A_11 : memref<1x1x64xi32, #tpu.memory_space<vmem>> -> memref<64xi32, #tpu.memory_space<vmem>>
    %dma_start3A_13 = arith.constant 0 : i32
    %dma_start3A_14 = arith.constant 0 : i32
    %dma_start3A_15 = tpu.memref_slice %arg2[%arg0, %dma_start3A_13, %dma_start3A_14] : memref<2x10000x128xf32, #tpu.memory_space<hbm>> -> memref<1x10000x128xf32, #tpu.memory_space<hbm>>
    %dma_start3A_16 = tpu.memref_squeeze %dma_start3A_15 : memref<1x10000x128xf32, #tpu.memory_space<hbm>> -> memref<10000x128xf32, #tpu.memory_space<hbm>>
    %dma_start3A_17 = arith.constant 0 : i32
    %dma_start3A_18 = arith.constant 0 : i32
    %dma_start3A_19 = tpu.memref_slice %dma_start3A_16[%dma_start3A_17, %dma_start3A_18] : memref<10000x128xf32, #tpu.memory_space<hbm>> -> memref<10000x128xf32, #tpu.memory_space<hbm>>
    tpu.enqueue_indirect_dma source(%dma_start3A_19 : memref<10000x128xf32, #tpu.memory_space<hbm>>) target(%arg9 : memref<64x128xf32, #tpu.memory_space<vmem>>) offsets(%dma_start3A_12 : memref<64xi32, #tpu.memory_space<vmem>>) semaphore(%arg13 : memref<!tpu.dma_semaphore, #tpu.memory_space<semaphore_mem>>)
    %dma_start3A_20 = arith.constant 0 : i32
    %dma_start3A_21 = arith.constant 1 : i32
    %dma_start3A_22 = arith.constant 0 : i32
    %dma_start3A_23 = tpu.memref_slice %arg7[%dma_start3A_20, %dma_start3A_21, %dma_start3A_22] : memref<2x8x64xi32, #tpu.memory_space<vmem>> -> memref<1x1x64xi32, #tpu.memory_space<vmem>>
    %dma_start3A_24 = tpu.memref_squeeze %dma_start3A_23 : memref<1x1x64xi32, #tpu.memory_space<vmem>> -> memref<64xi32, #tpu.memory_space<vmem>>
    %dma_start3A_25 = arith.constant 0 : i32
    %dma_start3A_26 = arith.constant 0 : i32
    %dma_start3A_27 = tpu.memref_slice %arg2[%arg0, %dma_start3A_25, %dma_start3A_26] : memref<2x10000x128xf32, #tpu.memory_space<hbm>> -> memref<1x10000x128xf32, #tpu.memory_space<hbm>>
    %dma_start3A_28 = tpu.memref_squeeze %dma_start3A_27 : memref<1x10000x128xf32, #tpu.memory_space<hbm>> -> memref<10000x128xf32, #tpu.memory_space<hbm>>
    %dma_start3A_29 = arith.constant 0 : i32
    %dma_start3A_30 = arith.constant 0 : i32
    %dma_start3A_31 = tpu.memref_slice %dma_start3A_28[%dma_start3A_29, %dma_start3A_30] : memref<10000x128xf32, #tpu.memory_space<hbm>> -> memref<10000x128xf32, #tpu.memory_space<hbm>>
    tpu.enqueue_indirect_dma source(%dma_start3A_31 : memref<10000x128xf32, #tpu.memory_space<hbm>>) target(%arg10 : memref<64x128xf32, #tpu.memory_space<vmem>>) offsets(%dma_start3A_24 : memref<64xi32, #tpu.memory_space<vmem>>) semaphore(%arg14 : memref<!tpu.dma_semaphore, #tpu.memory_space<semaphore_mem>>)
    %dma_start3A_32 = arith.constant 0 : i32
    %dma_start3A_33 = arith.constant 2 : i32
    %dma_start3A_34 = arith.constant 0 : i32
    %dma_start3A_35 = tpu.memref_slice %arg7[%dma_start3A_32, %dma_start3A_33, %dma_start3A_34] : memref<2x8x64xi32, #tpu.memory_space<vmem>> -> memref<1x1x64xi32, #tpu.memory_space<vmem>>
    %dma_start3A_36 = tpu.memref_squeeze %dma_start3A_35 : memref<1x1x64xi32, #tpu.memory_space<vmem>> -> memref<64xi32, #tpu.memory_space<vmem>>
    %dma_start3A_37 = arith.constant 0 : i32
    %dma_start3A_38 = arith.constant 0 : i32
    %dma_start3A_39 = tpu.memref_slice %arg2[%arg0, %dma_start3A_37, %dma_start3A_38] : memref<2x10000x128xf32, #tpu.memory_space<hbm>> -> memref<1x10000x128xf32, #tpu.memory_space<hbm>>
    %dma_start3A_40 = tpu.memref_squeeze %dma_start3A_39 : memref<1x10000x128xf32, #tpu.memory_space<hbm>> -> memref<10000x128xf32, #tpu.memory_space<hbm>>
    %dma_start3A_41 = arith.constant 0 : i32
    %dma_start3A_42 = arith.constant 0 : i32
    %dma_start3A_43 = tpu.memref_slice %dma_start3A_40[%dma_start3A_41, %dma_start3A_42] : memref<10000x128xf32, #tpu.memory_space<hbm>> -> memref<10000x128xf32, #tpu.memory_space<hbm>>
    tpu.enqueue_indirect_dma source(%dma_start3A_43 : memref<10000x128xf32, #tpu.memory_space<hbm>>) target(%arg11 : memref<64x128xf32, #tpu.memory_space<vmem>>) offsets(%dma_start3A_36 : memref<64xi32, #tpu.memory_space<vmem>>) semaphore(%arg15 : memref<!tpu.dma_semaphore, #tpu.memory_space<semaphore_mem>>)
    %scan3A = arith.constant 0 : i32
    %scan3A_44 = arith.constant 0 : i32
    %scan3A_45 = arith.constant 40 : i32
    %scan3A_46 = arith.addi %scan3A_44, %scan3A_45 : i32
    %scan3A_47 = arith.constant 1 : i32
    %scan3A_48 = scf.for %scan3A_61 = %scan3A_44 to %scan3A_46 step %scan3A_47 iter_args(%scan3A_62 = %scan3A) -> (i32)  : i32 {
      %jit3A = arith.constant 2 : i32
      %eq3A = arith.constant 0 : i32
      %eq3A_63 = arith.cmpi eq, %jit3A, %eq3A : i32
      %jit3A_64 = arith.constant 1 : i32
      %select_n3A = arith.select %eq3A_63, %jit3A_64, %jit3A : i32
      %rem3A = arith.remsi %scan3A_61, %select_n3A : i32
      %ne3A = arith.constant 0 : i32
      %ne3A_65 = arith.cmpi ne, %rem3A, %ne3A : i32
      %lt3A_66 = arith.constant 0 : i32
      %lt3A_67 = arith.cmpi slt, %rem3A, %lt3A_66 : i32
      %lt3A_68 = arith.constant 0 : i32
      %lt3A_69 = arith.cmpi slt, %select_n3A, %lt3A_68 : i32
      %ne3A_70 = arith.xori %lt3A_67, %lt3A_69 : i1
      %and3A = arith.andi %ne3A_70, %ne3A_65 : i1
      %add3A_71 = arith.addi %rem3A, %select_n3A : i32
      %select_n3A_72 = arith.select %and3A, %add3A_71, %rem3A : i32
      %add3A_73 = arith.constant 1 : i32
      %add3A_74 = arith.addi %scan3A_61, %add3A_73 : i32
      %lt3A_75 = arith.constant 40 : i32
      %lt3A_76 = arith.cmpi slt, %add3A_74, %lt3A_75 : i32
      %convert_element_type3A_77 = arith.extui %lt3A_76 : i1 to i32
      %cond3A_78 = arith.constant 0 : i32
      %cond3A_79 = arith.cmpi ne, %convert_element_type3A_77, %cond3A_78 : i32
      scf.if %cond3A_79 {
        %add3A_352 = arith.constant 1 : i32
        %add3A_353 = arith.addi %scan3A_61, %add3A_352 : i32
        %sub3A = arith.constant 1 : i32
        %sub3A_354 = arith.subi %sub3A, %select_n3A_72 : i32
        %dma_start3A_355 = arith.constant 0 : i32
        %dma_start3A_356 = arith.constant 0 : i32
        %dma_start3A_357 = tpu.memref_slice %arg7[%sub3A_354, %dma_start3A_355, %dma_start3A_356] : memref<2x8x64xi32, #tpu.memory_space<vmem>> -> memref<1x8x64xi32, #tpu.memory_space<vmem>>
        %dma_start3A_358 = tpu.memref_squeeze %dma_start3A_357 : memref<1x8x64xi32, #tpu.memory_space<vmem>> -> memref<8x64xi32, #tpu.memory_space<vmem>>
        %dma_start3A_359 = arith.constant 0 : i32
        %dma_start3A_360 = arith.constant 0 : i32
        %dma_start3A_361 = tpu.memref_slice %arg3[%arg1, %add3A_353, %dma_start3A_359, %dma_start3A_360] : memref<16x40x8x64xi32, #tpu.memory_space<hbm>> -> memref<1x1x8x64xi32, #tpu.memory_space<hbm>>
        %dma_start3A_362 = tpu.memref_squeeze %dma_start3A_361 : memref<1x1x8x64xi32, #tpu.memory_space<hbm>> -> memref<8x64xi32, #tpu.memory_space<hbm>>
        %dma_start3A_363 = arith.constant 0 : i32
        %dma_start3A_364 = arith.constant 0 : i32
        %dma_start3A_365 = tpu.memref_slice %arg7[%sub3A_354, %dma_start3A_363, %dma_start3A_364] : memref<2x8x64xi32, #tpu.memory_space<vmem>> -> memref<1x8x64xi32, #tpu.memory_space<vmem>>
        %dma_start3A_366 = tpu.memref_squeeze %dma_start3A_365 : memref<1x8x64xi32, #tpu.memory_space<vmem>> -> memref<8x64xi32, #tpu.memory_space<vmem>>
        %dma_start3A_367 = arith.constant 0 : i32
        %dma_start3A_368 = arith.constant 0 : i32
        %dma_start3A_369 = tpu.memref_slice %arg3[%arg1, %add3A_353, %dma_start3A_367, %dma_start3A_368] : memref<16x40x8x64xi32, #tpu.memory_space<hbm>> -> memref<1x1x8x64xi32, #tpu.memory_space<hbm>>
        %dma_start3A_370 = tpu.memref_squeeze %dma_start3A_369 : memref<1x1x8x64xi32, #tpu.memory_space<hbm>> -> memref<8x64xi32, #tpu.memory_space<hbm>>
        tpu.enqueue_dma source(%dma_start3A_370 : memref<8x64xi32, #tpu.memory_space<hbm>>) target(%dma_start3A_366 : memref<8x64xi32, #tpu.memory_space<vmem>>) target_semaphore(%arg21 : memref<!tpu.dma_semaphore, #tpu.memory_space<semaphore_mem>>)
        %add3A_371 = arith.constant 1 : i32
        %add3A_372 = arith.addi %scan3A_61, %add3A_371 : i32
        %sub3A_373 = arith.constant 1 : i32
        %sub3A_374 = arith.subi %sub3A_373, %select_n3A_72 : i32
        %dma_start3A_375 = arith.constant 0 : i32
        %dma_start3A_376 = arith.constant 0 : i32
        %dma_start3A_377 = tpu.memref_slice %arg8[%sub3A_374, %dma_start3A_375, %dma_start3A_376] : memref<2x8x64xi32, #tpu.memory_space<vmem>> -> memref<1x8x64xi32, #tpu.memory_space<vmem>>
        %dma_start3A_378 = tpu.memref_squeeze %dma_start3A_377 : memref<1x8x64xi32, #tpu.memory_space<vmem>> -> memref<8x64xi32, #tpu.memory_space<vmem>>
        %dma_start3A_379 = arith.constant 0 : i32
        %dma_start3A_380 = arith.constant 0 : i32
        %dma_start3A_381 = tpu.memref_slice %arg4[%arg1, %add3A_372, %dma_start3A_379, %dma_start3A_380] : memref<16x40x8x64xi32, #tpu.memory_space<hbm>> -> memref<1x1x8x64xi32, #tpu.memory_space<hbm>>
        %dma_start3A_382 = tpu.memref_squeeze %dma_start3A_381 : memref<1x1x8x64xi32, #tpu.memory_space<hbm>> -> memref<8x64xi32, #tpu.memory_space<hbm>>
        %dma_start3A_383 = arith.constant 0 : i32
        %dma_start3A_384 = arith.constant 0 : i32
        %dma_start3A_385 = tpu.memref_slice %arg8[%sub3A_374, %dma_start3A_383, %dma_start3A_384] : memref<2x8x64xi32, #tpu.memory_space<vmem>> -> memref<1x8x64xi32, #tpu.memory_space<vmem>>
        %dma_start3A_386 = tpu.memref_squeeze %dma_start3A_385 : memref<1x8x64xi32, #tpu.memory_space<vmem>> -> memref<8x64xi32, #tpu.memory_space<vmem>>
        %dma_start3A_387 = arith.constant 0 : i32
        %dma_start3A_388 = arith.constant 0 : i32
        %dma_start3A_389 = tpu.memref_slice %arg4[%arg1, %add3A_372, %dma_start3A_387, %dma_start3A_388] : memref<16x40x8x64xi32, #tpu.memory_space<hbm>> -> memref<1x1x8x64xi32, #tpu.memory_space<hbm>>
        %dma_start3A_390 = tpu.memref_squeeze %dma_start3A_389 : memref<1x1x8x64xi32, #tpu.memory_space<hbm>> -> memref<8x64xi32, #tpu.memory_space<hbm>>
        tpu.enqueue_dma source(%dma_start3A_390 : memref<8x64xi32, #tpu.memory_space<hbm>>) target(%dma_start3A_386 : memref<8x64xi32, #tpu.memory_space<vmem>>) target_semaphore(%arg22 : memref<!tpu.dma_semaphore, #tpu.memory_space<semaphore_mem>>)
      } else {
      }
      %mul3A_80 = arith.constant 8 : i32
      %mul3A_81 = arith.muli %mul3A_80, %scan3A_61 : i32
      %add3A_82 = arith.constant 0 : i32
      %add3A_83 = arith.addi %mul3A_81, %add3A_82 : i32
      %dma_wait3A_84 = arith.constant 0 : i32
      %dma_wait3A_85 = arith.constant 0 : i32
      %dma_wait3A_86 = tpu.memref_slice %arg7[%select_n3A_72, %dma_wait3A_84, %dma_wait3A_85] : memref<2x8x64xi32, #tpu.memory_space<vmem>> -> memref<1x1x64xi32, #tpu.memory_space<vmem>>
      %dma_wait3A_87 = tpu.memref_squeeze %dma_wait3A_86 : memref<1x1x64xi32, #tpu.memory_space<vmem>> -> memref<64xi32, #tpu.memory_space<vmem>>
      %dma_wait3A_88 = arith.constant 0 : i32
      %dma_wait3A_89 = arith.constant 0 : i32
      %dma_wait3A_90 = tpu.memref_slice %arg2[%arg0, %dma_wait3A_88, %dma_wait3A_89] : memref<2x10000x128xf32, #tpu.memory_space<hbm>> -> memref<1x10000x128xf32, #tpu.memory_space<hbm>>
      %dma_wait3A_91 = tpu.memref_squeeze %dma_wait3A_90 : memref<1x10000x128xf32, #tpu.memory_space<hbm>> -> memref<10000x128xf32, #tpu.memory_space<hbm>>
      %dma_wait3A_92 = arith.constant 0 : i32
      %dma_wait3A_93 = arith.constant 0 : i32
      %dma_wait3A_94 = tpu.memref_slice %dma_wait3A_91[%dma_wait3A_92, %dma_wait3A_93] : memref<10000x128xf32, #tpu.memory_space<hbm>> -> memref<10000x128xf32, #tpu.memory_space<hbm>>
      tpu.wait_indirect_dma semaphore(%arg13 : memref<!tpu.dma_semaphore, #tpu.memory_space<semaphore_mem>>) src(%dma_wait3A_94 : memref<10000x128xf32, #tpu.memory_space<hbm>>) dst(%arg9 : memref<64x128xf32, #tpu.memory_space<vmem>>)
      %dma_start3A_95 = arith.constant 0 : i32
      %dma_start3A_96 = arith.constant 0 : i32
      %dma_start3A_97 = tpu.memref_slice %arg8[%select_n3A_72, %dma_start3A_95, %dma_start3A_96] : memref<2x8x64xi32, #tpu.memory_space<vmem>> -> memref<1x1x64xi32, #tpu.memory_space<vmem>>
      %dma_start3A_98 = tpu.memref_squeeze %dma_start3A_97 : memref<1x1x64xi32, #tpu.memory_space<vmem>> -> memref<64xi32, #tpu.memory_space<vmem>>
      %dma_start3A_99 = arith.constant 0 : i32
      %dma_start3A_100 = arith.constant 0 : i32
      %dma_start3A_101 = tpu.memref_slice %arg6[%dma_start3A_99, %dma_start3A_100] : memref<10008x128xf32, #tpu.memory_space<vmem_shared>> -> memref<10008x128xf32, #tpu.memory_space<vmem_shared>>
      tpu.enqueue_indirect_dma source(%arg9 : memref<64x128xf32, #tpu.memory_space<vmem>>) target(%dma_start3A_101 : memref<10008x128xf32, #tpu.memory_space<vmem_shared>>) offsets(%dma_start3A_98 : memref<64xi32, #tpu.memory_space<vmem>>) semaphore(%arg17 : memref<!tpu.dma_semaphore, #tpu.memory_space<semaphore_mem>>) {add = true}
      %ge3A = arith.constant 1 : i32
      %ge3A_102 = arith.cmpi sge, %add3A_83, %ge3A : i32
      %convert_element_type3A_103 = arith.extui %ge3A_102 : i1 to i32
      %cond3A_104 = arith.constant 0 : i32
      %cond3A_105 = arith.cmpi ne, %convert_element_type3A_103, %cond3A_104 : i32
      scf.if %cond3A_105 {
        %dma_wait3A_352 = arith.constant 0 : i32
        %dma_wait3A_353 = arith.constant 0 : i32
        %dma_wait3A_354 = tpu.memref_slice %arg8[%select_n3A_72, %dma_wait3A_352, %dma_wait3A_353] : memref<2x8x64xi32, #tpu.memory_space<vmem>> -> memref<1x1x64xi32, #tpu.memory_space<vmem>>
        %dma_wait3A_355 = tpu.memref_squeeze %dma_wait3A_354 : memref<1x1x64xi32, #tpu.memory_space<vmem>> -> memref<64xi32, #tpu.memory_space<vmem>>
        %dma_wait3A_356 = arith.constant 0 : i32
        %dma_wait3A_357 = arith.constant 0 : i32
        %dma_wait3A_358 = tpu.memref_slice %arg6[%dma_wait3A_356, %dma_wait3A_357] : memref<10008x128xf32, #tpu.memory_space<vmem_shared>> -> memref<10008x128xf32, #tpu.memory_space<vmem_shared>>
        tpu.wait_indirect_dma semaphore(%arg20 : memref<!tpu.dma_semaphore, #tpu.memory_space<semaphore_mem>>) src(%arg12 : memref<64x128xf32, #tpu.memory_space<vmem>>) dst(%dma_wait3A_358 : memref<10008x128xf32, #tpu.memory_space<vmem_shared>>)
      } else {
      }
      %add3A_106 = arith.constant 3 : i32
      %add3A_107 = arith.addi %add3A_83, %add3A_106 : i32
      %lt3A_108 = arith.constant 320 : i32
      %lt3A_109 = arith.cmpi slt, %add3A_107, %lt3A_108 : i32
      %convert_element_type3A_110 = arith.extui %lt3A_109 : i1 to i32
      %cond3A_111 = arith.constant 0 : i32
      %cond3A_112 = arith.cmpi ne, %convert_element_type3A_110, %cond3A_111 : i32
      scf.if %cond3A_112 {
        %dma_start3A_352 = arith.constant 3 : i32
        %dma_start3A_353 = arith.constant 0 : i32
        %dma_start3A_354 = tpu.memref_slice %arg7[%select_n3A_72, %dma_start3A_352, %dma_start3A_353] : memref<2x8x64xi32, #tpu.memory_space<vmem>> -> memref<1x1x64xi32, #tpu.memory_space<vmem>>
        %dma_start3A_355 = tpu.memref_squeeze %dma_start3A_354 : memref<1x1x64xi32, #tpu.memory_space<vmem>> -> memref<64xi32, #tpu.memory_space<vmem>>
        %dma_start3A_356 = arith.constant 0 : i32
        %dma_start3A_357 = arith.constant 0 : i32
        %dma_start3A_358 = tpu.memref_slice %arg2[%arg0, %dma_start3A_356, %dma_start3A_357] : memref<2x10000x128xf32, #tpu.memory_space<hbm>> -> memref<1x10000x128xf32, #tpu.memory_space<hbm>>
        %dma_start3A_359 = tpu.memref_squeeze %dma_start3A_358 : memref<1x10000x128xf32, #tpu.memory_space<hbm>> -> memref<10000x128xf32, #tpu.memory_space<hbm>>
        %dma_start3A_360 = arith.constant 0 : i32
        %dma_start3A_361 = arith.constant 0 : i32
        %dma_start3A_362 = tpu.memref_slice %dma_start3A_359[%dma_start3A_360, %dma_start3A_361] : memref<10000x128xf32, #tpu.memory_space<hbm>> -> memref<10000x128xf32, #tpu.memory_space<hbm>>
        tpu.enqueue_indirect_dma source(%dma_start3A_362 : memref<10000x128xf32, #tpu.memory_space<hbm>>) target(%arg12 : memref<64x128xf32, #tpu.memory_space<vmem>>) offsets(%dma_start3A_355 : memref<64xi32, #tpu.memory_space<vmem>>) semaphore(%arg16 : memref<!tpu.dma_semaphore, #tpu.memory_space<semaphore_mem>>)
      } else {
      }
      %mul3A_113 = arith.constant 8 : i32
      %mul3A_114 = arith.muli %mul3A_113, %scan3A_61 : i32
      %add3A_115 = arith.constant 1 : i32
      %add3A_116 = arith.addi %mul3A_114, %add3A_115 : i32
      %dma_wait3A_117 = arith.constant 1 : i32
      %dma_wait3A_118 = arith.constant 0 : i32
      %dma_wait3A_119 = tpu.memref_slice %arg7[%select_n3A_72, %dma_wait3A_117, %dma_wait3A_118] : memref<2x8x64xi32, #tpu.memory_space<vmem>> -> memref<1x1x64xi32, #tpu.memory_space<vmem>>
      %dma_wait3A_120 = tpu.memref_squeeze %dma_wait3A_119 : memref<1x1x64xi32, #tpu.memory_space<vmem>> -> memref<64xi32, #tpu.memory_space<vmem>>
      %dma_wait3A_121 = arith.constant 0 : i32
      %dma_wait3A_122 = arith.constant 0 : i32
      %dma_wait3A_123 = tpu.memref_slice %arg2[%arg0, %dma_wait3A_121, %dma_wait3A_122] : memref<2x10000x128xf32, #tpu.memory_space<hbm>> -> memref<1x10000x128xf32, #tpu.memory_space<hbm>>
      %dma_wait3A_124 = tpu.memref_squeeze %dma_wait3A_123 : memref<1x10000x128xf32, #tpu.memory_space<hbm>> -> memref<10000x128xf32, #tpu.memory_space<hbm>>
      %dma_wait3A_125 = arith.constant 0 : i32
      %dma_wait3A_126 = arith.constant 0 : i32
      %dma_wait3A_127 = tpu.memref_slice %dma_wait3A_124[%dma_wait3A_125, %dma_wait3A_126] : memref<10000x128xf32, #tpu.memory_space<hbm>> -> memref<10000x128xf32, #tpu.memory_space<hbm>>
      tpu.wait_indirect_dma semaphore(%arg14 : memref<!tpu.dma_semaphore, #tpu.memory_space<semaphore_mem>>) src(%dma_wait3A_127 : memref<10000x128xf32, #tpu.memory_space<hbm>>) dst(%arg10 : memref<64x128xf32, #tpu.memory_space<vmem>>)
      %dma_start3A_128 = arith.constant 1 : i32
      %dma_start3A_129 = arith.constant 0 : i32
      %dma_start3A_130 = tpu.memref_slice %arg8[%select_n3A_72, %dma_start3A_128, %dma_start3A_129] : memref<2x8x64xi32, #tpu.memory_space<vmem>> -> memref<1x1x64xi32, #tpu.memory_space<vmem>>
      %dma_start3A_131 = tpu.memref_squeeze %dma_start3A_130 : memref<1x1x64xi32, #tpu.memory_space<vmem>> -> memref<64xi32, #tpu.memory_space<vmem>>
      %dma_start3A_132 = arith.constant 0 : i32
      %dma_start3A_133 = arith.constant 0 : i32
      %dma_start3A_134 = tpu.memref_slice %arg6[%dma_start3A_132, %dma_start3A_133] : memref<10008x128xf32, #tpu.memory_space<vmem_shared>> -> memref<10008x128xf32, #tpu.memory_space<vmem_shared>>
      tpu.enqueue_indirect_dma source(%arg10 : memref<64x128xf32, #tpu.memory_space<vmem>>) target(%dma_start3A_134 : memref<10008x128xf32, #tpu.memory_space<vmem_shared>>) offsets(%dma_start3A_131 : memref<64xi32, #tpu.memory_space<vmem>>) semaphore(%arg18 : memref<!tpu.dma_semaphore, #tpu.memory_space<semaphore_mem>>) {add = true}
      %ge3A_135 = arith.constant 1 : i32
      %ge3A_136 = arith.cmpi sge, %add3A_116, %ge3A_135 : i32
      %convert_element_type3A_137 = arith.extui %ge3A_136 : i1 to i32
      %cond3A_138 = arith.constant 0 : i32
      %cond3A_139 = arith.cmpi ne, %convert_element_type3A_137, %cond3A_138 : i32
      scf.if %cond3A_139 {
        %dma_wait3A_352 = arith.constant 1 : i32
        %dma_wait3A_353 = arith.constant 0 : i32
        %dma_wait3A_354 = tpu.memref_slice %arg8[%select_n3A_72, %dma_wait3A_352, %dma_wait3A_353] : memref<2x8x64xi32, #tpu.memory_space<vmem>> -> memref<1x1x64xi32, #tpu.memory_space<vmem>>
        %dma_wait3A_355 = tpu.memref_squeeze %dma_wait3A_354 : memref<1x1x64xi32, #tpu.memory_space<vmem>> -> memref<64xi32, #tpu.memory_space<vmem>>
        %dma_wait3A_356 = arith.constant 0 : i32
        %dma_wait3A_357 = arith.constant 0 : i32
        %dma_wait3A_358 = tpu.memref_slice %arg6[%dma_wait3A_356, %dma_wait3A_357] : memref<10008x128xf32, #tpu.memory_space<vmem_shared>> -> memref<10008x128xf32, #tpu.memory_space<vmem_shared>>
        tpu.wait_indirect_dma semaphore(%arg17 : memref<!tpu.dma_semaphore, #tpu.memory_space<semaphore_mem>>) src(%arg9 : memref<64x128xf32, #tpu.memory_space<vmem>>) dst(%dma_wait3A_358 : memref<10008x128xf32, #tpu.memory_space<vmem_shared>>)
      } else {
      }
      %add3A_140 = arith.constant 3 : i32
      %add3A_141 = arith.addi %add3A_116, %add3A_140 : i32
      %lt3A_142 = arith.constant 320 : i32
      %lt3A_143 = arith.cmpi slt, %add3A_141, %lt3A_142 : i32
      %convert_element_type3A_144 = arith.extui %lt3A_143 : i1 to i32
      %cond3A_145 = arith.constant 0 : i32
      %cond3A_146 = arith.cmpi ne, %convert_element_type3A_144, %cond3A_145 : i32
      scf.if %cond3A_146 {
        %dma_start3A_352 = arith.constant 4 : i32
        %dma_start3A_353 = arith.constant 0 : i32
        %dma_start3A_354 = tpu.memref_slice %arg7[%select_n3A_72, %dma_start3A_352, %dma_start3A_353] : memref<2x8x64xi32, #tpu.memory_space<vmem>> -> memref<1x1x64xi32, #tpu.memory_space<vmem>>
        %dma_start3A_355 = tpu.memref_squeeze %dma_start3A_354 : memref<1x1x64xi32, #tpu.memory_space<vmem>> -> memref<64xi32, #tpu.memory_space<vmem>>
        %dma_start3A_356 = arith.constant 0 : i32
        %dma_start3A_357 = arith.constant 0 : i32
        %dma_start3A_358 = tpu.memref_slice %arg2[%arg0, %dma_start3A_356, %dma_start3A_357] : memref<2x10000x128xf32, #tpu.memory_space<hbm>> -> memref<1x10000x128xf32, #tpu.memory_space<hbm>>
        %dma_start3A_359 = tpu.memref_squeeze %dma_start3A_358 : memref<1x10000x128xf32, #tpu.memory_space<hbm>> -> memref<10000x128xf32, #tpu.memory_space<hbm>>
        %dma_start3A_360 = arith.constant 0 : i32
        %dma_start3A_361 = arith.constant 0 : i32
        %dma_start3A_362 = tpu.memref_slice %dma_start3A_359[%dma_start3A_360, %dma_start3A_361] : memref<10000x128xf32, #tpu.memory_space<hbm>> -> memref<10000x128xf32, #tpu.memory_space<hbm>>
        tpu.enqueue_indirect_dma source(%dma_start3A_362 : memref<10000x128xf32, #tpu.memory_space<hbm>>) target(%arg9 : memref<64x128xf32, #tpu.memory_space<vmem>>) offsets(%dma_start3A_355 : memref<64xi32, #tpu.memory_space<vmem>>) semaphore(%arg13 : memref<!tpu.dma_semaphore, #tpu.memory_space<semaphore_mem>>)
      } else {
      }
      %mul3A_147 = arith.constant 8 : i32
      %mul3A_148 = arith.muli %mul3A_147, %scan3A_61 : i32
      %add3A_149 = arith.constant 2 : i32
      %add3A_150 = arith.addi %mul3A_148, %add3A_149 : i32
      %dma_wait3A_151 = arith.constant 2 : i32
      %dma_wait3A_152 = arith.constant 0 : i32
      %dma_wait3A_153 = tpu.memref_slice %arg7[%select_n3A_72, %dma_wait3A_151, %dma_wait3A_152] : memref<2x8x64xi32, #tpu.memory_space<vmem>> -> memref<1x1x64xi32, #tpu.memory_space<vmem>>
      %dma_wait3A_154 = tpu.memref_squeeze %dma_wait3A_153 : memref<1x1x64xi32, #tpu.memory_space<vmem>> -> memref<64xi32, #tpu.memory_space<vmem>>
      %dma_wait3A_155 = arith.constant 0 : i32
      %dma_wait3A_156 = arith.constant 0 : i32
      %dma_wait3A_157 = tpu.memref_slice %arg2[%arg0, %dma_wait3A_155, %dma_wait3A_156] : memref<2x10000x128xf32, #tpu.memory_space<hbm>> -> memref<1x10000x128xf32, #tpu.memory_space<hbm>>
      %dma_wait3A_158 = tpu.memref_squeeze %dma_wait3A_157 : memref<1x10000x128xf32, #tpu.memory_space<hbm>> -> memref<10000x128xf32, #tpu.memory_space<hbm>>
      %dma_wait3A_159 = arith.constant 0 : i32
      %dma_wait3A_160 = arith.constant 0 : i32
      %dma_wait3A_161 = tpu.memref_slice %dma_wait3A_158[%dma_wait3A_159, %dma_wait3A_160] : memref<10000x128xf32, #tpu.memory_space<hbm>> -> memref<10000x128xf32, #tpu.memory_space<hbm>>
      tpu.wait_indirect_dma semaphore(%arg15 : memref<!tpu.dma_semaphore, #tpu.memory_space<semaphore_mem>>) src(%dma_wait3A_161 : memref<10000x128xf32, #tpu.memory_space<hbm>>) dst(%arg11 : memref<64x128xf32, #tpu.memory_space<vmem>>)
      %dma_start3A_162 = arith.constant 2 : i32
      %dma_start3A_163 = arith.constant 0 : i32
      %dma_start3A_164 = tpu.memref_slice %arg8[%select_n3A_72, %dma_start3A_162, %dma_start3A_163] : memref<2x8x64xi32, #tpu.memory_space<vmem>> -> memref<1x1x64xi32, #tpu.memory_space<vmem>>
      %dma_start3A_165 = tpu.memref_squeeze %dma_start3A_164 : memref<1x1x64xi32, #tpu.memory_space<vmem>> -> memref<64xi32, #tpu.memory_space<vmem>>
      %dma_start3A_166 = arith.constant 0 : i32
      %dma_start3A_167 = arith.constant 0 : i32
      %dma_start3A_168 = tpu.memref_slice %arg6[%dma_start3A_166, %dma_start3A_167] : memref<10008x128xf32, #tpu.memory_space<vmem_shared>> -> memref<10008x128xf32, #tpu.memory_space<vmem_shared>>
      tpu.enqueue_indirect_dma source(%arg11 : memref<64x128xf32, #tpu.memory_space<vmem>>) target(%dma_start3A_168 : memref<10008x128xf32, #tpu.memory_space<vmem_shared>>) offsets(%dma_start3A_165 : memref<64xi32, #tpu.memory_space<vmem>>) semaphore(%arg19 : memref<!tpu.dma_semaphore, #tpu.memory_space<semaphore_mem>>) {add = true}
      %ge3A_169 = arith.constant 1 : i32
      %ge3A_170 = arith.cmpi sge, %add3A_150, %ge3A_169 : i32
      %convert_element_type3A_171 = arith.extui %ge3A_170 : i1 to i32
      %cond3A_172 = arith.constant 0 : i32
      %cond3A_173 = arith.cmpi ne, %convert_element_type3A_171, %cond3A_172 : i32
      scf.if %cond3A_173 {
        %dma_wait3A_352 = arith.constant 2 : i32
        %dma_wait3A_353 = arith.constant 0 : i32
        %dma_wait3A_354 = tpu.memref_slice %arg8[%select_n3A_72, %dma_wait3A_352, %dma_wait3A_353] : memref<2x8x64xi32, #tpu.memory_space<vmem>> -> memref<1x1x64xi32, #tpu.memory_space<vmem>>
        %dma_wait3A_355 = tpu.memref_squeeze %dma_wait3A_354 : memref<1x1x64xi32, #tpu.memory_space<vmem>> -> memref<64xi32, #tpu.memory_space<vmem>>
        %dma_wait3A_356 = arith.constant 0 : i32
        %dma_wait3A_357 = arith.constant 0 : i32
        %dma_wait3A_358 = tpu.memref_slice %arg6[%dma_wait3A_356, %dma_wait3A_357] : memref<10008x128xf32, #tpu.memory_space<vmem_shared>> -> memref<10008x128xf32, #tpu.memory_space<vmem_shared>>
        tpu.wait_indirect_dma semaphore(%arg18 : memref<!tpu.dma_semaphore, #tpu.memory_space<semaphore_mem>>) src(%arg10 : memref<64x128xf32, #tpu.memory_space<vmem>>) dst(%dma_wait3A_358 : memref<10008x128xf32, #tpu.memory_space<vmem_shared>>)
      } else {
      }
      %add3A_174 = arith.constant 3 : i32
      %add3A_175 = arith.addi %add3A_150, %add3A_174 : i32
      %lt3A_176 = arith.constant 320 : i32
      %lt3A_177 = arith.cmpi slt, %add3A_175, %lt3A_176 : i32
      %convert_element_type3A_178 = arith.extui %lt3A_177 : i1 to i32
      %cond3A_179 = arith.constant 0 : i32
      %cond3A_180 = arith.cmpi ne, %convert_element_type3A_178, %cond3A_179 : i32
      scf.if %cond3A_180 {
        %dma_start3A_352 = arith.constant 5 : i32
        %dma_start3A_353 = arith.constant 0 : i32
        %dma_start3A_354 = tpu.memref_slice %arg7[%select_n3A_72, %dma_start3A_352, %dma_start3A_353] : memref<2x8x64xi32, #tpu.memory_space<vmem>> -> memref<1x1x64xi32, #tpu.memory_space<vmem>>
        %dma_start3A_355 = tpu.memref_squeeze %dma_start3A_354 : memref<1x1x64xi32, #tpu.memory_space<vmem>> -> memref<64xi32, #tpu.memory_space<vmem>>
        %dma_start3A_356 = arith.constant 0 : i32
        %dma_start3A_357 = arith.constant 0 : i32
        %dma_start3A_358 = tpu.memref_slice %arg2[%arg0, %dma_start3A_356, %dma_start3A_357] : memref<2x10000x128xf32, #tpu.memory_space<hbm>> -> memref<1x10000x128xf32, #tpu.memory_space<hbm>>
        %dma_start3A_359 = tpu.memref_squeeze %dma_start3A_358 : memref<1x10000x128xf32, #tpu.memory_space<hbm>> -> memref<10000x128xf32, #tpu.memory_space<hbm>>
        %dma_start3A_360 = arith.constant 0 : i32
        %dma_start3A_361 = arith.constant 0 : i32
        %dma_start3A_362 = tpu.memref_slice %dma_start3A_359[%dma_start3A_360, %dma_start3A_361] : memref<10000x128xf32, #tpu.memory_space<hbm>> -> memref<10000x128xf32, #tpu.memory_space<hbm>>
        tpu.enqueue_indirect_dma source(%dma_start3A_362 : memref<10000x128xf32, #tpu.memory_space<hbm>>) target(%arg10 : memref<64x128xf32, #tpu.memory_space<vmem>>) offsets(%dma_start3A_355 : memref<64xi32, #tpu.memory_space<vmem>>) semaphore(%arg14 : memref<!tpu.dma_semaphore, #tpu.memory_space<semaphore_mem>>)
      } else {
      }
      %mul3A_181 = arith.constant 8 : i32
      %mul3A_182 = arith.muli %mul3A_181, %scan3A_61 : i32
      %add3A_183 = arith.constant 3 : i32
      %add3A_184 = arith.addi %mul3A_182, %add3A_183 : i32
      %dma_wait3A_185 = arith.constant 3 : i32
      %dma_wait3A_186 = arith.constant 0 : i32
      %dma_wait3A_187 = tpu.memref_slice %arg7[%select_n3A_72, %dma_wait3A_185, %dma_wait3A_186] : memref<2x8x64xi32, #tpu.memory_space<vmem>> -> memref<1x1x64xi32, #tpu.memory_space<vmem>>
      %dma_wait3A_188 = tpu.memref_squeeze %dma_wait3A_187 : memref<1x1x64xi32, #tpu.memory_space<vmem>> -> memref<64xi32, #tpu.memory_space<vmem>>
      %dma_wait3A_189 = arith.constant 0 : i32
      %dma_wait3A_190 = arith.constant 0 : i32
      %dma_wait3A_191 = tpu.memref_slice %arg2[%arg0, %dma_wait3A_189, %dma_wait3A_190] : memref<2x10000x128xf32, #tpu.memory_space<hbm>> -> memref<1x10000x128xf32, #tpu.memory_space<hbm>>
      %dma_wait3A_192 = tpu.memref_squeeze %dma_wait3A_191 : memref<1x10000x128xf32, #tpu.memory_space<hbm>> -> memref<10000x128xf32, #tpu.memory_space<hbm>>
      %dma_wait3A_193 = arith.constant 0 : i32
      %dma_wait3A_194 = arith.constant 0 : i32
      %dma_wait3A_195 = tpu.memref_slice %dma_wait3A_192[%dma_wait3A_193, %dma_wait3A_194] : memref<10000x128xf32, #tpu.memory_space<hbm>> -> memref<10000x128xf32, #tpu.memory_space<hbm>>
      tpu.wait_indirect_dma semaphore(%arg16 : memref<!tpu.dma_semaphore, #tpu.memory_space<semaphore_mem>>) src(%dma_wait3A_195 : memref<10000x128xf32, #tpu.memory_space<hbm>>) dst(%arg12 : memref<64x128xf32, #tpu.memory_space<vmem>>)
      %dma_start3A_196 = arith.constant 3 : i32
      %dma_start3A_197 = arith.constant 0 : i32
      %dma_start3A_198 = tpu.memref_slice %arg8[%select_n3A_72, %dma_start3A_196, %dma_start3A_197] : memref<2x8x64xi32, #tpu.memory_space<vmem>> -> memref<1x1x64xi32, #tpu.memory_space<vmem>>
      %dma_start3A_199 = tpu.memref_squeeze %dma_start3A_198 : memref<1x1x64xi32, #tpu.memory_space<vmem>> -> memref<64xi32, #tpu.memory_space<vmem>>
      %dma_start3A_200 = arith.constant 0 : i32
      %dma_start3A_201 = arith.constant 0 : i32
      %dma_start3A_202 = tpu.memref_slice %arg6[%dma_start3A_200, %dma_start3A_201] : memref<10008x128xf32, #tpu.memory_space<vmem_shared>> -> memref<10008x128xf32, #tpu.memory_space<vmem_shared>>
      tpu.enqueue_indirect_dma source(%arg12 : memref<64x128xf32, #tpu.memory_space<vmem>>) target(%dma_start3A_202 : memref<10008x128xf32, #tpu.memory_space<vmem_shared>>) offsets(%dma_start3A_199 : memref<64xi32, #tpu.memory_space<vmem>>) semaphore(%arg20 : memref<!tpu.dma_semaphore, #tpu.memory_space<semaphore_mem>>) {add = true}
      %ge3A_203 = arith.constant 1 : i32
      %ge3A_204 = arith.cmpi sge, %add3A_184, %ge3A_203 : i32
      %convert_element_type3A_205 = arith.extui %ge3A_204 : i1 to i32
      %cond3A_206 = arith.constant 0 : i32
      %cond3A_207 = arith.cmpi ne, %convert_element_type3A_205, %cond3A_206 : i32
      scf.if %cond3A_207 {
        %dma_wait3A_352 = arith.constant 3 : i32
        %dma_wait3A_353 = arith.constant 0 : i32
        %dma_wait3A_354 = tpu.memref_slice %arg8[%select_n3A_72, %dma_wait3A_352, %dma_wait3A_353] : memref<2x8x64xi32, #tpu.memory_space<vmem>> -> memref<1x1x64xi32, #tpu.memory_space<vmem>>
        %dma_wait3A_355 = tpu.memref_squeeze %dma_wait3A_354 : memref<1x1x64xi32, #tpu.memory_space<vmem>> -> memref<64xi32, #tpu.memory_space<vmem>>
        %dma_wait3A_356 = arith.constant 0 : i32
        %dma_wait3A_357 = arith.constant 0 : i32
        %dma_wait3A_358 = tpu.memref_slice %arg6[%dma_wait3A_356, %dma_wait3A_357] : memref<10008x128xf32, #tpu.memory_space<vmem_shared>> -> memref<10008x128xf32, #tpu.memory_space<vmem_shared>>
        tpu.wait_indirect_dma semaphore(%arg19 : memref<!tpu.dma_semaphore, #tpu.memory_space<semaphore_mem>>) src(%arg11 : memref<64x128xf32, #tpu.memory_space<vmem>>) dst(%dma_wait3A_358 : memref<10008x128xf32, #tpu.memory_space<vmem_shared>>)
      } else {
      }
      %add3A_208 = arith.constant 3 : i32
      %add3A_209 = arith.addi %add3A_184, %add3A_208 : i32
      %lt3A_210 = arith.constant 320 : i32
      %lt3A_211 = arith.cmpi slt, %add3A_209, %lt3A_210 : i32
      %convert_element_type3A_212 = arith.extui %lt3A_211 : i1 to i32
      %cond3A_213 = arith.constant 0 : i32
      %cond3A_214 = arith.cmpi ne, %convert_element_type3A_212, %cond3A_213 : i32
      scf.if %cond3A_214 {
        %dma_start3A_352 = arith.constant 6 : i32
        %dma_start3A_353 = arith.constant 0 : i32
        %dma_start3A_354 = tpu.memref_slice %arg7[%select_n3A_72, %dma_start3A_352, %dma_start3A_353] : memref<2x8x64xi32, #tpu.memory_space<vmem>> -> memref<1x1x64xi32, #tpu.memory_space<vmem>>
        %dma_start3A_355 = tpu.memref_squeeze %dma_start3A_354 : memref<1x1x64xi32, #tpu.memory_space<vmem>> -> memref<64xi32, #tpu.memory_space<vmem>>
        %dma_start3A_356 = arith.constant 0 : i32
        %dma_start3A_357 = arith.constant 0 : i32
        %dma_start3A_358 = tpu.memref_slice %arg2[%arg0, %dma_start3A_356, %dma_start3A_357] : memref<2x10000x128xf32, #tpu.memory_space<hbm>> -> memref<1x10000x128xf32, #tpu.memory_space<hbm>>
        %dma_start3A_359 = tpu.memref_squeeze %dma_start3A_358 : memref<1x10000x128xf32, #tpu.memory_space<hbm>> -> memref<10000x128xf32, #tpu.memory_space<hbm>>
        %dma_start3A_360 = arith.constant 0 : i32
        %dma_start3A_361 = arith.constant 0 : i32
        %dma_start3A_362 = tpu.memref_slice %dma_start3A_359[%dma_start3A_360, %dma_start3A_361] : memref<10000x128xf32, #tpu.memory_space<hbm>> -> memref<10000x128xf32, #tpu.memory_space<hbm>>
        tpu.enqueue_indirect_dma source(%dma_start3A_362 : memref<10000x128xf32, #tpu.memory_space<hbm>>) target(%arg11 : memref<64x128xf32, #tpu.memory_space<vmem>>) offsets(%dma_start3A_355 : memref<64xi32, #tpu.memory_space<vmem>>) semaphore(%arg15 : memref<!tpu.dma_semaphore, #tpu.memory_space<semaphore_mem>>)
      } else {
      }
      %mul3A_215 = arith.constant 8 : i32
      %mul3A_216 = arith.muli %mul3A_215, %scan3A_61 : i32
      %add3A_217 = arith.constant 4 : i32
      %add3A_218 = arith.addi %mul3A_216, %add3A_217 : i32
      %dma_wait3A_219 = arith.constant 4 : i32
      %dma_wait3A_220 = arith.constant 0 : i32
      %dma_wait3A_221 = tpu.memref_slice %arg7[%select_n3A_72, %dma_wait3A_219, %dma_wait3A_220] : memref<2x8x64xi32, #tpu.memory_space<vmem>> -> memref<1x1x64xi32, #tpu.memory_space<vmem>>
      %dma_wait3A_222 = tpu.memref_squeeze %dma_wait3A_221 : memref<1x1x64xi32, #tpu.memory_space<vmem>> -> memref<64xi32, #tpu.memory_space<vmem>>
      %dma_wait3A_223 = arith.constant 0 : i32
      %dma_wait3A_224 = arith.constant 0 : i32
      %dma_wait3A_225 = tpu.memref_slice %arg2[%arg0, %dma_wait3A_223, %dma_wait3A_224] : memref<2x10000x128xf32, #tpu.memory_space<hbm>> -> memref<1x10000x128xf32, #tpu.memory_space<hbm>>
      %dma_wait3A_226 = tpu.memref_squeeze %dma_wait3A_225 : memref<1x10000x128xf32, #tpu.memory_space<hbm>> -> memref<10000x128xf32, #tpu.memory_space<hbm>>
      %dma_wait3A_227 = arith.constant 0 : i32
      %dma_wait3A_228 = arith.constant 0 : i32
      %dma_wait3A_229 = tpu.memref_slice %dma_wait3A_226[%dma_wait3A_227, %dma_wait3A_228] : memref<10000x128xf32, #tpu.memory_space<hbm>> -> memref<10000x128xf32, #tpu.memory_space<hbm>>
      tpu.wait_indirect_dma semaphore(%arg13 : memref<!tpu.dma_semaphore, #tpu.memory_space<semaphore_mem>>) src(%dma_wait3A_229 : memref<10000x128xf32, #tpu.memory_space<hbm>>) dst(%arg9 : memref<64x128xf32, #tpu.memory_space<vmem>>)
      %dma_start3A_230 = arith.constant 4 : i32
      %dma_start3A_231 = arith.constant 0 : i32
      %dma_start3A_232 = tpu.memref_slice %arg8[%select_n3A_72, %dma_start3A_230, %dma_start3A_231] : memref<2x8x64xi32, #tpu.memory_space<vmem>> -> memref<1x1x64xi32, #tpu.memory_space<vmem>>
      %dma_start3A_233 = tpu.memref_squeeze %dma_start3A_232 : memref<1x1x64xi32, #tpu.memory_space<vmem>> -> memref<64xi32, #tpu.memory_space<vmem>>
      %dma_start3A_234 = arith.constant 0 : i32
      %dma_start3A_235 = arith.constant 0 : i32
      %dma_start3A_236 = tpu.memref_slice %arg6[%dma_start3A_234, %dma_start3A_235] : memref<10008x128xf32, #tpu.memory_space<vmem_shared>> -> memref<10008x128xf32, #tpu.memory_space<vmem_shared>>
      tpu.enqueue_indirect_dma source(%arg9 : memref<64x128xf32, #tpu.memory_space<vmem>>) target(%dma_start3A_236 : memref<10008x128xf32, #tpu.memory_space<vmem_shared>>) offsets(%dma_start3A_233 : memref<64xi32, #tpu.memory_space<vmem>>) semaphore(%arg17 : memref<!tpu.dma_semaphore, #tpu.memory_space<semaphore_mem>>) {add = true}
      %ge3A_237 = arith.constant 1 : i32
      %ge3A_238 = arith.cmpi sge, %add3A_218, %ge3A_237 : i32
      %convert_element_type3A_239 = arith.extui %ge3A_238 : i1 to i32
      %cond3A_240 = arith.constant 0 : i32
      %cond3A_241 = arith.cmpi ne, %convert_element_type3A_239, %cond3A_240 : i32
      scf.if %cond3A_241 {
        %dma_wait3A_352 = arith.constant 4 : i32
        %dma_wait3A_353 = arith.constant 0 : i32
        %dma_wait3A_354 = tpu.memref_slice %arg8[%select_n3A_72, %dma_wait3A_352, %dma_wait3A_353] : memref<2x8x64xi32, #tpu.memory_space<vmem>> -> memref<1x1x64xi32, #tpu.memory_space<vmem>>
        %dma_wait3A_355 = tpu.memref_squeeze %dma_wait3A_354 : memref<1x1x64xi32, #tpu.memory_space<vmem>> -> memref<64xi32, #tpu.memory_space<vmem>>
        %dma_wait3A_356 = arith.constant 0 : i32
        %dma_wait3A_357 = arith.constant 0 : i32
        %dma_wait3A_358 = tpu.memref_slice %arg6[%dma_wait3A_356, %dma_wait3A_357] : memref<10008x128xf32, #tpu.memory_space<vmem_shared>> -> memref<10008x128xf32, #tpu.memory_space<vmem_shared>>
        tpu.wait_indirect_dma semaphore(%arg20 : memref<!tpu.dma_semaphore, #tpu.memory_space<semaphore_mem>>) src(%arg12 : memref<64x128xf32, #tpu.memory_space<vmem>>) dst(%dma_wait3A_358 : memref<10008x128xf32, #tpu.memory_space<vmem_shared>>)
      } else {
      }
      %add3A_242 = arith.constant 3 : i32
      %add3A_243 = arith.addi %add3A_218, %add3A_242 : i32
      %lt3A_244 = arith.constant 320 : i32
      %lt3A_245 = arith.cmpi slt, %add3A_243, %lt3A_244 : i32
      %convert_element_type3A_246 = arith.extui %lt3A_245 : i1 to i32
      %cond3A_247 = arith.constant 0 : i32
      %cond3A_248 = arith.cmpi ne, %convert_element_type3A_246, %cond3A_247 : i32
      scf.if %cond3A_248 {
        %dma_start3A_352 = arith.constant 7 : i32
        %dma_start3A_353 = arith.constant 0 : i32
        %dma_start3A_354 = tpu.memref_slice %arg7[%select_n3A_72, %dma_start3A_352, %dma_start3A_353] : memref<2x8x64xi32, #tpu.memory_space<vmem>> -> memref<1x1x64xi32, #tpu.memory_space<vmem>>
        %dma_start3A_355 = tpu.memref_squeeze %dma_start3A_354 : memref<1x1x64xi32, #tpu.memory_space<vmem>> -> memref<64xi32, #tpu.memory_space<vmem>>
        %dma_start3A_356 = arith.constant 0 : i32
        %dma_start3A_357 = arith.constant 0 : i32
        %dma_start3A_358 = tpu.memref_slice %arg2[%arg0, %dma_start3A_356, %dma_start3A_357] : memref<2x10000x128xf32, #tpu.memory_space<hbm>> -> memref<1x10000x128xf32, #tpu.memory_space<hbm>>
        %dma_start3A_359 = tpu.memref_squeeze %dma_start3A_358 : memref<1x10000x128xf32, #tpu.memory_space<hbm>> -> memref<10000x128xf32, #tpu.memory_space<hbm>>
        %dma_start3A_360 = arith.constant 0 : i32
        %dma_start3A_361 = arith.constant 0 : i32
        %dma_start3A_362 = tpu.memref_slice %dma_start3A_359[%dma_start3A_360, %dma_start3A_361] : memref<10000x128xf32, #tpu.memory_space<hbm>> -> memref<10000x128xf32, #tpu.memory_space<hbm>>
        tpu.enqueue_indirect_dma source(%dma_start3A_362 : memref<10000x128xf32, #tpu.memory_space<hbm>>) target(%arg12 : memref<64x128xf32, #tpu.memory_space<vmem>>) offsets(%dma_start3A_355 : memref<64xi32, #tpu.memory_space<vmem>>) semaphore(%arg16 : memref<!tpu.dma_semaphore, #tpu.memory_space<semaphore_mem>>)
      } else {
      }
      %mul3A_249 = arith.constant 8 : i32
      %mul3A_250 = arith.muli %mul3A_249, %scan3A_61 : i32
      %add3A_251 = arith.constant 5 : i32
      %add3A_252 = arith.addi %mul3A_250, %add3A_251 : i32
      %dma_wait3A_253 = arith.constant 5 : i32
      %dma_wait3A_254 = arith.constant 0 : i32
      %dma_wait3A_255 = tpu.memref_slice %arg7[%select_n3A_72, %dma_wait3A_253, %dma_wait3A_254] : memref<2x8x64xi32, #tpu.memory_space<vmem>> -> memref<1x1x64xi32, #tpu.memory_space<vmem>>
      %dma_wait3A_256 = tpu.memref_squeeze %dma_wait3A_255 : memref<1x1x64xi32, #tpu.memory_space<vmem>> -> memref<64xi32, #tpu.memory_space<vmem>>
      %dma_wait3A_257 = arith.constant 0 : i32
      %dma_wait3A_258 = arith.constant 0 : i32
      %dma_wait3A_259 = tpu.memref_slice %arg2[%arg0, %dma_wait3A_257, %dma_wait3A_258] : memref<2x10000x128xf32, #tpu.memory_space<hbm>> -> memref<1x10000x128xf32, #tpu.memory_space<hbm>>
      %dma_wait3A_260 = tpu.memref_squeeze %dma_wait3A_259 : memref<1x10000x128xf32, #tpu.memory_space<hbm>> -> memref<10000x128xf32, #tpu.memory_space<hbm>>
      %dma_wait3A_261 = arith.constant 0 : i32
      %dma_wait3A_262 = arith.constant 0 : i32
      %dma_wait3A_263 = tpu.memref_slice %dma_wait3A_260[%dma_wait3A_261, %dma_wait3A_262] : memref<10000x128xf32, #tpu.memory_space<hbm>> -> memref<10000x128xf32, #tpu.memory_space<hbm>>
      tpu.wait_indirect_dma semaphore(%arg14 : memref<!tpu.dma_semaphore, #tpu.memory_space<semaphore_mem>>) src(%dma_wait3A_263 : memref<10000x128xf32, #tpu.memory_space<hbm>>) dst(%arg10 : memref<64x128xf32, #tpu.memory_space<vmem>>)
      %dma_start3A_264 = arith.constant 5 : i32
      %dma_start3A_265 = arith.constant 0 : i32
      %dma_start3A_266 = tpu.memref_slice %arg8[%select_n3A_72, %dma_start3A_264, %dma_start3A_265] : memref<2x8x64xi32, #tpu.memory_space<vmem>> -> memref<1x1x64xi32, #tpu.memory_space<vmem>>
      %dma_start3A_267 = tpu.memref_squeeze %dma_start3A_266 : memref<1x1x64xi32, #tpu.memory_space<vmem>> -> memref<64xi32, #tpu.memory_space<vmem>>
      %dma_start3A_268 = arith.constant 0 : i32
      %dma_start3A_269 = arith.constant 0 : i32
      %dma_start3A_270 = tpu.memref_slice %arg6[%dma_start3A_268, %dma_start3A_269] : memref<10008x128xf32, #tpu.memory_space<vmem_shared>> -> memref<10008x128xf32, #tpu.memory_space<vmem_shared>>
      tpu.enqueue_indirect_dma source(%arg10 : memref<64x128xf32, #tpu.memory_space<vmem>>) target(%dma_start3A_270 : memref<10008x128xf32, #tpu.memory_space<vmem_shared>>) offsets(%dma_start3A_267 : memref<64xi32, #tpu.memory_space<vmem>>) semaphore(%arg18 : memref<!tpu.dma_semaphore, #tpu.memory_space<semaphore_mem>>) {add = true}
      %ge3A_271 = arith.constant 1 : i32
      %ge3A_272 = arith.cmpi sge, %add3A_252, %ge3A_271 : i32
      %convert_element_type3A_273 = arith.extui %ge3A_272 : i1 to i32
      %cond3A_274 = arith.constant 0 : i32
      %cond3A_275 = arith.cmpi ne, %convert_element_type3A_273, %cond3A_274 : i32
      scf.if %cond3A_275 {
        %dma_wait3A_352 = arith.constant 5 : i32
        %dma_wait3A_353 = arith.constant 0 : i32
        %dma_wait3A_354 = tpu.memref_slice %arg8[%select_n3A_72, %dma_wait3A_352, %dma_wait3A_353] : memref<2x8x64xi32, #tpu.memory_space<vmem>> -> memref<1x1x64xi32, #tpu.memory_space<vmem>>
        %dma_wait3A_355 = tpu.memref_squeeze %dma_wait3A_354 : memref<1x1x64xi32, #tpu.memory_space<vmem>> -> memref<64xi32, #tpu.memory_space<vmem>>
        %dma_wait3A_356 = arith.constant 0 : i32
        %dma_wait3A_357 = arith.constant 0 : i32
        %dma_wait3A_358 = tpu.memref_slice %arg6[%dma_wait3A_356, %dma_wait3A_357] : memref<10008x128xf32, #tpu.memory_space<vmem_shared>> -> memref<10008x128xf32, #tpu.memory_space<vmem_shared>>
        tpu.wait_indirect_dma semaphore(%arg17 : memref<!tpu.dma_semaphore, #tpu.memory_space<semaphore_mem>>) src(%arg9 : memref<64x128xf32, #tpu.memory_space<vmem>>) dst(%dma_wait3A_358 : memref<10008x128xf32, #tpu.memory_space<vmem_shared>>)
      } else {
      }
      %add3A_276 = arith.constant 1 : i32
      %add3A_277 = arith.addi %scan3A_61, %add3A_276 : i32
      %lt3A_278 = arith.constant 40 : i32
      %lt3A_279 = arith.cmpi slt, %add3A_277, %lt3A_278 : i32
      %convert_element_type3A_280 = arith.extui %lt3A_279 : i1 to i32
      %cond3A_281 = arith.constant 0 : i32
      %cond3A_282 = arith.cmpi ne, %convert_element_type3A_280, %cond3A_281 : i32
      scf.if %cond3A_282 {
        %dma_wait3A_352 = arith.constant 0 : i32
        %dma_wait3A_353 = arith.constant 0 : i32
        %dma_wait3A_354 = tpu.memref_slice %arg7[%select_n3A_72, %dma_wait3A_352, %dma_wait3A_353] : memref<2x8x64xi32, #tpu.memory_space<vmem>> -> memref<1x8x64xi32, #tpu.memory_space<vmem>>
        %dma_wait3A_355 = tpu.memref_squeeze %dma_wait3A_354 : memref<1x8x64xi32, #tpu.memory_space<vmem>> -> memref<8x64xi32, #tpu.memory_space<vmem>>
        %dma_wait3A_356 = arith.constant 0 : i32
        %dma_wait3A_357 = arith.constant 0 : i32
        %dma_wait3A_358 = tpu.memref_slice %arg3[%arg1, %scan3A_61, %dma_wait3A_356, %dma_wait3A_357] : memref<16x40x8x64xi32, #tpu.memory_space<hbm>> -> memref<1x1x8x64xi32, #tpu.memory_space<hbm>>
        %dma_wait3A_359 = tpu.memref_squeeze %dma_wait3A_358 : memref<1x1x8x64xi32, #tpu.memory_space<hbm>> -> memref<8x64xi32, #tpu.memory_space<hbm>>
        %dma_wait3A_360 = arith.constant 0 : i32
        %dma_wait3A_361 = arith.constant 0 : i32
        %dma_wait3A_362 = tpu.memref_slice %arg7[%select_n3A_72, %dma_wait3A_360, %dma_wait3A_361] : memref<2x8x64xi32, #tpu.memory_space<vmem>> -> memref<1x8x64xi32, #tpu.memory_space<vmem>>
        %dma_wait3A_363 = tpu.memref_squeeze %dma_wait3A_362 : memref<1x8x64xi32, #tpu.memory_space<vmem>> -> memref<8x64xi32, #tpu.memory_space<vmem>>
        %dma_wait3A_364 = arith.constant 0 : i32
        %dma_wait3A_365 = arith.constant 0 : i32
        %dma_wait3A_366 = tpu.memref_slice %arg3[%arg1, %scan3A_61, %dma_wait3A_364, %dma_wait3A_365] : memref<16x40x8x64xi32, #tpu.memory_space<hbm>> -> memref<1x1x8x64xi32, #tpu.memory_space<hbm>>
        %dma_wait3A_367 = tpu.memref_squeeze %dma_wait3A_366 : memref<1x1x8x64xi32, #tpu.memory_space<hbm>> -> memref<8x64xi32, #tpu.memory_space<hbm>>
        tpu.wait_dma2 semaphore(%arg21 : memref<!tpu.dma_semaphore, #tpu.memory_space<semaphore_mem>>) src(%dma_wait3A_367 : memref<8x64xi32, #tpu.memory_space<hbm>>) dst(%dma_wait3A_363 : memref<8x64xi32, #tpu.memory_space<vmem>>)
        %dma_wait3A_368 = arith.constant 0 : i32
        %dma_wait3A_369 = arith.constant 0 : i32
        %dma_wait3A_370 = tpu.memref_slice %arg8[%select_n3A_72, %dma_wait3A_368, %dma_wait3A_369] : memref<2x8x64xi32, #tpu.memory_space<vmem>> -> memref<1x8x64xi32, #tpu.memory_space<vmem>>
        %dma_wait3A_371 = tpu.memref_squeeze %dma_wait3A_370 : memref<1x8x64xi32, #tpu.memory_space<vmem>> -> memref<8x64xi32, #tpu.memory_space<vmem>>
        %dma_wait3A_372 = arith.constant 0 : i32
        %dma_wait3A_373 = arith.constant 0 : i32
        %dma_wait3A_374 = tpu.memref_slice %arg4[%arg1, %scan3A_61, %dma_wait3A_372, %dma_wait3A_373] : memref<16x40x8x64xi32, #tpu.memory_space<hbm>> -> memref<1x1x8x64xi32, #tpu.memory_space<hbm>>
        %dma_wait3A_375 = tpu.memref_squeeze %dma_wait3A_374 : memref<1x1x8x64xi32, #tpu.memory_space<hbm>> -> memref<8x64xi32, #tpu.memory_space<hbm>>
        %dma_wait3A_376 = arith.constant 0 : i32
        %dma_wait3A_377 = arith.constant 0 : i32
        %dma_wait3A_378 = tpu.memref_slice %arg8[%select_n3A_72, %dma_wait3A_376, %dma_wait3A_377] : memref<2x8x64xi32, #tpu.memory_space<vmem>> -> memref<1x8x64xi32, #tpu.memory_space<vmem>>
        %dma_wait3A_379 = tpu.memref_squeeze %dma_wait3A_378 : memref<1x8x64xi32, #tpu.memory_space<vmem>> -> memref<8x64xi32, #tpu.memory_space<vmem>>
        %dma_wait3A_380 = arith.constant 0 : i32
        %dma_wait3A_381 = arith.constant 0 : i32
        %dma_wait3A_382 = tpu.memref_slice %arg4[%arg1, %scan3A_61, %dma_wait3A_380, %dma_wait3A_381] : memref<16x40x8x64xi32, #tpu.memory_space<hbm>> -> memref<1x1x8x64xi32, #tpu.memory_space<hbm>>
        %dma_wait3A_383 = tpu.memref_squeeze %dma_wait3A_382 : memref<1x1x8x64xi32, #tpu.memory_space<hbm>> -> memref<8x64xi32, #tpu.memory_space<hbm>>
        tpu.wait_dma2 semaphore(%arg22 : memref<!tpu.dma_semaphore, #tpu.memory_space<semaphore_mem>>) src(%dma_wait3A_383 : memref<8x64xi32, #tpu.memory_space<hbm>>) dst(%dma_wait3A_379 : memref<8x64xi32, #tpu.memory_space<vmem>>)
        %sub3A = arith.constant 1 : i32
        %sub3A_384 = arith.subi %sub3A, %select_n3A_72 : i32
        %dma_start3A_385 = arith.constant 0 : i32
        %dma_start3A_386 = arith.constant 0 : i32
        %dma_start3A_387 = tpu.memref_slice %arg7[%sub3A_384, %dma_start3A_385, %dma_start3A_386] : memref<2x8x64xi32, #tpu.memory_space<vmem>> -> memref<1x1x64xi32, #tpu.memory_space<vmem>>
        %dma_start3A_388 = tpu.memref_squeeze %dma_start3A_387 : memref<1x1x64xi32, #tpu.memory_space<vmem>> -> memref<64xi32, #tpu.memory_space<vmem>>
        %dma_start3A_389 = arith.constant 0 : i32
        %dma_start3A_390 = arith.constant 0 : i32
        %dma_start3A_391 = tpu.memref_slice %arg2[%arg0, %dma_start3A_389, %dma_start3A_390] : memref<2x10000x128xf32, #tpu.memory_space<hbm>> -> memref<1x10000x128xf32, #tpu.memory_space<hbm>>
        %dma_start3A_392 = tpu.memref_squeeze %dma_start3A_391 : memref<1x10000x128xf32, #tpu.memory_space<hbm>> -> memref<10000x128xf32, #tpu.memory_space<hbm>>
        %dma_start3A_393 = arith.constant 0 : i32
        %dma_start3A_394 = arith.constant 0 : i32
        %dma_start3A_395 = tpu.memref_slice %dma_start3A_392[%dma_start3A_393, %dma_start3A_394] : memref<10000x128xf32, #tpu.memory_space<hbm>> -> memref<10000x128xf32, #tpu.memory_space<hbm>>
        tpu.enqueue_indirect_dma source(%dma_start3A_395 : memref<10000x128xf32, #tpu.memory_space<hbm>>) target(%arg9 : memref<64x128xf32, #tpu.memory_space<vmem>>) offsets(%dma_start3A_388 : memref<64xi32, #tpu.memory_space<vmem>>) semaphore(%arg13 : memref<!tpu.dma_semaphore, #tpu.memory_space<semaphore_mem>>)
      } else {
      }
      %mul3A_283 = arith.constant 8 : i32
      %mul3A_284 = arith.muli %mul3A_283, %scan3A_61 : i32
      %add3A_285 = arith.constant 6 : i32
      %add3A_286 = arith.addi %mul3A_284, %add3A_285 : i32
      %dma_wait3A_287 = arith.constant 6 : i32
      %dma_wait3A_288 = arith.constant 0 : i32
      %dma_wait3A_289 = tpu.memref_slice %arg7[%select_n3A_72, %dma_wait3A_287, %dma_wait3A_288] : memref<2x8x64xi32, #tpu.memory_space<vmem>> -> memref<1x1x64xi32, #tpu.memory_space<vmem>>
      %dma_wait3A_290 = tpu.memref_squeeze %dma_wait3A_289 : memref<1x1x64xi32, #tpu.memory_space<vmem>> -> memref<64xi32, #tpu.memory_space<vmem>>
      %dma_wait3A_291 = arith.constant 0 : i32
      %dma_wait3A_292 = arith.constant 0 : i32
      %dma_wait3A_293 = tpu.memref_slice %arg2[%arg0, %dma_wait3A_291, %dma_wait3A_292] : memref<2x10000x128xf32, #tpu.memory_space<hbm>> -> memref<1x10000x128xf32, #tpu.memory_space<hbm>>
      %dma_wait3A_294 = tpu.memref_squeeze %dma_wait3A_293 : memref<1x10000x128xf32, #tpu.memory_space<hbm>> -> memref<10000x128xf32, #tpu.memory_space<hbm>>
      %dma_wait3A_295 = arith.constant 0 : i32
      %dma_wait3A_296 = arith.constant 0 : i32
      %dma_wait3A_297 = tpu.memref_slice %dma_wait3A_294[%dma_wait3A_295, %dma_wait3A_296] : memref<10000x128xf32, #tpu.memory_space<hbm>> -> memref<10000x128xf32, #tpu.memory_space<hbm>>
      tpu.wait_indirect_dma semaphore(%arg15 : memref<!tpu.dma_semaphore, #tpu.memory_space<semaphore_mem>>) src(%dma_wait3A_297 : memref<10000x128xf32, #tpu.memory_space<hbm>>) dst(%arg11 : memref<64x128xf32, #tpu.memory_space<vmem>>)
      %dma_start3A_298 = arith.constant 6 : i32
      %dma_start3A_299 = arith.constant 0 : i32
      %dma_start3A_300 = tpu.memref_slice %arg8[%select_n3A_72, %dma_start3A_298, %dma_start3A_299] : memref<2x8x64xi32, #tpu.memory_space<vmem>> -> memref<1x1x64xi32, #tpu.memory_space<vmem>>
      %dma_start3A_301 = tpu.memref_squeeze %dma_start3A_300 : memref<1x1x64xi32, #tpu.memory_space<vmem>> -> memref<64xi32, #tpu.memory_space<vmem>>
      %dma_start3A_302 = arith.constant 0 : i32
      %dma_start3A_303 = arith.constant 0 : i32
      %dma_start3A_304 = tpu.memref_slice %arg6[%dma_start3A_302, %dma_start3A_303] : memref<10008x128xf32, #tpu.memory_space<vmem_shared>> -> memref<10008x128xf32, #tpu.memory_space<vmem_shared>>
      tpu.enqueue_indirect_dma source(%arg11 : memref<64x128xf32, #tpu.memory_space<vmem>>) target(%dma_start3A_304 : memref<10008x128xf32, #tpu.memory_space<vmem_shared>>) offsets(%dma_start3A_301 : memref<64xi32, #tpu.memory_space<vmem>>) semaphore(%arg19 : memref<!tpu.dma_semaphore, #tpu.memory_space<semaphore_mem>>) {add = true}
      %ge3A_305 = arith.constant 1 : i32
      %ge3A_306 = arith.cmpi sge, %add3A_286, %ge3A_305 : i32
      %convert_element_type3A_307 = arith.extui %ge3A_306 : i1 to i32
      %cond3A_308 = arith.constant 0 : i32
      %cond3A_309 = arith.cmpi ne, %convert_element_type3A_307, %cond3A_308 : i32
      scf.if %cond3A_309 {
        %dma_wait3A_352 = arith.constant 6 : i32
        %dma_wait3A_353 = arith.constant 0 : i32
        %dma_wait3A_354 = tpu.memref_slice %arg8[%select_n3A_72, %dma_wait3A_352, %dma_wait3A_353] : memref<2x8x64xi32, #tpu.memory_space<vmem>> -> memref<1x1x64xi32, #tpu.memory_space<vmem>>
        %dma_wait3A_355 = tpu.memref_squeeze %dma_wait3A_354 : memref<1x1x64xi32, #tpu.memory_space<vmem>> -> memref<64xi32, #tpu.memory_space<vmem>>
        %dma_wait3A_356 = arith.constant 0 : i32
        %dma_wait3A_357 = arith.constant 0 : i32
        %dma_wait3A_358 = tpu.memref_slice %arg6[%dma_wait3A_356, %dma_wait3A_357] : memref<10008x128xf32, #tpu.memory_space<vmem_shared>> -> memref<10008x128xf32, #tpu.memory_space<vmem_shared>>
        tpu.wait_indirect_dma semaphore(%arg18 : memref<!tpu.dma_semaphore, #tpu.memory_space<semaphore_mem>>) src(%arg10 : memref<64x128xf32, #tpu.memory_space<vmem>>) dst(%dma_wait3A_358 : memref<10008x128xf32, #tpu.memory_space<vmem_shared>>)
      } else {
      }
      %add3A_310 = arith.constant 1 : i32
      %add3A_311 = arith.addi %scan3A_61, %add3A_310 : i32
      %lt3A_312 = arith.constant 40 : i32
      %lt3A_313 = arith.cmpi slt, %add3A_311, %lt3A_312 : i32
      %convert_element_type3A_314 = arith.extui %lt3A_313 : i1 to i32
      %cond3A_315 = arith.constant 0 : i32
      %cond3A_316 = arith.cmpi ne, %convert_element_type3A_314, %cond3A_315 : i32
      scf.if %cond3A_316 {
        %sub3A = arith.constant 1 : i32
        %sub3A_352 = arith.subi %sub3A, %select_n3A_72 : i32
        %dma_start3A_353 = arith.constant 1 : i32
        %dma_start3A_354 = arith.constant 0 : i32
        %dma_start3A_355 = tpu.memref_slice %arg7[%sub3A_352, %dma_start3A_353, %dma_start3A_354] : memref<2x8x64xi32, #tpu.memory_space<vmem>> -> memref<1x1x64xi32, #tpu.memory_space<vmem>>
        %dma_start3A_356 = tpu.memref_squeeze %dma_start3A_355 : memref<1x1x64xi32, #tpu.memory_space<vmem>> -> memref<64xi32, #tpu.memory_space<vmem>>
        %dma_start3A_357 = arith.constant 0 : i32
        %dma_start3A_358 = arith.constant 0 : i32
        %dma_start3A_359 = tpu.memref_slice %arg2[%arg0, %dma_start3A_357, %dma_start3A_358] : memref<2x10000x128xf32, #tpu.memory_space<hbm>> -> memref<1x10000x128xf32, #tpu.memory_space<hbm>>
        %dma_start3A_360 = tpu.memref_squeeze %dma_start3A_359 : memref<1x10000x128xf32, #tpu.memory_space<hbm>> -> memref<10000x128xf32, #tpu.memory_space<hbm>>
        %dma_start3A_361 = arith.constant 0 : i32
        %dma_start3A_362 = arith.constant 0 : i32
        %dma_start3A_363 = tpu.memref_slice %dma_start3A_360[%dma_start3A_361, %dma_start3A_362] : memref<10000x128xf32, #tpu.memory_space<hbm>> -> memref<10000x128xf32, #tpu.memory_space<hbm>>
        tpu.enqueue_indirect_dma source(%dma_start3A_363 : memref<10000x128xf32, #tpu.memory_space<hbm>>) target(%arg10 : memref<64x128xf32, #tpu.memory_space<vmem>>) offsets(%dma_start3A_356 : memref<64xi32, #tpu.memory_space<vmem>>) semaphore(%arg14 : memref<!tpu.dma_semaphore, #tpu.memory_space<semaphore_mem>>)
      } else {
      }
      %mul3A_317 = arith.constant 8 : i32
      %mul3A_318 = arith.muli %mul3A_317, %scan3A_61 : i32
      %add3A_319 = arith.constant 7 : i32
      %add3A_320 = arith.addi %mul3A_318, %add3A_319 : i32
      %dma_wait3A_321 = arith.constant 7 : i32
      %dma_wait3A_322 = arith.constant 0 : i32
      %dma_wait3A_323 = tpu.memref_slice %arg7[%select_n3A_72, %dma_wait3A_321, %dma_wait3A_322] : memref<2x8x64xi32, #tpu.memory_space<vmem>> -> memref<1x1x64xi32, #tpu.memory_space<vmem>>
      %dma_wait3A_324 = tpu.memref_squeeze %dma_wait3A_323 : memref<1x1x64xi32, #tpu.memory_space<vmem>> -> memref<64xi32, #tpu.memory_space<vmem>>
      %dma_wait3A_325 = arith.constant 0 : i32
      %dma_wait3A_326 = arith.constant 0 : i32
      %dma_wait3A_327 = tpu.memref_slice %arg2[%arg0, %dma_wait3A_325, %dma_wait3A_326] : memref<2x10000x128xf32, #tpu.memory_space<hbm>> -> memref<1x10000x128xf32, #tpu.memory_space<hbm>>
      %dma_wait3A_328 = tpu.memref_squeeze %dma_wait3A_327 : memref<1x10000x128xf32, #tpu.memory_space<hbm>> -> memref<10000x128xf32, #tpu.memory_space<hbm>>
      %dma_wait3A_329 = arith.constant 0 : i32
      %dma_wait3A_330 = arith.constant 0 : i32
      %dma_wait3A_331 = tpu.memref_slice %dma_wait3A_328[%dma_wait3A_329, %dma_wait3A_330] : memref<10000x128xf32, #tpu.memory_space<hbm>> -> memref<10000x128xf32, #tpu.memory_space<hbm>>
      tpu.wait_indirect_dma semaphore(%arg16 : memref<!tpu.dma_semaphore, #tpu.memory_space<semaphore_mem>>) src(%dma_wait3A_331 : memref<10000x128xf32, #tpu.memory_space<hbm>>) dst(%arg12 : memref<64x128xf32, #tpu.memory_space<vmem>>)
      %dma_start3A_332 = arith.constant 7 : i32
      %dma_start3A_333 = arith.constant 0 : i32
      %dma_start3A_334 = tpu.memref_slice %arg8[%select_n3A_72, %dma_start3A_332, %dma_start3A_333] : memref<2x8x64xi32, #tpu.memory_space<vmem>> -> memref<1x1x64xi32, #tpu.memory_space<vmem>>
      %dma_start3A_335 = tpu.memref_squeeze %dma_start3A_334 : memref<1x1x64xi32, #tpu.memory_space<vmem>> -> memref<64xi32, #tpu.memory_space<vmem>>
      %dma_start3A_336 = arith.constant 0 : i32
      %dma_start3A_337 = arith.constant 0 : i32
      %dma_start3A_338 = tpu.memref_slice %arg6[%dma_start3A_336, %dma_start3A_337] : memref<10008x128xf32, #tpu.memory_space<vmem_shared>> -> memref<10008x128xf32, #tpu.memory_space<vmem_shared>>
      tpu.enqueue_indirect_dma source(%arg12 : memref<64x128xf32, #tpu.memory_space<vmem>>) target(%dma_start3A_338 : memref<10008x128xf32, #tpu.memory_space<vmem_shared>>) offsets(%dma_start3A_335 : memref<64xi32, #tpu.memory_space<vmem>>) semaphore(%arg20 : memref<!tpu.dma_semaphore, #tpu.memory_space<semaphore_mem>>) {add = true}
      %ge3A_339 = arith.constant 1 : i32
      %ge3A_340 = arith.cmpi sge, %add3A_320, %ge3A_339 : i32
      %convert_element_type3A_341 = arith.extui %ge3A_340 : i1 to i32
      %cond3A_342 = arith.constant 0 : i32
      %cond3A_343 = arith.cmpi ne, %convert_element_type3A_341, %cond3A_342 : i32
      scf.if %cond3A_343 {
        %dma_wait3A_352 = arith.constant 7 : i32
        %dma_wait3A_353 = arith.constant 0 : i32
        %dma_wait3A_354 = tpu.memref_slice %arg8[%select_n3A_72, %dma_wait3A_352, %dma_wait3A_353] : memref<2x8x64xi32, #tpu.memory_space<vmem>> -> memref<1x1x64xi32, #tpu.memory_space<vmem>>
        %dma_wait3A_355 = tpu.memref_squeeze %dma_wait3A_354 : memref<1x1x64xi32, #tpu.memory_space<vmem>> -> memref<64xi32, #tpu.memory_space<vmem>>
        %dma_wait3A_356 = arith.constant 0 : i32
        %dma_wait3A_357 = arith.constant 0 : i32
        %dma_wait3A_358 = tpu.memref_slice %arg6[%dma_wait3A_356, %dma_wait3A_357] : memref<10008x128xf32, #tpu.memory_space<vmem_shared>> -> memref<10008x128xf32, #tpu.memory_space<vmem_shared>>
        tpu.wait_indirect_dma semaphore(%arg19 : memref<!tpu.dma_semaphore, #tpu.memory_space<semaphore_mem>>) src(%arg11 : memref<64x128xf32, #tpu.memory_space<vmem>>) dst(%dma_wait3A_358 : memref<10008x128xf32, #tpu.memory_space<vmem_shared>>)
      } else {
      }
      %add3A_344 = arith.constant 1 : i32
      %add3A_345 = arith.addi %scan3A_61, %add3A_344 : i32
      %lt3A_346 = arith.constant 40 : i32
      %lt3A_347 = arith.cmpi slt, %add3A_345, %lt3A_346 : i32
      %convert_element_type3A_348 = arith.extui %lt3A_347 : i1 to i32
      %cond3A_349 = arith.constant 0 : i32
      %cond3A_350 = arith.cmpi ne, %convert_element_type3A_348, %cond3A_349 : i32
      scf.if %cond3A_350 {
        %sub3A = arith.constant 1 : i32
        %sub3A_352 = arith.subi %sub3A, %select_n3A_72 : i32
        %dma_start3A_353 = arith.constant 2 : i32
        %dma_start3A_354 = arith.constant 0 : i32
        %dma_start3A_355 = tpu.memref_slice %arg7[%sub3A_352, %dma_start3A_353, %dma_start3A_354] : memref<2x8x64xi32, #tpu.memory_space<vmem>> -> memref<1x1x64xi32, #tpu.memory_space<vmem>>
        %dma_start3A_356 = tpu.memref_squeeze %dma_start3A_355 : memref<1x1x64xi32, #tpu.memory_space<vmem>> -> memref<64xi32, #tpu.memory_space<vmem>>
        %dma_start3A_357 = arith.constant 0 : i32
        %dma_start3A_358 = arith.constant 0 : i32
        %dma_start3A_359 = tpu.memref_slice %arg2[%arg0, %dma_start3A_357, %dma_start3A_358] : memref<2x10000x128xf32, #tpu.memory_space<hbm>> -> memref<1x10000x128xf32, #tpu.memory_space<hbm>>
        %dma_start3A_360 = tpu.memref_squeeze %dma_start3A_359 : memref<1x10000x128xf32, #tpu.memory_space<hbm>> -> memref<10000x128xf32, #tpu.memory_space<hbm>>
        %dma_start3A_361 = arith.constant 0 : i32
        %dma_start3A_362 = arith.constant 0 : i32
        %dma_start3A_363 = tpu.memref_slice %dma_start3A_360[%dma_start3A_361, %dma_start3A_362] : memref<10000x128xf32, #tpu.memory_space<hbm>> -> memref<10000x128xf32, #tpu.memory_space<hbm>>
        tpu.enqueue_indirect_dma source(%dma_start3A_363 : memref<10000x128xf32, #tpu.memory_space<hbm>>) target(%arg11 : memref<64x128xf32, #tpu.memory_space<vmem>>) offsets(%dma_start3A_356 : memref<64xi32, #tpu.memory_space<vmem>>) semaphore(%arg15 : memref<!tpu.dma_semaphore, #tpu.memory_space<semaphore_mem>>)
      } else {
      }
      %scan3A_351 = arith.constant 0 : i32
      scf.yield %scan3A_351 : i32
    }
    %scan3A_49 = arith.constant 40 : i32
    %dma_wait3A = arith.constant 1 : i32
    %dma_wait3A_50 = arith.constant 0 : i32
    %dma_wait3A_51 = arith.constant 0 : i32
    %dma_wait3A_52 = tpu.memref_slice %arg8[%dma_wait3A, %dma_wait3A_50, %dma_wait3A_51] : memref<2x8x64xi32, #tpu.memory_space<vmem>> -> memref<1x1x64xi32, #tpu.memory_space<vmem>>
    %dma_wait3A_53 = tpu.memref_squeeze %dma_wait3A_52 : memref<1x1x64xi32, #tpu.memory_space<vmem>> -> memref<64xi32, #tpu.memory_space<vmem>>
    %dma_wait3A_54 = arith.constant 0 : i32
    %dma_wait3A_55 = arith.constant 0 : i32
    %dma_wait3A_56 = tpu.memref_slice %arg6[%dma_wait3A_54, %dma_wait3A_55] : memref<10008x128xf32, #tpu.memory_space<vmem_shared>> -> memref<10008x128xf32, #tpu.memory_space<vmem_shared>>
    tpu.wait_indirect_dma semaphore(%arg20 : memref<!tpu.dma_semaphore, #tpu.memory_space<semaphore_mem>>) src(%arg12 : memref<64x128xf32, #tpu.memory_space<vmem>>) dst(%dma_wait3A_56 : memref<10008x128xf32, #tpu.memory_space<vmem_shared>>)
    %barrier3A_57 = arith.constant 0 : index
    tpu.barrier barrier_id(%barrier3A_57)
    "tpu.region"() ({
      %run_scoped3A_61 = tpu.sem_alloc : memref<!tpu.dma_semaphore, #tpu.memory_space<semaphore_mem>>
      %dma_start3A_62 = arith.constant 0 : i32
      %dma_start3A_63 = tpu.memref_slice %arg5[%arg0, %mul3A_3, %dma_start3A_62] : memref<2x10000x128xf32, #tpu.memory_space<hbm>> -> memref<1x624x128xf32, #tpu.memory_space<hbm>>
      %dma_start3A_64 = tpu.memref_squeeze %dma_start3A_63 : memref<1x624x128xf32, #tpu.memory_space<hbm>> -> memref<624x128xf32, #tpu.memory_space<hbm>>
      %dma_start3A_65 = arith.constant 0 : i32
      %dma_start3A_66 = tpu.memref_slice %arg6[%mul3A_3, %dma_start3A_65] : memref<10008x128xf32, #tpu.memory_space<vmem_shared>> -> memref<624x128xf32, #tpu.memory_space<vmem_shared>>
      tpu.enqueue_dma source(%dma_start3A_66 : memref<624x128xf32, #tpu.memory_space<vmem_shared>>) target(%dma_start3A_64 : memref<624x128xf32, #tpu.memory_space<hbm>>) target_semaphore(%run_scoped3A_61 : memref<!tpu.dma_semaphore, #tpu.memory_space<semaphore_mem>>)
      %dma_wait3A_67 = arith.constant 0 : i32
      %dma_wait3A_68 = tpu.memref_slice %arg5[%arg0, %mul3A_3, %dma_wait3A_67] : memref<2x10000x128xf32, #tpu.memory_space<hbm>> -> memref<1x624x128xf32, #tpu.memory_space<hbm>>
      %dma_wait3A_69 = tpu.memref_squeeze %dma_wait3A_68 : memref<1x624x128xf32, #tpu.memory_space<hbm>> -> memref<624x128xf32, #tpu.memory_space<hbm>>
      %dma_wait3A_70 = arith.constant 0 : i32
      %dma_wait3A_71 = tpu.memref_slice %arg6[%mul3A_3, %dma_wait3A_70] : memref<10008x128xf32, #tpu.memory_space<vmem_shared>> -> memref<624x128xf32, #tpu.memory_space<vmem_shared>>
      tpu.wait_dma2 semaphore(%run_scoped3A_61 : memref<!tpu.dma_semaphore, #tpu.memory_space<semaphore_mem>>) src(%dma_wait3A_71 : memref<624x128xf32, #tpu.memory_space<vmem_shared>>) dst(%dma_wait3A_69 : memref<624x128xf32, #tpu.memory_space<hbm>>)
      tpu.yield
    }) : () -> ()
    %convert_element_type3A_58 = arith.extui %lt3A_4 : i1 to i32
    %cond3A_59 = arith.constant 0 : i32
    %cond3A_60 = arith.cmpi ne, %convert_element_type3A_58, %cond3A_59 : i32
    scf.if %cond3A_60 {
      %add3A_61 = arith.constant 624 : i32
      %add3A_62 = arith.addi %mul3A_3, %add3A_61 : i32
      %add3A_63 = arith.constant 624 : i32
      %add3A_64 = arith.addi %mul3A_3, %add3A_63 : i32
      "tpu.region"() ({
        %run_scoped3A_65 = tpu.sem_alloc : memref<!tpu.dma_semaphore, #tpu.memory_space<semaphore_mem>>
        %dma_start3A_66 = arith.constant 0 : i32
        %dma_start3A_67 = tpu.memref_slice %arg5[%arg0, %add3A_64, %dma_start3A_66] : memref<2x10000x128xf32, #tpu.memory_space<hbm>> -> memref<1x8x128xf32, #tpu.memory_space<hbm>>
        %dma_start3A_68 = tpu.memref_squeeze %dma_start3A_67 : memref<1x8x128xf32, #tpu.memory_space<hbm>> -> memref<8x128xf32, #tpu.memory_space<hbm>>
        %dma_start3A_69 = arith.constant 0 : i32
        %dma_start3A_70 = tpu.memref_slice %arg6[%add3A_62, %dma_start3A_69] : memref<10008x128xf32, #tpu.memory_space<vmem_shared>> -> memref<8x128xf32, #tpu.memory_space<vmem_shared>>
        tpu.enqueue_dma source(%dma_start3A_70 : memref<8x128xf32, #tpu.memory_space<vmem_shared>>) target(%dma_start3A_68 : memref<8x128xf32, #tpu.memory_space<hbm>>) target_semaphore(%run_scoped3A_65 : memref<!tpu.dma_semaphore, #tpu.memory_space<semaphore_mem>>)
        %dma_wait3A_71 = arith.constant 0 : i32
        %dma_wait3A_72 = tpu.memref_slice %arg5[%arg0, %add3A_64, %dma_wait3A_71] : memref<2x10000x128xf32, #tpu.memory_space<hbm>> -> memref<1x8x128xf32, #tpu.memory_space<hbm>>
        %dma_wait3A_73 = tpu.memref_squeeze %dma_wait3A_72 : memref<1x8x128xf32, #tpu.memory_space<hbm>> -> memref<8x128xf32, #tpu.memory_space<hbm>>
        %dma_wait3A_74 = arith.constant 0 : i32
        %dma_wait3A_75 = tpu.memref_slice %arg6[%add3A_62, %dma_wait3A_74] : memref<10008x128xf32, #tpu.memory_space<vmem_shared>> -> memref<8x128xf32, #tpu.memory_space<vmem_shared>>
        tpu.wait_dma2 semaphore(%run_scoped3A_65 : memref<!tpu.dma_semaphore, #tpu.memory_space<semaphore_mem>>) src(%dma_wait3A_75 : memref<8x128xf32, #tpu.memory_space<vmem_shared>>) dst(%dma_wait3A_73 : memref<8x128xf32, #tpu.memory_space<hbm>>)
        tpu.yield
      }) : () -> ()
    } else {
    }
    return
  }
}

#map = affine_map<(d0, d1) -> (0, 0, 0)>
#map1 = affine_map<(d0, d1) -> (0, 0, 0, 0)>
module attributes {stable_mosaic.version = 14 : i64} {
  func.func @prop_kernel(%arg0: i32, %arg1: i32, %arg2: memref<2x10000x128xf32, #tpu.memory_space<hbm>>, %arg3: memref<16x40x8x64xi32, #tpu.memory_space<hbm>>, %arg4: memref<16x40x8x64xi32, #tpu.memory_space<hbm>>, %arg5: memref<2x10000x128xf32, #tpu.memory_space<hbm>>, %arg6: memref<10008x128xf32, #tpu.memory_space<vmem_shared>>, %arg7: memref<2x8x64xi32, #tpu.memory_space<vmem>>, %arg8: memref<2x8x64xi32, #tpu.memory_space<vmem>>, %arg9: memref<64x128xf32, #tpu.memory_space<vmem>>, %arg10: memref<64x128xf32, #tpu.memory_space<vmem>>, %arg11: memref<64x128xf32, #tpu.memory_space<vmem>>, %arg12: memref<64x128xf32, #tpu.memory_space<vmem>>, %arg13: memref<!tpu.dma_semaphore, #tpu.memory_space<semaphore_mem>>, %arg14: memref<!tpu.dma_semaphore, #tpu.memory_space<semaphore_mem>>, %arg15: memref<!tpu.dma_semaphore, #tpu.memory_space<semaphore_mem>>, %arg16: memref<!tpu.dma_semaphore, #tpu.memory_space<semaphore_mem>>, %arg17: memref<!tpu.dma_semaphore, #tpu.memory_space<semaphore_mem>>, %arg18: memref<!tpu.dma_semaphore, #tpu.memory_space<semaphore_mem>>, %arg19: memref<!tpu.dma_semaphore, #tpu.memory_space<semaphore_mem>>, %arg20: memref<!tpu.dma_semaphore, #tpu.memory_space<semaphore_mem>>, %arg21: memref<!tpu.dma_semaphore, #tpu.memory_space<semaphore_mem>>, %arg22: memref<!tpu.dma_semaphore, #tpu.memory_space<semaphore_mem>>) attributes {dimension_semantics = [#tpu.dimension_semantics<core_parallel>, #tpu.dimension_semantics<subcore_parallel>], iteration_bounds = array<i64: 2, 16>, scalar_prefetch = 0 : i64, scratch_operands = 17 : i64, tpu.core_type = #tpu.core_type<sc_vector_subcore>, window_params = [{transform_indices = #map}, {transform_indices = #map1}, {transform_indices = #map1}, {transform_indices = #map}]} {
    %mul3A = arith.constant 78 : i32
    %mul3A_0 = arith.muli %arg1, %mul3A : i32
    %min3A = arith.constant 2 : i32
    %min3A_1 = arith.minsi %arg1, %min3A : i32
    %add3A = arith.addi %mul3A_0, %min3A_1 : i32
    %mul3A_2 = arith.constant 8 : i32
    %mul3A_3 = arith.muli %mul3A_2, %add3A : i32
    %lt3A = arith.constant 2 : i32
    %lt3A_4 = arith.cmpi slt, %arg1, %lt3A : i32
    "tpu.region"() ({
      %run_scoped3A_61 = tpu.sem_alloc : memref<!tpu.dma_semaphore, #tpu.memory_space<semaphore_mem>>
      %dma_start3A_62 = arith.constant 0 : i32
      %dma_start3A_63 = tpu.memref_slice %arg6[%mul3A_3, %dma_start3A_62] : memref<10008x128xf32, #tpu.memory_space<vmem_shared>> -> memref<624x128xf32, #tpu.memory_space<vmem_shared>>
      %dma_start3A_64 = arith.constant 0 : i32
      %dma_start3A_65 = tpu.memref_slice %arg2[%arg0, %mul3A_3, %dma_start3A_64] : memref<2x10000x128xf32, #tpu.memory_space<hbm>> -> memref<1x624x128xf32, #tpu.memory_space<hbm>>
      %dma_start3A_66 = tpu.memref_squeeze %dma_start3A_65 : memref<1x624x128xf32, #tpu.memory_space<hbm>> -> memref<624x128xf32, #tpu.memory_space<hbm>>
      tpu.enqueue_dma source(%dma_start3A_66 : memref<624x128xf32, #tpu.memory_space<hbm>>) target(%dma_start3A_63 : memref<624x128xf32, #tpu.memory_space<vmem_shared>>) target_semaphore(%run_scoped3A_61 : memref<!tpu.dma_semaphore, #tpu.memory_space<semaphore_mem>>)
      %dma_wait3A_67 = arith.constant 0 : i32
      %dma_wait3A_68 = tpu.memref_slice %arg6[%mul3A_3, %dma_wait3A_67] : memref<10008x128xf32, #tpu.memory_space<vmem_shared>> -> memref<624x128xf32, #tpu.memory_space<vmem_shared>>
      %dma_wait3A_69 = arith.constant 0 : i32
      %dma_wait3A_70 = tpu.memref_slice %arg2[%arg0, %mul3A_3, %dma_wait3A_69] : memref<2x10000x128xf32, #tpu.memory_space<hbm>> -> memref<1x624x128xf32, #tpu.memory_space<hbm>>
      %dma_wait3A_71 = tpu.memref_squeeze %dma_wait3A_70 : memref<1x624x128xf32, #tpu.memory_space<hbm>> -> memref<624x128xf32, #tpu.memory_space<hbm>>
      tpu.wait_dma2 semaphore(%run_scoped3A_61 : memref<!tpu.dma_semaphore, #tpu.memory_space<semaphore_mem>>) src(%dma_wait3A_71 : memref<624x128xf32, #tpu.memory_space<hbm>>) dst(%dma_wait3A_68 : memref<624x128xf32, #tpu.memory_space<vmem_shared>>)
      tpu.yield
    }) : () -> ()
    %convert_element_type3A = arith.extui %lt3A_4 : i1 to i32
    %cond3A = arith.constant 0 : i32
    %cond3A_5 = arith.cmpi ne, %convert_element_type3A, %cond3A : i32
    scf.if %cond3A_5 {
      %add3A_61 = arith.constant 624 : i32
      %add3A_62 = arith.addi %mul3A_3, %add3A_61 : i32
      %add3A_63 = arith.constant 624 : i32
      %add3A_64 = arith.addi %mul3A_3, %add3A_63 : i32
      "tpu.region"() ({
        %run_scoped3A_65 = tpu.sem_alloc : memref<!tpu.dma_semaphore, #tpu.memory_space<semaphore_mem>>
        %dma_start3A_66 = arith.constant 0 : i32
        %dma_start3A_67 = tpu.memref_slice %arg6[%add3A_64, %dma_start3A_66] : memref<10008x128xf32, #tpu.memory_space<vmem_shared>> -> memref<8x128xf32, #tpu.memory_space<vmem_shared>>
        %dma_start3A_68 = arith.constant 0 : i32
        %dma_start3A_69 = tpu.memref_slice %arg2[%arg0, %add3A_62, %dma_start3A_68] : memref<2x10000x128xf32, #tpu.memory_space<hbm>> -> memref<1x8x128xf32, #tpu.memory_space<hbm>>
        %dma_start3A_70 = tpu.memref_squeeze %dma_start3A_69 : memref<1x8x128xf32, #tpu.memory_space<hbm>> -> memref<8x128xf32, #tpu.memory_space<hbm>>
        tpu.enqueue_dma source(%dma_start3A_70 : memref<8x128xf32, #tpu.memory_space<hbm>>) target(%dma_start3A_67 : memref<8x128xf32, #tpu.memory_space<vmem_shared>>) target_semaphore(%run_scoped3A_65 : memref<!tpu.dma_semaphore, #tpu.memory_space<semaphore_mem>>)
        %dma_wait3A_71 = arith.constant 0 : i32
        %dma_wait3A_72 = tpu.memref_slice %arg6[%add3A_64, %dma_wait3A_71] : memref<10008x128xf32, #tpu.memory_space<vmem_shared>> -> memref<8x128xf32, #tpu.memory_space<vmem_shared>>
        %dma_wait3A_73 = arith.constant 0 : i32
        %dma_wait3A_74 = tpu.memref_slice %arg2[%arg0, %add3A_62, %dma_wait3A_73] : memref<2x10000x128xf32, #tpu.memory_space<hbm>> -> memref<1x8x128xf32, #tpu.memory_space<hbm>>
        %dma_wait3A_75 = tpu.memref_squeeze %dma_wait3A_74 : memref<1x8x128xf32, #tpu.memory_space<hbm>> -> memref<8x128xf32, #tpu.memory_space<hbm>>
        tpu.wait_dma2 semaphore(%run_scoped3A_65 : memref<!tpu.dma_semaphore, #tpu.memory_space<semaphore_mem>>) src(%dma_wait3A_75 : memref<8x128xf32, #tpu.memory_space<hbm>>) dst(%dma_wait3A_72 : memref<8x128xf32, #tpu.memory_space<vmem_shared>>)
        tpu.yield
      }) : () -> ()
    } else {
    }
    %run_scoped3A = arith.constant 0 : i32
    %run_scoped3A_6 = arith.constant 0 : i32
    "tpu.region"() ({
      %run_scoped3A_61 = tpu.sem_alloc : memref<!tpu.dma_semaphore, #tpu.memory_space<semaphore_mem>>
      %dma_start3A_62 = arith.constant 0 : i32
      %dma_start3A_63 = arith.constant 0 : i32
      %dma_start3A_64 = tpu.memref_slice %arg7[%run_scoped3A_6, %dma_start3A_62, %dma_start3A_63] : memref<2x8x64xi32, #tpu.memory_space<vmem>> -> memref<1x8x64xi32, #tpu.memory_space<vmem>>
      %dma_start3A_65 = tpu.memref_squeeze %dma_start3A_64 : memref<1x8x64xi32, #tpu.memory_space<vmem>> -> memref<8x64xi32, #tpu.memory_space<vmem>>
      %dma_start3A_66 = arith.constant 0 : i32
      %dma_start3A_67 = arith.constant 0 : i32
      %dma_start3A_68 = tpu.memref_slice %arg3[%arg1, %run_scoped3A, %dma_start3A_66, %dma_start3A_67] : memref<16x40x8x64xi32, #tpu.memory_space<hbm>> -> memref<1x1x8x64xi32, #tpu.memory_space<hbm>>
      %dma_start3A_69 = tpu.memref_squeeze %dma_start3A_68 : memref<1x1x8x64xi32, #tpu.memory_space<hbm>> -> memref<8x64xi32, #tpu.memory_space<hbm>>
      %dma_start3A_70 = arith.constant 0 : i32
      %dma_start3A_71 = arith.constant 0 : i32
      %dma_start3A_72 = tpu.memref_slice %arg7[%run_scoped3A_6, %dma_start3A_70, %dma_start3A_71] : memref<2x8x64xi32, #tpu.memory_space<vmem>> -> memref<1x8x64xi32, #tpu.memory_space<vmem>>
      %dma_start3A_73 = tpu.memref_squeeze %dma_start3A_72 : memref<1x8x64xi32, #tpu.memory_space<vmem>> -> memref<8x64xi32, #tpu.memory_space<vmem>>
      %dma_start3A_74 = arith.constant 0 : i32
      %dma_start3A_75 = arith.constant 0 : i32
      %dma_start3A_76 = tpu.memref_slice %arg3[%arg1, %run_scoped3A, %dma_start3A_74, %dma_start3A_75] : memref<16x40x8x64xi32, #tpu.memory_space<hbm>> -> memref<1x1x8x64xi32, #tpu.memory_space<hbm>>
      %dma_start3A_77 = tpu.memref_squeeze %dma_start3A_76 : memref<1x1x8x64xi32, #tpu.memory_space<hbm>> -> memref<8x64xi32, #tpu.memory_space<hbm>>
      tpu.enqueue_dma source(%dma_start3A_77 : memref<8x64xi32, #tpu.memory_space<hbm>>) target(%dma_start3A_73 : memref<8x64xi32, #tpu.memory_space<vmem>>) target_semaphore(%run_scoped3A_61 : memref<!tpu.dma_semaphore, #tpu.memory_space<semaphore_mem>>)
      %dma_wait3A_78 = arith.constant 0 : i32
      %dma_wait3A_79 = arith.constant 0 : i32
      %dma_wait3A_80 = tpu.memref_slice %arg7[%run_scoped3A_6, %dma_wait3A_78, %dma_wait3A_79] : memref<2x8x64xi32, #tpu.memory_space<vmem>> -> memref<1x8x64xi32, #tpu.memory_space<vmem>>
      %dma_wait3A_81 = tpu.memref_squeeze %dma_wait3A_80 : memref<1x8x64xi32, #tpu.memory_space<vmem>> -> memref<8x64xi32, #tpu.memory_space<vmem>>
      %dma_wait3A_82 = arith.constant 0 : i32
      %dma_wait3A_83 = arith.constant 0 : i32
      %dma_wait3A_84 = tpu.memref_slice %arg3[%arg1, %run_scoped3A, %dma_wait3A_82, %dma_wait3A_83] : memref<16x40x8x64xi32, #tpu.memory_space<hbm>> -> memref<1x1x8x64xi32, #tpu.memory_space<hbm>>
      %dma_wait3A_85 = tpu.memref_squeeze %dma_wait3A_84 : memref<1x1x8x64xi32, #tpu.memory_space<hbm>> -> memref<8x64xi32, #tpu.memory_space<hbm>>
      %dma_wait3A_86 = arith.constant 0 : i32
      %dma_wait3A_87 = arith.constant 0 : i32
      %dma_wait3A_88 = tpu.memref_slice %arg7[%run_scoped3A_6, %dma_wait3A_86, %dma_wait3A_87] : memref<2x8x64xi32, #tpu.memory_space<vmem>> -> memref<1x8x64xi32, #tpu.memory_space<vmem>>
      %dma_wait3A_89 = tpu.memref_squeeze %dma_wait3A_88 : memref<1x8x64xi32, #tpu.memory_space<vmem>> -> memref<8x64xi32, #tpu.memory_space<vmem>>
      %dma_wait3A_90 = arith.constant 0 : i32
      %dma_wait3A_91 = arith.constant 0 : i32
      %dma_wait3A_92 = tpu.memref_slice %arg3[%arg1, %run_scoped3A, %dma_wait3A_90, %dma_wait3A_91] : memref<16x40x8x64xi32, #tpu.memory_space<hbm>> -> memref<1x1x8x64xi32, #tpu.memory_space<hbm>>
      %dma_wait3A_93 = tpu.memref_squeeze %dma_wait3A_92 : memref<1x1x8x64xi32, #tpu.memory_space<hbm>> -> memref<8x64xi32, #tpu.memory_space<hbm>>
      tpu.wait_dma2 semaphore(%run_scoped3A_61 : memref<!tpu.dma_semaphore, #tpu.memory_space<semaphore_mem>>) src(%dma_wait3A_93 : memref<8x64xi32, #tpu.memory_space<hbm>>) dst(%dma_wait3A_89 : memref<8x64xi32, #tpu.memory_space<vmem>>)
      tpu.yield
    }) : () -> ()
    %run_scoped3A_7 = arith.constant 0 : i32
    %run_scoped3A_8 = arith.constant 0 : i32
    "tpu.region"() ({
      %run_scoped3A_61 = tpu.sem_alloc : memref<!tpu.dma_semaphore, #tpu.memory_space<semaphore_mem>>
      %dma_start3A_62 = arith.constant 0 : i32
      %dma_start3A_63 = arith.constant 0 : i32
      %dma_start3A_64 = tpu.memref_slice %arg8[%run_scoped3A_8, %dma_start3A_62, %dma_start3A_63] : memref<2x8x64xi32, #tpu.memory_space<vmem>> -> memref<1x8x64xi32, #tpu.memory_space<vmem>>
      %dma_start3A_65 = tpu.memref_squeeze %dma_start3A_64 : memref<1x8x64xi32, #tpu.memory_space<vmem>> -> memref<8x64xi32, #tpu.memory_space<vmem>>
      %dma_start3A_66 = arith.constant 0 : i32
      %dma_start3A_67 = arith.constant 0 : i32
      %dma_start3A_68 = tpu.memref_slice %arg4[%arg1, %run_scoped3A_7, %dma_start3A_66, %dma_start3A_67] : memref<16x40x8x64xi32, #tpu.memory_space<hbm>> -> memref<1x1x8x64xi32, #tpu.memory_space<hbm>>
      %dma_start3A_69 = tpu.memref_squeeze %dma_start3A_68 : memref<1x1x8x64xi32, #tpu.memory_space<hbm>> -> memref<8x64xi32, #tpu.memory_space<hbm>>
      %dma_start3A_70 = arith.constant 0 : i32
      %dma_start3A_71 = arith.constant 0 : i32
      %dma_start3A_72 = tpu.memref_slice %arg8[%run_scoped3A_8, %dma_start3A_70, %dma_start3A_71] : memref<2x8x64xi32, #tpu.memory_space<vmem>> -> memref<1x8x64xi32, #tpu.memory_space<vmem>>
      %dma_start3A_73 = tpu.memref_squeeze %dma_start3A_72 : memref<1x8x64xi32, #tpu.memory_space<vmem>> -> memref<8x64xi32, #tpu.memory_space<vmem>>
      %dma_start3A_74 = arith.constant 0 : i32
      %dma_start3A_75 = arith.constant 0 : i32
      %dma_start3A_76 = tpu.memref_slice %arg4[%arg1, %run_scoped3A_7, %dma_start3A_74, %dma_start3A_75] : memref<16x40x8x64xi32, #tpu.memory_space<hbm>> -> memref<1x1x8x64xi32, #tpu.memory_space<hbm>>
      %dma_start3A_77 = tpu.memref_squeeze %dma_start3A_76 : memref<1x1x8x64xi32, #tpu.memory_space<hbm>> -> memref<8x64xi32, #tpu.memory_space<hbm>>
      tpu.enqueue_dma source(%dma_start3A_77 : memref<8x64xi32, #tpu.memory_space<hbm>>) target(%dma_start3A_73 : memref<8x64xi32, #tpu.memory_space<vmem>>) target_semaphore(%run_scoped3A_61 : memref<!tpu.dma_semaphore, #tpu.memory_space<semaphore_mem>>)
      %dma_wait3A_78 = arith.constant 0 : i32
      %dma_wait3A_79 = arith.constant 0 : i32
      %dma_wait3A_80 = tpu.memref_slice %arg8[%run_scoped3A_8, %dma_wait3A_78, %dma_wait3A_79] : memref<2x8x64xi32, #tpu.memory_space<vmem>> -> memref<1x8x64xi32, #tpu.memory_space<vmem>>
      %dma_wait3A_81 = tpu.memref_squeeze %dma_wait3A_80 : memref<1x8x64xi32, #tpu.memory_space<vmem>> -> memref<8x64xi32, #tpu.memory_space<vmem>>
      %dma_wait3A_82 = arith.constant 0 : i32
      %dma_wait3A_83 = arith.constant 0 : i32
      %dma_wait3A_84 = tpu.memref_slice %arg4[%arg1, %run_scoped3A_7, %dma_wait3A_82, %dma_wait3A_83] : memref<16x40x8x64xi32, #tpu.memory_space<hbm>> -> memref<1x1x8x64xi32, #tpu.memory_space<hbm>>
      %dma_wait3A_85 = tpu.memref_squeeze %dma_wait3A_84 : memref<1x1x8x64xi32, #tpu.memory_space<hbm>> -> memref<8x64xi32, #tpu.memory_space<hbm>>
      %dma_wait3A_86 = arith.constant 0 : i32
      %dma_wait3A_87 = arith.constant 0 : i32
      %dma_wait3A_88 = tpu.memref_slice %arg8[%run_scoped3A_8, %dma_wait3A_86, %dma_wait3A_87] : memref<2x8x64xi32, #tpu.memory_space<vmem>> -> memref<1x8x64xi32, #tpu.memory_space<vmem>>
      %dma_wait3A_89 = tpu.memref_squeeze %dma_wait3A_88 : memref<1x8x64xi32, #tpu.memory_space<vmem>> -> memref<8x64xi32, #tpu.memory_space<vmem>>
      %dma_wait3A_90 = arith.constant 0 : i32
      %dma_wait3A_91 = arith.constant 0 : i32
      %dma_wait3A_92 = tpu.memref_slice %arg4[%arg1, %run_scoped3A_7, %dma_wait3A_90, %dma_wait3A_91] : memref<16x40x8x64xi32, #tpu.memory_space<hbm>> -> memref<1x1x8x64xi32, #tpu.memory_space<hbm>>
      %dma_wait3A_93 = tpu.memref_squeeze %dma_wait3A_92 : memref<1x1x8x64xi32, #tpu.memory_space<hbm>> -> memref<8x64xi32, #tpu.memory_space<hbm>>
      tpu.wait_dma2 semaphore(%run_scoped3A_61 : memref<!tpu.dma_semaphore, #tpu.memory_space<semaphore_mem>>) src(%dma_wait3A_93 : memref<8x64xi32, #tpu.memory_space<hbm>>) dst(%dma_wait3A_89 : memref<8x64xi32, #tpu.memory_space<vmem>>)
      tpu.yield
    }) : () -> ()
    %barrier3A = arith.constant 0 : index
    tpu.barrier barrier_id(%barrier3A)
    %dma_start3A = arith.constant 0 : i32
    %dma_start3A_9 = arith.constant 0 : i32
    %dma_start3A_10 = arith.constant 0 : i32
    %dma_start3A_11 = tpu.memref_slice %arg7[%dma_start3A, %dma_start3A_9, %dma_start3A_10] : memref<2x8x64xi32, #tpu.memory_space<vmem>> -> memref<1x1x64xi32, #tpu.memory_space<vmem>>
    %dma_start3A_12 = tpu.memref_squeeze %dma_start3A_11 : memref<1x1x64xi32, #tpu.memory_space<vmem>> -> memref<64xi32, #tpu.memory_space<vmem>>
    %dma_start3A_13 = arith.constant 0 : i32
    %dma_start3A_14 = arith.constant 0 : i32
    %dma_start3A_15 = tpu.memref_slice %arg2[%arg0, %dma_start3A_13, %dma_start3A_14] : memref<2x10000x128xf32, #tpu.memory_space<hbm>> -> memref<1x10000x128xf32, #tpu.memory_space<hbm>>
    %dma_start3A_16 = tpu.memref_squeeze %dma_start3A_15 : memref<1x10000x128xf32, #tpu.memory_space<hbm>> -> memref<10000x128xf32, #tpu.memory_space<hbm>>
    %dma_start3A_17 = arith.constant 0 : i32
    %dma_start3A_18 = arith.constant 0 : i32
    %dma_start3A_19 = tpu.memref_slice %dma_start3A_16[%dma_start3A_17, %dma_start3A_18] : memref<10000x128xf32, #tpu.memory_space<hbm>> -> memref<10000x128xf32, #tpu.memory_space<hbm>>
    tpu.enqueue_indirect_dma source(%dma_start3A_19 : memref<10000x128xf32, #tpu.memory_space<hbm>>) target(%arg9 : memref<64x128xf32, #tpu.memory_space<vmem>>) offsets(%dma_start3A_12 : memref<64xi32, #tpu.memory_space<vmem>>) semaphore(%arg13 : memref<!tpu.dma_semaphore, #tpu.memory_space<semaphore_mem>>)
    %dma_start3A_20 = arith.constant 0 : i32
    %dma_start3A_21 = arith.constant 1 : i32
    %dma_start3A_22 = arith.constant 0 : i32
    %dma_start3A_23 = tpu.memref_slice %arg7[%dma_start3A_20, %dma_start3A_21, %dma_start3A_22] : memref<2x8x64xi32, #tpu.memory_space<vmem>> -> memref<1x1x64xi32, #tpu.memory_space<vmem>>
    %dma_start3A_24 = tpu.memref_squeeze %dma_start3A_23 : memref<1x1x64xi32, #tpu.memory_space<vmem>> -> memref<64xi32, #tpu.memory_space<vmem>>
    %dma_start3A_25 = arith.constant 0 : i32
    %dma_start3A_26 = arith.constant 0 : i32
    %dma_start3A_27 = tpu.memref_slice %arg2[%arg0, %dma_start3A_25, %dma_start3A_26] : memref<2x10000x128xf32, #tpu.memory_space<hbm>> -> memref<1x10000x128xf32, #tpu.memory_space<hbm>>
    %dma_start3A_28 = tpu.memref_squeeze %dma_start3A_27 : memref<1x10000x128xf32, #tpu.memory_space<hbm>> -> memref<10000x128xf32, #tpu.memory_space<hbm>>
    %dma_start3A_29 = arith.constant 0 : i32
    %dma_start3A_30 = arith.constant 0 : i32
    %dma_start3A_31 = tpu.memref_slice %dma_start3A_28[%dma_start3A_29, %dma_start3A_30] : memref<10000x128xf32, #tpu.memory_space<hbm>> -> memref<10000x128xf32, #tpu.memory_space<hbm>>
    tpu.enqueue_indirect_dma source(%dma_start3A_31 : memref<10000x128xf32, #tpu.memory_space<hbm>>) target(%arg10 : memref<64x128xf32, #tpu.memory_space<vmem>>) offsets(%dma_start3A_24 : memref<64xi32, #tpu.memory_space<vmem>>) semaphore(%arg14 : memref<!tpu.dma_semaphore, #tpu.memory_space<semaphore_mem>>)
    %dma_start3A_32 = arith.constant 0 : i32
    %dma_start3A_33 = arith.constant 2 : i32
    %dma_start3A_34 = arith.constant 0 : i32
    %dma_start3A_35 = tpu.memref_slice %arg7[%dma_start3A_32, %dma_start3A_33, %dma_start3A_34] : memref<2x8x64xi32, #tpu.memory_space<vmem>> -> memref<1x1x64xi32, #tpu.memory_space<vmem>>
    %dma_start3A_36 = tpu.memref_squeeze %dma_start3A_35 : memref<1x1x64xi32, #tpu.memory_space<vmem>> -> memref<64xi32, #tpu.memory_space<vmem>>
    %dma_start3A_37 = arith.constant 0 : i32
    %dma_start3A_38 = arith.constant 0 : i32
    %dma_start3A_39 = tpu.memref_slice %arg2[%arg0, %dma_start3A_37, %dma_start3A_38] : memref<2x10000x128xf32, #tpu.memory_space<hbm>> -> memref<1x10000x128xf32, #tpu.memory_space<hbm>>
    %dma_start3A_40 = tpu.memref_squeeze %dma_start3A_39 : memref<1x10000x128xf32, #tpu.memory_space<hbm>> -> memref<10000x128xf32, #tpu.memory_space<hbm>>
    %dma_start3A_41 = arith.constant 0 : i32
    %dma_start3A_42 = arith.constant 0 : i32
    %dma_start3A_43 = tpu.memref_slice %dma_start3A_40[%dma_start3A_41, %dma_start3A_42] : memref<10000x128xf32, #tpu.memory_space<hbm>> -> memref<10000x128xf32, #tpu.memory_space<hbm>>
    tpu.enqueue_indirect_dma source(%dma_start3A_43 : memref<10000x128xf32, #tpu.memory_space<hbm>>) target(%arg11 : memref<64x128xf32, #tpu.memory_space<vmem>>) offsets(%dma_start3A_36 : memref<64xi32, #tpu.memory_space<vmem>>) semaphore(%arg15 : memref<!tpu.dma_semaphore, #tpu.memory_space<semaphore_mem>>)
    %scan3A = arith.constant 0 : i32
    %scan3A_44 = arith.constant 0 : i32
    %scan3A_45 = arith.constant 40 : i32
    %scan3A_46 = arith.addi %scan3A_44, %scan3A_45 : i32
    %scan3A_47 = arith.constant 1 : i32
    %scan3A_48 = scf.for %scan3A_61 = %scan3A_44 to %scan3A_46 step %scan3A_47 iter_args(%scan3A_62 = %scan3A) -> (i32)  : i32 {
      %jit3A = arith.constant 2 : i32
      %eq3A = arith.constant 0 : i32
      %eq3A_63 = arith.cmpi eq, %jit3A, %eq3A : i32
      %jit3A_64 = arith.constant 1 : i32
      %select_n3A = arith.select %eq3A_63, %jit3A_64, %jit3A : i32
      %rem3A = arith.remsi %scan3A_61, %select_n3A : i32
      %ne3A = arith.constant 0 : i32
      %ne3A_65 = arith.cmpi ne, %rem3A, %ne3A : i32
      %lt3A_66 = arith.constant 0 : i32
      %lt3A_67 = arith.cmpi slt, %rem3A, %lt3A_66 : i32
      %lt3A_68 = arith.constant 0 : i32
      %lt3A_69 = arith.cmpi slt, %select_n3A, %lt3A_68 : i32
      %ne3A_70 = arith.xori %lt3A_67, %lt3A_69 : i1
      %and3A = arith.andi %ne3A_70, %ne3A_65 : i1
      %add3A_71 = arith.addi %rem3A, %select_n3A : i32
      %select_n3A_72 = arith.select %and3A, %add3A_71, %rem3A : i32
      %add3A_73 = arith.constant 1 : i32
      %add3A_74 = arith.addi %scan3A_61, %add3A_73 : i32
      %lt3A_75 = arith.constant 40 : i32
      %lt3A_76 = arith.cmpi slt, %add3A_74, %lt3A_75 : i32
      %convert_element_type3A_77 = arith.extui %lt3A_76 : i1 to i32
      %cond3A_78 = arith.constant 0 : i32
      %cond3A_79 = arith.cmpi ne, %convert_element_type3A_77, %cond3A_78 : i32
      scf.if %cond3A_79 {
        %add3A_352 = arith.constant 1 : i32
        %add3A_353 = arith.addi %scan3A_61, %add3A_352 : i32
        %sub3A = arith.constant 1 : i32
        %sub3A_354 = arith.subi %sub3A, %select_n3A_72 : i32
        %dma_start3A_355 = arith.constant 0 : i32
        %dma_start3A_356 = arith.constant 0 : i32
        %dma_start3A_357 = tpu.memref_slice %arg7[%sub3A_354, %dma_start3A_355, %dma_start3A_356] : memref<2x8x64xi32, #tpu.memory_space<vmem>> -> memref<1x8x64xi32, #tpu.memory_space<vmem>>
        %dma_start3A_358 = tpu.memref_squeeze %dma_start3A_357 : memref<1x8x64xi32, #tpu.memory_space<vmem>> -> memref<8x64xi32, #tpu.memory_space<vmem>>
        %dma_start3A_359 = arith.constant 0 : i32
        %dma_start3A_360 = arith.constant 0 : i32
        %dma_start3A_361 = tpu.memref_slice %arg3[%arg1, %add3A_353, %dma_start3A_359, %dma_start3A_360] : memref<16x40x8x64xi32, #tpu.memory_space<hbm>> -> memref<1x1x8x64xi32, #tpu.memory_space<hbm>>
        %dma_start3A_362 = tpu.memref_squeeze %dma_start3A_361 : memref<1x1x8x64xi32, #tpu.memory_space<hbm>> -> memref<8x64xi32, #tpu.memory_space<hbm>>
        %dma_start3A_363 = arith.constant 0 : i32
        %dma_start3A_364 = arith.constant 0 : i32
        %dma_start3A_365 = tpu.memref_slice %arg7[%sub3A_354, %dma_start3A_363, %dma_start3A_364] : memref<2x8x64xi32, #tpu.memory_space<vmem>> -> memref<1x8x64xi32, #tpu.memory_space<vmem>>
        %dma_start3A_366 = tpu.memref_squeeze %dma_start3A_365 : memref<1x8x64xi32, #tpu.memory_space<vmem>> -> memref<8x64xi32, #tpu.memory_space<vmem>>
        %dma_start3A_367 = arith.constant 0 : i32
        %dma_start3A_368 = arith.constant 0 : i32
        %dma_start3A_369 = tpu.memref_slice %arg3[%arg1, %add3A_353, %dma_start3A_367, %dma_start3A_368] : memref<16x40x8x64xi32, #tpu.memory_space<hbm>> -> memref<1x1x8x64xi32, #tpu.memory_space<hbm>>
        %dma_start3A_370 = tpu.memref_squeeze %dma_start3A_369 : memref<1x1x8x64xi32, #tpu.memory_space<hbm>> -> memref<8x64xi32, #tpu.memory_space<hbm>>
        tpu.enqueue_dma source(%dma_start3A_370 : memref<8x64xi32, #tpu.memory_space<hbm>>) target(%dma_start3A_366 : memref<8x64xi32, #tpu.memory_space<vmem>>) target_semaphore(%arg21 : memref<!tpu.dma_semaphore, #tpu.memory_space<semaphore_mem>>)
        %add3A_371 = arith.constant 1 : i32
        %add3A_372 = arith.addi %scan3A_61, %add3A_371 : i32
        %sub3A_373 = arith.constant 1 : i32
        %sub3A_374 = arith.subi %sub3A_373, %select_n3A_72 : i32
        %dma_start3A_375 = arith.constant 0 : i32
        %dma_start3A_376 = arith.constant 0 : i32
        %dma_start3A_377 = tpu.memref_slice %arg8[%sub3A_374, %dma_start3A_375, %dma_start3A_376] : memref<2x8x64xi32, #tpu.memory_space<vmem>> -> memref<1x8x64xi32, #tpu.memory_space<vmem>>
        %dma_start3A_378 = tpu.memref_squeeze %dma_start3A_377 : memref<1x8x64xi32, #tpu.memory_space<vmem>> -> memref<8x64xi32, #tpu.memory_space<vmem>>
        %dma_start3A_379 = arith.constant 0 : i32
        %dma_start3A_380 = arith.constant 0 : i32
        %dma_start3A_381 = tpu.memref_slice %arg4[%arg1, %add3A_372, %dma_start3A_379, %dma_start3A_380] : memref<16x40x8x64xi32, #tpu.memory_space<hbm>> -> memref<1x1x8x64xi32, #tpu.memory_space<hbm>>
        %dma_start3A_382 = tpu.memref_squeeze %dma_start3A_381 : memref<1x1x8x64xi32, #tpu.memory_space<hbm>> -> memref<8x64xi32, #tpu.memory_space<hbm>>
        %dma_start3A_383 = arith.constant 0 : i32
        %dma_start3A_384 = arith.constant 0 : i32
        %dma_start3A_385 = tpu.memref_slice %arg8[%sub3A_374, %dma_start3A_383, %dma_start3A_384] : memref<2x8x64xi32, #tpu.memory_space<vmem>> -> memref<1x8x64xi32, #tpu.memory_space<vmem>>
        %dma_start3A_386 = tpu.memref_squeeze %dma_start3A_385 : memref<1x8x64xi32, #tpu.memory_space<vmem>> -> memref<8x64xi32, #tpu.memory_space<vmem>>
        %dma_start3A_387 = arith.constant 0 : i32
        %dma_start3A_388 = arith.constant 0 : i32
        %dma_start3A_389 = tpu.memref_slice %arg4[%arg1, %add3A_372, %dma_start3A_387, %dma_start3A_388] : memref<16x40x8x64xi32, #tpu.memory_space<hbm>> -> memref<1x1x8x64xi32, #tpu.memory_space<hbm>>
        %dma_start3A_390 = tpu.memref_squeeze %dma_start3A_389 : memref<1x1x8x64xi32, #tpu.memory_space<hbm>> -> memref<8x64xi32, #tpu.memory_space<hbm>>
        tpu.enqueue_dma source(%dma_start3A_390 : memref<8x64xi32, #tpu.memory_space<hbm>>) target(%dma_start3A_386 : memref<8x64xi32, #tpu.memory_space<vmem>>) target_semaphore(%arg22 : memref<!tpu.dma_semaphore, #tpu.memory_space<semaphore_mem>>)
      } else {
      }
      %mul3A_80 = arith.constant 8 : i32
      %mul3A_81 = arith.muli %mul3A_80, %scan3A_61 : i32
      %add3A_82 = arith.constant 0 : i32
      %add3A_83 = arith.addi %mul3A_81, %add3A_82 : i32
      %dma_wait3A_84 = arith.constant 0 : i32
      %dma_wait3A_85 = arith.constant 0 : i32
      %dma_wait3A_86 = tpu.memref_slice %arg7[%select_n3A_72, %dma_wait3A_84, %dma_wait3A_85] : memref<2x8x64xi32, #tpu.memory_space<vmem>> -> memref<1x1x64xi32, #tpu.memory_space<vmem>>
      %dma_wait3A_87 = tpu.memref_squeeze %dma_wait3A_86 : memref<1x1x64xi32, #tpu.memory_space<vmem>> -> memref<64xi32, #tpu.memory_space<vmem>>
      %dma_wait3A_88 = arith.constant 0 : i32
      %dma_wait3A_89 = arith.constant 0 : i32
      %dma_wait3A_90 = tpu.memref_slice %arg2[%arg0, %dma_wait3A_88, %dma_wait3A_89] : memref<2x10000x128xf32, #tpu.memory_space<hbm>> -> memref<1x10000x128xf32, #tpu.memory_space<hbm>>
      %dma_wait3A_91 = tpu.memref_squeeze %dma_wait3A_90 : memref<1x10000x128xf32, #tpu.memory_space<hbm>> -> memref<10000x128xf32, #tpu.memory_space<hbm>>
      %dma_wait3A_92 = arith.constant 0 : i32
      %dma_wait3A_93 = arith.constant 0 : i32
      %dma_wait3A_94 = tpu.memref_slice %dma_wait3A_91[%dma_wait3A_92, %dma_wait3A_93] : memref<10000x128xf32, #tpu.memory_space<hbm>> -> memref<10000x128xf32, #tpu.memory_space<hbm>>
      tpu.wait_indirect_dma semaphore(%arg13 : memref<!tpu.dma_semaphore, #tpu.memory_space<semaphore_mem>>) src(%dma_wait3A_94 : memref<10000x128xf32, #tpu.memory_space<hbm>>) dst(%arg9 : memref<64x128xf32, #tpu.memory_space<vmem>>)
      %dma_start3A_95 = arith.constant 0 : i32
      %dma_start3A_96 = arith.constant 0 : i32
      %dma_start3A_97 = tpu.memref_slice %arg8[%select_n3A_72, %dma_start3A_95, %dma_start3A_96] : memref<2x8x64xi32, #tpu.memory_space<vmem>> -> memref<1x1x64xi32, #tpu.memory_space<vmem>>
      %dma_start3A_98 = tpu.memref_squeeze %dma_start3A_97 : memref<1x1x64xi32, #tpu.memory_space<vmem>> -> memref<64xi32, #tpu.memory_space<vmem>>
      %dma_start3A_99 = arith.constant 0 : i32
      %dma_start3A_100 = arith.constant 0 : i32
      %dma_start3A_101 = tpu.memref_slice %arg6[%dma_start3A_99, %dma_start3A_100] : memref<10008x128xf32, #tpu.memory_space<vmem_shared>> -> memref<10008x128xf32, #tpu.memory_space<vmem_shared>>
      tpu.enqueue_indirect_dma source(%arg9 : memref<64x128xf32, #tpu.memory_space<vmem>>) target(%dma_start3A_101 : memref<10008x128xf32, #tpu.memory_space<vmem_shared>>) offsets(%dma_start3A_98 : memref<64xi32, #tpu.memory_space<vmem>>) semaphore(%arg17 : memref<!tpu.dma_semaphore, #tpu.memory_space<semaphore_mem>>) {add = true}
      %ge3A = arith.constant 1 : i32
      %ge3A_102 = arith.cmpi sge, %add3A_83, %ge3A : i32
      %convert_element_type3A_103 = arith.extui %ge3A_102 : i1 to i32
      %cond3A_104 = arith.constant 0 : i32
      %cond3A_105 = arith.cmpi ne, %convert_element_type3A_103, %cond3A_104 : i32
      scf.if %cond3A_105 {
        %dma_wait3A_352 = arith.constant 0 : i32
        %dma_wait3A_353 = arith.constant 0 : i32
        %dma_wait3A_354 = tpu.memref_slice %arg8[%select_n3A_72, %dma_wait3A_352, %dma_wait3A_353] : memref<2x8x64xi32, #tpu.memory_space<vmem>> -> memref<1x1x64xi32, #tpu.memory_space<vmem>>
        %dma_wait3A_355 = tpu.memref_squeeze %dma_wait3A_354 : memref<1x1x64xi32, #tpu.memory_space<vmem>> -> memref<64xi32, #tpu.memory_space<vmem>>
        %dma_wait3A_356 = arith.constant 0 : i32
        %dma_wait3A_357 = arith.constant 0 : i32
        %dma_wait3A_358 = tpu.memref_slice %arg6[%dma_wait3A_356, %dma_wait3A_357] : memref<10008x128xf32, #tpu.memory_space<vmem_shared>> -> memref<10008x128xf32, #tpu.memory_space<vmem_shared>>
        tpu.wait_indirect_dma semaphore(%arg20 : memref<!tpu.dma_semaphore, #tpu.memory_space<semaphore_mem>>) src(%arg12 : memref<64x128xf32, #tpu.memory_space<vmem>>) dst(%dma_wait3A_358 : memref<10008x128xf32, #tpu.memory_space<vmem_shared>>)
      } else {
      }
      %add3A_106 = arith.constant 3 : i32
      %add3A_107 = arith.addi %add3A_83, %add3A_106 : i32
      %lt3A_108 = arith.constant 320 : i32
      %lt3A_109 = arith.cmpi slt, %add3A_107, %lt3A_108 : i32
      %convert_element_type3A_110 = arith.extui %lt3A_109 : i1 to i32
      %cond3A_111 = arith.constant 0 : i32
      %cond3A_112 = arith.cmpi ne, %convert_element_type3A_110, %cond3A_111 : i32
      scf.if %cond3A_112 {
        %dma_start3A_352 = arith.constant 3 : i32
        %dma_start3A_353 = arith.constant 0 : i32
        %dma_start3A_354 = tpu.memref_slice %arg7[%select_n3A_72, %dma_start3A_352, %dma_start3A_353] : memref<2x8x64xi32, #tpu.memory_space<vmem>> -> memref<1x1x64xi32, #tpu.memory_space<vmem>>
        %dma_start3A_355 = tpu.memref_squeeze %dma_start3A_354 : memref<1x1x64xi32, #tpu.memory_space<vmem>> -> memref<64xi32, #tpu.memory_space<vmem>>
        %dma_start3A_356 = arith.constant 0 : i32
        %dma_start3A_357 = arith.constant 0 : i32
        %dma_start3A_358 = tpu.memref_slice %arg2[%arg0, %dma_start3A_356, %dma_start3A_357] : memref<2x10000x128xf32, #tpu.memory_space<hbm>> -> memref<1x10000x128xf32, #tpu.memory_space<hbm>>
        %dma_start3A_359 = tpu.memref_squeeze %dma_start3A_358 : memref<1x10000x128xf32, #tpu.memory_space<hbm>> -> memref<10000x128xf32, #tpu.memory_space<hbm>>
        %dma_start3A_360 = arith.constant 0 : i32
        %dma_start3A_361 = arith.constant 0 : i32
        %dma_start3A_362 = tpu.memref_slice %dma_start3A_359[%dma_start3A_360, %dma_start3A_361] : memref<10000x128xf32, #tpu.memory_space<hbm>> -> memref<10000x128xf32, #tpu.memory_space<hbm>>
        tpu.enqueue_indirect_dma source(%dma_start3A_362 : memref<10000x128xf32, #tpu.memory_space<hbm>>) target(%arg12 : memref<64x128xf32, #tpu.memory_space<vmem>>) offsets(%dma_start3A_355 : memref<64xi32, #tpu.memory_space<vmem>>) semaphore(%arg16 : memref<!tpu.dma_semaphore, #tpu.memory_space<semaphore_mem>>)
      } else {
      }
      %mul3A_113 = arith.constant 8 : i32
      %mul3A_114 = arith.muli %mul3A_113, %scan3A_61 : i32
      %add3A_115 = arith.constant 1 : i32
      %add3A_116 = arith.addi %mul3A_114, %add3A_115 : i32
      %dma_wait3A_117 = arith.constant 1 : i32
      %dma_wait3A_118 = arith.constant 0 : i32
      %dma_wait3A_119 = tpu.memref_slice %arg7[%select_n3A_72, %dma_wait3A_117, %dma_wait3A_118] : memref<2x8x64xi32, #tpu.memory_space<vmem>> -> memref<1x1x64xi32, #tpu.memory_space<vmem>>
      %dma_wait3A_120 = tpu.memref_squeeze %dma_wait3A_119 : memref<1x1x64xi32, #tpu.memory_space<vmem>> -> memref<64xi32, #tpu.memory_space<vmem>>
      %dma_wait3A_121 = arith.constant 0 : i32
      %dma_wait3A_122 = arith.constant 0 : i32
      %dma_wait3A_123 = tpu.memref_slice %arg2[%arg0, %dma_wait3A_121, %dma_wait3A_122] : memref<2x10000x128xf32, #tpu.memory_space<hbm>> -> memref<1x10000x128xf32, #tpu.memory_space<hbm>>
      %dma_wait3A_124 = tpu.memref_squeeze %dma_wait3A_123 : memref<1x10000x128xf32, #tpu.memory_space<hbm>> -> memref<10000x128xf32, #tpu.memory_space<hbm>>
      %dma_wait3A_125 = arith.constant 0 : i32
      %dma_wait3A_126 = arith.constant 0 : i32
      %dma_wait3A_127 = tpu.memref_slice %dma_wait3A_124[%dma_wait3A_125, %dma_wait3A_126] : memref<10000x128xf32, #tpu.memory_space<hbm>> -> memref<10000x128xf32, #tpu.memory_space<hbm>>
      tpu.wait_indirect_dma semaphore(%arg14 : memref<!tpu.dma_semaphore, #tpu.memory_space<semaphore_mem>>) src(%dma_wait3A_127 : memref<10000x128xf32, #tpu.memory_space<hbm>>) dst(%arg10 : memref<64x128xf32, #tpu.memory_space<vmem>>)
      %dma_start3A_128 = arith.constant 1 : i32
      %dma_start3A_129 = arith.constant 0 : i32
      %dma_start3A_130 = tpu.memref_slice %arg8[%select_n3A_72, %dma_start3A_128, %dma_start3A_129] : memref<2x8x64xi32, #tpu.memory_space<vmem>> -> memref<1x1x64xi32, #tpu.memory_space<vmem>>
      %dma_start3A_131 = tpu.memref_squeeze %dma_start3A_130 : memref<1x1x64xi32, #tpu.memory_space<vmem>> -> memref<64xi32, #tpu.memory_space<vmem>>
      %dma_start3A_132 = arith.constant 0 : i32
      %dma_start3A_133 = arith.constant 0 : i32
      %dma_start3A_134 = tpu.memref_slice %arg6[%dma_start3A_132, %dma_start3A_133] : memref<10008x128xf32, #tpu.memory_space<vmem_shared>> -> memref<10008x128xf32, #tpu.memory_space<vmem_shared>>
      tpu.enqueue_indirect_dma source(%arg10 : memref<64x128xf32, #tpu.memory_space<vmem>>) target(%dma_start3A_134 : memref<10008x128xf32, #tpu.memory_space<vmem_shared>>) offsets(%dma_start3A_131 : memref<64xi32, #tpu.memory_space<vmem>>) semaphore(%arg18 : memref<!tpu.dma_semaphore, #tpu.memory_space<semaphore_mem>>) {add = true}
      %ge3A_135 = arith.constant 1 : i32
      %ge3A_136 = arith.cmpi sge, %add3A_116, %ge3A_135 : i32
      %convert_element_type3A_137 = arith.extui %ge3A_136 : i1 to i32
      %cond3A_138 = arith.constant 0 : i32
      %cond3A_139 = arith.cmpi ne, %convert_element_type3A_137, %cond3A_138 : i32
      scf.if %cond3A_139 {
        %dma_wait3A_352 = arith.constant 1 : i32
        %dma_wait3A_353 = arith.constant 0 : i32
        %dma_wait3A_354 = tpu.memref_slice %arg8[%select_n3A_72, %dma_wait3A_352, %dma_wait3A_353] : memref<2x8x64xi32, #tpu.memory_space<vmem>> -> memref<1x1x64xi32, #tpu.memory_space<vmem>>
        %dma_wait3A_355 = tpu.memref_squeeze %dma_wait3A_354 : memref<1x1x64xi32, #tpu.memory_space<vmem>> -> memref<64xi32, #tpu.memory_space<vmem>>
        %dma_wait3A_356 = arith.constant 0 : i32
        %dma_wait3A_357 = arith.constant 0 : i32
        %dma_wait3A_358 = tpu.memref_slice %arg6[%dma_wait3A_356, %dma_wait3A_357] : memref<10008x128xf32, #tpu.memory_space<vmem_shared>> -> memref<10008x128xf32, #tpu.memory_space<vmem_shared>>
        tpu.wait_indirect_dma semaphore(%arg17 : memref<!tpu.dma_semaphore, #tpu.memory_space<semaphore_mem>>) src(%arg9 : memref<64x128xf32, #tpu.memory_space<vmem>>) dst(%dma_wait3A_358 : memref<10008x128xf32, #tpu.memory_space<vmem_shared>>)
      } else {
      }
      %add3A_140 = arith.constant 3 : i32
      %add3A_141 = arith.addi %add3A_116, %add3A_140 : i32
      %lt3A_142 = arith.constant 320 : i32
      %lt3A_143 = arith.cmpi slt, %add3A_141, %lt3A_142 : i32
      %convert_element_type3A_144 = arith.extui %lt3A_143 : i1 to i32
      %cond3A_145 = arith.constant 0 : i32
      %cond3A_146 = arith.cmpi ne, %convert_element_type3A_144, %cond3A_145 : i32
      scf.if %cond3A_146 {
        %dma_start3A_352 = arith.constant 4 : i32
        %dma_start3A_353 = arith.constant 0 : i32
        %dma_start3A_354 = tpu.memref_slice %arg7[%select_n3A_72, %dma_start3A_352, %dma_start3A_353] : memref<2x8x64xi32, #tpu.memory_space<vmem>> -> memref<1x1x64xi32, #tpu.memory_space<vmem>>
        %dma_start3A_355 = tpu.memref_squeeze %dma_start3A_354 : memref<1x1x64xi32, #tpu.memory_space<vmem>> -> memref<64xi32, #tpu.memory_space<vmem>>
        %dma_start3A_356 = arith.constant 0 : i32
        %dma_start3A_357 = arith.constant 0 : i32
        %dma_start3A_358 = tpu.memref_slice %arg2[%arg0, %dma_start3A_356, %dma_start3A_357] : memref<2x10000x128xf32, #tpu.memory_space<hbm>> -> memref<1x10000x128xf32, #tpu.memory_space<hbm>>
        %dma_start3A_359 = tpu.memref_squeeze %dma_start3A_358 : memref<1x10000x128xf32, #tpu.memory_space<hbm>> -> memref<10000x128xf32, #tpu.memory_space<hbm>>
        %dma_start3A_360 = arith.constant 0 : i32
        %dma_start3A_361 = arith.constant 0 : i32
        %dma_start3A_362 = tpu.memref_slice %dma_start3A_359[%dma_start3A_360, %dma_start3A_361] : memref<10000x128xf32, #tpu.memory_space<hbm>> -> memref<10000x128xf32, #tpu.memory_space<hbm>>
        tpu.enqueue_indirect_dma source(%dma_start3A_362 : memref<10000x128xf32, #tpu.memory_space<hbm>>) target(%arg9 : memref<64x128xf32, #tpu.memory_space<vmem>>) offsets(%dma_start3A_355 : memref<64xi32, #tpu.memory_space<vmem>>) semaphore(%arg13 : memref<!tpu.dma_semaphore, #tpu.memory_space<semaphore_mem>>)
      } else {
      }
      %mul3A_147 = arith.constant 8 : i32
      %mul3A_148 = arith.muli %mul3A_147, %scan3A_61 : i32
      %add3A_149 = arith.constant 2 : i32
      %add3A_150 = arith.addi %mul3A_148, %add3A_149 : i32
      %dma_wait3A_151 = arith.constant 2 : i32
      %dma_wait3A_152 = arith.constant 0 : i32
      %dma_wait3A_153 = tpu.memref_slice %arg7[%select_n3A_72, %dma_wait3A_151, %dma_wait3A_152] : memref<2x8x64xi32, #tpu.memory_space<vmem>> -> memref<1x1x64xi32, #tpu.memory_space<vmem>>
      %dma_wait3A_154 = tpu.memref_squeeze %dma_wait3A_153 : memref<1x1x64xi32, #tpu.memory_space<vmem>> -> memref<64xi32, #tpu.memory_space<vmem>>
      %dma_wait3A_155 = arith.constant 0 : i32
      %dma_wait3A_156 = arith.constant 0 : i32
      %dma_wait3A_157 = tpu.memref_slice %arg2[%arg0, %dma_wait3A_155, %dma_wait3A_156] : memref<2x10000x128xf32, #tpu.memory_space<hbm>> -> memref<1x10000x128xf32, #tpu.memory_space<hbm>>
      %dma_wait3A_158 = tpu.memref_squeeze %dma_wait3A_157 : memref<1x10000x128xf32, #tpu.memory_space<hbm>> -> memref<10000x128xf32, #tpu.memory_space<hbm>>
      %dma_wait3A_159 = arith.constant 0 : i32
      %dma_wait3A_160 = arith.constant 0 : i32
      %dma_wait3A_161 = tpu.memref_slice %dma_wait3A_158[%dma_wait3A_159, %dma_wait3A_160] : memref<10000x128xf32, #tpu.memory_space<hbm>> -> memref<10000x128xf32, #tpu.memory_space<hbm>>
      tpu.wait_indirect_dma semaphore(%arg15 : memref<!tpu.dma_semaphore, #tpu.memory_space<semaphore_mem>>) src(%dma_wait3A_161 : memref<10000x128xf32, #tpu.memory_space<hbm>>) dst(%arg11 : memref<64x128xf32, #tpu.memory_space<vmem>>)
      %dma_start3A_162 = arith.constant 2 : i32
      %dma_start3A_163 = arith.constant 0 : i32
      %dma_start3A_164 = tpu.memref_slice %arg8[%select_n3A_72, %dma_start3A_162, %dma_start3A_163] : memref<2x8x64xi32, #tpu.memory_space<vmem>> -> memref<1x1x64xi32, #tpu.memory_space<vmem>>
      %dma_start3A_165 = tpu.memref_squeeze %dma_start3A_164 : memref<1x1x64xi32, #tpu.memory_space<vmem>> -> memref<64xi32, #tpu.memory_space<vmem>>
      %dma_start3A_166 = arith.constant 0 : i32
      %dma_start3A_167 = arith.constant 0 : i32
      %dma_start3A_168 = tpu.memref_slice %arg6[%dma_start3A_166, %dma_start3A_167] : memref<10008x128xf32, #tpu.memory_space<vmem_shared>> -> memref<10008x128xf32, #tpu.memory_space<vmem_shared>>
      tpu.enqueue_indirect_dma source(%arg11 : memref<64x128xf32, #tpu.memory_space<vmem>>) target(%dma_start3A_168 : memref<10008x128xf32, #tpu.memory_space<vmem_shared>>) offsets(%dma_start3A_165 : memref<64xi32, #tpu.memory_space<vmem>>) semaphore(%arg19 : memref<!tpu.dma_semaphore, #tpu.memory_space<semaphore_mem>>) {add = true}
      %ge3A_169 = arith.constant 1 : i32
      %ge3A_170 = arith.cmpi sge, %add3A_150, %ge3A_169 : i32
      %convert_element_type3A_171 = arith.extui %ge3A_170 : i1 to i32
      %cond3A_172 = arith.constant 0 : i32
      %cond3A_173 = arith.cmpi ne, %convert_element_type3A_171, %cond3A_172 : i32
      scf.if %cond3A_173 {
        %dma_wait3A_352 = arith.constant 2 : i32
        %dma_wait3A_353 = arith.constant 0 : i32
        %dma_wait3A_354 = tpu.memref_slice %arg8[%select_n3A_72, %dma_wait3A_352, %dma_wait3A_353] : memref<2x8x64xi32, #tpu.memory_space<vmem>> -> memref<1x1x64xi32, #tpu.memory_space<vmem>>
        %dma_wait3A_355 = tpu.memref_squeeze %dma_wait3A_354 : memref<1x1x64xi32, #tpu.memory_space<vmem>> -> memref<64xi32, #tpu.memory_space<vmem>>
        %dma_wait3A_356 = arith.constant 0 : i32
        %dma_wait3A_357 = arith.constant 0 : i32
        %dma_wait3A_358 = tpu.memref_slice %arg6[%dma_wait3A_356, %dma_wait3A_357] : memref<10008x128xf32, #tpu.memory_space<vmem_shared>> -> memref<10008x128xf32, #tpu.memory_space<vmem_shared>>
        tpu.wait_indirect_dma semaphore(%arg18 : memref<!tpu.dma_semaphore, #tpu.memory_space<semaphore_mem>>) src(%arg10 : memref<64x128xf32, #tpu.memory_space<vmem>>) dst(%dma_wait3A_358 : memref<10008x128xf32, #tpu.memory_space<vmem_shared>>)
      } else {
      }
      %add3A_174 = arith.constant 3 : i32
      %add3A_175 = arith.addi %add3A_150, %add3A_174 : i32
      %lt3A_176 = arith.constant 320 : i32
      %lt3A_177 = arith.cmpi slt, %add3A_175, %lt3A_176 : i32
      %convert_element_type3A_178 = arith.extui %lt3A_177 : i1 to i32
      %cond3A_179 = arith.constant 0 : i32
      %cond3A_180 = arith.cmpi ne, %convert_element_type3A_178, %cond3A_179 : i32
      scf.if %cond3A_180 {
        %dma_start3A_352 = arith.constant 5 : i32
        %dma_start3A_353 = arith.constant 0 : i32
        %dma_start3A_354 = tpu.memref_slice %arg7[%select_n3A_72, %dma_start3A_352, %dma_start3A_353] : memref<2x8x64xi32, #tpu.memory_space<vmem>> -> memref<1x1x64xi32, #tpu.memory_space<vmem>>
        %dma_start3A_355 = tpu.memref_squeeze %dma_start3A_354 : memref<1x1x64xi32, #tpu.memory_space<vmem>> -> memref<64xi32, #tpu.memory_space<vmem>>
        %dma_start3A_356 = arith.constant 0 : i32
        %dma_start3A_357 = arith.constant 0 : i32
        %dma_start3A_358 = tpu.memref_slice %arg2[%arg0, %dma_start3A_356, %dma_start3A_357] : memref<2x10000x128xf32, #tpu.memory_space<hbm>> -> memref<1x10000x128xf32, #tpu.memory_space<hbm>>
        %dma_start3A_359 = tpu.memref_squeeze %dma_start3A_358 : memref<1x10000x128xf32, #tpu.memory_space<hbm>> -> memref<10000x128xf32, #tpu.memory_space<hbm>>
        %dma_start3A_360 = arith.constant 0 : i32
        %dma_start3A_361 = arith.constant 0 : i32
        %dma_start3A_362 = tpu.memref_slice %dma_start3A_359[%dma_start3A_360, %dma_start3A_361] : memref<10000x128xf32, #tpu.memory_space<hbm>> -> memref<10000x128xf32, #tpu.memory_space<hbm>>
        tpu.enqueue_indirect_dma source(%dma_start3A_362 : memref<10000x128xf32, #tpu.memory_space<hbm>>) target(%arg10 : memref<64x128xf32, #tpu.memory_space<vmem>>) offsets(%dma_start3A_355 : memref<64xi32, #tpu.memory_space<vmem>>) semaphore(%arg14 : memref<!tpu.dma_semaphore, #tpu.memory_space<semaphore_mem>>)
      } else {
      }
      %mul3A_181 = arith.constant 8 : i32
      %mul3A_182 = arith.muli %mul3A_181, %scan3A_61 : i32
      %add3A_183 = arith.constant 3 : i32
      %add3A_184 = arith.addi %mul3A_182, %add3A_183 : i32
      %dma_wait3A_185 = arith.constant 3 : i32
      %dma_wait3A_186 = arith.constant 0 : i32
      %dma_wait3A_187 = tpu.memref_slice %arg7[%select_n3A_72, %dma_wait3A_185, %dma_wait3A_186] : memref<2x8x64xi32, #tpu.memory_space<vmem>> -> memref<1x1x64xi32, #tpu.memory_space<vmem>>
      %dma_wait3A_188 = tpu.memref_squeeze %dma_wait3A_187 : memref<1x1x64xi32, #tpu.memory_space<vmem>> -> memref<64xi32, #tpu.memory_space<vmem>>
      %dma_wait3A_189 = arith.constant 0 : i32
      %dma_wait3A_190 = arith.constant 0 : i32
      %dma_wait3A_191 = tpu.memref_slice %arg2[%arg0, %dma_wait3A_189, %dma_wait3A_190] : memref<2x10000x128xf32, #tpu.memory_space<hbm>> -> memref<1x10000x128xf32, #tpu.memory_space<hbm>>
      %dma_wait3A_192 = tpu.memref_squeeze %dma_wait3A_191 : memref<1x10000x128xf32, #tpu.memory_space<hbm>> -> memref<10000x128xf32, #tpu.memory_space<hbm>>
      %dma_wait3A_193 = arith.constant 0 : i32
      %dma_wait3A_194 = arith.constant 0 : i32
      %dma_wait3A_195 = tpu.memref_slice %dma_wait3A_192[%dma_wait3A_193, %dma_wait3A_194] : memref<10000x128xf32, #tpu.memory_space<hbm>> -> memref<10000x128xf32, #tpu.memory_space<hbm>>
      tpu.wait_indirect_dma semaphore(%arg16 : memref<!tpu.dma_semaphore, #tpu.memory_space<semaphore_mem>>) src(%dma_wait3A_195 : memref<10000x128xf32, #tpu.memory_space<hbm>>) dst(%arg12 : memref<64x128xf32, #tpu.memory_space<vmem>>)
      %dma_start3A_196 = arith.constant 3 : i32
      %dma_start3A_197 = arith.constant 0 : i32
      %dma_start3A_198 = tpu.memref_slice %arg8[%select_n3A_72, %dma_start3A_196, %dma_start3A_197] : memref<2x8x64xi32, #tpu.memory_space<vmem>> -> memref<1x1x64xi32, #tpu.memory_space<vmem>>
      %dma_start3A_199 = tpu.memref_squeeze %dma_start3A_198 : memref<1x1x64xi32, #tpu.memory_space<vmem>> -> memref<64xi32, #tpu.memory_space<vmem>>
      %dma_start3A_200 = arith.constant 0 : i32
      %dma_start3A_201 = arith.constant 0 : i32
      %dma_start3A_202 = tpu.memref_slice %arg6[%dma_start3A_200, %dma_start3A_201] : memref<10008x128xf32, #tpu.memory_space<vmem_shared>> -> memref<10008x128xf32, #tpu.memory_space<vmem_shared>>
      tpu.enqueue_indirect_dma source(%arg12 : memref<64x128xf32, #tpu.memory_space<vmem>>) target(%dma_start3A_202 : memref<10008x128xf32, #tpu.memory_space<vmem_shared>>) offsets(%dma_start3A_199 : memref<64xi32, #tpu.memory_space<vmem>>) semaphore(%arg20 : memref<!tpu.dma_semaphore, #tpu.memory_space<semaphore_mem>>) {add = true}
      %ge3A_203 = arith.constant 1 : i32
      %ge3A_204 = arith.cmpi sge, %add3A_184, %ge3A_203 : i32
      %convert_element_type3A_205 = arith.extui %ge3A_204 : i1 to i32
      %cond3A_206 = arith.constant 0 : i32
      %cond3A_207 = arith.cmpi ne, %convert_element_type3A_205, %cond3A_206 : i32
      scf.if %cond3A_207 {
        %dma_wait3A_352 = arith.constant 3 : i32
        %dma_wait3A_353 = arith.constant 0 : i32
        %dma_wait3A_354 = tpu.memref_slice %arg8[%select_n3A_72, %dma_wait3A_352, %dma_wait3A_353] : memref<2x8x64xi32, #tpu.memory_space<vmem>> -> memref<1x1x64xi32, #tpu.memory_space<vmem>>
        %dma_wait3A_355 = tpu.memref_squeeze %dma_wait3A_354 : memref<1x1x64xi32, #tpu.memory_space<vmem>> -> memref<64xi32, #tpu.memory_space<vmem>>
        %dma_wait3A_356 = arith.constant 0 : i32
        %dma_wait3A_357 = arith.constant 0 : i32
        %dma_wait3A_358 = tpu.memref_slice %arg6[%dma_wait3A_356, %dma_wait3A_357] : memref<10008x128xf32, #tpu.memory_space<vmem_shared>> -> memref<10008x128xf32, #tpu.memory_space<vmem_shared>>
        tpu.wait_indirect_dma semaphore(%arg19 : memref<!tpu.dma_semaphore, #tpu.memory_space<semaphore_mem>>) src(%arg11 : memref<64x128xf32, #tpu.memory_space<vmem>>) dst(%dma_wait3A_358 : memref<10008x128xf32, #tpu.memory_space<vmem_shared>>)
      } else {
      }
      %add3A_208 = arith.constant 3 : i32
      %add3A_209 = arith.addi %add3A_184, %add3A_208 : i32
      %lt3A_210 = arith.constant 320 : i32
      %lt3A_211 = arith.cmpi slt, %add3A_209, %lt3A_210 : i32
      %convert_element_type3A_212 = arith.extui %lt3A_211 : i1 to i32
      %cond3A_213 = arith.constant 0 : i32
      %cond3A_214 = arith.cmpi ne, %convert_element_type3A_212, %cond3A_213 : i32
      scf.if %cond3A_214 {
        %dma_start3A_352 = arith.constant 6 : i32
        %dma_start3A_353 = arith.constant 0 : i32
        %dma_start3A_354 = tpu.memref_slice %arg7[%select_n3A_72, %dma_start3A_352, %dma_start3A_353] : memref<2x8x64xi32, #tpu.memory_space<vmem>> -> memref<1x1x64xi32, #tpu.memory_space<vmem>>
        %dma_start3A_355 = tpu.memref_squeeze %dma_start3A_354 : memref<1x1x64xi32, #tpu.memory_space<vmem>> -> memref<64xi32, #tpu.memory_space<vmem>>
        %dma_start3A_356 = arith.constant 0 : i32
        %dma_start3A_357 = arith.constant 0 : i32
        %dma_start3A_358 = tpu.memref_slice %arg2[%arg0, %dma_start3A_356, %dma_start3A_357] : memref<2x10000x128xf32, #tpu.memory_space<hbm>> -> memref<1x10000x128xf32, #tpu.memory_space<hbm>>
        %dma_start3A_359 = tpu.memref_squeeze %dma_start3A_358 : memref<1x10000x128xf32, #tpu.memory_space<hbm>> -> memref<10000x128xf32, #tpu.memory_space<hbm>>
        %dma_start3A_360 = arith.constant 0 : i32
        %dma_start3A_361 = arith.constant 0 : i32
        %dma_start3A_362 = tpu.memref_slice %dma_start3A_359[%dma_start3A_360, %dma_start3A_361] : memref<10000x128xf32, #tpu.memory_space<hbm>> -> memref<10000x128xf32, #tpu.memory_space<hbm>>
        tpu.enqueue_indirect_dma source(%dma_start3A_362 : memref<10000x128xf32, #tpu.memory_space<hbm>>) target(%arg11 : memref<64x128xf32, #tpu.memory_space<vmem>>) offsets(%dma_start3A_355 : memref<64xi32, #tpu.memory_space<vmem>>) semaphore(%arg15 : memref<!tpu.dma_semaphore, #tpu.memory_space<semaphore_mem>>)
      } else {
      }
      %mul3A_215 = arith.constant 8 : i32
      %mul3A_216 = arith.muli %mul3A_215, %scan3A_61 : i32
      %add3A_217 = arith.constant 4 : i32
      %add3A_218 = arith.addi %mul3A_216, %add3A_217 : i32
      %dma_wait3A_219 = arith.constant 4 : i32
      %dma_wait3A_220 = arith.constant 0 : i32
      %dma_wait3A_221 = tpu.memref_slice %arg7[%select_n3A_72, %dma_wait3A_219, %dma_wait3A_220] : memref<2x8x64xi32, #tpu.memory_space<vmem>> -> memref<1x1x64xi32, #tpu.memory_space<vmem>>
      %dma_wait3A_222 = tpu.memref_squeeze %dma_wait3A_221 : memref<1x1x64xi32, #tpu.memory_space<vmem>> -> memref<64xi32, #tpu.memory_space<vmem>>
      %dma_wait3A_223 = arith.constant 0 : i32
      %dma_wait3A_224 = arith.constant 0 : i32
      %dma_wait3A_225 = tpu.memref_slice %arg2[%arg0, %dma_wait3A_223, %dma_wait3A_224] : memref<2x10000x128xf32, #tpu.memory_space<hbm>> -> memref<1x10000x128xf32, #tpu.memory_space<hbm>>
      %dma_wait3A_226 = tpu.memref_squeeze %dma_wait3A_225 : memref<1x10000x128xf32, #tpu.memory_space<hbm>> -> memref<10000x128xf32, #tpu.memory_space<hbm>>
      %dma_wait3A_227 = arith.constant 0 : i32
      %dma_wait3A_228 = arith.constant 0 : i32
      %dma_wait3A_229 = tpu.memref_slice %dma_wait3A_226[%dma_wait3A_227, %dma_wait3A_228] : memref<10000x128xf32, #tpu.memory_space<hbm>> -> memref<10000x128xf32, #tpu.memory_space<hbm>>
      tpu.wait_indirect_dma semaphore(%arg13 : memref<!tpu.dma_semaphore, #tpu.memory_space<semaphore_mem>>) src(%dma_wait3A_229 : memref<10000x128xf32, #tpu.memory_space<hbm>>) dst(%arg9 : memref<64x128xf32, #tpu.memory_space<vmem>>)
      %dma_start3A_230 = arith.constant 4 : i32
      %dma_start3A_231 = arith.constant 0 : i32
      %dma_start3A_232 = tpu.memref_slice %arg8[%select_n3A_72, %dma_start3A_230, %dma_start3A_231] : memref<2x8x64xi32, #tpu.memory_space<vmem>> -> memref<1x1x64xi32, #tpu.memory_space<vmem>>
      %dma_start3A_233 = tpu.memref_squeeze %dma_start3A_232 : memref<1x1x64xi32, #tpu.memory_space<vmem>> -> memref<64xi32, #tpu.memory_space<vmem>>
      %dma_start3A_234 = arith.constant 0 : i32
      %dma_start3A_235 = arith.constant 0 : i32
      %dma_start3A_236 = tpu.memref_slice %arg6[%dma_start3A_234, %dma_start3A_235] : memref<10008x128xf32, #tpu.memory_space<vmem_shared>> -> memref<10008x128xf32, #tpu.memory_space<vmem_shared>>
      tpu.enqueue_indirect_dma source(%arg9 : memref<64x128xf32, #tpu.memory_space<vmem>>) target(%dma_start3A_236 : memref<10008x128xf32, #tpu.memory_space<vmem_shared>>) offsets(%dma_start3A_233 : memref<64xi32, #tpu.memory_space<vmem>>) semaphore(%arg17 : memref<!tpu.dma_semaphore, #tpu.memory_space<semaphore_mem>>) {add = true}
      %ge3A_237 = arith.constant 1 : i32
      %ge3A_238 = arith.cmpi sge, %add3A_218, %ge3A_237 : i32
      %convert_element_type3A_239 = arith.extui %ge3A_238 : i1 to i32
      %cond3A_240 = arith.constant 0 : i32
      %cond3A_241 = arith.cmpi ne, %convert_element_type3A_239, %cond3A_240 : i32
      scf.if %cond3A_241 {
        %dma_wait3A_352 = arith.constant 4 : i32
        %dma_wait3A_353 = arith.constant 0 : i32
        %dma_wait3A_354 = tpu.memref_slice %arg8[%select_n3A_72, %dma_wait3A_352, %dma_wait3A_353] : memref<2x8x64xi32, #tpu.memory_space<vmem>> -> memref<1x1x64xi32, #tpu.memory_space<vmem>>
        %dma_wait3A_355 = tpu.memref_squeeze %dma_wait3A_354 : memref<1x1x64xi32, #tpu.memory_space<vmem>> -> memref<64xi32, #tpu.memory_space<vmem>>
        %dma_wait3A_356 = arith.constant 0 : i32
        %dma_wait3A_357 = arith.constant 0 : i32
        %dma_wait3A_358 = tpu.memref_slice %arg6[%dma_wait3A_356, %dma_wait3A_357] : memref<10008x128xf32, #tpu.memory_space<vmem_shared>> -> memref<10008x128xf32, #tpu.memory_space<vmem_shared>>
        tpu.wait_indirect_dma semaphore(%arg20 : memref<!tpu.dma_semaphore, #tpu.memory_space<semaphore_mem>>) src(%arg12 : memref<64x128xf32, #tpu.memory_space<vmem>>) dst(%dma_wait3A_358 : memref<10008x128xf32, #tpu.memory_space<vmem_shared>>)
      } else {
      }
      %add3A_242 = arith.constant 3 : i32
      %add3A_243 = arith.addi %add3A_218, %add3A_242 : i32
      %lt3A_244 = arith.constant 320 : i32
      %lt3A_245 = arith.cmpi slt, %add3A_243, %lt3A_244 : i32
      %convert_element_type3A_246 = arith.extui %lt3A_245 : i1 to i32
      %cond3A_247 = arith.constant 0 : i32
      %cond3A_248 = arith.cmpi ne, %convert_element_type3A_246, %cond3A_247 : i32
      scf.if %cond3A_248 {
        %dma_start3A_352 = arith.constant 7 : i32
        %dma_start3A_353 = arith.constant 0 : i32
        %dma_start3A_354 = tpu.memref_slice %arg7[%select_n3A_72, %dma_start3A_352, %dma_start3A_353] : memref<2x8x64xi32, #tpu.memory_space<vmem>> -> memref<1x1x64xi32, #tpu.memory_space<vmem>>
        %dma_start3A_355 = tpu.memref_squeeze %dma_start3A_354 : memref<1x1x64xi32, #tpu.memory_space<vmem>> -> memref<64xi32, #tpu.memory_space<vmem>>
        %dma_start3A_356 = arith.constant 0 : i32
        %dma_start3A_357 = arith.constant 0 : i32
        %dma_start3A_358 = tpu.memref_slice %arg2[%arg0, %dma_start3A_356, %dma_start3A_357] : memref<2x10000x128xf32, #tpu.memory_space<hbm>> -> memref<1x10000x128xf32, #tpu.memory_space<hbm>>
        %dma_start3A_359 = tpu.memref_squeeze %dma_start3A_358 : memref<1x10000x128xf32, #tpu.memory_space<hbm>> -> memref<10000x128xf32, #tpu.memory_space<hbm>>
        %dma_start3A_360 = arith.constant 0 : i32
        %dma_start3A_361 = arith.constant 0 : i32
        %dma_start3A_362 = tpu.memref_slice %dma_start3A_359[%dma_start3A_360, %dma_start3A_361] : memref<10000x128xf32, #tpu.memory_space<hbm>> -> memref<10000x128xf32, #tpu.memory_space<hbm>>
        tpu.enqueue_indirect_dma source(%dma_start3A_362 : memref<10000x128xf32, #tpu.memory_space<hbm>>) target(%arg12 : memref<64x128xf32, #tpu.memory_space<vmem>>) offsets(%dma_start3A_355 : memref<64xi32, #tpu.memory_space<vmem>>) semaphore(%arg16 : memref<!tpu.dma_semaphore, #tpu.memory_space<semaphore_mem>>)
      } else {
      }
      %mul3A_249 = arith.constant 8 : i32
      %mul3A_250 = arith.muli %mul3A_249, %scan3A_61 : i32
      %add3A_251 = arith.constant 5 : i32
      %add3A_252 = arith.addi %mul3A_250, %add3A_251 : i32
      %dma_wait3A_253 = arith.constant 5 : i32
      %dma_wait3A_254 = arith.constant 0 : i32
      %dma_wait3A_255 = tpu.memref_slice %arg7[%select_n3A_72, %dma_wait3A_253, %dma_wait3A_254] : memref<2x8x64xi32, #tpu.memory_space<vmem>> -> memref<1x1x64xi32, #tpu.memory_space<vmem>>
      %dma_wait3A_256 = tpu.memref_squeeze %dma_wait3A_255 : memref<1x1x64xi32, #tpu.memory_space<vmem>> -> memref<64xi32, #tpu.memory_space<vmem>>
      %dma_wait3A_257 = arith.constant 0 : i32
      %dma_wait3A_258 = arith.constant 0 : i32
      %dma_wait3A_259 = tpu.memref_slice %arg2[%arg0, %dma_wait3A_257, %dma_wait3A_258] : memref<2x10000x128xf32, #tpu.memory_space<hbm>> -> memref<1x10000x128xf32, #tpu.memory_space<hbm>>
      %dma_wait3A_260 = tpu.memref_squeeze %dma_wait3A_259 : memref<1x10000x128xf32, #tpu.memory_space<hbm>> -> memref<10000x128xf32, #tpu.memory_space<hbm>>
      %dma_wait3A_261 = arith.constant 0 : i32
      %dma_wait3A_262 = arith.constant 0 : i32
      %dma_wait3A_263 = tpu.memref_slice %dma_wait3A_260[%dma_wait3A_261, %dma_wait3A_262] : memref<10000x128xf32, #tpu.memory_space<hbm>> -> memref<10000x128xf32, #tpu.memory_space<hbm>>
      tpu.wait_indirect_dma semaphore(%arg14 : memref<!tpu.dma_semaphore, #tpu.memory_space<semaphore_mem>>) src(%dma_wait3A_263 : memref<10000x128xf32, #tpu.memory_space<hbm>>) dst(%arg10 : memref<64x128xf32, #tpu.memory_space<vmem>>)
      %dma_start3A_264 = arith.constant 5 : i32
      %dma_start3A_265 = arith.constant 0 : i32
      %dma_start3A_266 = tpu.memref_slice %arg8[%select_n3A_72, %dma_start3A_264, %dma_start3A_265] : memref<2x8x64xi32, #tpu.memory_space<vmem>> -> memref<1x1x64xi32, #tpu.memory_space<vmem>>
      %dma_start3A_267 = tpu.memref_squeeze %dma_start3A_266 : memref<1x1x64xi32, #tpu.memory_space<vmem>> -> memref<64xi32, #tpu.memory_space<vmem>>
      %dma_start3A_268 = arith.constant 0 : i32
      %dma_start3A_269 = arith.constant 0 : i32
      %dma_start3A_270 = tpu.memref_slice %arg6[%dma_start3A_268, %dma_start3A_269] : memref<10008x128xf32, #tpu.memory_space<vmem_shared>> -> memref<10008x128xf32, #tpu.memory_space<vmem_shared>>
      tpu.enqueue_indirect_dma source(%arg10 : memref<64x128xf32, #tpu.memory_space<vmem>>) target(%dma_start3A_270 : memref<10008x128xf32, #tpu.memory_space<vmem_shared>>) offsets(%dma_start3A_267 : memref<64xi32, #tpu.memory_space<vmem>>) semaphore(%arg18 : memref<!tpu.dma_semaphore, #tpu.memory_space<semaphore_mem>>) {add = true}
      %ge3A_271 = arith.constant 1 : i32
      %ge3A_272 = arith.cmpi sge, %add3A_252, %ge3A_271 : i32
      %convert_element_type3A_273 = arith.extui %ge3A_272 : i1 to i32
      %cond3A_274 = arith.constant 0 : i32
      %cond3A_275 = arith.cmpi ne, %convert_element_type3A_273, %cond3A_274 : i32
      scf.if %cond3A_275 {
        %dma_wait3A_352 = arith.constant 5 : i32
        %dma_wait3A_353 = arith.constant 0 : i32
        %dma_wait3A_354 = tpu.memref_slice %arg8[%select_n3A_72, %dma_wait3A_352, %dma_wait3A_353] : memref<2x8x64xi32, #tpu.memory_space<vmem>> -> memref<1x1x64xi32, #tpu.memory_space<vmem>>
        %dma_wait3A_355 = tpu.memref_squeeze %dma_wait3A_354 : memref<1x1x64xi32, #tpu.memory_space<vmem>> -> memref<64xi32, #tpu.memory_space<vmem>>
        %dma_wait3A_356 = arith.constant 0 : i32
        %dma_wait3A_357 = arith.constant 0 : i32
        %dma_wait3A_358 = tpu.memref_slice %arg6[%dma_wait3A_356, %dma_wait3A_357] : memref<10008x128xf32, #tpu.memory_space<vmem_shared>> -> memref<10008x128xf32, #tpu.memory_space<vmem_shared>>
        tpu.wait_indirect_dma semaphore(%arg17 : memref<!tpu.dma_semaphore, #tpu.memory_space<semaphore_mem>>) src(%arg9 : memref<64x128xf32, #tpu.memory_space<vmem>>) dst(%dma_wait3A_358 : memref<10008x128xf32, #tpu.memory_space<vmem_shared>>)
      } else {
      }
      %add3A_276 = arith.constant 1 : i32
      %add3A_277 = arith.addi %scan3A_61, %add3A_276 : i32
      %lt3A_278 = arith.constant 40 : i32
      %lt3A_279 = arith.cmpi slt, %add3A_277, %lt3A_278 : i32
      %convert_element_type3A_280 = arith.extui %lt3A_279 : i1 to i32
      %cond3A_281 = arith.constant 0 : i32
      %cond3A_282 = arith.cmpi ne, %convert_element_type3A_280, %cond3A_281 : i32
      scf.if %cond3A_282 {
        %dma_wait3A_352 = arith.constant 0 : i32
        %dma_wait3A_353 = arith.constant 0 : i32
        %dma_wait3A_354 = tpu.memref_slice %arg7[%select_n3A_72, %dma_wait3A_352, %dma_wait3A_353] : memref<2x8x64xi32, #tpu.memory_space<vmem>> -> memref<1x8x64xi32, #tpu.memory_space<vmem>>
        %dma_wait3A_355 = tpu.memref_squeeze %dma_wait3A_354 : memref<1x8x64xi32, #tpu.memory_space<vmem>> -> memref<8x64xi32, #tpu.memory_space<vmem>>
        %dma_wait3A_356 = arith.constant 0 : i32
        %dma_wait3A_357 = arith.constant 0 : i32
        %dma_wait3A_358 = tpu.memref_slice %arg3[%arg1, %scan3A_61, %dma_wait3A_356, %dma_wait3A_357] : memref<16x40x8x64xi32, #tpu.memory_space<hbm>> -> memref<1x1x8x64xi32, #tpu.memory_space<hbm>>
        %dma_wait3A_359 = tpu.memref_squeeze %dma_wait3A_358 : memref<1x1x8x64xi32, #tpu.memory_space<hbm>> -> memref<8x64xi32, #tpu.memory_space<hbm>>
        %dma_wait3A_360 = arith.constant 0 : i32
        %dma_wait3A_361 = arith.constant 0 : i32
        %dma_wait3A_362 = tpu.memref_slice %arg7[%select_n3A_72, %dma_wait3A_360, %dma_wait3A_361] : memref<2x8x64xi32, #tpu.memory_space<vmem>> -> memref<1x8x64xi32, #tpu.memory_space<vmem>>
        %dma_wait3A_363 = tpu.memref_squeeze %dma_wait3A_362 : memref<1x8x64xi32, #tpu.memory_space<vmem>> -> memref<8x64xi32, #tpu.memory_space<vmem>>
        %dma_wait3A_364 = arith.constant 0 : i32
        %dma_wait3A_365 = arith.constant 0 : i32
        %dma_wait3A_366 = tpu.memref_slice %arg3[%arg1, %scan3A_61, %dma_wait3A_364, %dma_wait3A_365] : memref<16x40x8x64xi32, #tpu.memory_space<hbm>> -> memref<1x1x8x64xi32, #tpu.memory_space<hbm>>
        %dma_wait3A_367 = tpu.memref_squeeze %dma_wait3A_366 : memref<1x1x8x64xi32, #tpu.memory_space<hbm>> -> memref<8x64xi32, #tpu.memory_space<hbm>>
        tpu.wait_dma2 semaphore(%arg21 : memref<!tpu.dma_semaphore, #tpu.memory_space<semaphore_mem>>) src(%dma_wait3A_367 : memref<8x64xi32, #tpu.memory_space<hbm>>) dst(%dma_wait3A_363 : memref<8x64xi32, #tpu.memory_space<vmem>>)
        %dma_wait3A_368 = arith.constant 0 : i32
        %dma_wait3A_369 = arith.constant 0 : i32
        %dma_wait3A_370 = tpu.memref_slice %arg8[%select_n3A_72, %dma_wait3A_368, %dma_wait3A_369] : memref<2x8x64xi32, #tpu.memory_space<vmem>> -> memref<1x8x64xi32, #tpu.memory_space<vmem>>
        %dma_wait3A_371 = tpu.memref_squeeze %dma_wait3A_370 : memref<1x8x64xi32, #tpu.memory_space<vmem>> -> memref<8x64xi32, #tpu.memory_space<vmem>>
        %dma_wait3A_372 = arith.constant 0 : i32
        %dma_wait3A_373 = arith.constant 0 : i32
        %dma_wait3A_374 = tpu.memref_slice %arg4[%arg1, %scan3A_61, %dma_wait3A_372, %dma_wait3A_373] : memref<16x40x8x64xi32, #tpu.memory_space<hbm>> -> memref<1x1x8x64xi32, #tpu.memory_space<hbm>>
        %dma_wait3A_375 = tpu.memref_squeeze %dma_wait3A_374 : memref<1x1x8x64xi32, #tpu.memory_space<hbm>> -> memref<8x64xi32, #tpu.memory_space<hbm>>
        %dma_wait3A_376 = arith.constant 0 : i32
        %dma_wait3A_377 = arith.constant 0 : i32
        %dma_wait3A_378 = tpu.memref_slice %arg8[%select_n3A_72, %dma_wait3A_376, %dma_wait3A_377] : memref<2x8x64xi32, #tpu.memory_space<vmem>> -> memref<1x8x64xi32, #tpu.memory_space<vmem>>
        %dma_wait3A_379 = tpu.memref_squeeze %dma_wait3A_378 : memref<1x8x64xi32, #tpu.memory_space<vmem>> -> memref<8x64xi32, #tpu.memory_space<vmem>>
        %dma_wait3A_380 = arith.constant 0 : i32
        %dma_wait3A_381 = arith.constant 0 : i32
        %dma_wait3A_382 = tpu.memref_slice %arg4[%arg1, %scan3A_61, %dma_wait3A_380, %dma_wait3A_381] : memref<16x40x8x64xi32, #tpu.memory_space<hbm>> -> memref<1x1x8x64xi32, #tpu.memory_space<hbm>>
        %dma_wait3A_383 = tpu.memref_squeeze %dma_wait3A_382 : memref<1x1x8x64xi32, #tpu.memory_space<hbm>> -> memref<8x64xi32, #tpu.memory_space<hbm>>
        tpu.wait_dma2 semaphore(%arg22 : memref<!tpu.dma_semaphore, #tpu.memory_space<semaphore_mem>>) src(%dma_wait3A_383 : memref<8x64xi32, #tpu.memory_space<hbm>>) dst(%dma_wait3A_379 : memref<8x64xi32, #tpu.memory_space<vmem>>)
        %sub3A = arith.constant 1 : i32
        %sub3A_384 = arith.subi %sub3A, %select_n3A_72 : i32
        %dma_start3A_385 = arith.constant 0 : i32
        %dma_start3A_386 = arith.constant 0 : i32
        %dma_start3A_387 = tpu.memref_slice %arg7[%sub3A_384, %dma_start3A_385, %dma_start3A_386] : memref<2x8x64xi32, #tpu.memory_space<vmem>> -> memref<1x1x64xi32, #tpu.memory_space<vmem>>
        %dma_start3A_388 = tpu.memref_squeeze %dma_start3A_387 : memref<1x1x64xi32, #tpu.memory_space<vmem>> -> memref<64xi32, #tpu.memory_space<vmem>>
        %dma_start3A_389 = arith.constant 0 : i32
        %dma_start3A_390 = arith.constant 0 : i32
        %dma_start3A_391 = tpu.memref_slice %arg2[%arg0, %dma_start3A_389, %dma_start3A_390] : memref<2x10000x128xf32, #tpu.memory_space<hbm>> -> memref<1x10000x128xf32, #tpu.memory_space<hbm>>
        %dma_start3A_392 = tpu.memref_squeeze %dma_start3A_391 : memref<1x10000x128xf32, #tpu.memory_space<hbm>> -> memref<10000x128xf32, #tpu.memory_space<hbm>>
        %dma_start3A_393 = arith.constant 0 : i32
        %dma_start3A_394 = arith.constant 0 : i32
        %dma_start3A_395 = tpu.memref_slice %dma_start3A_392[%dma_start3A_393, %dma_start3A_394] : memref<10000x128xf32, #tpu.memory_space<hbm>> -> memref<10000x128xf32, #tpu.memory_space<hbm>>
        tpu.enqueue_indirect_dma source(%dma_start3A_395 : memref<10000x128xf32, #tpu.memory_space<hbm>>) target(%arg9 : memref<64x128xf32, #tpu.memory_space<vmem>>) offsets(%dma_start3A_388 : memref<64xi32, #tpu.memory_space<vmem>>) semaphore(%arg13 : memref<!tpu.dma_semaphore, #tpu.memory_space<semaphore_mem>>)
      } else {
      }
      %mul3A_283 = arith.constant 8 : i32
      %mul3A_284 = arith.muli %mul3A_283, %scan3A_61 : i32
      %add3A_285 = arith.constant 6 : i32
      %add3A_286 = arith.addi %mul3A_284, %add3A_285 : i32
      %dma_wait3A_287 = arith.constant 6 : i32
      %dma_wait3A_288 = arith.constant 0 : i32
      %dma_wait3A_289 = tpu.memref_slice %arg7[%select_n3A_72, %dma_wait3A_287, %dma_wait3A_288] : memref<2x8x64xi32, #tpu.memory_space<vmem>> -> memref<1x1x64xi32, #tpu.memory_space<vmem>>
      %dma_wait3A_290 = tpu.memref_squeeze %dma_wait3A_289 : memref<1x1x64xi32, #tpu.memory_space<vmem>> -> memref<64xi32, #tpu.memory_space<vmem>>
      %dma_wait3A_291 = arith.constant 0 : i32
      %dma_wait3A_292 = arith.constant 0 : i32
      %dma_wait3A_293 = tpu.memref_slice %arg2[%arg0, %dma_wait3A_291, %dma_wait3A_292] : memref<2x10000x128xf32, #tpu.memory_space<hbm>> -> memref<1x10000x128xf32, #tpu.memory_space<hbm>>
      %dma_wait3A_294 = tpu.memref_squeeze %dma_wait3A_293 : memref<1x10000x128xf32, #tpu.memory_space<hbm>> -> memref<10000x128xf32, #tpu.memory_space<hbm>>
      %dma_wait3A_295 = arith.constant 0 : i32
      %dma_wait3A_296 = arith.constant 0 : i32
      %dma_wait3A_297 = tpu.memref_slice %dma_wait3A_294[%dma_wait3A_295, %dma_wait3A_296] : memref<10000x128xf32, #tpu.memory_space<hbm>> -> memref<10000x128xf32, #tpu.memory_space<hbm>>
      tpu.wait_indirect_dma semaphore(%arg15 : memref<!tpu.dma_semaphore, #tpu.memory_space<semaphore_mem>>) src(%dma_wait3A_297 : memref<10000x128xf32, #tpu.memory_space<hbm>>) dst(%arg11 : memref<64x128xf32, #tpu.memory_space<vmem>>)
      %dma_start3A_298 = arith.constant 6 : i32
      %dma_start3A_299 = arith.constant 0 : i32
      %dma_start3A_300 = tpu.memref_slice %arg8[%select_n3A_72, %dma_start3A_298, %dma_start3A_299] : memref<2x8x64xi32, #tpu.memory_space<vmem>> -> memref<1x1x64xi32, #tpu.memory_space<vmem>>
      %dma_start3A_301 = tpu.memref_squeeze %dma_start3A_300 : memref<1x1x64xi32, #tpu.memory_space<vmem>> -> memref<64xi32, #tpu.memory_space<vmem>>
      %dma_start3A_302 = arith.constant 0 : i32
      %dma_start3A_303 = arith.constant 0 : i32
      %dma_start3A_304 = tpu.memref_slice %arg6[%dma_start3A_302, %dma_start3A_303] : memref<10008x128xf32, #tpu.memory_space<vmem_shared>> -> memref<10008x128xf32, #tpu.memory_space<vmem_shared>>
      tpu.enqueue_indirect_dma source(%arg11 : memref<64x128xf32, #tpu.memory_space<vmem>>) target(%dma_start3A_304 : memref<10008x128xf32, #tpu.memory_space<vmem_shared>>) offsets(%dma_start3A_301 : memref<64xi32, #tpu.memory_space<vmem>>) semaphore(%arg19 : memref<!tpu.dma_semaphore, #tpu.memory_space<semaphore_mem>>) {add = true}
      %ge3A_305 = arith.constant 1 : i32
      %ge3A_306 = arith.cmpi sge, %add3A_286, %ge3A_305 : i32
      %convert_element_type3A_307 = arith.extui %ge3A_306 : i1 to i32
      %cond3A_308 = arith.constant 0 : i32
      %cond3A_309 = arith.cmpi ne, %convert_element_type3A_307, %cond3A_308 : i32
      scf.if %cond3A_309 {
        %dma_wait3A_352 = arith.constant 6 : i32
        %dma_wait3A_353 = arith.constant 0 : i32
        %dma_wait3A_354 = tpu.memref_slice %arg8[%select_n3A_72, %dma_wait3A_352, %dma_wait3A_353] : memref<2x8x64xi32, #tpu.memory_space<vmem>> -> memref<1x1x64xi32, #tpu.memory_space<vmem>>
        %dma_wait3A_355 = tpu.memref_squeeze %dma_wait3A_354 : memref<1x1x64xi32, #tpu.memory_space<vmem>> -> memref<64xi32, #tpu.memory_space<vmem>>
        %dma_wait3A_356 = arith.constant 0 : i32
        %dma_wait3A_357 = arith.constant 0 : i32
        %dma_wait3A_358 = tpu.memref_slice %arg6[%dma_wait3A_356, %dma_wait3A_357] : memref<10008x128xf32, #tpu.memory_space<vmem_shared>> -> memref<10008x128xf32, #tpu.memory_space<vmem_shared>>
        tpu.wait_indirect_dma semaphore(%arg18 : memref<!tpu.dma_semaphore, #tpu.memory_space<semaphore_mem>>) src(%arg10 : memref<64x128xf32, #tpu.memory_space<vmem>>) dst(%dma_wait3A_358 : memref<10008x128xf32, #tpu.memory_space<vmem_shared>>)
      } else {
      }
      %add3A_310 = arith.constant 1 : i32
      %add3A_311 = arith.addi %scan3A_61, %add3A_310 : i32
      %lt3A_312 = arith.constant 40 : i32
      %lt3A_313 = arith.cmpi slt, %add3A_311, %lt3A_312 : i32
      %convert_element_type3A_314 = arith.extui %lt3A_313 : i1 to i32
      %cond3A_315 = arith.constant 0 : i32
      %cond3A_316 = arith.cmpi ne, %convert_element_type3A_314, %cond3A_315 : i32
      scf.if %cond3A_316 {
        %sub3A = arith.constant 1 : i32
        %sub3A_352 = arith.subi %sub3A, %select_n3A_72 : i32
        %dma_start3A_353 = arith.constant 1 : i32
        %dma_start3A_354 = arith.constant 0 : i32
        %dma_start3A_355 = tpu.memref_slice %arg7[%sub3A_352, %dma_start3A_353, %dma_start3A_354] : memref<2x8x64xi32, #tpu.memory_space<vmem>> -> memref<1x1x64xi32, #tpu.memory_space<vmem>>
        %dma_start3A_356 = tpu.memref_squeeze %dma_start3A_355 : memref<1x1x64xi32, #tpu.memory_space<vmem>> -> memref<64xi32, #tpu.memory_space<vmem>>
        %dma_start3A_357 = arith.constant 0 : i32
        %dma_start3A_358 = arith.constant 0 : i32
        %dma_start3A_359 = tpu.memref_slice %arg2[%arg0, %dma_start3A_357, %dma_start3A_358] : memref<2x10000x128xf32, #tpu.memory_space<hbm>> -> memref<1x10000x128xf32, #tpu.memory_space<hbm>>
        %dma_start3A_360 = tpu.memref_squeeze %dma_start3A_359 : memref<1x10000x128xf32, #tpu.memory_space<hbm>> -> memref<10000x128xf32, #tpu.memory_space<hbm>>
        %dma_start3A_361 = arith.constant 0 : i32
        %dma_start3A_362 = arith.constant 0 : i32
        %dma_start3A_363 = tpu.memref_slice %dma_start3A_360[%dma_start3A_361, %dma_start3A_362] : memref<10000x128xf32, #tpu.memory_space<hbm>> -> memref<10000x128xf32, #tpu.memory_space<hbm>>
        tpu.enqueue_indirect_dma source(%dma_start3A_363 : memref<10000x128xf32, #tpu.memory_space<hbm>>) target(%arg10 : memref<64x128xf32, #tpu.memory_space<vmem>>) offsets(%dma_start3A_356 : memref<64xi32, #tpu.memory_space<vmem>>) semaphore(%arg14 : memref<!tpu.dma_semaphore, #tpu.memory_space<semaphore_mem>>)
      } else {
      }
      %mul3A_317 = arith.constant 8 : i32
      %mul3A_318 = arith.muli %mul3A_317, %scan3A_61 : i32
      %add3A_319 = arith.constant 7 : i32
      %add3A_320 = arith.addi %mul3A_318, %add3A_319 : i32
      %dma_wait3A_321 = arith.constant 7 : i32
      %dma_wait3A_322 = arith.constant 0 : i32
      %dma_wait3A_323 = tpu.memref_slice %arg7[%select_n3A_72, %dma_wait3A_321, %dma_wait3A_322] : memref<2x8x64xi32, #tpu.memory_space<vmem>> -> memref<1x1x64xi32, #tpu.memory_space<vmem>>
      %dma_wait3A_324 = tpu.memref_squeeze %dma_wait3A_323 : memref<1x1x64xi32, #tpu.memory_space<vmem>> -> memref<64xi32, #tpu.memory_space<vmem>>
      %dma_wait3A_325 = arith.constant 0 : i32
      %dma_wait3A_326 = arith.constant 0 : i32
      %dma_wait3A_327 = tpu.memref_slice %arg2[%arg0, %dma_wait3A_325, %dma_wait3A_326] : memref<2x10000x128xf32, #tpu.memory_space<hbm>> -> memref<1x10000x128xf32, #tpu.memory_space<hbm>>
      %dma_wait3A_328 = tpu.memref_squeeze %dma_wait3A_327 : memref<1x10000x128xf32, #tpu.memory_space<hbm>> -> memref<10000x128xf32, #tpu.memory_space<hbm>>
      %dma_wait3A_329 = arith.constant 0 : i32
      %dma_wait3A_330 = arith.constant 0 : i32
      %dma_wait3A_331 = tpu.memref_slice %dma_wait3A_328[%dma_wait3A_329, %dma_wait3A_330] : memref<10000x128xf32, #tpu.memory_space<hbm>> -> memref<10000x128xf32, #tpu.memory_space<hbm>>
      tpu.wait_indirect_dma semaphore(%arg16 : memref<!tpu.dma_semaphore, #tpu.memory_space<semaphore_mem>>) src(%dma_wait3A_331 : memref<10000x128xf32, #tpu.memory_space<hbm>>) dst(%arg12 : memref<64x128xf32, #tpu.memory_space<vmem>>)
      %dma_start3A_332 = arith.constant 7 : i32
      %dma_start3A_333 = arith.constant 0 : i32
      %dma_start3A_334 = tpu.memref_slice %arg8[%select_n3A_72, %dma_start3A_332, %dma_start3A_333] : memref<2x8x64xi32, #tpu.memory_space<vmem>> -> memref<1x1x64xi32, #tpu.memory_space<vmem>>
      %dma_start3A_335 = tpu.memref_squeeze %dma_start3A_334 : memref<1x1x64xi32, #tpu.memory_space<vmem>> -> memref<64xi32, #tpu.memory_space<vmem>>
      %dma_start3A_336 = arith.constant 0 : i32
      %dma_start3A_337 = arith.constant 0 : i32
      %dma_start3A_338 = tpu.memref_slice %arg6[%dma_start3A_336, %dma_start3A_337] : memref<10008x128xf32, #tpu.memory_space<vmem_shared>> -> memref<10008x128xf32, #tpu.memory_space<vmem_shared>>
      tpu.enqueue_indirect_dma source(%arg12 : memref<64x128xf32, #tpu.memory_space<vmem>>) target(%dma_start3A_338 : memref<10008x128xf32, #tpu.memory_space<vmem_shared>>) offsets(%dma_start3A_335 : memref<64xi32, #tpu.memory_space<vmem>>) semaphore(%arg20 : memref<!tpu.dma_semaphore, #tpu.memory_space<semaphore_mem>>) {add = true}
      %ge3A_339 = arith.constant 1 : i32
      %ge3A_340 = arith.cmpi sge, %add3A_320, %ge3A_339 : i32
      %convert_element_type3A_341 = arith.extui %ge3A_340 : i1 to i32
      %cond3A_342 = arith.constant 0 : i32
      %cond3A_343 = arith.cmpi ne, %convert_element_type3A_341, %cond3A_342 : i32
      scf.if %cond3A_343 {
        %dma_wait3A_352 = arith.constant 7 : i32
        %dma_wait3A_353 = arith.constant 0 : i32
        %dma_wait3A_354 = tpu.memref_slice %arg8[%select_n3A_72, %dma_wait3A_352, %dma_wait3A_353] : memref<2x8x64xi32, #tpu.memory_space<vmem>> -> memref<1x1x64xi32, #tpu.memory_space<vmem>>
        %dma_wait3A_355 = tpu.memref_squeeze %dma_wait3A_354 : memref<1x1x64xi32, #tpu.memory_space<vmem>> -> memref<64xi32, #tpu.memory_space<vmem>>
        %dma_wait3A_356 = arith.constant 0 : i32
        %dma_wait3A_357 = arith.constant 0 : i32
        %dma_wait3A_358 = tpu.memref_slice %arg6[%dma_wait3A_356, %dma_wait3A_357] : memref<10008x128xf32, #tpu.memory_space<vmem_shared>> -> memref<10008x128xf32, #tpu.memory_space<vmem_shared>>
        tpu.wait_indirect_dma semaphore(%arg19 : memref<!tpu.dma_semaphore, #tpu.memory_space<semaphore_mem>>) src(%arg11 : memref<64x128xf32, #tpu.memory_space<vmem>>) dst(%dma_wait3A_358 : memref<10008x128xf32, #tpu.memory_space<vmem_shared>>)
      } else {
      }
      %add3A_344 = arith.constant 1 : i32
      %add3A_345 = arith.addi %scan3A_61, %add3A_344 : i32
      %lt3A_346 = arith.constant 40 : i32
      %lt3A_347 = arith.cmpi slt, %add3A_345, %lt3A_346 : i32
      %convert_element_type3A_348 = arith.extui %lt3A_347 : i1 to i32
      %cond3A_349 = arith.constant 0 : i32
      %cond3A_350 = arith.cmpi ne, %convert_element_type3A_348, %cond3A_349 : i32
      scf.if %cond3A_350 {
        %sub3A = arith.constant 1 : i32
        %sub3A_352 = arith.subi %sub3A, %select_n3A_72 : i32
        %dma_start3A_353 = arith.constant 2 : i32
        %dma_start3A_354 = arith.constant 0 : i32
        %dma_start3A_355 = tpu.memref_slice %arg7[%sub3A_352, %dma_start3A_353, %dma_start3A_354] : memref<2x8x64xi32, #tpu.memory_space<vmem>> -> memref<1x1x64xi32, #tpu.memory_space<vmem>>
        %dma_start3A_356 = tpu.memref_squeeze %dma_start3A_355 : memref<1x1x64xi32, #tpu.memory_space<vmem>> -> memref<64xi32, #tpu.memory_space<vmem>>
        %dma_start3A_357 = arith.constant 0 : i32
        %dma_start3A_358 = arith.constant 0 : i32
        %dma_start3A_359 = tpu.memref_slice %arg2[%arg0, %dma_start3A_357, %dma_start3A_358] : memref<2x10000x128xf32, #tpu.memory_space<hbm>> -> memref<1x10000x128xf32, #tpu.memory_space<hbm>>
        %dma_start3A_360 = tpu.memref_squeeze %dma_start3A_359 : memref<1x10000x128xf32, #tpu.memory_space<hbm>> -> memref<10000x128xf32, #tpu.memory_space<hbm>>
        %dma_start3A_361 = arith.constant 0 : i32
        %dma_start3A_362 = arith.constant 0 : i32
        %dma_start3A_363 = tpu.memref_slice %dma_start3A_360[%dma_start3A_361, %dma_start3A_362] : memref<10000x128xf32, #tpu.memory_space<hbm>> -> memref<10000x128xf32, #tpu.memory_space<hbm>>
        tpu.enqueue_indirect_dma source(%dma_start3A_363 : memref<10000x128xf32, #tpu.memory_space<hbm>>) target(%arg11 : memref<64x128xf32, #tpu.memory_space<vmem>>) offsets(%dma_start3A_356 : memref<64xi32, #tpu.memory_space<vmem>>) semaphore(%arg15 : memref<!tpu.dma_semaphore, #tpu.memory_space<semaphore_mem>>)
      } else {
      }
      %scan3A_351 = arith.constant 0 : i32
      scf.yield %scan3A_351 : i32
    }
    %scan3A_49 = arith.constant 40 : i32
    %dma_wait3A = arith.constant 1 : i32
    %dma_wait3A_50 = arith.constant 0 : i32
    %dma_wait3A_51 = arith.constant 0 : i32
    %dma_wait3A_52 = tpu.memref_slice %arg8[%dma_wait3A, %dma_wait3A_50, %dma_wait3A_51] : memref<2x8x64xi32, #tpu.memory_space<vmem>> -> memref<1x1x64xi32, #tpu.memory_space<vmem>>
    %dma_wait3A_53 = tpu.memref_squeeze %dma_wait3A_52 : memref<1x1x64xi32, #tpu.memory_space<vmem>> -> memref<64xi32, #tpu.memory_space<vmem>>
    %dma_wait3A_54 = arith.constant 0 : i32
    %dma_wait3A_55 = arith.constant 0 : i32
    %dma_wait3A_56 = tpu.memref_slice %arg6[%dma_wait3A_54, %dma_wait3A_55] : memref<10008x128xf32, #tpu.memory_space<vmem_shared>> -> memref<10008x128xf32, #tpu.memory_space<vmem_shared>>
    tpu.wait_indirect_dma semaphore(%arg20 : memref<!tpu.dma_semaphore, #tpu.memory_space<semaphore_mem>>) src(%arg12 : memref<64x128xf32, #tpu.memory_space<vmem>>) dst(%dma_wait3A_56 : memref<10008x128xf32, #tpu.memory_space<vmem_shared>>)
    %barrier3A_57 = arith.constant 0 : index
    tpu.barrier barrier_id(%barrier3A_57)
    "tpu.region"() ({
      %run_scoped3A_61 = tpu.sem_alloc : memref<!tpu.dma_semaphore, #tpu.memory_space<semaphore_mem>>
      %dma_start3A_62 = arith.constant 0 : i32
      %dma_start3A_63 = tpu.memref_slice %arg5[%arg0, %mul3A_3, %dma_start3A_62] : memref<2x10000x128xf32, #tpu.memory_space<hbm>> -> memref<1x624x128xf32, #tpu.memory_space<hbm>>
      %dma_start3A_64 = tpu.memref_squeeze %dma_start3A_63 : memref<1x624x128xf32, #tpu.memory_space<hbm>> -> memref<624x128xf32, #tpu.memory_space<hbm>>
      %dma_start3A_65 = arith.constant 0 : i32
      %dma_start3A_66 = tpu.memref_slice %arg6[%mul3A_3, %dma_start3A_65] : memref<10008x128xf32, #tpu.memory_space<vmem_shared>> -> memref<624x128xf32, #tpu.memory_space<vmem_shared>>
      tpu.enqueue_dma source(%dma_start3A_66 : memref<624x128xf32, #tpu.memory_space<vmem_shared>>) target(%dma_start3A_64 : memref<624x128xf32, #tpu.memory_space<hbm>>) target_semaphore(%run_scoped3A_61 : memref<!tpu.dma_semaphore, #tpu.memory_space<semaphore_mem>>)
      %dma_wait3A_67 = arith.constant 0 : i32
      %dma_wait3A_68 = tpu.memref_slice %arg5[%arg0, %mul3A_3, %dma_wait3A_67] : memref<2x10000x128xf32, #tpu.memory_space<hbm>> -> memref<1x624x128xf32, #tpu.memory_space<hbm>>
      %dma_wait3A_69 = tpu.memref_squeeze %dma_wait3A_68 : memref<1x624x128xf32, #tpu.memory_space<hbm>> -> memref<624x128xf32, #tpu.memory_space<hbm>>
      %dma_wait3A_70 = arith.constant 0 : i32
      %dma_wait3A_71 = tpu.memref_slice %arg6[%mul3A_3, %dma_wait3A_70] : memref<10008x128xf32, #tpu.memory_space<vmem_shared>> -> memref<624x128xf32, #tpu.memory_space<vmem_shared>>
      tpu.wait_dma2 semaphore(%run_scoped3A_61 : memref<!tpu.dma_semaphore, #tpu.memory_space<semaphore_mem>>) src(%dma_wait3A_71 : memref<624x128xf32, #tpu.memory_space<vmem_shared>>) dst(%dma_wait3A_69 : memref<624x128xf32, #tpu.memory_space<hbm>>)
      tpu.yield
    }) : () -> ()
    %convert_element_type3A_58 = arith.extui %lt3A_4 : i1 to i32
    %cond3A_59 = arith.constant 0 : i32
    %cond3A_60 = arith.cmpi ne, %convert_element_type3A_58, %cond3A_59 : i32
    scf.if %cond3A_60 {
      %add3A_61 = arith.constant 624 : i32
      %add3A_62 = arith.addi %mul3A_3, %add3A_61 : i32
      %add3A_63 = arith.constant 624 : i32
      %add3A_64 = arith.addi %mul3A_3, %add3A_63 : i32
      "tpu.region"() ({
        %run_scoped3A_65 = tpu.sem_alloc : memref<!tpu.dma_semaphore, #tpu.memory_space<semaphore_mem>>
        %dma_start3A_66 = arith.constant 0 : i32
        %dma_start3A_67 = tpu.memref_slice %arg5[%arg0, %add3A_64, %dma_start3A_66] : memref<2x10000x128xf32, #tpu.memory_space<hbm>> -> memref<1x8x128xf32, #tpu.memory_space<hbm>>
        %dma_start3A_68 = tpu.memref_squeeze %dma_start3A_67 : memref<1x8x128xf32, #tpu.memory_space<hbm>> -> memref<8x128xf32, #tpu.memory_space<hbm>>
        %dma_start3A_69 = arith.constant 0 : i32
        %dma_start3A_70 = tpu.memref_slice %arg6[%add3A_62, %dma_start3A_69] : memref<10008x128xf32, #tpu.memory_space<vmem_shared>> -> memref<8x128xf32, #tpu.memory_space<vmem_shared>>
        tpu.enqueue_dma source(%dma_start3A_70 : memref<8x128xf32, #tpu.memory_space<vmem_shared>>) target(%dma_start3A_68 : memref<8x128xf32, #tpu.memory_space<hbm>>) target_semaphore(%run_scoped3A_65 : memref<!tpu.dma_semaphore, #tpu.memory_space<semaphore_mem>>)
        %dma_wait3A_71 = arith.constant 0 : i32
        %dma_wait3A_72 = tpu.memref_slice %arg5[%arg0, %add3A_64, %dma_wait3A_71] : memref<2x10000x128xf32, #tpu.memory_space<hbm>> -> memref<1x8x128xf32, #tpu.memory_space<hbm>>
        %dma_wait3A_73 = tpu.memref_squeeze %dma_wait3A_72 : memref<1x8x128xf32, #tpu.memory_space<hbm>> -> memref<8x128xf32, #tpu.memory_space<hbm>>
        %dma_wait3A_74 = arith.constant 0 : i32
        %dma_wait3A_75 = tpu.memref_slice %arg6[%add3A_62, %dma_wait3A_74] : memref<10008x128xf32, #tpu.memory_space<vmem_shared>> -> memref<8x128xf32, #tpu.memory_space<vmem_shared>>
        tpu.wait_dma2 semaphore(%run_scoped3A_65 : memref<!tpu.dma_semaphore, #tpu.memory_space<semaphore_mem>>) src(%dma_wait3A_75 : memref<8x128xf32, #tpu.memory_space<vmem_shared>>) dst(%dma_wait3A_73 : memref<8x128xf32, #tpu.memory_space<hbm>>)
        tpu.yield
      }) : () -> ()
    } else {
    }
    return
  }
}

#map = affine_map<(d0, d1) -> (0, 0, 0)>
#map1 = affine_map<(d0, d1) -> (0, 0, 0, 0)>
module attributes {stable_mosaic.version = 14 : i64} {
  func.func @prop_kernel(%arg0: i32, %arg1: i32, %arg2: memref<2x10000x128xf32, #tpu.memory_space<hbm>>, %arg3: memref<16x40x8x64xi32, #tpu.memory_space<hbm>>, %arg4: memref<16x40x8x64xi32, #tpu.memory_space<hbm>>, %arg5: memref<2x10000x128xf32, #tpu.memory_space<hbm>>, %arg6: memref<10008x128xf32, #tpu.memory_space<vmem_shared>>, %arg7: memref<2x8x64xi32, #tpu.memory_space<vmem>>, %arg8: memref<2x8x64xi32, #tpu.memory_space<vmem>>, %arg9: memref<64x128xf32, #tpu.memory_space<vmem>>, %arg10: memref<64x128xf32, #tpu.memory_space<vmem>>, %arg11: memref<64x128xf32, #tpu.memory_space<vmem>>, %arg12: memref<64x128xf32, #tpu.memory_space<vmem>>, %arg13: memref<!tpu.dma_semaphore, #tpu.memory_space<semaphore_mem>>, %arg14: memref<!tpu.dma_semaphore, #tpu.memory_space<semaphore_mem>>, %arg15: memref<!tpu.dma_semaphore, #tpu.memory_space<semaphore_mem>>, %arg16: memref<!tpu.dma_semaphore, #tpu.memory_space<semaphore_mem>>, %arg17: memref<!tpu.dma_semaphore, #tpu.memory_space<semaphore_mem>>, %arg18: memref<!tpu.dma_semaphore, #tpu.memory_space<semaphore_mem>>, %arg19: memref<!tpu.dma_semaphore, #tpu.memory_space<semaphore_mem>>, %arg20: memref<!tpu.dma_semaphore, #tpu.memory_space<semaphore_mem>>, %arg21: memref<!tpu.dma_semaphore, #tpu.memory_space<semaphore_mem>>, %arg22: memref<!tpu.dma_semaphore, #tpu.memory_space<semaphore_mem>>) attributes {dimension_semantics = [#tpu.dimension_semantics<core_parallel>, #tpu.dimension_semantics<subcore_parallel>], iteration_bounds = array<i64: 2, 16>, scalar_prefetch = 0 : i64, scratch_operands = 17 : i64, tpu.core_type = #tpu.core_type<sc_vector_subcore>, window_params = [{transform_indices = #map}, {transform_indices = #map1}, {transform_indices = #map1}, {transform_indices = #map}]} {
    %mul3A = arith.constant 78 : i32
    %mul3A_0 = arith.muli %arg1, %mul3A : i32
    %min3A = arith.constant 2 : i32
    %min3A_1 = arith.minsi %arg1, %min3A : i32
    %add3A = arith.addi %mul3A_0, %min3A_1 : i32
    %mul3A_2 = arith.constant 8 : i32
    %mul3A_3 = arith.muli %mul3A_2, %add3A : i32
    %lt3A = arith.constant 2 : i32
    %lt3A_4 = arith.cmpi slt, %arg1, %lt3A : i32
    "tpu.region"() ({
      %run_scoped3A_61 = tpu.sem_alloc : memref<!tpu.dma_semaphore, #tpu.memory_space<semaphore_mem>>
      %dma_start3A_62 = arith.constant 0 : i32
      %dma_start3A_63 = tpu.memref_slice %arg6[%mul3A_3, %dma_start3A_62] : memref<10008x128xf32, #tpu.memory_space<vmem_shared>> -> memref<624x128xf32, #tpu.memory_space<vmem_shared>>
      %dma_start3A_64 = arith.constant 0 : i32
      %dma_start3A_65 = tpu.memref_slice %arg2[%arg0, %mul3A_3, %dma_start3A_64] : memref<2x10000x128xf32, #tpu.memory_space<hbm>> -> memref<1x624x128xf32, #tpu.memory_space<hbm>>
      %dma_start3A_66 = tpu.memref_squeeze %dma_start3A_65 : memref<1x624x128xf32, #tpu.memory_space<hbm>> -> memref<624x128xf32, #tpu.memory_space<hbm>>
      tpu.enqueue_dma source(%dma_start3A_66 : memref<624x128xf32, #tpu.memory_space<hbm>>) target(%dma_start3A_63 : memref<624x128xf32, #tpu.memory_space<vmem_shared>>) target_semaphore(%run_scoped3A_61 : memref<!tpu.dma_semaphore, #tpu.memory_space<semaphore_mem>>)
      %dma_wait3A_67 = arith.constant 0 : i32
      %dma_wait3A_68 = tpu.memref_slice %arg6[%mul3A_3, %dma_wait3A_67] : memref<10008x128xf32, #tpu.memory_space<vmem_shared>> -> memref<624x128xf32, #tpu.memory_space<vmem_shared>>
      %dma_wait3A_69 = arith.constant 0 : i32
      %dma_wait3A_70 = tpu.memref_slice %arg2[%arg0, %mul3A_3, %dma_wait3A_69] : memref<2x10000x128xf32, #tpu.memory_space<hbm>> -> memref<1x624x128xf32, #tpu.memory_space<hbm>>
      %dma_wait3A_71 = tpu.memref_squeeze %dma_wait3A_70 : memref<1x624x128xf32, #tpu.memory_space<hbm>> -> memref<624x128xf32, #tpu.memory_space<hbm>>
      tpu.wait_dma2 semaphore(%run_scoped3A_61 : memref<!tpu.dma_semaphore, #tpu.memory_space<semaphore_mem>>) src(%dma_wait3A_71 : memref<624x128xf32, #tpu.memory_space<hbm>>) dst(%dma_wait3A_68 : memref<624x128xf32, #tpu.memory_space<vmem_shared>>)
      tpu.yield
    }) : () -> ()
    %convert_element_type3A = arith.extui %lt3A_4 : i1 to i32
    %cond3A = arith.constant 0 : i32
    %cond3A_5 = arith.cmpi ne, %convert_element_type3A, %cond3A : i32
    scf.if %cond3A_5 {
      %add3A_61 = arith.constant 624 : i32
      %add3A_62 = arith.addi %mul3A_3, %add3A_61 : i32
      %add3A_63 = arith.constant 624 : i32
      %add3A_64 = arith.addi %mul3A_3, %add3A_63 : i32
      "tpu.region"() ({
        %run_scoped3A_65 = tpu.sem_alloc : memref<!tpu.dma_semaphore, #tpu.memory_space<semaphore_mem>>
        %dma_start3A_66 = arith.constant 0 : i32
        %dma_start3A_67 = tpu.memref_slice %arg6[%add3A_64, %dma_start3A_66] : memref<10008x128xf32, #tpu.memory_space<vmem_shared>> -> memref<8x128xf32, #tpu.memory_space<vmem_shared>>
        %dma_start3A_68 = arith.constant 0 : i32
        %dma_start3A_69 = tpu.memref_slice %arg2[%arg0, %add3A_62, %dma_start3A_68] : memref<2x10000x128xf32, #tpu.memory_space<hbm>> -> memref<1x8x128xf32, #tpu.memory_space<hbm>>
        %dma_start3A_70 = tpu.memref_squeeze %dma_start3A_69 : memref<1x8x128xf32, #tpu.memory_space<hbm>> -> memref<8x128xf32, #tpu.memory_space<hbm>>
        tpu.enqueue_dma source(%dma_start3A_70 : memref<8x128xf32, #tpu.memory_space<hbm>>) target(%dma_start3A_67 : memref<8x128xf32, #tpu.memory_space<vmem_shared>>) target_semaphore(%run_scoped3A_65 : memref<!tpu.dma_semaphore, #tpu.memory_space<semaphore_mem>>)
        %dma_wait3A_71 = arith.constant 0 : i32
        %dma_wait3A_72 = tpu.memref_slice %arg6[%add3A_64, %dma_wait3A_71] : memref<10008x128xf32, #tpu.memory_space<vmem_shared>> -> memref<8x128xf32, #tpu.memory_space<vmem_shared>>
        %dma_wait3A_73 = arith.constant 0 : i32
        %dma_wait3A_74 = tpu.memref_slice %arg2[%arg0, %add3A_62, %dma_wait3A_73] : memref<2x10000x128xf32, #tpu.memory_space<hbm>> -> memref<1x8x128xf32, #tpu.memory_space<hbm>>
        %dma_wait3A_75 = tpu.memref_squeeze %dma_wait3A_74 : memref<1x8x128xf32, #tpu.memory_space<hbm>> -> memref<8x128xf32, #tpu.memory_space<hbm>>
        tpu.wait_dma2 semaphore(%run_scoped3A_65 : memref<!tpu.dma_semaphore, #tpu.memory_space<semaphore_mem>>) src(%dma_wait3A_75 : memref<8x128xf32, #tpu.memory_space<hbm>>) dst(%dma_wait3A_72 : memref<8x128xf32, #tpu.memory_space<vmem_shared>>)
        tpu.yield
      }) : () -> ()
    } else {
    }
    %run_scoped3A = arith.constant 0 : i32
    %run_scoped3A_6 = arith.constant 0 : i32
    "tpu.region"() ({
      %run_scoped3A_61 = tpu.sem_alloc : memref<!tpu.dma_semaphore, #tpu.memory_space<semaphore_mem>>
      %dma_start3A_62 = arith.constant 0 : i32
      %dma_start3A_63 = arith.constant 0 : i32
      %dma_start3A_64 = tpu.memref_slice %arg7[%run_scoped3A_6, %dma_start3A_62, %dma_start3A_63] : memref<2x8x64xi32, #tpu.memory_space<vmem>> -> memref<1x8x64xi32, #tpu.memory_space<vmem>>
      %dma_start3A_65 = tpu.memref_squeeze %dma_start3A_64 : memref<1x8x64xi32, #tpu.memory_space<vmem>> -> memref<8x64xi32, #tpu.memory_space<vmem>>
      %dma_start3A_66 = arith.constant 0 : i32
      %dma_start3A_67 = arith.constant 0 : i32
      %dma_start3A_68 = tpu.memref_slice %arg3[%arg1, %run_scoped3A, %dma_start3A_66, %dma_start3A_67] : memref<16x40x8x64xi32, #tpu.memory_space<hbm>> -> memref<1x1x8x64xi32, #tpu.memory_space<hbm>>
      %dma_start3A_69 = tpu.memref_squeeze %dma_start3A_68 : memref<1x1x8x64xi32, #tpu.memory_space<hbm>> -> memref<8x64xi32, #tpu.memory_space<hbm>>
      %dma_start3A_70 = arith.constant 0 : i32
      %dma_start3A_71 = arith.constant 0 : i32
      %dma_start3A_72 = tpu.memref_slice %arg7[%run_scoped3A_6, %dma_start3A_70, %dma_start3A_71] : memref<2x8x64xi32, #tpu.memory_space<vmem>> -> memref<1x8x64xi32, #tpu.memory_space<vmem>>
      %dma_start3A_73 = tpu.memref_squeeze %dma_start3A_72 : memref<1x8x64xi32, #tpu.memory_space<vmem>> -> memref<8x64xi32, #tpu.memory_space<vmem>>
      %dma_start3A_74 = arith.constant 0 : i32
      %dma_start3A_75 = arith.constant 0 : i32
      %dma_start3A_76 = tpu.memref_slice %arg3[%arg1, %run_scoped3A, %dma_start3A_74, %dma_start3A_75] : memref<16x40x8x64xi32, #tpu.memory_space<hbm>> -> memref<1x1x8x64xi32, #tpu.memory_space<hbm>>
      %dma_start3A_77 = tpu.memref_squeeze %dma_start3A_76 : memref<1x1x8x64xi32, #tpu.memory_space<hbm>> -> memref<8x64xi32, #tpu.memory_space<hbm>>
      tpu.enqueue_dma source(%dma_start3A_77 : memref<8x64xi32, #tpu.memory_space<hbm>>) target(%dma_start3A_73 : memref<8x64xi32, #tpu.memory_space<vmem>>) target_semaphore(%run_scoped3A_61 : memref<!tpu.dma_semaphore, #tpu.memory_space<semaphore_mem>>)
      %dma_wait3A_78 = arith.constant 0 : i32
      %dma_wait3A_79 = arith.constant 0 : i32
      %dma_wait3A_80 = tpu.memref_slice %arg7[%run_scoped3A_6, %dma_wait3A_78, %dma_wait3A_79] : memref<2x8x64xi32, #tpu.memory_space<vmem>> -> memref<1x8x64xi32, #tpu.memory_space<vmem>>
      %dma_wait3A_81 = tpu.memref_squeeze %dma_wait3A_80 : memref<1x8x64xi32, #tpu.memory_space<vmem>> -> memref<8x64xi32, #tpu.memory_space<vmem>>
      %dma_wait3A_82 = arith.constant 0 : i32
      %dma_wait3A_83 = arith.constant 0 : i32
      %dma_wait3A_84 = tpu.memref_slice %arg3[%arg1, %run_scoped3A, %dma_wait3A_82, %dma_wait3A_83] : memref<16x40x8x64xi32, #tpu.memory_space<hbm>> -> memref<1x1x8x64xi32, #tpu.memory_space<hbm>>
      %dma_wait3A_85 = tpu.memref_squeeze %dma_wait3A_84 : memref<1x1x8x64xi32, #tpu.memory_space<hbm>> -> memref<8x64xi32, #tpu.memory_space<hbm>>
      %dma_wait3A_86 = arith.constant 0 : i32
      %dma_wait3A_87 = arith.constant 0 : i32
      %dma_wait3A_88 = tpu.memref_slice %arg7[%run_scoped3A_6, %dma_wait3A_86, %dma_wait3A_87] : memref<2x8x64xi32, #tpu.memory_space<vmem>> -> memref<1x8x64xi32, #tpu.memory_space<vmem>>
      %dma_wait3A_89 = tpu.memref_squeeze %dma_wait3A_88 : memref<1x8x64xi32, #tpu.memory_space<vmem>> -> memref<8x64xi32, #tpu.memory_space<vmem>>
      %dma_wait3A_90 = arith.constant 0 : i32
      %dma_wait3A_91 = arith.constant 0 : i32
      %dma_wait3A_92 = tpu.memref_slice %arg3[%arg1, %run_scoped3A, %dma_wait3A_90, %dma_wait3A_91] : memref<16x40x8x64xi32, #tpu.memory_space<hbm>> -> memref<1x1x8x64xi32, #tpu.memory_space<hbm>>
      %dma_wait3A_93 = tpu.memref_squeeze %dma_wait3A_92 : memref<1x1x8x64xi32, #tpu.memory_space<hbm>> -> memref<8x64xi32, #tpu.memory_space<hbm>>
      tpu.wait_dma2 semaphore(%run_scoped3A_61 : memref<!tpu.dma_semaphore, #tpu.memory_space<semaphore_mem>>) src(%dma_wait3A_93 : memref<8x64xi32, #tpu.memory_space<hbm>>) dst(%dma_wait3A_89 : memref<8x64xi32, #tpu.memory_space<vmem>>)
      tpu.yield
    }) : () -> ()
    %run_scoped3A_7 = arith.constant 0 : i32
    %run_scoped3A_8 = arith.constant 0 : i32
    "tpu.region"() ({
      %run_scoped3A_61 = tpu.sem_alloc : memref<!tpu.dma_semaphore, #tpu.memory_space<semaphore_mem>>
      %dma_start3A_62 = arith.constant 0 : i32
      %dma_start3A_63 = arith.constant 0 : i32
      %dma_start3A_64 = tpu.memref_slice %arg8[%run_scoped3A_8, %dma_start3A_62, %dma_start3A_63] : memref<2x8x64xi32, #tpu.memory_space<vmem>> -> memref<1x8x64xi32, #tpu.memory_space<vmem>>
      %dma_start3A_65 = tpu.memref_squeeze %dma_start3A_64 : memref<1x8x64xi32, #tpu.memory_space<vmem>> -> memref<8x64xi32, #tpu.memory_space<vmem>>
      %dma_start3A_66 = arith.constant 0 : i32
      %dma_start3A_67 = arith.constant 0 : i32
      %dma_start3A_68 = tpu.memref_slice %arg4[%arg1, %run_scoped3A_7, %dma_start3A_66, %dma_start3A_67] : memref<16x40x8x64xi32, #tpu.memory_space<hbm>> -> memref<1x1x8x64xi32, #tpu.memory_space<hbm>>
      %dma_start3A_69 = tpu.memref_squeeze %dma_start3A_68 : memref<1x1x8x64xi32, #tpu.memory_space<hbm>> -> memref<8x64xi32, #tpu.memory_space<hbm>>
      %dma_start3A_70 = arith.constant 0 : i32
      %dma_start3A_71 = arith.constant 0 : i32
      %dma_start3A_72 = tpu.memref_slice %arg8[%run_scoped3A_8, %dma_start3A_70, %dma_start3A_71] : memref<2x8x64xi32, #tpu.memory_space<vmem>> -> memref<1x8x64xi32, #tpu.memory_space<vmem>>
      %dma_start3A_73 = tpu.memref_squeeze %dma_start3A_72 : memref<1x8x64xi32, #tpu.memory_space<vmem>> -> memref<8x64xi32, #tpu.memory_space<vmem>>
      %dma_start3A_74 = arith.constant 0 : i32
      %dma_start3A_75 = arith.constant 0 : i32
      %dma_start3A_76 = tpu.memref_slice %arg4[%arg1, %run_scoped3A_7, %dma_start3A_74, %dma_start3A_75] : memref<16x40x8x64xi32, #tpu.memory_space<hbm>> -> memref<1x1x8x64xi32, #tpu.memory_space<hbm>>
      %dma_start3A_77 = tpu.memref_squeeze %dma_start3A_76 : memref<1x1x8x64xi32, #tpu.memory_space<hbm>> -> memref<8x64xi32, #tpu.memory_space<hbm>>
      tpu.enqueue_dma source(%dma_start3A_77 : memref<8x64xi32, #tpu.memory_space<hbm>>) target(%dma_start3A_73 : memref<8x64xi32, #tpu.memory_space<vmem>>) target_semaphore(%run_scoped3A_61 : memref<!tpu.dma_semaphore, #tpu.memory_space<semaphore_mem>>)
      %dma_wait3A_78 = arith.constant 0 : i32
      %dma_wait3A_79 = arith.constant 0 : i32
      %dma_wait3A_80 = tpu.memref_slice %arg8[%run_scoped3A_8, %dma_wait3A_78, %dma_wait3A_79] : memref<2x8x64xi32, #tpu.memory_space<vmem>> -> memref<1x8x64xi32, #tpu.memory_space<vmem>>
      %dma_wait3A_81 = tpu.memref_squeeze %dma_wait3A_80 : memref<1x8x64xi32, #tpu.memory_space<vmem>> -> memref<8x64xi32, #tpu.memory_space<vmem>>
      %dma_wait3A_82 = arith.constant 0 : i32
      %dma_wait3A_83 = arith.constant 0 : i32
      %dma_wait3A_84 = tpu.memref_slice %arg4[%arg1, %run_scoped3A_7, %dma_wait3A_82, %dma_wait3A_83] : memref<16x40x8x64xi32, #tpu.memory_space<hbm>> -> memref<1x1x8x64xi32, #tpu.memory_space<hbm>>
      %dma_wait3A_85 = tpu.memref_squeeze %dma_wait3A_84 : memref<1x1x8x64xi32, #tpu.memory_space<hbm>> -> memref<8x64xi32, #tpu.memory_space<hbm>>
      %dma_wait3A_86 = arith.constant 0 : i32
      %dma_wait3A_87 = arith.constant 0 : i32
      %dma_wait3A_88 = tpu.memref_slice %arg8[%run_scoped3A_8, %dma_wait3A_86, %dma_wait3A_87] : memref<2x8x64xi32, #tpu.memory_space<vmem>> -> memref<1x8x64xi32, #tpu.memory_space<vmem>>
      %dma_wait3A_89 = tpu.memref_squeeze %dma_wait3A_88 : memref<1x8x64xi32, #tpu.memory_space<vmem>> -> memref<8x64xi32, #tpu.memory_space<vmem>>
      %dma_wait3A_90 = arith.constant 0 : i32
      %dma_wait3A_91 = arith.constant 0 : i32
      %dma_wait3A_92 = tpu.memref_slice %arg4[%arg1, %run_scoped3A_7, %dma_wait3A_90, %dma_wait3A_91] : memref<16x40x8x64xi32, #tpu.memory_space<hbm>> -> memref<1x1x8x64xi32, #tpu.memory_space<hbm>>
      %dma_wait3A_93 = tpu.memref_squeeze %dma_wait3A_92 : memref<1x1x8x64xi32, #tpu.memory_space<hbm>> -> memref<8x64xi32, #tpu.memory_space<hbm>>
      tpu.wait_dma2 semaphore(%run_scoped3A_61 : memref<!tpu.dma_semaphore, #tpu.memory_space<semaphore_mem>>) src(%dma_wait3A_93 : memref<8x64xi32, #tpu.memory_space<hbm>>) dst(%dma_wait3A_89 : memref<8x64xi32, #tpu.memory_space<vmem>>)
      tpu.yield
    }) : () -> ()
    %barrier3A = arith.constant 0 : index
    tpu.barrier barrier_id(%barrier3A)
    %dma_start3A = arith.constant 0 : i32
    %dma_start3A_9 = arith.constant 0 : i32
    %dma_start3A_10 = arith.constant 0 : i32
    %dma_start3A_11 = tpu.memref_slice %arg7[%dma_start3A, %dma_start3A_9, %dma_start3A_10] : memref<2x8x64xi32, #tpu.memory_space<vmem>> -> memref<1x1x64xi32, #tpu.memory_space<vmem>>
    %dma_start3A_12 = tpu.memref_squeeze %dma_start3A_11 : memref<1x1x64xi32, #tpu.memory_space<vmem>> -> memref<64xi32, #tpu.memory_space<vmem>>
    %dma_start3A_13 = arith.constant 0 : i32
    %dma_start3A_14 = arith.constant 0 : i32
    %dma_start3A_15 = tpu.memref_slice %arg2[%arg0, %dma_start3A_13, %dma_start3A_14] : memref<2x10000x128xf32, #tpu.memory_space<hbm>> -> memref<1x10000x128xf32, #tpu.memory_space<hbm>>
    %dma_start3A_16 = tpu.memref_squeeze %dma_start3A_15 : memref<1x10000x128xf32, #tpu.memory_space<hbm>> -> memref<10000x128xf32, #tpu.memory_space<hbm>>
    %dma_start3A_17 = arith.constant 0 : i32
    %dma_start3A_18 = arith.constant 0 : i32
    %dma_start3A_19 = tpu.memref_slice %dma_start3A_16[%dma_start3A_17, %dma_start3A_18] : memref<10000x128xf32, #tpu.memory_space<hbm>> -> memref<10000x128xf32, #tpu.memory_space<hbm>>
    tpu.enqueue_indirect_dma source(%dma_start3A_19 : memref<10000x128xf32, #tpu.memory_space<hbm>>) target(%arg9 : memref<64x128xf32, #tpu.memory_space<vmem>>) offsets(%dma_start3A_12 : memref<64xi32, #tpu.memory_space<vmem>>) semaphore(%arg13 : memref<!tpu.dma_semaphore, #tpu.memory_space<semaphore_mem>>)
    %dma_start3A_20 = arith.constant 0 : i32
    %dma_start3A_21 = arith.constant 1 : i32
    %dma_start3A_22 = arith.constant 0 : i32
    %dma_start3A_23 = tpu.memref_slice %arg7[%dma_start3A_20, %dma_start3A_21, %dma_start3A_22] : memref<2x8x64xi32, #tpu.memory_space<vmem>> -> memref<1x1x64xi32, #tpu.memory_space<vmem>>
    %dma_start3A_24 = tpu.memref_squeeze %dma_start3A_23 : memref<1x1x64xi32, #tpu.memory_space<vmem>> -> memref<64xi32, #tpu.memory_space<vmem>>
    %dma_start3A_25 = arith.constant 0 : i32
    %dma_start3A_26 = arith.constant 0 : i32
    %dma_start3A_27 = tpu.memref_slice %arg2[%arg0, %dma_start3A_25, %dma_start3A_26] : memref<2x10000x128xf32, #tpu.memory_space<hbm>> -> memref<1x10000x128xf32, #tpu.memory_space<hbm>>
    %dma_start3A_28 = tpu.memref_squeeze %dma_start3A_27 : memref<1x10000x128xf32, #tpu.memory_space<hbm>> -> memref<10000x128xf32, #tpu.memory_space<hbm>>
    %dma_start3A_29 = arith.constant 0 : i32
    %dma_start3A_30 = arith.constant 0 : i32
    %dma_start3A_31 = tpu.memref_slice %dma_start3A_28[%dma_start3A_29, %dma_start3A_30] : memref<10000x128xf32, #tpu.memory_space<hbm>> -> memref<10000x128xf32, #tpu.memory_space<hbm>>
    tpu.enqueue_indirect_dma source(%dma_start3A_31 : memref<10000x128xf32, #tpu.memory_space<hbm>>) target(%arg10 : memref<64x128xf32, #tpu.memory_space<vmem>>) offsets(%dma_start3A_24 : memref<64xi32, #tpu.memory_space<vmem>>) semaphore(%arg14 : memref<!tpu.dma_semaphore, #tpu.memory_space<semaphore_mem>>)
    %dma_start3A_32 = arith.constant 0 : i32
    %dma_start3A_33 = arith.constant 2 : i32
    %dma_start3A_34 = arith.constant 0 : i32
    %dma_start3A_35 = tpu.memref_slice %arg7[%dma_start3A_32, %dma_start3A_33, %dma_start3A_34] : memref<2x8x64xi32, #tpu.memory_space<vmem>> -> memref<1x1x64xi32, #tpu.memory_space<vmem>>
    %dma_start3A_36 = tpu.memref_squeeze %dma_start3A_35 : memref<1x1x64xi32, #tpu.memory_space<vmem>> -> memref<64xi32, #tpu.memory_space<vmem>>
    %dma_start3A_37 = arith.constant 0 : i32
    %dma_start3A_38 = arith.constant 0 : i32
    %dma_start3A_39 = tpu.memref_slice %arg2[%arg0, %dma_start3A_37, %dma_start3A_38] : memref<2x10000x128xf32, #tpu.memory_space<hbm>> -> memref<1x10000x128xf32, #tpu.memory_space<hbm>>
    %dma_start3A_40 = tpu.memref_squeeze %dma_start3A_39 : memref<1x10000x128xf32, #tpu.memory_space<hbm>> -> memref<10000x128xf32, #tpu.memory_space<hbm>>
    %dma_start3A_41 = arith.constant 0 : i32
    %dma_start3A_42 = arith.constant 0 : i32
    %dma_start3A_43 = tpu.memref_slice %dma_start3A_40[%dma_start3A_41, %dma_start3A_42] : memref<10000x128xf32, #tpu.memory_space<hbm>> -> memref<10000x128xf32, #tpu.memory_space<hbm>>
    tpu.enqueue_indirect_dma source(%dma_start3A_43 : memref<10000x128xf32, #tpu.memory_space<hbm>>) target(%arg11 : memref<64x128xf32, #tpu.memory_space<vmem>>) offsets(%dma_start3A_36 : memref<64xi32, #tpu.memory_space<vmem>>) semaphore(%arg15 : memref<!tpu.dma_semaphore, #tpu.memory_space<semaphore_mem>>)
    %scan3A = arith.constant 0 : i32
    %scan3A_44 = arith.constant 0 : i32
    %scan3A_45 = arith.constant 40 : i32
    %scan3A_46 = arith.addi %scan3A_44, %scan3A_45 : i32
    %scan3A_47 = arith.constant 1 : i32
    %scan3A_48 = scf.for %scan3A_61 = %scan3A_44 to %scan3A_46 step %scan3A_47 iter_args(%scan3A_62 = %scan3A) -> (i32)  : i32 {
      %jit3A = arith.constant 2 : i32
      %eq3A = arith.constant 0 : i32
      %eq3A_63 = arith.cmpi eq, %jit3A, %eq3A : i32
      %jit3A_64 = arith.constant 1 : i32
      %select_n3A = arith.select %eq3A_63, %jit3A_64, %jit3A : i32
      %rem3A = arith.remsi %scan3A_61, %select_n3A : i32
      %ne3A = arith.constant 0 : i32
      %ne3A_65 = arith.cmpi ne, %rem3A, %ne3A : i32
      %lt3A_66 = arith.constant 0 : i32
      %lt3A_67 = arith.cmpi slt, %rem3A, %lt3A_66 : i32
      %lt3A_68 = arith.constant 0 : i32
      %lt3A_69 = arith.cmpi slt, %select_n3A, %lt3A_68 : i32
      %ne3A_70 = arith.xori %lt3A_67, %lt3A_69 : i1
      %and3A = arith.andi %ne3A_70, %ne3A_65 : i1
      %add3A_71 = arith.addi %rem3A, %select_n3A : i32
      %select_n3A_72 = arith.select %and3A, %add3A_71, %rem3A : i32
      %add3A_73 = arith.constant 1 : i32
      %add3A_74 = arith.addi %scan3A_61, %add3A_73 : i32
      %lt3A_75 = arith.constant 40 : i32
      %lt3A_76 = arith.cmpi slt, %add3A_74, %lt3A_75 : i32
      %convert_element_type3A_77 = arith.extui %lt3A_76 : i1 to i32
      %cond3A_78 = arith.constant 0 : i32
      %cond3A_79 = arith.cmpi ne, %convert_element_type3A_77, %cond3A_78 : i32
      scf.if %cond3A_79 {
        %add3A_352 = arith.constant 1 : i32
        %add3A_353 = arith.addi %scan3A_61, %add3A_352 : i32
        %sub3A = arith.constant 1 : i32
        %sub3A_354 = arith.subi %sub3A, %select_n3A_72 : i32
        %dma_start3A_355 = arith.constant 0 : i32
        %dma_start3A_356 = arith.constant 0 : i32
        %dma_start3A_357 = tpu.memref_slice %arg7[%sub3A_354, %dma_start3A_355, %dma_start3A_356] : memref<2x8x64xi32, #tpu.memory_space<vmem>> -> memref<1x8x64xi32, #tpu.memory_space<vmem>>
        %dma_start3A_358 = tpu.memref_squeeze %dma_start3A_357 : memref<1x8x64xi32, #tpu.memory_space<vmem>> -> memref<8x64xi32, #tpu.memory_space<vmem>>
        %dma_start3A_359 = arith.constant 0 : i32
        %dma_start3A_360 = arith.constant 0 : i32
        %dma_start3A_361 = tpu.memref_slice %arg3[%arg1, %add3A_353, %dma_start3A_359, %dma_start3A_360] : memref<16x40x8x64xi32, #tpu.memory_space<hbm>> -> memref<1x1x8x64xi32, #tpu.memory_space<hbm>>
        %dma_start3A_362 = tpu.memref_squeeze %dma_start3A_361 : memref<1x1x8x64xi32, #tpu.memory_space<hbm>> -> memref<8x64xi32, #tpu.memory_space<hbm>>
        %dma_start3A_363 = arith.constant 0 : i32
        %dma_start3A_364 = arith.constant 0 : i32
        %dma_start3A_365 = tpu.memref_slice %arg7[%sub3A_354, %dma_start3A_363, %dma_start3A_364] : memref<2x8x64xi32, #tpu.memory_space<vmem>> -> memref<1x8x64xi32, #tpu.memory_space<vmem>>
        %dma_start3A_366 = tpu.memref_squeeze %dma_start3A_365 : memref<1x8x64xi32, #tpu.memory_space<vmem>> -> memref<8x64xi32, #tpu.memory_space<vmem>>
        %dma_start3A_367 = arith.constant 0 : i32
        %dma_start3A_368 = arith.constant 0 : i32
        %dma_start3A_369 = tpu.memref_slice %arg3[%arg1, %add3A_353, %dma_start3A_367, %dma_start3A_368] : memref<16x40x8x64xi32, #tpu.memory_space<hbm>> -> memref<1x1x8x64xi32, #tpu.memory_space<hbm>>
        %dma_start3A_370 = tpu.memref_squeeze %dma_start3A_369 : memref<1x1x8x64xi32, #tpu.memory_space<hbm>> -> memref<8x64xi32, #tpu.memory_space<hbm>>
        tpu.enqueue_dma source(%dma_start3A_370 : memref<8x64xi32, #tpu.memory_space<hbm>>) target(%dma_start3A_366 : memref<8x64xi32, #tpu.memory_space<vmem>>) target_semaphore(%arg21 : memref<!tpu.dma_semaphore, #tpu.memory_space<semaphore_mem>>)
        %add3A_371 = arith.constant 1 : i32
        %add3A_372 = arith.addi %scan3A_61, %add3A_371 : i32
        %sub3A_373 = arith.constant 1 : i32
        %sub3A_374 = arith.subi %sub3A_373, %select_n3A_72 : i32
        %dma_start3A_375 = arith.constant 0 : i32
        %dma_start3A_376 = arith.constant 0 : i32
        %dma_start3A_377 = tpu.memref_slice %arg8[%sub3A_374, %dma_start3A_375, %dma_start3A_376] : memref<2x8x64xi32, #tpu.memory_space<vmem>> -> memref<1x8x64xi32, #tpu.memory_space<vmem>>
        %dma_start3A_378 = tpu.memref_squeeze %dma_start3A_377 : memref<1x8x64xi32, #tpu.memory_space<vmem>> -> memref<8x64xi32, #tpu.memory_space<vmem>>
        %dma_start3A_379 = arith.constant 0 : i32
        %dma_start3A_380 = arith.constant 0 : i32
        %dma_start3A_381 = tpu.memref_slice %arg4[%arg1, %add3A_372, %dma_start3A_379, %dma_start3A_380] : memref<16x40x8x64xi32, #tpu.memory_space<hbm>> -> memref<1x1x8x64xi32, #tpu.memory_space<hbm>>
        %dma_start3A_382 = tpu.memref_squeeze %dma_start3A_381 : memref<1x1x8x64xi32, #tpu.memory_space<hbm>> -> memref<8x64xi32, #tpu.memory_space<hbm>>
        %dma_start3A_383 = arith.constant 0 : i32
        %dma_start3A_384 = arith.constant 0 : i32
        %dma_start3A_385 = tpu.memref_slice %arg8[%sub3A_374, %dma_start3A_383, %dma_start3A_384] : memref<2x8x64xi32, #tpu.memory_space<vmem>> -> memref<1x8x64xi32, #tpu.memory_space<vmem>>
        %dma_start3A_386 = tpu.memref_squeeze %dma_start3A_385 : memref<1x8x64xi32, #tpu.memory_space<vmem>> -> memref<8x64xi32, #tpu.memory_space<vmem>>
        %dma_start3A_387 = arith.constant 0 : i32
        %dma_start3A_388 = arith.constant 0 : i32
        %dma_start3A_389 = tpu.memref_slice %arg4[%arg1, %add3A_372, %dma_start3A_387, %dma_start3A_388] : memref<16x40x8x64xi32, #tpu.memory_space<hbm>> -> memref<1x1x8x64xi32, #tpu.memory_space<hbm>>
        %dma_start3A_390 = tpu.memref_squeeze %dma_start3A_389 : memref<1x1x8x64xi32, #tpu.memory_space<hbm>> -> memref<8x64xi32, #tpu.memory_space<hbm>>
        tpu.enqueue_dma source(%dma_start3A_390 : memref<8x64xi32, #tpu.memory_space<hbm>>) target(%dma_start3A_386 : memref<8x64xi32, #tpu.memory_space<vmem>>) target_semaphore(%arg22 : memref<!tpu.dma_semaphore, #tpu.memory_space<semaphore_mem>>)
      } else {
      }
      %mul3A_80 = arith.constant 8 : i32
      %mul3A_81 = arith.muli %mul3A_80, %scan3A_61 : i32
      %add3A_82 = arith.constant 0 : i32
      %add3A_83 = arith.addi %mul3A_81, %add3A_82 : i32
      %dma_wait3A_84 = arith.constant 0 : i32
      %dma_wait3A_85 = arith.constant 0 : i32
      %dma_wait3A_86 = tpu.memref_slice %arg7[%select_n3A_72, %dma_wait3A_84, %dma_wait3A_85] : memref<2x8x64xi32, #tpu.memory_space<vmem>> -> memref<1x1x64xi32, #tpu.memory_space<vmem>>
      %dma_wait3A_87 = tpu.memref_squeeze %dma_wait3A_86 : memref<1x1x64xi32, #tpu.memory_space<vmem>> -> memref<64xi32, #tpu.memory_space<vmem>>
      %dma_wait3A_88 = arith.constant 0 : i32
      %dma_wait3A_89 = arith.constant 0 : i32
      %dma_wait3A_90 = tpu.memref_slice %arg2[%arg0, %dma_wait3A_88, %dma_wait3A_89] : memref<2x10000x128xf32, #tpu.memory_space<hbm>> -> memref<1x10000x128xf32, #tpu.memory_space<hbm>>
      %dma_wait3A_91 = tpu.memref_squeeze %dma_wait3A_90 : memref<1x10000x128xf32, #tpu.memory_space<hbm>> -> memref<10000x128xf32, #tpu.memory_space<hbm>>
      %dma_wait3A_92 = arith.constant 0 : i32
      %dma_wait3A_93 = arith.constant 0 : i32
      %dma_wait3A_94 = tpu.memref_slice %dma_wait3A_91[%dma_wait3A_92, %dma_wait3A_93] : memref<10000x128xf32, #tpu.memory_space<hbm>> -> memref<10000x128xf32, #tpu.memory_space<hbm>>
      tpu.wait_indirect_dma semaphore(%arg13 : memref<!tpu.dma_semaphore, #tpu.memory_space<semaphore_mem>>) src(%dma_wait3A_94 : memref<10000x128xf32, #tpu.memory_space<hbm>>) dst(%arg9 : memref<64x128xf32, #tpu.memory_space<vmem>>)
      %dma_start3A_95 = arith.constant 0 : i32
      %dma_start3A_96 = arith.constant 0 : i32
      %dma_start3A_97 = tpu.memref_slice %arg8[%select_n3A_72, %dma_start3A_95, %dma_start3A_96] : memref<2x8x64xi32, #tpu.memory_space<vmem>> -> memref<1x1x64xi32, #tpu.memory_space<vmem>>
      %dma_start3A_98 = tpu.memref_squeeze %dma_start3A_97 : memref<1x1x64xi32, #tpu.memory_space<vmem>> -> memref<64xi32, #tpu.memory_space<vmem>>
      %dma_start3A_99 = arith.constant 0 : i32
      %dma_start3A_100 = arith.constant 0 : i32
      %dma_start3A_101 = tpu.memref_slice %arg6[%dma_start3A_99, %dma_start3A_100] : memref<10008x128xf32, #tpu.memory_space<vmem_shared>> -> memref<10008x128xf32, #tpu.memory_space<vmem_shared>>
      tpu.enqueue_indirect_dma source(%arg9 : memref<64x128xf32, #tpu.memory_space<vmem>>) target(%dma_start3A_101 : memref<10008x128xf32, #tpu.memory_space<vmem_shared>>) offsets(%dma_start3A_98 : memref<64xi32, #tpu.memory_space<vmem>>) semaphore(%arg17 : memref<!tpu.dma_semaphore, #tpu.memory_space<semaphore_mem>>) {add = true}
      %ge3A = arith.constant 1 : i32
      %ge3A_102 = arith.cmpi sge, %add3A_83, %ge3A : i32
      %convert_element_type3A_103 = arith.extui %ge3A_102 : i1 to i32
      %cond3A_104 = arith.constant 0 : i32
      %cond3A_105 = arith.cmpi ne, %convert_element_type3A_103, %cond3A_104 : i32
      scf.if %cond3A_105 {
        %dma_wait3A_352 = arith.constant 0 : i32
        %dma_wait3A_353 = arith.constant 0 : i32
        %dma_wait3A_354 = tpu.memref_slice %arg8[%select_n3A_72, %dma_wait3A_352, %dma_wait3A_353] : memref<2x8x64xi32, #tpu.memory_space<vmem>> -> memref<1x1x64xi32, #tpu.memory_space<vmem>>
        %dma_wait3A_355 = tpu.memref_squeeze %dma_wait3A_354 : memref<1x1x64xi32, #tpu.memory_space<vmem>> -> memref<64xi32, #tpu.memory_space<vmem>>
        %dma_wait3A_356 = arith.constant 0 : i32
        %dma_wait3A_357 = arith.constant 0 : i32
        %dma_wait3A_358 = tpu.memref_slice %arg6[%dma_wait3A_356, %dma_wait3A_357] : memref<10008x128xf32, #tpu.memory_space<vmem_shared>> -> memref<10008x128xf32, #tpu.memory_space<vmem_shared>>
        tpu.wait_indirect_dma semaphore(%arg20 : memref<!tpu.dma_semaphore, #tpu.memory_space<semaphore_mem>>) src(%arg12 : memref<64x128xf32, #tpu.memory_space<vmem>>) dst(%dma_wait3A_358 : memref<10008x128xf32, #tpu.memory_space<vmem_shared>>)
      } else {
      }
      %add3A_106 = arith.constant 3 : i32
      %add3A_107 = arith.addi %add3A_83, %add3A_106 : i32
      %lt3A_108 = arith.constant 320 : i32
      %lt3A_109 = arith.cmpi slt, %add3A_107, %lt3A_108 : i32
      %convert_element_type3A_110 = arith.extui %lt3A_109 : i1 to i32
      %cond3A_111 = arith.constant 0 : i32
      %cond3A_112 = arith.cmpi ne, %convert_element_type3A_110, %cond3A_111 : i32
      scf.if %cond3A_112 {
        %dma_start3A_352 = arith.constant 3 : i32
        %dma_start3A_353 = arith.constant 0 : i32
        %dma_start3A_354 = tpu.memref_slice %arg7[%select_n3A_72, %dma_start3A_352, %dma_start3A_353] : memref<2x8x64xi32, #tpu.memory_space<vmem>> -> memref<1x1x64xi32, #tpu.memory_space<vmem>>
        %dma_start3A_355 = tpu.memref_squeeze %dma_start3A_354 : memref<1x1x64xi32, #tpu.memory_space<vmem>> -> memref<64xi32, #tpu.memory_space<vmem>>
        %dma_start3A_356 = arith.constant 0 : i32
        %dma_start3A_357 = arith.constant 0 : i32
        %dma_start3A_358 = tpu.memref_slice %arg2[%arg0, %dma_start3A_356, %dma_start3A_357] : memref<2x10000x128xf32, #tpu.memory_space<hbm>> -> memref<1x10000x128xf32, #tpu.memory_space<hbm>>
        %dma_start3A_359 = tpu.memref_squeeze %dma_start3A_358 : memref<1x10000x128xf32, #tpu.memory_space<hbm>> -> memref<10000x128xf32, #tpu.memory_space<hbm>>
        %dma_start3A_360 = arith.constant 0 : i32
        %dma_start3A_361 = arith.constant 0 : i32
        %dma_start3A_362 = tpu.memref_slice %dma_start3A_359[%dma_start3A_360, %dma_start3A_361] : memref<10000x128xf32, #tpu.memory_space<hbm>> -> memref<10000x128xf32, #tpu.memory_space<hbm>>
        tpu.enqueue_indirect_dma source(%dma_start3A_362 : memref<10000x128xf32, #tpu.memory_space<hbm>>) target(%arg12 : memref<64x128xf32, #tpu.memory_space<vmem>>) offsets(%dma_start3A_355 : memref<64xi32, #tpu.memory_space<vmem>>) semaphore(%arg16 : memref<!tpu.dma_semaphore, #tpu.memory_space<semaphore_mem>>)
      } else {
      }
      %mul3A_113 = arith.constant 8 : i32
      %mul3A_114 = arith.muli %mul3A_113, %scan3A_61 : i32
      %add3A_115 = arith.constant 1 : i32
      %add3A_116 = arith.addi %mul3A_114, %add3A_115 : i32
      %dma_wait3A_117 = arith.constant 1 : i32
      %dma_wait3A_118 = arith.constant 0 : i32
      %dma_wait3A_119 = tpu.memref_slice %arg7[%select_n3A_72, %dma_wait3A_117, %dma_wait3A_118] : memref<2x8x64xi32, #tpu.memory_space<vmem>> -> memref<1x1x64xi32, #tpu.memory_space<vmem>>
      %dma_wait3A_120 = tpu.memref_squeeze %dma_wait3A_119 : memref<1x1x64xi32, #tpu.memory_space<vmem>> -> memref<64xi32, #tpu.memory_space<vmem>>
      %dma_wait3A_121 = arith.constant 0 : i32
      %dma_wait3A_122 = arith.constant 0 : i32
      %dma_wait3A_123 = tpu.memref_slice %arg2[%arg0, %dma_wait3A_121, %dma_wait3A_122] : memref<2x10000x128xf32, #tpu.memory_space<hbm>> -> memref<1x10000x128xf32, #tpu.memory_space<hbm>>
      %dma_wait3A_124 = tpu.memref_squeeze %dma_wait3A_123 : memref<1x10000x128xf32, #tpu.memory_space<hbm>> -> memref<10000x128xf32, #tpu.memory_space<hbm>>
      %dma_wait3A_125 = arith.constant 0 : i32
      %dma_wait3A_126 = arith.constant 0 : i32
      %dma_wait3A_127 = tpu.memref_slice %dma_wait3A_124[%dma_wait3A_125, %dma_wait3A_126] : memref<10000x128xf32, #tpu.memory_space<hbm>> -> memref<10000x128xf32, #tpu.memory_space<hbm>>
      tpu.wait_indirect_dma semaphore(%arg14 : memref<!tpu.dma_semaphore, #tpu.memory_space<semaphore_mem>>) src(%dma_wait3A_127 : memref<10000x128xf32, #tpu.memory_space<hbm>>) dst(%arg10 : memref<64x128xf32, #tpu.memory_space<vmem>>)
      %dma_start3A_128 = arith.constant 1 : i32
      %dma_start3A_129 = arith.constant 0 : i32
      %dma_start3A_130 = tpu.memref_slice %arg8[%select_n3A_72, %dma_start3A_128, %dma_start3A_129] : memref<2x8x64xi32, #tpu.memory_space<vmem>> -> memref<1x1x64xi32, #tpu.memory_space<vmem>>
      %dma_start3A_131 = tpu.memref_squeeze %dma_start3A_130 : memref<1x1x64xi32, #tpu.memory_space<vmem>> -> memref<64xi32, #tpu.memory_space<vmem>>
      %dma_start3A_132 = arith.constant 0 : i32
      %dma_start3A_133 = arith.constant 0 : i32
      %dma_start3A_134 = tpu.memref_slice %arg6[%dma_start3A_132, %dma_start3A_133] : memref<10008x128xf32, #tpu.memory_space<vmem_shared>> -> memref<10008x128xf32, #tpu.memory_space<vmem_shared>>
      tpu.enqueue_indirect_dma source(%arg10 : memref<64x128xf32, #tpu.memory_space<vmem>>) target(%dma_start3A_134 : memref<10008x128xf32, #tpu.memory_space<vmem_shared>>) offsets(%dma_start3A_131 : memref<64xi32, #tpu.memory_space<vmem>>) semaphore(%arg18 : memref<!tpu.dma_semaphore, #tpu.memory_space<semaphore_mem>>) {add = true}
      %ge3A_135 = arith.constant 1 : i32
      %ge3A_136 = arith.cmpi sge, %add3A_116, %ge3A_135 : i32
      %convert_element_type3A_137 = arith.extui %ge3A_136 : i1 to i32
      %cond3A_138 = arith.constant 0 : i32
      %cond3A_139 = arith.cmpi ne, %convert_element_type3A_137, %cond3A_138 : i32
      scf.if %cond3A_139 {
        %dma_wait3A_352 = arith.constant 1 : i32
        %dma_wait3A_353 = arith.constant 0 : i32
        %dma_wait3A_354 = tpu.memref_slice %arg8[%select_n3A_72, %dma_wait3A_352, %dma_wait3A_353] : memref<2x8x64xi32, #tpu.memory_space<vmem>> -> memref<1x1x64xi32, #tpu.memory_space<vmem>>
        %dma_wait3A_355 = tpu.memref_squeeze %dma_wait3A_354 : memref<1x1x64xi32, #tpu.memory_space<vmem>> -> memref<64xi32, #tpu.memory_space<vmem>>
        %dma_wait3A_356 = arith.constant 0 : i32
        %dma_wait3A_357 = arith.constant 0 : i32
        %dma_wait3A_358 = tpu.memref_slice %arg6[%dma_wait3A_356, %dma_wait3A_357] : memref<10008x128xf32, #tpu.memory_space<vmem_shared>> -> memref<10008x128xf32, #tpu.memory_space<vmem_shared>>
        tpu.wait_indirect_dma semaphore(%arg17 : memref<!tpu.dma_semaphore, #tpu.memory_space<semaphore_mem>>) src(%arg9 : memref<64x128xf32, #tpu.memory_space<vmem>>) dst(%dma_wait3A_358 : memref<10008x128xf32, #tpu.memory_space<vmem_shared>>)
      } else {
      }
      %add3A_140 = arith.constant 3 : i32
      %add3A_141 = arith.addi %add3A_116, %add3A_140 : i32
      %lt3A_142 = arith.constant 320 : i32
      %lt3A_143 = arith.cmpi slt, %add3A_141, %lt3A_142 : i32
      %convert_element_type3A_144 = arith.extui %lt3A_143 : i1 to i32
      %cond3A_145 = arith.constant 0 : i32
      %cond3A_146 = arith.cmpi ne, %convert_element_type3A_144, %cond3A_145 : i32
      scf.if %cond3A_146 {
        %dma_start3A_352 = arith.constant 4 : i32
        %dma_start3A_353 = arith.constant 0 : i32
        %dma_start3A_354 = tpu.memref_slice %arg7[%select_n3A_72, %dma_start3A_352, %dma_start3A_353] : memref<2x8x64xi32, #tpu.memory_space<vmem>> -> memref<1x1x64xi32, #tpu.memory_space<vmem>>
        %dma_start3A_355 = tpu.memref_squeeze %dma_start3A_354 : memref<1x1x64xi32, #tpu.memory_space<vmem>> -> memref<64xi32, #tpu.memory_space<vmem>>
        %dma_start3A_356 = arith.constant 0 : i32
        %dma_start3A_357 = arith.constant 0 : i32
        %dma_start3A_358 = tpu.memref_slice %arg2[%arg0, %dma_start3A_356, %dma_start3A_357] : memref<2x10000x128xf32, #tpu.memory_space<hbm>> -> memref<1x10000x128xf32, #tpu.memory_space<hbm>>
        %dma_start3A_359 = tpu.memref_squeeze %dma_start3A_358 : memref<1x10000x128xf32, #tpu.memory_space<hbm>> -> memref<10000x128xf32, #tpu.memory_space<hbm>>
        %dma_start3A_360 = arith.constant 0 : i32
        %dma_start3A_361 = arith.constant 0 : i32
        %dma_start3A_362 = tpu.memref_slice %dma_start3A_359[%dma_start3A_360, %dma_start3A_361] : memref<10000x128xf32, #tpu.memory_space<hbm>> -> memref<10000x128xf32, #tpu.memory_space<hbm>>
        tpu.enqueue_indirect_dma source(%dma_start3A_362 : memref<10000x128xf32, #tpu.memory_space<hbm>>) target(%arg9 : memref<64x128xf32, #tpu.memory_space<vmem>>) offsets(%dma_start3A_355 : memref<64xi32, #tpu.memory_space<vmem>>) semaphore(%arg13 : memref<!tpu.dma_semaphore, #tpu.memory_space<semaphore_mem>>)
      } else {
      }
      %mul3A_147 = arith.constant 8 : i32
      %mul3A_148 = arith.muli %mul3A_147, %scan3A_61 : i32
      %add3A_149 = arith.constant 2 : i32
      %add3A_150 = arith.addi %mul3A_148, %add3A_149 : i32
      %dma_wait3A_151 = arith.constant 2 : i32
      %dma_wait3A_152 = arith.constant 0 : i32
      %dma_wait3A_153 = tpu.memref_slice %arg7[%select_n3A_72, %dma_wait3A_151, %dma_wait3A_152] : memref<2x8x64xi32, #tpu.memory_space<vmem>> -> memref<1x1x64xi32, #tpu.memory_space<vmem>>
      %dma_wait3A_154 = tpu.memref_squeeze %dma_wait3A_153 : memref<1x1x64xi32, #tpu.memory_space<vmem>> -> memref<64xi32, #tpu.memory_space<vmem>>
      %dma_wait3A_155 = arith.constant 0 : i32
      %dma_wait3A_156 = arith.constant 0 : i32
      %dma_wait3A_157 = tpu.memref_slice %arg2[%arg0, %dma_wait3A_155, %dma_wait3A_156] : memref<2x10000x128xf32, #tpu.memory_space<hbm>> -> memref<1x10000x128xf32, #tpu.memory_space<hbm>>
      %dma_wait3A_158 = tpu.memref_squeeze %dma_wait3A_157 : memref<1x10000x128xf32, #tpu.memory_space<hbm>> -> memref<10000x128xf32, #tpu.memory_space<hbm>>
      %dma_wait3A_159 = arith.constant 0 : i32
      %dma_wait3A_160 = arith.constant 0 : i32
      %dma_wait3A_161 = tpu.memref_slice %dma_wait3A_158[%dma_wait3A_159, %dma_wait3A_160] : memref<10000x128xf32, #tpu.memory_space<hbm>> -> memref<10000x128xf32, #tpu.memory_space<hbm>>
      tpu.wait_indirect_dma semaphore(%arg15 : memref<!tpu.dma_semaphore, #tpu.memory_space<semaphore_mem>>) src(%dma_wait3A_161 : memref<10000x128xf32, #tpu.memory_space<hbm>>) dst(%arg11 : memref<64x128xf32, #tpu.memory_space<vmem>>)
      %dma_start3A_162 = arith.constant 2 : i32
      %dma_start3A_163 = arith.constant 0 : i32
      %dma_start3A_164 = tpu.memref_slice %arg8[%select_n3A_72, %dma_start3A_162, %dma_start3A_163] : memref<2x8x64xi32, #tpu.memory_space<vmem>> -> memref<1x1x64xi32, #tpu.memory_space<vmem>>
      %dma_start3A_165 = tpu.memref_squeeze %dma_start3A_164 : memref<1x1x64xi32, #tpu.memory_space<vmem>> -> memref<64xi32, #tpu.memory_space<vmem>>
      %dma_start3A_166 = arith.constant 0 : i32
      %dma_start3A_167 = arith.constant 0 : i32
      %dma_start3A_168 = tpu.memref_slice %arg6[%dma_start3A_166, %dma_start3A_167] : memref<10008x128xf32, #tpu.memory_space<vmem_shared>> -> memref<10008x128xf32, #tpu.memory_space<vmem_shared>>
      tpu.enqueue_indirect_dma source(%arg11 : memref<64x128xf32, #tpu.memory_space<vmem>>) target(%dma_start3A_168 : memref<10008x128xf32, #tpu.memory_space<vmem_shared>>) offsets(%dma_start3A_165 : memref<64xi32, #tpu.memory_space<vmem>>) semaphore(%arg19 : memref<!tpu.dma_semaphore, #tpu.memory_space<semaphore_mem>>) {add = true}
      %ge3A_169 = arith.constant 1 : i32
      %ge3A_170 = arith.cmpi sge, %add3A_150, %ge3A_169 : i32
      %convert_element_type3A_171 = arith.extui %ge3A_170 : i1 to i32
      %cond3A_172 = arith.constant 0 : i32
      %cond3A_173 = arith.cmpi ne, %convert_element_type3A_171, %cond3A_172 : i32
      scf.if %cond3A_173 {
        %dma_wait3A_352 = arith.constant 2 : i32
        %dma_wait3A_353 = arith.constant 0 : i32
        %dma_wait3A_354 = tpu.memref_slice %arg8[%select_n3A_72, %dma_wait3A_352, %dma_wait3A_353] : memref<2x8x64xi32, #tpu.memory_space<vmem>> -> memref<1x1x64xi32, #tpu.memory_space<vmem>>
        %dma_wait3A_355 = tpu.memref_squeeze %dma_wait3A_354 : memref<1x1x64xi32, #tpu.memory_space<vmem>> -> memref<64xi32, #tpu.memory_space<vmem>>
        %dma_wait3A_356 = arith.constant 0 : i32
        %dma_wait3A_357 = arith.constant 0 : i32
        %dma_wait3A_358 = tpu.memref_slice %arg6[%dma_wait3A_356, %dma_wait3A_357] : memref<10008x128xf32, #tpu.memory_space<vmem_shared>> -> memref<10008x128xf32, #tpu.memory_space<vmem_shared>>
        tpu.wait_indirect_dma semaphore(%arg18 : memref<!tpu.dma_semaphore, #tpu.memory_space<semaphore_mem>>) src(%arg10 : memref<64x128xf32, #tpu.memory_space<vmem>>) dst(%dma_wait3A_358 : memref<10008x128xf32, #tpu.memory_space<vmem_shared>>)
      } else {
      }
      %add3A_174 = arith.constant 3 : i32
      %add3A_175 = arith.addi %add3A_150, %add3A_174 : i32
      %lt3A_176 = arith.constant 320 : i32
      %lt3A_177 = arith.cmpi slt, %add3A_175, %lt3A_176 : i32
      %convert_element_type3A_178 = arith.extui %lt3A_177 : i1 to i32
      %cond3A_179 = arith.constant 0 : i32
      %cond3A_180 = arith.cmpi ne, %convert_element_type3A_178, %cond3A_179 : i32
      scf.if %cond3A_180 {
        %dma_start3A_352 = arith.constant 5 : i32
        %dma_start3A_353 = arith.constant 0 : i32
        %dma_start3A_354 = tpu.memref_slice %arg7[%select_n3A_72, %dma_start3A_352, %dma_start3A_353] : memref<2x8x64xi32, #tpu.memory_space<vmem>> -> memref<1x1x64xi32, #tpu.memory_space<vmem>>
        %dma_start3A_355 = tpu.memref_squeeze %dma_start3A_354 : memref<1x1x64xi32, #tpu.memory_space<vmem>> -> memref<64xi32, #tpu.memory_space<vmem>>
        %dma_start3A_356 = arith.constant 0 : i32
        %dma_start3A_357 = arith.constant 0 : i32
        %dma_start3A_358 = tpu.memref_slice %arg2[%arg0, %dma_start3A_356, %dma_start3A_357] : memref<2x10000x128xf32, #tpu.memory_space<hbm>> -> memref<1x10000x128xf32, #tpu.memory_space<hbm>>
        %dma_start3A_359 = tpu.memref_squeeze %dma_start3A_358 : memref<1x10000x128xf32, #tpu.memory_space<hbm>> -> memref<10000x128xf32, #tpu.memory_space<hbm>>
        %dma_start3A_360 = arith.constant 0 : i32
        %dma_start3A_361 = arith.constant 0 : i32
        %dma_start3A_362 = tpu.memref_slice %dma_start3A_359[%dma_start3A_360, %dma_start3A_361] : memref<10000x128xf32, #tpu.memory_space<hbm>> -> memref<10000x128xf32, #tpu.memory_space<hbm>>
        tpu.enqueue_indirect_dma source(%dma_start3A_362 : memref<10000x128xf32, #tpu.memory_space<hbm>>) target(%arg10 : memref<64x128xf32, #tpu.memory_space<vmem>>) offsets(%dma_start3A_355 : memref<64xi32, #tpu.memory_space<vmem>>) semaphore(%arg14 : memref<!tpu.dma_semaphore, #tpu.memory_space<semaphore_mem>>)
      } else {
      }
      %mul3A_181 = arith.constant 8 : i32
      %mul3A_182 = arith.muli %mul3A_181, %scan3A_61 : i32
      %add3A_183 = arith.constant 3 : i32
      %add3A_184 = arith.addi %mul3A_182, %add3A_183 : i32
      %dma_wait3A_185 = arith.constant 3 : i32
      %dma_wait3A_186 = arith.constant 0 : i32
      %dma_wait3A_187 = tpu.memref_slice %arg7[%select_n3A_72, %dma_wait3A_185, %dma_wait3A_186] : memref<2x8x64xi32, #tpu.memory_space<vmem>> -> memref<1x1x64xi32, #tpu.memory_space<vmem>>
      %dma_wait3A_188 = tpu.memref_squeeze %dma_wait3A_187 : memref<1x1x64xi32, #tpu.memory_space<vmem>> -> memref<64xi32, #tpu.memory_space<vmem>>
      %dma_wait3A_189 = arith.constant 0 : i32
      %dma_wait3A_190 = arith.constant 0 : i32
      %dma_wait3A_191 = tpu.memref_slice %arg2[%arg0, %dma_wait3A_189, %dma_wait3A_190] : memref<2x10000x128xf32, #tpu.memory_space<hbm>> -> memref<1x10000x128xf32, #tpu.memory_space<hbm>>
      %dma_wait3A_192 = tpu.memref_squeeze %dma_wait3A_191 : memref<1x10000x128xf32, #tpu.memory_space<hbm>> -> memref<10000x128xf32, #tpu.memory_space<hbm>>
      %dma_wait3A_193 = arith.constant 0 : i32
      %dma_wait3A_194 = arith.constant 0 : i32
      %dma_wait3A_195 = tpu.memref_slice %dma_wait3A_192[%dma_wait3A_193, %dma_wait3A_194] : memref<10000x128xf32, #tpu.memory_space<hbm>> -> memref<10000x128xf32, #tpu.memory_space<hbm>>
      tpu.wait_indirect_dma semaphore(%arg16 : memref<!tpu.dma_semaphore, #tpu.memory_space<semaphore_mem>>) src(%dma_wait3A_195 : memref<10000x128xf32, #tpu.memory_space<hbm>>) dst(%arg12 : memref<64x128xf32, #tpu.memory_space<vmem>>)
      %dma_start3A_196 = arith.constant 3 : i32
      %dma_start3A_197 = arith.constant 0 : i32
      %dma_start3A_198 = tpu.memref_slice %arg8[%select_n3A_72, %dma_start3A_196, %dma_start3A_197] : memref<2x8x64xi32, #tpu.memory_space<vmem>> -> memref<1x1x64xi32, #tpu.memory_space<vmem>>
      %dma_start3A_199 = tpu.memref_squeeze %dma_start3A_198 : memref<1x1x64xi32, #tpu.memory_space<vmem>> -> memref<64xi32, #tpu.memory_space<vmem>>
      %dma_start3A_200 = arith.constant 0 : i32
      %dma_start3A_201 = arith.constant 0 : i32
      %dma_start3A_202 = tpu.memref_slice %arg6[%dma_start3A_200, %dma_start3A_201] : memref<10008x128xf32, #tpu.memory_space<vmem_shared>> -> memref<10008x128xf32, #tpu.memory_space<vmem_shared>>
      tpu.enqueue_indirect_dma source(%arg12 : memref<64x128xf32, #tpu.memory_space<vmem>>) target(%dma_start3A_202 : memref<10008x128xf32, #tpu.memory_space<vmem_shared>>) offsets(%dma_start3A_199 : memref<64xi32, #tpu.memory_space<vmem>>) semaphore(%arg20 : memref<!tpu.dma_semaphore, #tpu.memory_space<semaphore_mem>>) {add = true}
      %ge3A_203 = arith.constant 1 : i32
      %ge3A_204 = arith.cmpi sge, %add3A_184, %ge3A_203 : i32
      %convert_element_type3A_205 = arith.extui %ge3A_204 : i1 to i32
      %cond3A_206 = arith.constant 0 : i32
      %cond3A_207 = arith.cmpi ne, %convert_element_type3A_205, %cond3A_206 : i32
      scf.if %cond3A_207 {
        %dma_wait3A_352 = arith.constant 3 : i32
        %dma_wait3A_353 = arith.constant 0 : i32
        %dma_wait3A_354 = tpu.memref_slice %arg8[%select_n3A_72, %dma_wait3A_352, %dma_wait3A_353] : memref<2x8x64xi32, #tpu.memory_space<vmem>> -> memref<1x1x64xi32, #tpu.memory_space<vmem>>
        %dma_wait3A_355 = tpu.memref_squeeze %dma_wait3A_354 : memref<1x1x64xi32, #tpu.memory_space<vmem>> -> memref<64xi32, #tpu.memory_space<vmem>>
        %dma_wait3A_356 = arith.constant 0 : i32
        %dma_wait3A_357 = arith.constant 0 : i32
        %dma_wait3A_358 = tpu.memref_slice %arg6[%dma_wait3A_356, %dma_wait3A_357] : memref<10008x128xf32, #tpu.memory_space<vmem_shared>> -> memref<10008x128xf32, #tpu.memory_space<vmem_shared>>
        tpu.wait_indirect_dma semaphore(%arg19 : memref<!tpu.dma_semaphore, #tpu.memory_space<semaphore_mem>>) src(%arg11 : memref<64x128xf32, #tpu.memory_space<vmem>>) dst(%dma_wait3A_358 : memref<10008x128xf32, #tpu.memory_space<vmem_shared>>)
      } else {
      }
      %add3A_208 = arith.constant 3 : i32
      %add3A_209 = arith.addi %add3A_184, %add3A_208 : i32
      %lt3A_210 = arith.constant 320 : i32
      %lt3A_211 = arith.cmpi slt, %add3A_209, %lt3A_210 : i32
      %convert_element_type3A_212 = arith.extui %lt3A_211 : i1 to i32
      %cond3A_213 = arith.constant 0 : i32
      %cond3A_214 = arith.cmpi ne, %convert_element_type3A_212, %cond3A_213 : i32
      scf.if %cond3A_214 {
        %dma_start3A_352 = arith.constant 6 : i32
        %dma_start3A_353 = arith.constant 0 : i32
        %dma_start3A_354 = tpu.memref_slice %arg7[%select_n3A_72, %dma_start3A_352, %dma_start3A_353] : memref<2x8x64xi32, #tpu.memory_space<vmem>> -> memref<1x1x64xi32, #tpu.memory_space<vmem>>
        %dma_start3A_355 = tpu.memref_squeeze %dma_start3A_354 : memref<1x1x64xi32, #tpu.memory_space<vmem>> -> memref<64xi32, #tpu.memory_space<vmem>>
        %dma_start3A_356 = arith.constant 0 : i32
        %dma_start3A_357 = arith.constant 0 : i32
        %dma_start3A_358 = tpu.memref_slice %arg2[%arg0, %dma_start3A_356, %dma_start3A_357] : memref<2x10000x128xf32, #tpu.memory_space<hbm>> -> memref<1x10000x128xf32, #tpu.memory_space<hbm>>
        %dma_start3A_359 = tpu.memref_squeeze %dma_start3A_358 : memref<1x10000x128xf32, #tpu.memory_space<hbm>> -> memref<10000x128xf32, #tpu.memory_space<hbm>>
        %dma_start3A_360 = arith.constant 0 : i32
        %dma_start3A_361 = arith.constant 0 : i32
        %dma_start3A_362 = tpu.memref_slice %dma_start3A_359[%dma_start3A_360, %dma_start3A_361] : memref<10000x128xf32, #tpu.memory_space<hbm>> -> memref<10000x128xf32, #tpu.memory_space<hbm>>
        tpu.enqueue_indirect_dma source(%dma_start3A_362 : memref<10000x128xf32, #tpu.memory_space<hbm>>) target(%arg11 : memref<64x128xf32, #tpu.memory_space<vmem>>) offsets(%dma_start3A_355 : memref<64xi32, #tpu.memory_space<vmem>>) semaphore(%arg15 : memref<!tpu.dma_semaphore, #tpu.memory_space<semaphore_mem>>)
      } else {
      }
      %mul3A_215 = arith.constant 8 : i32
      %mul3A_216 = arith.muli %mul3A_215, %scan3A_61 : i32
      %add3A_217 = arith.constant 4 : i32
      %add3A_218 = arith.addi %mul3A_216, %add3A_217 : i32
      %dma_wait3A_219 = arith.constant 4 : i32
      %dma_wait3A_220 = arith.constant 0 : i32
      %dma_wait3A_221 = tpu.memref_slice %arg7[%select_n3A_72, %dma_wait3A_219, %dma_wait3A_220] : memref<2x8x64xi32, #tpu.memory_space<vmem>> -> memref<1x1x64xi32, #tpu.memory_space<vmem>>
      %dma_wait3A_222 = tpu.memref_squeeze %dma_wait3A_221 : memref<1x1x64xi32, #tpu.memory_space<vmem>> -> memref<64xi32, #tpu.memory_space<vmem>>
      %dma_wait3A_223 = arith.constant 0 : i32
      %dma_wait3A_224 = arith.constant 0 : i32
      %dma_wait3A_225 = tpu.memref_slice %arg2[%arg0, %dma_wait3A_223, %dma_wait3A_224] : memref<2x10000x128xf32, #tpu.memory_space<hbm>> -> memref<1x10000x128xf32, #tpu.memory_space<hbm>>
      %dma_wait3A_226 = tpu.memref_squeeze %dma_wait3A_225 : memref<1x10000x128xf32, #tpu.memory_space<hbm>> -> memref<10000x128xf32, #tpu.memory_space<hbm>>
      %dma_wait3A_227 = arith.constant 0 : i32
      %dma_wait3A_228 = arith.constant 0 : i32
      %dma_wait3A_229 = tpu.memref_slice %dma_wait3A_226[%dma_wait3A_227, %dma_wait3A_228] : memref<10000x128xf32, #tpu.memory_space<hbm>> -> memref<10000x128xf32, #tpu.memory_space<hbm>>
      tpu.wait_indirect_dma semaphore(%arg13 : memref<!tpu.dma_semaphore, #tpu.memory_space<semaphore_mem>>) src(%dma_wait3A_229 : memref<10000x128xf32, #tpu.memory_space<hbm>>) dst(%arg9 : memref<64x128xf32, #tpu.memory_space<vmem>>)
      %dma_start3A_230 = arith.constant 4 : i32
      %dma_start3A_231 = arith.constant 0 : i32
      %dma_start3A_232 = tpu.memref_slice %arg8[%select_n3A_72, %dma_start3A_230, %dma_start3A_231] : memref<2x8x64xi32, #tpu.memory_space<vmem>> -> memref<1x1x64xi32, #tpu.memory_space<vmem>>
      %dma_start3A_233 = tpu.memref_squeeze %dma_start3A_232 : memref<1x1x64xi32, #tpu.memory_space<vmem>> -> memref<64xi32, #tpu.memory_space<vmem>>
      %dma_start3A_234 = arith.constant 0 : i32
      %dma_start3A_235 = arith.constant 0 : i32
      %dma_start3A_236 = tpu.memref_slice %arg6[%dma_start3A_234, %dma_start3A_235] : memref<10008x128xf32, #tpu.memory_space<vmem_shared>> -> memref<10008x128xf32, #tpu.memory_space<vmem_shared>>
      tpu.enqueue_indirect_dma source(%arg9 : memref<64x128xf32, #tpu.memory_space<vmem>>) target(%dma_start3A_236 : memref<10008x128xf32, #tpu.memory_space<vmem_shared>>) offsets(%dma_start3A_233 : memref<64xi32, #tpu.memory_space<vmem>>) semaphore(%arg17 : memref<!tpu.dma_semaphore, #tpu.memory_space<semaphore_mem>>) {add = true}
      %ge3A_237 = arith.constant 1 : i32
      %ge3A_238 = arith.cmpi sge, %add3A_218, %ge3A_237 : i32
      %convert_element_type3A_239 = arith.extui %ge3A_238 : i1 to i32
      %cond3A_240 = arith.constant 0 : i32
      %cond3A_241 = arith.cmpi ne, %convert_element_type3A_239, %cond3A_240 : i32
      scf.if %cond3A_241 {
        %dma_wait3A_352 = arith.constant 4 : i32
        %dma_wait3A_353 = arith.constant 0 : i32
        %dma_wait3A_354 = tpu.memref_slice %arg8[%select_n3A_72, %dma_wait3A_352, %dma_wait3A_353] : memref<2x8x64xi32, #tpu.memory_space<vmem>> -> memref<1x1x64xi32, #tpu.memory_space<vmem>>
        %dma_wait3A_355 = tpu.memref_squeeze %dma_wait3A_354 : memref<1x1x64xi32, #tpu.memory_space<vmem>> -> memref<64xi32, #tpu.memory_space<vmem>>
        %dma_wait3A_356 = arith.constant 0 : i32
        %dma_wait3A_357 = arith.constant 0 : i32
        %dma_wait3A_358 = tpu.memref_slice %arg6[%dma_wait3A_356, %dma_wait3A_357] : memref<10008x128xf32, #tpu.memory_space<vmem_shared>> -> memref<10008x128xf32, #tpu.memory_space<vmem_shared>>
        tpu.wait_indirect_dma semaphore(%arg20 : memref<!tpu.dma_semaphore, #tpu.memory_space<semaphore_mem>>) src(%arg12 : memref<64x128xf32, #tpu.memory_space<vmem>>) dst(%dma_wait3A_358 : memref<10008x128xf32, #tpu.memory_space<vmem_shared>>)
      } else {
      }
      %add3A_242 = arith.constant 3 : i32
      %add3A_243 = arith.addi %add3A_218, %add3A_242 : i32
      %lt3A_244 = arith.constant 320 : i32
      %lt3A_245 = arith.cmpi slt, %add3A_243, %lt3A_244 : i32
      %convert_element_type3A_246 = arith.extui %lt3A_245 : i1 to i32
      %cond3A_247 = arith.constant 0 : i32
      %cond3A_248 = arith.cmpi ne, %convert_element_type3A_246, %cond3A_247 : i32
      scf.if %cond3A_248 {
        %dma_start3A_352 = arith.constant 7 : i32
        %dma_start3A_353 = arith.constant 0 : i32
        %dma_start3A_354 = tpu.memref_slice %arg7[%select_n3A_72, %dma_start3A_352, %dma_start3A_353] : memref<2x8x64xi32, #tpu.memory_space<vmem>> -> memref<1x1x64xi32, #tpu.memory_space<vmem>>
        %dma_start3A_355 = tpu.memref_squeeze %dma_start3A_354 : memref<1x1x64xi32, #tpu.memory_space<vmem>> -> memref<64xi32, #tpu.memory_space<vmem>>
        %dma_start3A_356 = arith.constant 0 : i32
        %dma_start3A_357 = arith.constant 0 : i32
        %dma_start3A_358 = tpu.memref_slice %arg2[%arg0, %dma_start3A_356, %dma_start3A_357] : memref<2x10000x128xf32, #tpu.memory_space<hbm>> -> memref<1x10000x128xf32, #tpu.memory_space<hbm>>
        %dma_start3A_359 = tpu.memref_squeeze %dma_start3A_358 : memref<1x10000x128xf32, #tpu.memory_space<hbm>> -> memref<10000x128xf32, #tpu.memory_space<hbm>>
        %dma_start3A_360 = arith.constant 0 : i32
        %dma_start3A_361 = arith.constant 0 : i32
        %dma_start3A_362 = tpu.memref_slice %dma_start3A_359[%dma_start3A_360, %dma_start3A_361] : memref<10000x128xf32, #tpu.memory_space<hbm>> -> memref<10000x128xf32, #tpu.memory_space<hbm>>
        tpu.enqueue_indirect_dma source(%dma_start3A_362 : memref<10000x128xf32, #tpu.memory_space<hbm>>) target(%arg12 : memref<64x128xf32, #tpu.memory_space<vmem>>) offsets(%dma_start3A_355 : memref<64xi32, #tpu.memory_space<vmem>>) semaphore(%arg16 : memref<!tpu.dma_semaphore, #tpu.memory_space<semaphore_mem>>)
      } else {
      }
      %mul3A_249 = arith.constant 8 : i32
      %mul3A_250 = arith.muli %mul3A_249, %scan3A_61 : i32
      %add3A_251 = arith.constant 5 : i32
      %add3A_252 = arith.addi %mul3A_250, %add3A_251 : i32
      %dma_wait3A_253 = arith.constant 5 : i32
      %dma_wait3A_254 = arith.constant 0 : i32
      %dma_wait3A_255 = tpu.memref_slice %arg7[%select_n3A_72, %dma_wait3A_253, %dma_wait3A_254] : memref<2x8x64xi32, #tpu.memory_space<vmem>> -> memref<1x1x64xi32, #tpu.memory_space<vmem>>
      %dma_wait3A_256 = tpu.memref_squeeze %dma_wait3A_255 : memref<1x1x64xi32, #tpu.memory_space<vmem>> -> memref<64xi32, #tpu.memory_space<vmem>>
      %dma_wait3A_257 = arith.constant 0 : i32
      %dma_wait3A_258 = arith.constant 0 : i32
      %dma_wait3A_259 = tpu.memref_slice %arg2[%arg0, %dma_wait3A_257, %dma_wait3A_258] : memref<2x10000x128xf32, #tpu.memory_space<hbm>> -> memref<1x10000x128xf32, #tpu.memory_space<hbm>>
      %dma_wait3A_260 = tpu.memref_squeeze %dma_wait3A_259 : memref<1x10000x128xf32, #tpu.memory_space<hbm>> -> memref<10000x128xf32, #tpu.memory_space<hbm>>
      %dma_wait3A_261 = arith.constant 0 : i32
      %dma_wait3A_262 = arith.constant 0 : i32
      %dma_wait3A_263 = tpu.memref_slice %dma_wait3A_260[%dma_wait3A_261, %dma_wait3A_262] : memref<10000x128xf32, #tpu.memory_space<hbm>> -> memref<10000x128xf32, #tpu.memory_space<hbm>>
      tpu.wait_indirect_dma semaphore(%arg14 : memref<!tpu.dma_semaphore, #tpu.memory_space<semaphore_mem>>) src(%dma_wait3A_263 : memref<10000x128xf32, #tpu.memory_space<hbm>>) dst(%arg10 : memref<64x128xf32, #tpu.memory_space<vmem>>)
      %dma_start3A_264 = arith.constant 5 : i32
      %dma_start3A_265 = arith.constant 0 : i32
      %dma_start3A_266 = tpu.memref_slice %arg8[%select_n3A_72, %dma_start3A_264, %dma_start3A_265] : memref<2x8x64xi32, #tpu.memory_space<vmem>> -> memref<1x1x64xi32, #tpu.memory_space<vmem>>
      %dma_start3A_267 = tpu.memref_squeeze %dma_start3A_266 : memref<1x1x64xi32, #tpu.memory_space<vmem>> -> memref<64xi32, #tpu.memory_space<vmem>>
      %dma_start3A_268 = arith.constant 0 : i32
      %dma_start3A_269 = arith.constant 0 : i32
      %dma_start3A_270 = tpu.memref_slice %arg6[%dma_start3A_268, %dma_start3A_269] : memref<10008x128xf32, #tpu.memory_space<vmem_shared>> -> memref<10008x128xf32, #tpu.memory_space<vmem_shared>>
      tpu.enqueue_indirect_dma source(%arg10 : memref<64x128xf32, #tpu.memory_space<vmem>>) target(%dma_start3A_270 : memref<10008x128xf32, #tpu.memory_space<vmem_shared>>) offsets(%dma_start3A_267 : memref<64xi32, #tpu.memory_space<vmem>>) semaphore(%arg18 : memref<!tpu.dma_semaphore, #tpu.memory_space<semaphore_mem>>) {add = true}
      %ge3A_271 = arith.constant 1 : i32
      %ge3A_272 = arith.cmpi sge, %add3A_252, %ge3A_271 : i32
      %convert_element_type3A_273 = arith.extui %ge3A_272 : i1 to i32
      %cond3A_274 = arith.constant 0 : i32
      %cond3A_275 = arith.cmpi ne, %convert_element_type3A_273, %cond3A_274 : i32
      scf.if %cond3A_275 {
        %dma_wait3A_352 = arith.constant 5 : i32
        %dma_wait3A_353 = arith.constant 0 : i32
        %dma_wait3A_354 = tpu.memref_slice %arg8[%select_n3A_72, %dma_wait3A_352, %dma_wait3A_353] : memref<2x8x64xi32, #tpu.memory_space<vmem>> -> memref<1x1x64xi32, #tpu.memory_space<vmem>>
        %dma_wait3A_355 = tpu.memref_squeeze %dma_wait3A_354 : memref<1x1x64xi32, #tpu.memory_space<vmem>> -> memref<64xi32, #tpu.memory_space<vmem>>
        %dma_wait3A_356 = arith.constant 0 : i32
        %dma_wait3A_357 = arith.constant 0 : i32
        %dma_wait3A_358 = tpu.memref_slice %arg6[%dma_wait3A_356, %dma_wait3A_357] : memref<10008x128xf32, #tpu.memory_space<vmem_shared>> -> memref<10008x128xf32, #tpu.memory_space<vmem_shared>>
        tpu.wait_indirect_dma semaphore(%arg17 : memref<!tpu.dma_semaphore, #tpu.memory_space<semaphore_mem>>) src(%arg9 : memref<64x128xf32, #tpu.memory_space<vmem>>) dst(%dma_wait3A_358 : memref<10008x128xf32, #tpu.memory_space<vmem_shared>>)
      } else {
      }
      %add3A_276 = arith.constant 1 : i32
      %add3A_277 = arith.addi %scan3A_61, %add3A_276 : i32
      %lt3A_278 = arith.constant 40 : i32
      %lt3A_279 = arith.cmpi slt, %add3A_277, %lt3A_278 : i32
      %convert_element_type3A_280 = arith.extui %lt3A_279 : i1 to i32
      %cond3A_281 = arith.constant 0 : i32
      %cond3A_282 = arith.cmpi ne, %convert_element_type3A_280, %cond3A_281 : i32
      scf.if %cond3A_282 {
        %dma_wait3A_352 = arith.constant 0 : i32
        %dma_wait3A_353 = arith.constant 0 : i32
        %dma_wait3A_354 = tpu.memref_slice %arg7[%select_n3A_72, %dma_wait3A_352, %dma_wait3A_353] : memref<2x8x64xi32, #tpu.memory_space<vmem>> -> memref<1x8x64xi32, #tpu.memory_space<vmem>>
        %dma_wait3A_355 = tpu.memref_squeeze %dma_wait3A_354 : memref<1x8x64xi32, #tpu.memory_space<vmem>> -> memref<8x64xi32, #tpu.memory_space<vmem>>
        %dma_wait3A_356 = arith.constant 0 : i32
        %dma_wait3A_357 = arith.constant 0 : i32
        %dma_wait3A_358 = tpu.memref_slice %arg3[%arg1, %scan3A_61, %dma_wait3A_356, %dma_wait3A_357] : memref<16x40x8x64xi32, #tpu.memory_space<hbm>> -> memref<1x1x8x64xi32, #tpu.memory_space<hbm>>
        %dma_wait3A_359 = tpu.memref_squeeze %dma_wait3A_358 : memref<1x1x8x64xi32, #tpu.memory_space<hbm>> -> memref<8x64xi32, #tpu.memory_space<hbm>>
        %dma_wait3A_360 = arith.constant 0 : i32
        %dma_wait3A_361 = arith.constant 0 : i32
        %dma_wait3A_362 = tpu.memref_slice %arg7[%select_n3A_72, %dma_wait3A_360, %dma_wait3A_361] : memref<2x8x64xi32, #tpu.memory_space<vmem>> -> memref<1x8x64xi32, #tpu.memory_space<vmem>>
        %dma_wait3A_363 = tpu.memref_squeeze %dma_wait3A_362 : memref<1x8x64xi32, #tpu.memory_space<vmem>> -> memref<8x64xi32, #tpu.memory_space<vmem>>
        %dma_wait3A_364 = arith.constant 0 : i32
        %dma_wait3A_365 = arith.constant 0 : i32
        %dma_wait3A_366 = tpu.memref_slice %arg3[%arg1, %scan3A_61, %dma_wait3A_364, %dma_wait3A_365] : memref<16x40x8x64xi32, #tpu.memory_space<hbm>> -> memref<1x1x8x64xi32, #tpu.memory_space<hbm>>
        %dma_wait3A_367 = tpu.memref_squeeze %dma_wait3A_366 : memref<1x1x8x64xi32, #tpu.memory_space<hbm>> -> memref<8x64xi32, #tpu.memory_space<hbm>>
        tpu.wait_dma2 semaphore(%arg21 : memref<!tpu.dma_semaphore, #tpu.memory_space<semaphore_mem>>) src(%dma_wait3A_367 : memref<8x64xi32, #tpu.memory_space<hbm>>) dst(%dma_wait3A_363 : memref<8x64xi32, #tpu.memory_space<vmem>>)
        %dma_wait3A_368 = arith.constant 0 : i32
        %dma_wait3A_369 = arith.constant 0 : i32
        %dma_wait3A_370 = tpu.memref_slice %arg8[%select_n3A_72, %dma_wait3A_368, %dma_wait3A_369] : memref<2x8x64xi32, #tpu.memory_space<vmem>> -> memref<1x8x64xi32, #tpu.memory_space<vmem>>
        %dma_wait3A_371 = tpu.memref_squeeze %dma_wait3A_370 : memref<1x8x64xi32, #tpu.memory_space<vmem>> -> memref<8x64xi32, #tpu.memory_space<vmem>>
        %dma_wait3A_372 = arith.constant 0 : i32
        %dma_wait3A_373 = arith.constant 0 : i32
        %dma_wait3A_374 = tpu.memref_slice %arg4[%arg1, %scan3A_61, %dma_wait3A_372, %dma_wait3A_373] : memref<16x40x8x64xi32, #tpu.memory_space<hbm>> -> memref<1x1x8x64xi32, #tpu.memory_space<hbm>>
        %dma_wait3A_375 = tpu.memref_squeeze %dma_wait3A_374 : memref<1x1x8x64xi32, #tpu.memory_space<hbm>> -> memref<8x64xi32, #tpu.memory_space<hbm>>
        %dma_wait3A_376 = arith.constant 0 : i32
        %dma_wait3A_377 = arith.constant 0 : i32
        %dma_wait3A_378 = tpu.memref_slice %arg8[%select_n3A_72, %dma_wait3A_376, %dma_wait3A_377] : memref<2x8x64xi32, #tpu.memory_space<vmem>> -> memref<1x8x64xi32, #tpu.memory_space<vmem>>
        %dma_wait3A_379 = tpu.memref_squeeze %dma_wait3A_378 : memref<1x8x64xi32, #tpu.memory_space<vmem>> -> memref<8x64xi32, #tpu.memory_space<vmem>>
        %dma_wait3A_380 = arith.constant 0 : i32
        %dma_wait3A_381 = arith.constant 0 : i32
        %dma_wait3A_382 = tpu.memref_slice %arg4[%arg1, %scan3A_61, %dma_wait3A_380, %dma_wait3A_381] : memref<16x40x8x64xi32, #tpu.memory_space<hbm>> -> memref<1x1x8x64xi32, #tpu.memory_space<hbm>>
        %dma_wait3A_383 = tpu.memref_squeeze %dma_wait3A_382 : memref<1x1x8x64xi32, #tpu.memory_space<hbm>> -> memref<8x64xi32, #tpu.memory_space<hbm>>
        tpu.wait_dma2 semaphore(%arg22 : memref<!tpu.dma_semaphore, #tpu.memory_space<semaphore_mem>>) src(%dma_wait3A_383 : memref<8x64xi32, #tpu.memory_space<hbm>>) dst(%dma_wait3A_379 : memref<8x64xi32, #tpu.memory_space<vmem>>)
        %sub3A = arith.constant 1 : i32
        %sub3A_384 = arith.subi %sub3A, %select_n3A_72 : i32
        %dma_start3A_385 = arith.constant 0 : i32
        %dma_start3A_386 = arith.constant 0 : i32
        %dma_start3A_387 = tpu.memref_slice %arg7[%sub3A_384, %dma_start3A_385, %dma_start3A_386] : memref<2x8x64xi32, #tpu.memory_space<vmem>> -> memref<1x1x64xi32, #tpu.memory_space<vmem>>
        %dma_start3A_388 = tpu.memref_squeeze %dma_start3A_387 : memref<1x1x64xi32, #tpu.memory_space<vmem>> -> memref<64xi32, #tpu.memory_space<vmem>>
        %dma_start3A_389 = arith.constant 0 : i32
        %dma_start3A_390 = arith.constant 0 : i32
        %dma_start3A_391 = tpu.memref_slice %arg2[%arg0, %dma_start3A_389, %dma_start3A_390] : memref<2x10000x128xf32, #tpu.memory_space<hbm>> -> memref<1x10000x128xf32, #tpu.memory_space<hbm>>
        %dma_start3A_392 = tpu.memref_squeeze %dma_start3A_391 : memref<1x10000x128xf32, #tpu.memory_space<hbm>> -> memref<10000x128xf32, #tpu.memory_space<hbm>>
        %dma_start3A_393 = arith.constant 0 : i32
        %dma_start3A_394 = arith.constant 0 : i32
        %dma_start3A_395 = tpu.memref_slice %dma_start3A_392[%dma_start3A_393, %dma_start3A_394] : memref<10000x128xf32, #tpu.memory_space<hbm>> -> memref<10000x128xf32, #tpu.memory_space<hbm>>
        tpu.enqueue_indirect_dma source(%dma_start3A_395 : memref<10000x128xf32, #tpu.memory_space<hbm>>) target(%arg9 : memref<64x128xf32, #tpu.memory_space<vmem>>) offsets(%dma_start3A_388 : memref<64xi32, #tpu.memory_space<vmem>>) semaphore(%arg13 : memref<!tpu.dma_semaphore, #tpu.memory_space<semaphore_mem>>)
      } else {
      }
      %mul3A_283 = arith.constant 8 : i32
      %mul3A_284 = arith.muli %mul3A_283, %scan3A_61 : i32
      %add3A_285 = arith.constant 6 : i32
      %add3A_286 = arith.addi %mul3A_284, %add3A_285 : i32
      %dma_wait3A_287 = arith.constant 6 : i32
      %dma_wait3A_288 = arith.constant 0 : i32
      %dma_wait3A_289 = tpu.memref_slice %arg7[%select_n3A_72, %dma_wait3A_287, %dma_wait3A_288] : memref<2x8x64xi32, #tpu.memory_space<vmem>> -> memref<1x1x64xi32, #tpu.memory_space<vmem>>
      %dma_wait3A_290 = tpu.memref_squeeze %dma_wait3A_289 : memref<1x1x64xi32, #tpu.memory_space<vmem>> -> memref<64xi32, #tpu.memory_space<vmem>>
      %dma_wait3A_291 = arith.constant 0 : i32
      %dma_wait3A_292 = arith.constant 0 : i32
      %dma_wait3A_293 = tpu.memref_slice %arg2[%arg0, %dma_wait3A_291, %dma_wait3A_292] : memref<2x10000x128xf32, #tpu.memory_space<hbm>> -> memref<1x10000x128xf32, #tpu.memory_space<hbm>>
      %dma_wait3A_294 = tpu.memref_squeeze %dma_wait3A_293 : memref<1x10000x128xf32, #tpu.memory_space<hbm>> -> memref<10000x128xf32, #tpu.memory_space<hbm>>
      %dma_wait3A_295 = arith.constant 0 : i32
      %dma_wait3A_296 = arith.constant 0 : i32
      %dma_wait3A_297 = tpu.memref_slice %dma_wait3A_294[%dma_wait3A_295, %dma_wait3A_296] : memref<10000x128xf32, #tpu.memory_space<hbm>> -> memref<10000x128xf32, #tpu.memory_space<hbm>>
      tpu.wait_indirect_dma semaphore(%arg15 : memref<!tpu.dma_semaphore, #tpu.memory_space<semaphore_mem>>) src(%dma_wait3A_297 : memref<10000x128xf32, #tpu.memory_space<hbm>>) dst(%arg11 : memref<64x128xf32, #tpu.memory_space<vmem>>)
      %dma_start3A_298 = arith.constant 6 : i32
      %dma_start3A_299 = arith.constant 0 : i32
      %dma_start3A_300 = tpu.memref_slice %arg8[%select_n3A_72, %dma_start3A_298, %dma_start3A_299] : memref<2x8x64xi32, #tpu.memory_space<vmem>> -> memref<1x1x64xi32, #tpu.memory_space<vmem>>
      %dma_start3A_301 = tpu.memref_squeeze %dma_start3A_300 : memref<1x1x64xi32, #tpu.memory_space<vmem>> -> memref<64xi32, #tpu.memory_space<vmem>>
      %dma_start3A_302 = arith.constant 0 : i32
      %dma_start3A_303 = arith.constant 0 : i32
      %dma_start3A_304 = tpu.memref_slice %arg6[%dma_start3A_302, %dma_start3A_303] : memref<10008x128xf32, #tpu.memory_space<vmem_shared>> -> memref<10008x128xf32, #tpu.memory_space<vmem_shared>>
      tpu.enqueue_indirect_dma source(%arg11 : memref<64x128xf32, #tpu.memory_space<vmem>>) target(%dma_start3A_304 : memref<10008x128xf32, #tpu.memory_space<vmem_shared>>) offsets(%dma_start3A_301 : memref<64xi32, #tpu.memory_space<vmem>>) semaphore(%arg19 : memref<!tpu.dma_semaphore, #tpu.memory_space<semaphore_mem>>) {add = true}
      %ge3A_305 = arith.constant 1 : i32
      %ge3A_306 = arith.cmpi sge, %add3A_286, %ge3A_305 : i32
      %convert_element_type3A_307 = arith.extui %ge3A_306 : i1 to i32
      %cond3A_308 = arith.constant 0 : i32
      %cond3A_309 = arith.cmpi ne, %convert_element_type3A_307, %cond3A_308 : i32
      scf.if %cond3A_309 {
        %dma_wait3A_352 = arith.constant 6 : i32
        %dma_wait3A_353 = arith.constant 0 : i32
        %dma_wait3A_354 = tpu.memref_slice %arg8[%select_n3A_72, %dma_wait3A_352, %dma_wait3A_353] : memref<2x8x64xi32, #tpu.memory_space<vmem>> -> memref<1x1x64xi32, #tpu.memory_space<vmem>>
        %dma_wait3A_355 = tpu.memref_squeeze %dma_wait3A_354 : memref<1x1x64xi32, #tpu.memory_space<vmem>> -> memref<64xi32, #tpu.memory_space<vmem>>
        %dma_wait3A_356 = arith.constant 0 : i32
        %dma_wait3A_357 = arith.constant 0 : i32
        %dma_wait3A_358 = tpu.memref_slice %arg6[%dma_wait3A_356, %dma_wait3A_357] : memref<10008x128xf32, #tpu.memory_space<vmem_shared>> -> memref<10008x128xf32, #tpu.memory_space<vmem_shared>>
        tpu.wait_indirect_dma semaphore(%arg18 : memref<!tpu.dma_semaphore, #tpu.memory_space<semaphore_mem>>) src(%arg10 : memref<64x128xf32, #tpu.memory_space<vmem>>) dst(%dma_wait3A_358 : memref<10008x128xf32, #tpu.memory_space<vmem_shared>>)
      } else {
      }
      %add3A_310 = arith.constant 1 : i32
      %add3A_311 = arith.addi %scan3A_61, %add3A_310 : i32
      %lt3A_312 = arith.constant 40 : i32
      %lt3A_313 = arith.cmpi slt, %add3A_311, %lt3A_312 : i32
      %convert_element_type3A_314 = arith.extui %lt3A_313 : i1 to i32
      %cond3A_315 = arith.constant 0 : i32
      %cond3A_316 = arith.cmpi ne, %convert_element_type3A_314, %cond3A_315 : i32
      scf.if %cond3A_316 {
        %sub3A = arith.constant 1 : i32
        %sub3A_352 = arith.subi %sub3A, %select_n3A_72 : i32
        %dma_start3A_353 = arith.constant 1 : i32
        %dma_start3A_354 = arith.constant 0 : i32
        %dma_start3A_355 = tpu.memref_slice %arg7[%sub3A_352, %dma_start3A_353, %dma_start3A_354] : memref<2x8x64xi32, #tpu.memory_space<vmem>> -> memref<1x1x64xi32, #tpu.memory_space<vmem>>
        %dma_start3A_356 = tpu.memref_squeeze %dma_start3A_355 : memref<1x1x64xi32, #tpu.memory_space<vmem>> -> memref<64xi32, #tpu.memory_space<vmem>>
        %dma_start3A_357 = arith.constant 0 : i32
        %dma_start3A_358 = arith.constant 0 : i32
        %dma_start3A_359 = tpu.memref_slice %arg2[%arg0, %dma_start3A_357, %dma_start3A_358] : memref<2x10000x128xf32, #tpu.memory_space<hbm>> -> memref<1x10000x128xf32, #tpu.memory_space<hbm>>
        %dma_start3A_360 = tpu.memref_squeeze %dma_start3A_359 : memref<1x10000x128xf32, #tpu.memory_space<hbm>> -> memref<10000x128xf32, #tpu.memory_space<hbm>>
        %dma_start3A_361 = arith.constant 0 : i32
        %dma_start3A_362 = arith.constant 0 : i32
        %dma_start3A_363 = tpu.memref_slice %dma_start3A_360[%dma_start3A_361, %dma_start3A_362] : memref<10000x128xf32, #tpu.memory_space<hbm>> -> memref<10000x128xf32, #tpu.memory_space<hbm>>
        tpu.enqueue_indirect_dma source(%dma_start3A_363 : memref<10000x128xf32, #tpu.memory_space<hbm>>) target(%arg10 : memref<64x128xf32, #tpu.memory_space<vmem>>) offsets(%dma_start3A_356 : memref<64xi32, #tpu.memory_space<vmem>>) semaphore(%arg14 : memref<!tpu.dma_semaphore, #tpu.memory_space<semaphore_mem>>)
      } else {
      }
      %mul3A_317 = arith.constant 8 : i32
      %mul3A_318 = arith.muli %mul3A_317, %scan3A_61 : i32
      %add3A_319 = arith.constant 7 : i32
      %add3A_320 = arith.addi %mul3A_318, %add3A_319 : i32
      %dma_wait3A_321 = arith.constant 7 : i32
      %dma_wait3A_322 = arith.constant 0 : i32
      %dma_wait3A_323 = tpu.memref_slice %arg7[%select_n3A_72, %dma_wait3A_321, %dma_wait3A_322] : memref<2x8x64xi32, #tpu.memory_space<vmem>> -> memref<1x1x64xi32, #tpu.memory_space<vmem>>
      %dma_wait3A_324 = tpu.memref_squeeze %dma_wait3A_323 : memref<1x1x64xi32, #tpu.memory_space<vmem>> -> memref<64xi32, #tpu.memory_space<vmem>>
      %dma_wait3A_325 = arith.constant 0 : i32
      %dma_wait3A_326 = arith.constant 0 : i32
      %dma_wait3A_327 = tpu.memref_slice %arg2[%arg0, %dma_wait3A_325, %dma_wait3A_326] : memref<2x10000x128xf32, #tpu.memory_space<hbm>> -> memref<1x10000x128xf32, #tpu.memory_space<hbm>>
      %dma_wait3A_328 = tpu.memref_squeeze %dma_wait3A_327 : memref<1x10000x128xf32, #tpu.memory_space<hbm>> -> memref<10000x128xf32, #tpu.memory_space<hbm>>
      %dma_wait3A_329 = arith.constant 0 : i32
      %dma_wait3A_330 = arith.constant 0 : i32
      %dma_wait3A_331 = tpu.memref_slice %dma_wait3A_328[%dma_wait3A_329, %dma_wait3A_330] : memref<10000x128xf32, #tpu.memory_space<hbm>> -> memref<10000x128xf32, #tpu.memory_space<hbm>>
      tpu.wait_indirect_dma semaphore(%arg16 : memref<!tpu.dma_semaphore, #tpu.memory_space<semaphore_mem>>) src(%dma_wait3A_331 : memref<10000x128xf32, #tpu.memory_space<hbm>>) dst(%arg12 : memref<64x128xf32, #tpu.memory_space<vmem>>)
      %dma_start3A_332 = arith.constant 7 : i32
      %dma_start3A_333 = arith.constant 0 : i32
      %dma_start3A_334 = tpu.memref_slice %arg8[%select_n3A_72, %dma_start3A_332, %dma_start3A_333] : memref<2x8x64xi32, #tpu.memory_space<vmem>> -> memref<1x1x64xi32, #tpu.memory_space<vmem>>
      %dma_start3A_335 = tpu.memref_squeeze %dma_start3A_334 : memref<1x1x64xi32, #tpu.memory_space<vmem>> -> memref<64xi32, #tpu.memory_space<vmem>>
      %dma_start3A_336 = arith.constant 0 : i32
      %dma_start3A_337 = arith.constant 0 : i32
      %dma_start3A_338 = tpu.memref_slice %arg6[%dma_start3A_336, %dma_start3A_337] : memref<10008x128xf32, #tpu.memory_space<vmem_shared>> -> memref<10008x128xf32, #tpu.memory_space<vmem_shared>>
      tpu.enqueue_indirect_dma source(%arg12 : memref<64x128xf32, #tpu.memory_space<vmem>>) target(%dma_start3A_338 : memref<10008x128xf32, #tpu.memory_space<vmem_shared>>) offsets(%dma_start3A_335 : memref<64xi32, #tpu.memory_space<vmem>>) semaphore(%arg20 : memref<!tpu.dma_semaphore, #tpu.memory_space<semaphore_mem>>) {add = true}
      %ge3A_339 = arith.constant 1 : i32
      %ge3A_340 = arith.cmpi sge, %add3A_320, %ge3A_339 : i32
      %convert_element_type3A_341 = arith.extui %ge3A_340 : i1 to i32
      %cond3A_342 = arith.constant 0 : i32
      %cond3A_343 = arith.cmpi ne, %convert_element_type3A_341, %cond3A_342 : i32
      scf.if %cond3A_343 {
        %dma_wait3A_352 = arith.constant 7 : i32
        %dma_wait3A_353 = arith.constant 0 : i32
        %dma_wait3A_354 = tpu.memref_slice %arg8[%select_n3A_72, %dma_wait3A_352, %dma_wait3A_353] : memref<2x8x64xi32, #tpu.memory_space<vmem>> -> memref<1x1x64xi32, #tpu.memory_space<vmem>>
        %dma_wait3A_355 = tpu.memref_squeeze %dma_wait3A_354 : memref<1x1x64xi32, #tpu.memory_space<vmem>> -> memref<64xi32, #tpu.memory_space<vmem>>
        %dma_wait3A_356 = arith.constant 0 : i32
        %dma_wait3A_357 = arith.constant 0 : i32
        %dma_wait3A_358 = tpu.memref_slice %arg6[%dma_wait3A_356, %dma_wait3A_357] : memref<10008x128xf32, #tpu.memory_space<vmem_shared>> -> memref<10008x128xf32, #tpu.memory_space<vmem_shared>>
        tpu.wait_indirect_dma semaphore(%arg19 : memref<!tpu.dma_semaphore, #tpu.memory_space<semaphore_mem>>) src(%arg11 : memref<64x128xf32, #tpu.memory_space<vmem>>) dst(%dma_wait3A_358 : memref<10008x128xf32, #tpu.memory_space<vmem_shared>>)
      } else {
      }
      %add3A_344 = arith.constant 1 : i32
      %add3A_345 = arith.addi %scan3A_61, %add3A_344 : i32
      %lt3A_346 = arith.constant 40 : i32
      %lt3A_347 = arith.cmpi slt, %add3A_345, %lt3A_346 : i32
      %convert_element_type3A_348 = arith.extui %lt3A_347 : i1 to i32
      %cond3A_349 = arith.constant 0 : i32
      %cond3A_350 = arith.cmpi ne, %convert_element_type3A_348, %cond3A_349 : i32
      scf.if %cond3A_350 {
        %sub3A = arith.constant 1 : i32
        %sub3A_352 = arith.subi %sub3A, %select_n3A_72 : i32
        %dma_start3A_353 = arith.constant 2 : i32
        %dma_start3A_354 = arith.constant 0 : i32
        %dma_start3A_355 = tpu.memref_slice %arg7[%sub3A_352, %dma_start3A_353, %dma_start3A_354] : memref<2x8x64xi32, #tpu.memory_space<vmem>> -> memref<1x1x64xi32, #tpu.memory_space<vmem>>
        %dma_start3A_356 = tpu.memref_squeeze %dma_start3A_355 : memref<1x1x64xi32, #tpu.memory_space<vmem>> -> memref<64xi32, #tpu.memory_space<vmem>>
        %dma_start3A_357 = arith.constant 0 : i32
        %dma_start3A_358 = arith.constant 0 : i32
        %dma_start3A_359 = tpu.memref_slice %arg2[%arg0, %dma_start3A_357, %dma_start3A_358] : memref<2x10000x128xf32, #tpu.memory_space<hbm>> -> memref<1x10000x128xf32, #tpu.memory_space<hbm>>
        %dma_start3A_360 = tpu.memref_squeeze %dma_start3A_359 : memref<1x10000x128xf32, #tpu.memory_space<hbm>> -> memref<10000x128xf32, #tpu.memory_space<hbm>>
        %dma_start3A_361 = arith.constant 0 : i32
        %dma_start3A_362 = arith.constant 0 : i32
        %dma_start3A_363 = tpu.memref_slice %dma_start3A_360[%dma_start3A_361, %dma_start3A_362] : memref<10000x128xf32, #tpu.memory_space<hbm>> -> memref<10000x128xf32, #tpu.memory_space<hbm>>
        tpu.enqueue_indirect_dma source(%dma_start3A_363 : memref<10000x128xf32, #tpu.memory_space<hbm>>) target(%arg11 : memref<64x128xf32, #tpu.memory_space<vmem>>) offsets(%dma_start3A_356 : memref<64xi32, #tpu.memory_space<vmem>>) semaphore(%arg15 : memref<!tpu.dma_semaphore, #tpu.memory_space<semaphore_mem>>)
      } else {
      }
      %scan3A_351 = arith.constant 0 : i32
      scf.yield %scan3A_351 : i32
    }
    %scan3A_49 = arith.constant 40 : i32
    %dma_wait3A = arith.constant 1 : i32
    %dma_wait3A_50 = arith.constant 0 : i32
    %dma_wait3A_51 = arith.constant 0 : i32
    %dma_wait3A_52 = tpu.memref_slice %arg8[%dma_wait3A, %dma_wait3A_50, %dma_wait3A_51] : memref<2x8x64xi32, #tpu.memory_space<vmem>> -> memref<1x1x64xi32, #tpu.memory_space<vmem>>
    %dma_wait3A_53 = tpu.memref_squeeze %dma_wait3A_52 : memref<1x1x64xi32, #tpu.memory_space<vmem>> -> memref<64xi32, #tpu.memory_space<vmem>>
    %dma_wait3A_54 = arith.constant 0 : i32
    %dma_wait3A_55 = arith.constant 0 : i32
    %dma_wait3A_56 = tpu.memref_slice %arg6[%dma_wait3A_54, %dma_wait3A_55] : memref<10008x128xf32, #tpu.memory_space<vmem_shared>> -> memref<10008x128xf32, #tpu.memory_space<vmem_shared>>
    tpu.wait_indirect_dma semaphore(%arg20 : memref<!tpu.dma_semaphore, #tpu.memory_space<semaphore_mem>>) src(%arg12 : memref<64x128xf32, #tpu.memory_space<vmem>>) dst(%dma_wait3A_56 : memref<10008x128xf32, #tpu.memory_space<vmem_shared>>)
    %barrier3A_57 = arith.constant 0 : index
    tpu.barrier barrier_id(%barrier3A_57)
    "tpu.region"() ({
      %run_scoped3A_61 = tpu.sem_alloc : memref<!tpu.dma_semaphore, #tpu.memory_space<semaphore_mem>>
      %dma_start3A_62 = arith.constant 0 : i32
      %dma_start3A_63 = tpu.memref_slice %arg5[%arg0, %mul3A_3, %dma_start3A_62] : memref<2x10000x128xf32, #tpu.memory_space<hbm>> -> memref<1x624x128xf32, #tpu.memory_space<hbm>>
      %dma_start3A_64 = tpu.memref_squeeze %dma_start3A_63 : memref<1x624x128xf32, #tpu.memory_space<hbm>> -> memref<624x128xf32, #tpu.memory_space<hbm>>
      %dma_start3A_65 = arith.constant 0 : i32
      %dma_start3A_66 = tpu.memref_slice %arg6[%mul3A_3, %dma_start3A_65] : memref<10008x128xf32, #tpu.memory_space<vmem_shared>> -> memref<624x128xf32, #tpu.memory_space<vmem_shared>>
      tpu.enqueue_dma source(%dma_start3A_66 : memref<624x128xf32, #tpu.memory_space<vmem_shared>>) target(%dma_start3A_64 : memref<624x128xf32, #tpu.memory_space<hbm>>) target_semaphore(%run_scoped3A_61 : memref<!tpu.dma_semaphore, #tpu.memory_space<semaphore_mem>>)
      %dma_wait3A_67 = arith.constant 0 : i32
      %dma_wait3A_68 = tpu.memref_slice %arg5[%arg0, %mul3A_3, %dma_wait3A_67] : memref<2x10000x128xf32, #tpu.memory_space<hbm>> -> memref<1x624x128xf32, #tpu.memory_space<hbm>>
      %dma_wait3A_69 = tpu.memref_squeeze %dma_wait3A_68 : memref<1x624x128xf32, #tpu.memory_space<hbm>> -> memref<624x128xf32, #tpu.memory_space<hbm>>
      %dma_wait3A_70 = arith.constant 0 : i32
      %dma_wait3A_71 = tpu.memref_slice %arg6[%mul3A_3, %dma_wait3A_70] : memref<10008x128xf32, #tpu.memory_space<vmem_shared>> -> memref<624x128xf32, #tpu.memory_space<vmem_shared>>
      tpu.wait_dma2 semaphore(%run_scoped3A_61 : memref<!tpu.dma_semaphore, #tpu.memory_space<semaphore_mem>>) src(%dma_wait3A_71 : memref<624x128xf32, #tpu.memory_space<vmem_shared>>) dst(%dma_wait3A_69 : memref<624x128xf32, #tpu.memory_space<hbm>>)
      tpu.yield
    }) : () -> ()
    %convert_element_type3A_58 = arith.extui %lt3A_4 : i1 to i32
    %cond3A_59 = arith.constant 0 : i32
    %cond3A_60 = arith.cmpi ne, %convert_element_type3A_58, %cond3A_59 : i32
    scf.if %cond3A_60 {
      %add3A_61 = arith.constant 624 : i32
      %add3A_62 = arith.addi %mul3A_3, %add3A_61 : i32
      %add3A_63 = arith.constant 624 : i32
      %add3A_64 = arith.addi %mul3A_3, %add3A_63 : i32
      "tpu.region"() ({
        %run_scoped3A_65 = tpu.sem_alloc : memref<!tpu.dma_semaphore, #tpu.memory_space<semaphore_mem>>
        %dma_start3A_66 = arith.constant 0 : i32
        %dma_start3A_67 = tpu.memref_slice %arg5[%arg0, %add3A_64, %dma_start3A_66] : memref<2x10000x128xf32, #tpu.memory_space<hbm>> -> memref<1x8x128xf32, #tpu.memory_space<hbm>>
        %dma_start3A_68 = tpu.memref_squeeze %dma_start3A_67 : memref<1x8x128xf32, #tpu.memory_space<hbm>> -> memref<8x128xf32, #tpu.memory_space<hbm>>
        %dma_start3A_69 = arith.constant 0 : i32
        %dma_start3A_70 = tpu.memref_slice %arg6[%add3A_62, %dma_start3A_69] : memref<10008x128xf32, #tpu.memory_space<vmem_shared>> -> memref<8x128xf32, #tpu.memory_space<vmem_shared>>
        tpu.enqueue_dma source(%dma_start3A_70 : memref<8x128xf32, #tpu.memory_space<vmem_shared>>) target(%dma_start3A_68 : memref<8x128xf32, #tpu.memory_space<hbm>>) target_semaphore(%run_scoped3A_65 : memref<!tpu.dma_semaphore, #tpu.memory_space<semaphore_mem>>)
        %dma_wait3A_71 = arith.constant 0 : i32
        %dma_wait3A_72 = tpu.memref_slice %arg5[%arg0, %add3A_64, %dma_wait3A_71] : memref<2x10000x128xf32, #tpu.memory_space<hbm>> -> memref<1x8x128xf32, #tpu.memory_space<hbm>>
        %dma_wait3A_73 = tpu.memref_squeeze %dma_wait3A_72 : memref<1x8x128xf32, #tpu.memory_space<hbm>> -> memref<8x128xf32, #tpu.memory_space<hbm>>
        %dma_wait3A_74 = arith.constant 0 : i32
        %dma_wait3A_75 = tpu.memref_slice %arg6[%add3A_62, %dma_wait3A_74] : memref<10008x128xf32, #tpu.memory_space<vmem_shared>> -> memref<8x128xf32, #tpu.memory_space<vmem_shared>>
        tpu.wait_dma2 semaphore(%run_scoped3A_65 : memref<!tpu.dma_semaphore, #tpu.memory_space<semaphore_mem>>) src(%dma_wait3A_75 : memref<8x128xf32, #tpu.memory_space<vmem_shared>>) dst(%dma_wait3A_73 : memref<8x128xf32, #tpu.memory_space<hbm>>)
        tpu.yield
      }) : () -> ()
    } else {
    }
    return
  }
}

module attributes {stable_mosaic.version = 14 : i64} {
  func.func @_tc_pre_body(%arg0: i32, %arg1: memref<2000x128xf32, #tpu.memory_space<vmem>>, %arg2: memref<128x256xf32, #tpu.memory_space<vmem>>, %arg3: memref<1x256xf32, #tpu.memory_space<vmem>>, %arg4: memref<256x256xf32, #tpu.memory_space<vmem>>, %arg5: memref<2x2000x16xf32, #tpu.memory_space<vmem>>, %arg6: memref<2x2000x128xf32, #tpu.memory_space<vmem>>) attributes {dimension_semantics = [#tpu.dimension_semantics<arbitrary>], iteration_bounds = array<i64: 5>, scalar_prefetch = 0 : i64, scratch_operands = 0 : i64, tpu.core_type = #tpu.core_type<tc>, window_params = [{transform_indices = @transform_0, window_bounds = array<i64: 2000, 128>}, {pipeline_mode = #tpu.pipeline_mode<synchronous>, transform_indices = @transform_1, window_bounds = array<i64: 128, 256>}, {pipeline_mode = #tpu.pipeline_mode<synchronous>, transform_indices = @transform_2, window_bounds = array<i64: 1, 256>}, {pipeline_mode = #tpu.pipeline_mode<synchronous>, transform_indices = @transform_3, window_bounds = array<i64: 256, 256>}, {transform_indices = @transform_4, window_bounds = array<i64: 2, 2000, 16>}, {transform_indices = @transform_5, window_bounds = array<i64: 2, 2000, 128>}]} {
    %get3A = arith.constant 0 : index
    %get3A_0 = arith.constant 0 : index
    %get3A_1 = vector.load %arg1[%get3A, %get3A_0] : memref<2000x128xf32, #tpu.memory_space<vmem>>, vector<2000x128xf32>
    %get3A_2 = arith.constant 0 : index
    %get3A_3 = arith.constant 0 : index
    %get3A_4 = vector.load %arg2[%get3A_2, %get3A_3] : memref<128x256xf32, #tpu.memory_space<vmem>>, vector<128x256xf32>
    %dot_general3A = arith.constant dense<0.000000e+00> : vector<2000x256xf32>
    %dot_general3A_5 = tpu.matmul %get3A_1, %get3A_4, %dot_general3A {dimension_numbers = #tpu.dot_dimension_numbers<[1], [0], [0], [1], [0, 0, 1, 1], [], []>, transpose_lhs_hint = false} : vector<2000x128xf32>, vector<128x256xf32>, vector<2000x256xf32> -> vector<2000x256xf32>
    %get3A_6 = arith.constant 0 : index
    %get3A_7 = arith.constant 0 : index
    %get3A_8 = vector.load %arg3[%get3A_6, %get3A_7] : memref<1x256xf32, #tpu.memory_space<vmem>>, vector<1x256xf32>
    %add3A = vector.broadcast %get3A_8 : vector<1x256xf32> to vector<2000x256xf32>
    %add3A_9 = arith.addf %dot_general3A_5, %add3A : vector<2000x256xf32>
    %max3A = arith.constant 0.000000e+00 : f32
    %max3A_10 = vector.broadcast %max3A : f32 to vector<2000x256xf32>
    %max3A_11 = arith.maximumf %add3A_9, %max3A_10 : vector<2000x256xf32>
    %get3A_12 = arith.constant 0 : index
    %get3A_13 = arith.constant 0 : index
    %get3A_14 = arith.constant 0 : index
    %get3A_15 = vector.load %arg5[%get3A_12, %get3A_13, %get3A_14] : memref<2x2000x16xf32, #tpu.memory_space<vmem>>, vector<1x2000x1xf32>
    %get3A_16 = vector.shape_cast %get3A_15 : vector<1x2000x1xf32> to vector<2000x1xf32>
    %get3A_17 = arith.constant 1 : index
    %get3A_18 = arith.constant 0 : index
    %get3A_19 = arith.constant 0 : index
    %get3A_20 = vector.load %arg5[%get3A_17, %get3A_18, %get3A_19] : memref<2x2000x16xf32, #tpu.memory_space<vmem>>, vector<1x2000x1xf32>
    %get3A_21 = vector.shape_cast %get3A_20 : vector<1x2000x1xf32> to vector<2000x1xf32>
    %add3A_22 = arith.addf %get3A_16, %get3A_21 : vector<2000x1xf32>
    %add3A_23 = arith.constant 1.000000e+00 : f32
    %add3A_24 = vector.broadcast %add3A_23 : f32 to vector<2000x1xf32>
    %add3A_25 = arith.addf %add3A_22, %add3A_24 : vector<2000x1xf32>
    %rsqrt3A = math.rsqrt %add3A_25 : vector<2000x1xf32>
    %get3A_26 = arith.constant 0 : index
    %get3A_27 = arith.constant 0 : index
    %get3A_28 = vector.load %arg4[%get3A_26, %get3A_27] : memref<256x256xf32, #tpu.memory_space<vmem>>, vector<256x256xf32>
    %dot_general3A_29 = arith.constant dense<0.000000e+00> : vector<2000x256xf32>
    %dot_general3A_30 = tpu.matmul %max3A_11, %get3A_28, %dot_general3A_29 {dimension_numbers = #tpu.dot_dimension_numbers<[1], [0], [0], [1], [0, 0, 1, 1], [], []>, transpose_lhs_hint = false} : vector<2000x256xf32>, vector<256x256xf32>, vector<2000x256xf32> -> vector<2000x256xf32>
    %mul3A = vector.broadcast %rsqrt3A : vector<2000x1xf32> to vector<2000x256xf32>
    %mul3A_31 = arith.mulf %dot_general3A_30, %mul3A : vector<2000x256xf32>
    %slice3A = vector.extract_strided_slice %mul3A_31 {offsets = [0, 0], sizes = [2000, 128], strides = [1, 1]} : vector<2000x256xf32> to vector<2000x128xf32>
    %swap3A = arith.constant 0 : index
    %swap3A_32 = arith.constant 0 : index
    %swap3A_33 = arith.constant 0 : index
    %swap3A_34 = vector.load %arg6[%swap3A, %swap3A_32, %swap3A_33] : memref<2x2000x128xf32, #tpu.memory_space<vmem>>, vector<1x2000x128xf32>
    %swap3A_35 = vector.shape_cast %swap3A_34 : vector<1x2000x128xf32> to vector<2000x128xf32>
    %swap3A_36 = vector.shape_cast %slice3A : vector<2000x128xf32> to vector<1x2000x128xf32>
    tpu.vector_store %arg6[%swap3A, %swap3A_32, %swap3A_33], %swap3A_36 {strides = array<i32>} : memref<2x2000x128xf32, #tpu.memory_space<vmem>>, vector<1x2000x128xf32>,
    %slice3A_37 = vector.extract_strided_slice %mul3A_31 {offsets = [0, 128], sizes = [2000, 128], strides = [1, 1]} : vector<2000x256xf32> to vector<2000x128xf32>
    %swap3A_38 = arith.constant 1 : index
    %swap3A_39 = arith.constant 0 : index
    %swap3A_40 = arith.constant 0 : index
    %swap3A_41 = vector.load %arg6[%swap3A_38, %swap3A_39, %swap3A_40] : memref<2x2000x128xf32, #tpu.memory_space<vmem>>, vector<1x2000x128xf32>
    %swap3A_42 = vector.shape_cast %swap3A_41 : vector<1x2000x128xf32> to vector<2000x128xf32>
    %swap3A_43 = vector.shape_cast %slice3A_37 : vector<2000x128xf32> to vector<1x2000x128xf32>
    tpu.vector_store %arg6[%swap3A_38, %swap3A_39, %swap3A_40], %swap3A_43 {strides = array<i32>} : memref<2x2000x128xf32, #tpu.memory_space<vmem>>, vector<1x2000x128xf32>,
    return
  }
  func.func @transform_0(%arg0: i32) -> (i32, i32) {
    %c0_i32 = arith.constant 0 : i32
    %c0_i32_0 = arith.constant 0 : i32
    return %arg0, %c0_i32 : i32, i32
  }
  func.func @transform_1(%arg0: i32) -> (i32, i32) {
    %c0_i32 = arith.constant 0 : i32
    %c0_i32_0 = arith.constant 0 : i32
    %c0_i32_1 = arith.constant 0 : i32
    return %c0_i32, %c0_i32_0 : i32, i32
  }
  func.func @transform_2(%arg0: i32) -> (i32, i32) {
    %c0_i32 = arith.constant 0 : i32
    %c0_i32_0 = arith.constant 0 : i32
    %c0_i32_1 = arith.constant 0 : i32
    return %c0_i32, %c0_i32_0 : i32, i32
  }
  func.func @transform_3(%arg0: i32) -> (i32, i32) {
    %c0_i32 = arith.constant 0 : i32
    %c0_i32_0 = arith.constant 0 : i32
    %c0_i32_1 = arith.constant 0 : i32
    return %c0_i32, %c0_i32_0 : i32, i32
  }
  func.func @transform_4(%arg0: i32) -> (i32, i32, i32) {
    %c0_i32 = arith.constant 0 : i32
    %c0_i32_0 = arith.constant 0 : i32
    %c0_i32_1 = arith.constant 0 : i32
    return %c0_i32, %arg0, %c0_i32_0 : i32, i32, i32
  }
  func.func @transform_5(%arg0: i32) -> (i32, i32, i32) {
    %c0_i32 = arith.constant 0 : i32
    %c0_i32_0 = arith.constant 0 : i32
    %c0_i32_1 = arith.constant 0 : i32
    return %c0_i32, %arg0, %c0_i32_0 : i32, i32, i32
  }
}

module attributes {stable_mosaic.version = 14 : i64} {
  func.func @_tc_mid_body(%arg0: i32, %arg1: memref<2x2000x128xf32, #tpu.memory_space<vmem>>, %arg2: memref<2x2000x16xf32, #tpu.memory_space<vmem>>, %arg3: memref<1x256xf32, #tpu.memory_space<vmem>>, %arg4: memref<1x256xf32, #tpu.memory_space<vmem>>, %arg5: memref<256x256xf32, #tpu.memory_space<vmem>>, %arg6: memref<2x2000x128xf32, #tpu.memory_space<vmem>>) attributes {dimension_semantics = [#tpu.dimension_semantics<arbitrary>], iteration_bounds = array<i64: 5>, scalar_prefetch = 0 : i64, scratch_operands = 0 : i64, tpu.core_type = #tpu.core_type<tc>, window_params = [{transform_indices = @transform_0, window_bounds = array<i64: 2, 2000, 128>}, {transform_indices = @transform_1, window_bounds = array<i64: 2, 2000, 16>}, {pipeline_mode = #tpu.pipeline_mode<synchronous>, transform_indices = @transform_2, window_bounds = array<i64: 1, 256>}, {pipeline_mode = #tpu.pipeline_mode<synchronous>, transform_indices = @transform_3, window_bounds = array<i64: 1, 256>}, {pipeline_mode = #tpu.pipeline_mode<synchronous>, transform_indices = @transform_4, window_bounds = array<i64: 256, 256>}, {transform_indices = @transform_5, window_bounds = array<i64: 2, 2000, 128>}]} {
    %get3A = arith.constant 0 : index
    %get3A_0 = arith.constant 0 : index
    %get3A_1 = arith.constant 0 : index
    %get3A_2 = vector.load %arg2[%get3A, %get3A_0, %get3A_1] : memref<2x2000x16xf32, #tpu.memory_space<vmem>>, vector<1x2000x1xf32>
    %get3A_3 = vector.shape_cast %get3A_2 : vector<1x2000x1xf32> to vector<2000x1xf32>
    %get3A_4 = arith.constant 1 : index
    %get3A_5 = arith.constant 0 : index
    %get3A_6 = arith.constant 0 : index
    %get3A_7 = vector.load %arg2[%get3A_4, %get3A_5, %get3A_6] : memref<2x2000x16xf32, #tpu.memory_space<vmem>>, vector<1x2000x1xf32>
    %get3A_8 = vector.shape_cast %get3A_7 : vector<1x2000x1xf32> to vector<2000x1xf32>
    %add3A = arith.addf %get3A_3, %get3A_8 : vector<2000x1xf32>
    %add3A_9 = arith.constant 1.000000e+00 : f32
    %add3A_10 = vector.broadcast %add3A_9 : f32 to vector<2000x1xf32>
    %add3A_11 = arith.addf %add3A, %add3A_10 : vector<2000x1xf32>
    %rsqrt3A = math.rsqrt %add3A_11 : vector<2000x1xf32>
    %get3A_12 = arith.constant 0 : index
    %get3A_13 = arith.constant 0 : index
    %get3A_14 = arith.constant 0 : index
    %get3A_15 = vector.load %arg1[%get3A_12, %get3A_13, %get3A_14] : memref<2x2000x128xf32, #tpu.memory_space<vmem>>, vector<1x2000x128xf32>
    %get3A_16 = vector.shape_cast %get3A_15 : vector<1x2000x128xf32> to vector<2000x128xf32>
    %get3A_17 = arith.constant 1 : index
    %get3A_18 = arith.constant 0 : index
    %get3A_19 = arith.constant 0 : index
    %get3A_20 = vector.load %arg1[%get3A_17, %get3A_18, %get3A_19] : memref<2x2000x128xf32, #tpu.memory_space<vmem>>, vector<1x2000x128xf32>
    %get3A_21 = vector.shape_cast %get3A_20 : vector<1x2000x128xf32> to vector<2000x128xf32>
    %concatenate3A = tpu.concatenate %get3A_16, %get3A_21 in 1 : vector<2000x128xf32>, vector<2000x128xf32> -> vector<2000x256xf32>
    %mul3A = vector.broadcast %rsqrt3A : vector<2000x1xf32> to vector<2000x256xf32>
    %mul3A_22 = arith.mulf %concatenate3A, %mul3A : vector<2000x256xf32>
    %get3A_23 = arith.constant 0 : index
    %get3A_24 = arith.constant 0 : index
    %get3A_25 = vector.load %arg3[%get3A_23, %get3A_24] : memref<1x256xf32, #tpu.memory_space<vmem>>, vector<1x256xf32>
    %mul3A_26 = vector.broadcast %get3A_25 : vector<1x256xf32> to vector<2000x256xf32>
    %mul3A_27 = arith.mulf %mul3A_22, %mul3A_26 : vector<2000x256xf32>
    %get3A_28 = arith.constant 0 : index
    %get3A_29 = arith.constant 0 : index
    %get3A_30 = vector.load %arg4[%get3A_28, %get3A_29] : memref<1x256xf32, #tpu.memory_space<vmem>>, vector<1x256xf32>
    %add3A_31 = vector.broadcast %get3A_30 : vector<1x256xf32> to vector<2000x256xf32>
    %add3A_32 = arith.addf %mul3A_27, %add3A_31 : vector<2000x256xf32>
    %max3A = arith.constant 0.000000e+00 : f32
    %max3A_33 = vector.broadcast %max3A : f32 to vector<2000x256xf32>
    %max3A_34 = arith.maximumf %add3A_32, %max3A_33 : vector<2000x256xf32>
    %get3A_35 = arith.constant 0 : index
    %get3A_36 = arith.constant 0 : index
    %get3A_37 = vector.load %arg5[%get3A_35, %get3A_36] : memref<256x256xf32, #tpu.memory_space<vmem>>, vector<256x256xf32>
    %dot_general3A = arith.constant dense<0.000000e+00> : vector<2000x256xf32>
    %dot_general3A_38 = tpu.matmul %max3A_34, %get3A_37, %dot_general3A {dimension_numbers = #tpu.dot_dimension_numbers<[1], [0], [0], [1], [0, 0, 1, 1], [], []>, transpose_lhs_hint = false} : vector<2000x256xf32>, vector<256x256xf32>, vector<2000x256xf32> -> vector<2000x256xf32>
    %mul3A_39 = vector.broadcast %rsqrt3A : vector<2000x1xf32> to vector<2000x256xf32>
    %mul3A_40 = arith.mulf %dot_general3A_38, %mul3A_39 : vector<2000x256xf32>
    %slice3A = vector.extract_strided_slice %mul3A_40 {offsets = [0, 0], sizes = [2000, 128], strides = [1, 1]} : vector<2000x256xf32> to vector<2000x128xf32>
    %swap3A = arith.constant 0 : index
    %swap3A_41 = arith.constant 0 : index
    %swap3A_42 = arith.constant 0 : index
    %swap3A_43 = vector.load %arg6[%swap3A, %swap3A_41, %swap3A_42] : memref<2x2000x128xf32, #tpu.memory_space<vmem>>, vector<1x2000x128xf32>
    %swap3A_44 = vector.shape_cast %swap3A_43 : vector<1x2000x128xf32> to vector<2000x128xf32>
    %swap3A_45 = vector.shape_cast %slice3A : vector<2000x128xf32> to vector<1x2000x128xf32>
    tpu.vector_store %arg6[%swap3A, %swap3A_41, %swap3A_42], %swap3A_45 {strides = array<i32>} : memref<2x2000x128xf32, #tpu.memory_space<vmem>>, vector<1x2000x128xf32>,
    %slice3A_46 = vector.extract_strided_slice %mul3A_40 {offsets = [0, 128], sizes = [2000, 128], strides = [1, 1]} : vector<2000x256xf32> to vector<2000x128xf32>
    %swap3A_47 = arith.constant 1 : index
    %swap3A_48 = arith.constant 0 : index
    %swap3A_49 = arith.constant 0 : index
    %swap3A_50 = vector.load %arg6[%swap3A_47, %swap3A_48, %swap3A_49] : memref<2x2000x128xf32, #tpu.memory_space<vmem>>, vector<1x2000x128xf32>
    %swap3A_51 = vector.shape_cast %swap3A_50 : vector<1x2000x128xf32> to vector<2000x128xf32>
    %swap3A_52 = vector.shape_cast %slice3A_46 : vector<2000x128xf32> to vector<1x2000x128xf32>
    tpu.vector_store %arg6[%swap3A_47, %swap3A_48, %swap3A_49], %swap3A_52 {strides = array<i32>} : memref<2x2000x128xf32, #tpu.memory_space<vmem>>, vector<1x2000x128xf32>,
    return
  }
  func.func @transform_0(%arg0: i32) -> (i32, i32, i32) {
    %c0_i32 = arith.constant 0 : i32
    %c0_i32_0 = arith.constant 0 : i32
    %c0_i32_1 = arith.constant 0 : i32
    return %c0_i32, %arg0, %c0_i32_0 : i32, i32, i32
  }
  func.func @transform_1(%arg0: i32) -> (i32, i32, i32) {
    %c0_i32 = arith.constant 0 : i32
    %c0_i32_0 = arith.constant 0 : i32
    %c0_i32_1 = arith.constant 0 : i32
    return %c0_i32, %arg0, %c0_i32_0 : i32, i32, i32
  }
  func.func @transform_2(%arg0: i32) -> (i32, i32) {
    %c0_i32 = arith.constant 0 : i32
    %c0_i32_0 = arith.constant 0 : i32
    %c0_i32_1 = arith.constant 0 : i32
    return %c0_i32, %c0_i32_0 : i32, i32
  }
  func.func @transform_3(%arg0: i32) -> (i32, i32) {
    %c0_i32 = arith.constant 0 : i32
    %c0_i32_0 = arith.constant 0 : i32
    %c0_i32_1 = arith.constant 0 : i32
    return %c0_i32, %c0_i32_0 : i32, i32
  }
  func.func @transform_4(%arg0: i32) -> (i32, i32) {
    %c0_i32 = arith.constant 0 : i32
    %c0_i32_0 = arith.constant 0 : i32
    %c0_i32_1 = arith.constant 0 : i32
    return %c0_i32, %c0_i32_0 : i32, i32
  }
  func.func @transform_5(%arg0: i32) -> (i32, i32, i32) {
    %c0_i32 = arith.constant 0 : i32
    %c0_i32_0 = arith.constant 0 : i32
    %c0_i32_1 = arith.constant 0 : i32
    return %c0_i32, %arg0, %c0_i32_0 : i32, i32, i32
  }
}

module attributes {stable_mosaic.version = 14 : i64} {
  func.func @_tc_post_body(%arg0: i32, %arg1: memref<2x2000x128xf32, #tpu.memory_space<vmem>>, %arg2: memref<2x2000x16xf32, #tpu.memory_space<vmem>>, %arg3: memref<1x256xf32, #tpu.memory_space<vmem>>, %arg4: memref<1x256xf32, #tpu.memory_space<vmem>>, %arg5: memref<256x256xf32, #tpu.memory_space<vmem>>, %arg6: memref<1x256xf32, #tpu.memory_space<vmem>>, %arg7: memref<1x256xf32, #tpu.memory_space<vmem>>, %arg8: memref<256x40xf32, #tpu.memory_space<vmem>>, %arg9: memref<1x40xf32, #tpu.memory_space<vmem>>, %arg10: memref<2000x40xf32, #tpu.memory_space<vmem>>) attributes {dimension_semantics = [#tpu.dimension_semantics<arbitrary>], iteration_bounds = array<i64: 5>, scalar_prefetch = 0 : i64, scratch_operands = 0 : i64, tpu.core_type = #tpu.core_type<tc>, window_params = [{transform_indices = @transform_0, window_bounds = array<i64: 2, 2000, 128>}, {transform_indices = @transform_1, window_bounds = array<i64: 2, 2000, 16>}, {pipeline_mode = #tpu.pipeline_mode<synchronous>, transform_indices = @transform_2, window_bounds = array<i64: 1, 256>}, {pipeline_mode = #tpu.pipeline_mode<synchronous>, transform_indices = @transform_3, window_bounds = array<i64: 1, 256>}, {pipeline_mode = #tpu.pipeline_mode<synchronous>, transform_indices = @transform_4, window_bounds = array<i64: 256, 256>}, {pipeline_mode = #tpu.pipeline_mode<synchronous>, transform_indices = @transform_5, window_bounds = array<i64: 1, 256>}, {pipeline_mode = #tpu.pipeline_mode<synchronous>, transform_indices = @transform_6, window_bounds = array<i64: 1, 256>}, {pipeline_mode = #tpu.pipeline_mode<synchronous>, transform_indices = @transform_7, window_bounds = array<i64: 256, 40>}, {pipeline_mode = #tpu.pipeline_mode<synchronous>, transform_indices = @transform_8, window_bounds = array<i64: 1, 40>}, {transform_indices = @transform_9, window_bounds = array<i64: 2000, 40>}]} {
    %get3A = arith.constant 0 : index
    %get3A_0 = arith.constant 0 : index
    %get3A_1 = arith.constant 0 : index
    %get3A_2 = vector.load %arg2[%get3A, %get3A_0, %get3A_1] : memref<2x2000x16xf32, #tpu.memory_space<vmem>>, vector<1x2000x1xf32>
    %get3A_3 = vector.shape_cast %get3A_2 : vector<1x2000x1xf32> to vector<2000x1xf32>
    %get3A_4 = arith.constant 1 : index
    %get3A_5 = arith.constant 0 : index
    %get3A_6 = arith.constant 0 : index
    %get3A_7 = vector.load %arg2[%get3A_4, %get3A_5, %get3A_6] : memref<2x2000x16xf32, #tpu.memory_space<vmem>>, vector<1x2000x1xf32>
    %get3A_8 = vector.shape_cast %get3A_7 : vector<1x2000x1xf32> to vector<2000x1xf32>
    %add3A = arith.addf %get3A_3, %get3A_8 : vector<2000x1xf32>
    %add3A_9 = arith.constant 1.000000e+00 : f32
    %add3A_10 = vector.broadcast %add3A_9 : f32 to vector<2000x1xf32>
    %add3A_11 = arith.addf %add3A, %add3A_10 : vector<2000x1xf32>
    %rsqrt3A = math.rsqrt %add3A_11 : vector<2000x1xf32>
    %get3A_12 = arith.constant 0 : index
    %get3A_13 = arith.constant 0 : index
    %get3A_14 = arith.constant 0 : index
    %get3A_15 = vector.load %arg1[%get3A_12, %get3A_13, %get3A_14] : memref<2x2000x128xf32, #tpu.memory_space<vmem>>, vector<1x2000x128xf32>
    %get3A_16 = vector.shape_cast %get3A_15 : vector<1x2000x128xf32> to vector<2000x128xf32>
    %get3A_17 = arith.constant 1 : index
    %get3A_18 = arith.constant 0 : index
    %get3A_19 = arith.constant 0 : index
    %get3A_20 = vector.load %arg1[%get3A_17, %get3A_18, %get3A_19] : memref<2x2000x128xf32, #tpu.memory_space<vmem>>, vector<1x2000x128xf32>
    %get3A_21 = vector.shape_cast %get3A_20 : vector<1x2000x128xf32> to vector<2000x128xf32>
    %concatenate3A = tpu.concatenate %get3A_16, %get3A_21 in 1 : vector<2000x128xf32>, vector<2000x128xf32> -> vector<2000x256xf32>
    %mul3A = vector.broadcast %rsqrt3A : vector<2000x1xf32> to vector<2000x256xf32>
    %mul3A_22 = arith.mulf %concatenate3A, %mul3A : vector<2000x256xf32>
    %get3A_23 = arith.constant 0 : index
    %get3A_24 = arith.constant 0 : index
    %get3A_25 = vector.load %arg3[%get3A_23, %get3A_24] : memref<1x256xf32, #tpu.memory_space<vmem>>, vector<1x256xf32>
    %mul3A_26 = vector.broadcast %get3A_25 : vector<1x256xf32> to vector<2000x256xf32>
    %mul3A_27 = arith.mulf %mul3A_22, %mul3A_26 : vector<2000x256xf32>
    %get3A_28 = arith.constant 0 : index
    %get3A_29 = arith.constant 0 : index
    %get3A_30 = vector.load %arg4[%get3A_28, %get3A_29] : memref<1x256xf32, #tpu.memory_space<vmem>>, vector<1x256xf32>
    %add3A_31 = vector.broadcast %get3A_30 : vector<1x256xf32> to vector<2000x256xf32>
    %add3A_32 = arith.addf %mul3A_27, %add3A_31 : vector<2000x256xf32>
    %max3A = arith.constant 0.000000e+00 : f32
    %max3A_33 = vector.broadcast %max3A : f32 to vector<2000x256xf32>
    %max3A_34 = arith.maximumf %add3A_32, %max3A_33 : vector<2000x256xf32>
    %get3A_35 = arith.constant 0 : index
    %get3A_36 = arith.constant 0 : index
    %get3A_37 = vector.load %arg5[%get3A_35, %get3A_36] : memref<256x256xf32, #tpu.memory_space<vmem>>, vector<256x256xf32>
    %dot_general3A = arith.constant dense<0.000000e+00> : vector<2000x256xf32>
    %dot_general3A_38 = tpu.matmul %max3A_34, %get3A_37, %dot_general3A {dimension_numbers = #tpu.dot_dimension_numbers<[1], [0], [0], [1], [0, 0, 1, 1], [], []>, transpose_lhs_hint = false} : vector<2000x256xf32>, vector<256x256xf32>, vector<2000x256xf32> -> vector<2000x256xf32>
    %get3A_39 = arith.constant 0 : index
    %get3A_40 = arith.constant 0 : index
    %get3A_41 = vector.load %arg6[%get3A_39, %get3A_40] : memref<1x256xf32, #tpu.memory_space<vmem>>, vector<1x256xf32>
    %mul3A_42 = vector.broadcast %get3A_41 : vector<1x256xf32> to vector<2000x256xf32>
    %mul3A_43 = arith.mulf %dot_general3A_38, %mul3A_42 : vector<2000x256xf32>
    %get3A_44 = arith.constant 0 : index
    %get3A_45 = arith.constant 0 : index
    %get3A_46 = vector.load %arg7[%get3A_44, %get3A_45] : memref<1x256xf32, #tpu.memory_space<vmem>>, vector<1x256xf32>
    %add3A_47 = vector.broadcast %get3A_46 : vector<1x256xf32> to vector<2000x256xf32>
    %add3A_48 = arith.addf %mul3A_43, %add3A_47 : vector<2000x256xf32>
    %max3A_49 = arith.constant 0.000000e+00 : f32
    %max3A_50 = vector.broadcast %max3A_49 : f32 to vector<2000x256xf32>
    %max3A_51 = arith.maximumf %add3A_48, %max3A_50 : vector<2000x256xf32>
    %get3A_52 = arith.constant 0 : index
    %get3A_53 = arith.constant 0 : index
    %get3A_54 = vector.load %arg8[%get3A_52, %get3A_53] : memref<256x40xf32, #tpu.memory_space<vmem>>, vector<256x40xf32>
    %dot_general3A_55 = arith.constant dense<0.000000e+00> : vector<2000x40xf32>
    %dot_general3A_56 = tpu.matmul %max3A_51, %get3A_54, %dot_general3A_55 {dimension_numbers = #tpu.dot_dimension_numbers<[1], [0], [0], [1], [0, 0, 1, 1], [], []>, transpose_lhs_hint = false} : vector<2000x256xf32>, vector<256x40xf32>, vector<2000x40xf32> -> vector<2000x40xf32>
    %get3A_57 = arith.constant 0 : index
    %get3A_58 = arith.constant 0 : index
    %get3A_59 = vector.load %arg9[%get3A_57, %get3A_58] : memref<1x40xf32, #tpu.memory_space<vmem>>, vector<1x40xf32>
    %add3A_60 = vector.broadcast %get3A_59 : vector<1x40xf32> to vector<2000x40xf32>
    %add3A_61 = arith.addf %dot_general3A_56, %add3A_60 : vector<2000x40xf32>
    %reduce_max3A = arith.constant dense<0xFF800000> : vector<2000xf32>
    %reduce_max3A_62 = vector.multi_reduction <maximumf>, %add3A_61, %reduce_max3A [1] : vector<2000x40xf32> to vector<2000xf32>
    %broadcast_in_dim3A = vector.shape_cast %reduce_max3A_62 : vector<2000xf32> to vector<2000x1xf32>
    %sub3A = vector.broadcast %broadcast_in_dim3A : vector<2000x1xf32> to vector<2000x40xf32>
    %sub3A_63 = arith.subf %add3A_61, %sub3A : vector<2000x40xf32>
    %exp3A = math.exp %sub3A_63 : vector<2000x40xf32>
    %reduce_sum3A = arith.constant dense<0.000000e+00> : vector<2000xf32>
    %reduce_sum3A_64 = vector.multi_reduction <add>, %exp3A, %reduce_sum3A [1] : vector<2000x40xf32> to vector<2000xf32>
    %broadcast_in_dim3A_65 = vector.shape_cast %reduce_sum3A_64 : vector<2000xf32> to vector<2000x1xf32>
    %log3A = math.log %broadcast_in_dim3A_65 : vector<2000x1xf32>
    %add3A_66 = arith.addf %broadcast_in_dim3A, %log3A : vector<2000x1xf32>
    %sub3A_67 = vector.broadcast %add3A_66 : vector<2000x1xf32> to vector<2000x40xf32>
    %sub3A_68 = arith.subf %add3A_61, %sub3A_67 : vector<2000x40xf32>
    %swap3A = arith.constant 0 : index
    %swap3A_69 = arith.constant 0 : index
    %swap3A_70 = vector.load %arg10[%swap3A, %swap3A_69] : memref<2000x40xf32, #tpu.memory_space<vmem>>, vector<2000x40xf32>
    tpu.vector_store %arg10[%swap3A, %swap3A_69], %sub3A_68 {strides = array<i32>} : memref<2000x40xf32, #tpu.memory_space<vmem>>, vector<2000x40xf32>,
    return
  }
  func.func @transform_0(%arg0: i32) -> (i32, i32, i32) {
    %c0_i32 = arith.constant 0 : i32
    %c0_i32_0 = arith.constant 0 : i32
    %c0_i32_1 = arith.constant 0 : i32
    return %c0_i32, %arg0, %c0_i32_0 : i32, i32, i32
  }
  func.func @transform_1(%arg0: i32) -> (i32, i32, i32) {
    %c0_i32 = arith.constant 0 : i32
    %c0_i32_0 = arith.constant 0 : i32
    %c0_i32_1 = arith.constant 0 : i32
    return %c0_i32, %arg0, %c0_i32_0 : i32, i32, i32
  }
  func.func @transform_2(%arg0: i32) -> (i32, i32) {
    %c0_i32 = arith.constant 0 : i32
    %c0_i32_0 = arith.constant 0 : i32
    %c0_i32_1 = arith.constant 0 : i32
    return %c0_i32, %c0_i32_0 : i32, i32
  }
  func.func @transform_3(%arg0: i32) -> (i32, i32) {
    %c0_i32 = arith.constant 0 : i32
    %c0_i32_0 = arith.constant 0 : i32
    %c0_i32_1 = arith.constant 0 : i32
    return %c0_i32, %c0_i32_0 : i32, i32
  }
  func.func @transform_4(%arg0: i32) -> (i32, i32) {
    %c0_i32 = arith.constant 0 : i32
    %c0_i32_0 = arith.constant 0 : i32
    %c0_i32_1 = arith.constant 0 : i32
    return %c0_i32, %c0_i32_0 : i32, i32
  }
  func.func @transform_5(%arg0: i32) -> (i32, i32) {
    %c0_i32 = arith.constant 0 : i32
    %c0_i32_0 = arith.constant 0 : i32
    %c0_i32_1 = arith.constant 0 : i32
    return %c0_i32, %c0_i32_0 : i32, i32
  }
  func.func @transform_6(%arg0: i32) -> (i32, i32) {
    %c0_i32 = arith.constant 0 : i32
    %c0_i32_0 = arith.constant 0 : i32
    %c0_i32_1 = arith.constant 0 : i32
    return %c0_i32, %c0_i32_0 : i32, i32
  }
  func.func @transform_7(%arg0: i32) -> (i32, i32) {
    %c0_i32 = arith.constant 0 : i32
    %c0_i32_0 = arith.constant 0 : i32
    %c0_i32_1 = arith.constant 0 : i32
    return %c0_i32, %c0_i32_0 : i32, i32
  }
  func.func @transform_8(%arg0: i32) -> (i32, i32) {
    %c0_i32 = arith.constant 0 : i32
    %c0_i32_0 = arith.constant 0 : i32
    %c0_i32_1 = arith.constant 0 : i32
    return %c0_i32, %c0_i32_0 : i32, i32
  }
  func.func @transform_9(%arg0: i32) -> (i32, i32) {
    %c0_i32 = arith.constant 0 : i32
    %c0_i32_0 = arith.constant 0 : i32
    return %arg0, %c0_i32 : i32, i32
  }
}

</mosaic_0001>

<sc_bundles>
// kernel: kernel.10.cloned.1.call-start
scs
__scs_entry_jumppad:
0x0: {  	(pc) =	sbr.rel $0x88, $3  }
0x1: {  	(tag) =	ssettag $0x0;
	lr =	simm.s32 $0x1  }
0x2: {  	[smem:$0x3F8B] =	sst lr;
	_ =	strace $0xD0000000  }
0x3: {  	_ = 	snop  }
0x4: {  	_ = 	snop  }
0x5: {  	_ = 	snop  }
0x6: {  	_ = 	snop  }
0x7: {  	_ = 	snop  }
__scs_overlays_trampoline_lowered:
0x8: {  	[smem:$0x3F9A] =	sst s0  }
0x9: {  	[smem:$0x3F9B] =	sst s1  }
0xa: {  	[smem:$0x3F9C] =	sst s2  }
0xb: {  	[smem:$0x3F9D] =	sst s3  }
0xc: {  	[smem:$0x3F9E] =	sst s4  }
0xd: {  	[smem:$0x3F9F] =	sst s5  }
0xe: {  	[smem:$0x3FA0] =	sst s6  }
0xf: {  	[smem:$0x3FA1] =	sst s7  }
0x10: {  	[smem:$0x3FA2] =	sst s8  }
0x11: {  	[smem:$0x3FA3] =	sst s9;
	s0 =	simm.s32 @!p0 $0x0  }
0x12: {  	s1 =	sld [smem:$0x3F89];
	s0 =	simm.s32 @p0 $0x1  }
0x13: {  	[smem:$0x3FA4] =	sst s0;
	s0 =	simm.s32 @!p1 $0x0  }
0x14: {  	s2 =	sld [smem:$0x3F88];
	s0 =	simm.s32 @p1 $0x1  }
0x15: {  	[smem:$0x3FA5] =	sst s0;
	s0 =	simm.s32 @!p2 $0x0  }
0x16: {  	s3 =	sld [smem:$0x3FDB];
	s0 =	simm.s32 @p2 $0x1  }
0x17: {  	s4 =	simm.s32 $0x1BF5;
	[smem:$0x3FA7] =	sst s0  }
0x18: {  	s0 =	sld [smem:$0x3F8A];
	_ =	swait.ge [sflag:s4], $0x0  }
0x19: {  	s7 =	sld [smem:$0x3F8B]  }
0x1a: {  	s8 =	sadd.s32 $0xFFFFE003, lr  }
0x1b: {  	s9 =	sadd.s32 $0xFFFFFEF7, lr;
	s5 =	simm.s32 $0xFFFFFFFF;
	p2 =	slt.u32 s8, $0xFFFFF086  }
0x1c: {  	p1 =	slt.u32 s9, $0xF7A;
	s5 =	simm.s32 @!p2 $0x0  }
0x1d: {  	s5 =	simm.s32 @p1 $0x1;
	p0 =	seq.s32 s7, s2  }
0x1e: {  	s7 =	smul.u32 @!p0 $0xF7A, s2;
	p2 =	seq.s32 @!p0 s5, $0x0  }
0x1f: {  	s9 =	smul.u32 $0xF7A, s1;
	s8 =	simm.s32 @!p0 $0x1BF5;
	p2 =	por !p2, p0  }
0x20: {  	[sflag:s8] =	ssyncset.s32 @!p0 $0xFFFFF086;
	s6 =	sadd.s32 @!p0 s3, s7;
	s7 =	simm.s32 @!p0 $0x108  }
0x21: {  	s3 =	sadd.s32 s3, s9;
	s6 =	sadd.s32 @!p0 $0x88, s6;
	s7 =	simm.s32 @p2 $0x1082  }
0x22: {  	[simem:s7], [sflag:s8] =	dma.local @!p0 [hbm:s6], $0xF7A  }
0x23: {  	s9 =	sor.u32 $0xD0000000, s2;
	s6 =	simm.s32 $0x108;
	_ =	swait.ge @!p0 [sflag:s8], $0x0  }
0x24: {  	s3 =	sadd.s32 $0x88, s3;
	s6 =	simm.s32 @!p1 $0x1082;
	[sflag:s4] =	ssyncset.s32 $0xFFFFF086  }
0x25: {  	[simem:s6], [sflag:s4] =	dma.local [hbm:s3], $0xF7A  }
0x26: {  	[smem:$0x3F8B] =	sst s1;
	(tag) =	ssettag s2;
	_ =	strace s9  }
0x27: {  	s1 =	sld [smem:$0x3F9B]  }
0x28: {  	s2 =	sld [smem:$0x3F9C]  }
0x29: {  	s4 =	sld [smem:$0x3F9E]  }
0x2a: {  	p0 =	seq.s32 s5, $0x0;
	s5 =	sld [smem:$0x3F9F]  }
0x2b: {  	s6 =	sld [smem:$0x3FA0]  }
0x2c: {  	s7 =	sld [smem:$0x3FA1]  }
0x2d: {  	s3 =	simm.s32 $0x108;
	s8 =	sld [smem:$0x3FA2]  }
0x2e: {  	s3 =	simm.s32 @!p0 $0x1082;
	s9 =	sld [smem:$0x3FA3]  }
0x2f: {  	lr =	sadd.s32 s0, s3;
	s0 =	sld [smem:$0x3F9A]  }
0x30: {  	s3 =	sld [smem:$0x3F9D]  }
0x31: {  	[smem:$0x3FA6] =	sst s10  }
0x32: {  	s10 =	sld [smem:$0x3FA4];
	_ =	sdelay $0x3  }
0x33: {  	p0 =	seq.s32 s10, $0x1;
	s10 =	sld [smem:$0x3FA6];
	_ =	sdelay $0x3  }
0x34: {  	[smem:$0x3FA6] =	sst s10  }
0x35: {  	s10 =	sld [smem:$0x3FA5];
	_ =	sdelay $0x3  }
0x36: {  	p1 =	seq.s32 s10, $0x1;
	s10 =	sld [smem:$0x3FA6];
	_ =	sdelay $0x3  }
0x37: {  	[smem:$0x3FA6] =	sst s10  }
0x38: {  	s10 =	sld [smem:$0x3FA7]  }
0x39: {  	_ = 	snop;
	(pc) =	sbr.ind lr, $3  }
0x3a: {  	_ = 	snop  }
0x3b: {  	_ = 	snop  }
0x3c: {  	p2 =	seq.s32 s10, $0x1;
	s10 =	sld [smem:$0x3FA6]  }
0x3d: {  	_ =	shalt  }
0x3e: {  	_ =	shalt  }
0x3f: {  	_ =	shalt  }
0x40: {  	_ =	shalt  }
0x41: {  	_ =	shalt  }
0x42: {  	_ =	shalt  }
0x43: {  	_ =	shalt  }
0x44: {  	_ =	shalt  }
0x45: {  	_ =	shalt  }
0x46: {  	_ =	shalt  }
0x47: {  	_ =	shalt  }
0x48: {  	_ =	shalt  }
0x49: {  	_ =	shalt  }
0x4a: {  	_ =	shalt  }
0x4b: {  	_ =	shalt  }
0x4c: {  	_ =	shalt  }
0x4d: {  	_ =	shalt  }
0x4e: {  	_ =	shalt  }
0x4f: {  	_ =	shalt  }
0x50: {  	_ =	shalt  }
0x51: {  	_ =	shalt  }
0x52: {  	_ =	shalt  }
0x53: {  	_ =	shalt  }
0x54: {  	_ =	shalt  }
0x55: {  	_ =	shalt  }
0x56: {  	_ =	shalt  }
0x57: {  	_ =	shalt  }
0x58: {  	_ =	shalt  }
0x59: {  	_ =	shalt  }
0x5a: {  	_ =	shalt  }
0x5b: {  	_ =	shalt  }
0x5c: {  	_ =	shalt  }
0x5d: {  	_ =	shalt  }
0x5e: {  	_ =	shalt  }
0x5f: {  	_ =	shalt  }
0x60: {  	_ =	shalt  }
0x61: {  	_ =	shalt  }
0x62: {  	_ =	shalt  }
0x63: {  	_ =	shalt  }
0x64: {  	_ =	shalt  }
0x65: {  	_ =	shalt  }
0x66: {  	_ =	shalt  }
0x67: {  	_ =	shalt  }
0x68: {  	_ =	shalt  }
0x69: {  	_ =	shalt  }
0x6a: {  	_ =	shalt  }
0x6b: {  	_ =	shalt  }
0x6c: {  	_ =	shalt  }
0x6d: {  	_ =	shalt  }
0x6e: {  	_ =	shalt  }
0x6f: {  	_ =	shalt  }
0x70: {  	_ =	shalt  }
0x71: {  	_ =	shalt  }
0x72: {  	_ =	shalt  }
0x73: {  	_ =	shalt  }
0x74: {  	_ =	shalt  }
0x75: {  	_ =	shalt  }
0x76: {  	_ =	shalt  }
0x77: {  	_ =	shalt  }
0x78: {  	_ =	shalt  }
0x79: {  	_ =	shalt  }
0x7a: {  	_ =	shalt  }
0x7b: {  	_ =	shalt  }
0x7c: {  	_ =	shalt  }
0x7d: {  	_ =	shalt  }
0x7e: {  	_ =	shalt  }
0x7f: {  	_ =	shalt  }
0x80: {  	_ =	shalt  }
0x81: {  	_ =	shalt  }
0x82: {  	_ =	shalt  }
0x83: {  	_ =	shalt  }
0x84: {  	_ =	shalt  }
0x85: {  	_ =	shalt  }
0x86: {  	_ =	shalt  }
0x87: {  	_ =	shalt  }
.Lfunc_end0:
.L_simem_size_0:
called_computation_lowered:
.L_overlay_start_0:
0x88: {  	s2 =	sld [smem:$0x3FD9]  }
0x89: {  	s3 =	sld [smem:$0x3FFE];
	_ =	sdelay $0x1  }
0x8a: {  	s1 =	srdreg.scid  }
0x8b: {  	s0 =	sand.u32 $0x1, s1  }
0x8c: {  	s16 =	sshll.u32 s0, $0xA;
	s2 =	sadd.s32 s3, s2  }
0x8d: {  	s2 =	sadd.s32 s2, s16  }
0x8e: {  	[smem:$0x3FB2] =	sst s2  }
0x8f: {  	_ = 	snop  }
0x90: {  	(tm) =	ssettm $0x1  }
0x91: {  	s17 =	sld [smem:$0x3FFB];
	_ =	sdelay $0x3  }
0x92: {  	_ =	strace s17  }
0x93: {  	s2 =	sld [smem:$0x3FFC];
	_ =	sdelay $0x3  }
0x94: {  	_ =	strace s2  }
0x95: {  	s2 =	sld [smem:$0x3FFD];
	_ =	sdelay $0x3  }
0x96: {  	_ =	strace s2  }
0x97: {  	_ =	strace $0x8FFFFFFF  }
0x98: {  	s18 =	sld [smem:$0x3FDB];
	_ =	sdelay $0x1  }
0x99: {  	s19 =	simm.s32 $_scs_section_size  }
0x9a: {  	s4 =	simm.s32 $_size__tile_overlayer_lowered;
	s5 =	simm.s32 $_tile_overlayer_lowered  }
0x9b: {  	s22 =	simm.s32 $0x1BFF;
	s21 =	sshll.u32 s5, $0x1;
	s2 =	sadd.s32 s19, s18  }
0x9c: {  	s6 =	simm.s32 $0x0;
	s20 =	sshll.u32 s4, $0x1;
	s4 =	sadd.s32 s21, s2  }
0x9d: {  	[timem:s6], [sflag:s22] =	dma.local [hbm:s4], s20  }
0x9e: {  	_ =	swait.ge [sflag:s22], s20  }
0x9f: {  	s3 =	ssub.s32 $0x0, s20;
	[sflag:s22] =	ssyncset.done $0x0  }
0xa0: {  	[sflag:s22] =	ssyncadd.s32 s3;
	_ =	sdelay $0x1  }
0xa1: {  	s23 =	simm.s32 $0x1B8B  }
0xa2: {  	_ =	swait.ge [sflag:s23], $0x1  }
0xa3: {  	[sflag:s23] =	ssyncset.done $0x0  }
0xa4: {  	s25 =	simm.s32 $0x1B8E;
	s24 =	sld [smem:$0x3FFE];
	[sflag:s23] =	ssyncadd.s32 $0xFFFFFFFF  }
0xa5: {  	s26 =	simm.s32 $execute0_lowered;
	[smem:$0x3FD2] =	sst s25  }
0xa6: {  	s4 =	sshll.u32 s26, $0x1;
	_ =	strace $0x80000046;
	[dreg:$0x1] =	wrdreg $0xFFFFFFFF  }
0xa7: {  	s28 =	simm.s32 $_size_execute0_lowered;
	s2 =	sadd.s32 s2, s4;
	[dreg:$0x0] =	wrdreg $0x0  }
0xa8: {  	s4 =	sshll.u32 s28, $0x1;
	[dreg:$0x2] =	wrdreg s2  }
0xa9: {  	[dreg:$0x3] =	wrdreg s4  }
0xaa: {  	[dreg:$0x4] =	wrdreg $0xC0  }
0xab: {  	_ =	task [dreg:s6], $0x5FFFF  }
0xac: {  	[dreg:$0x1] =	wrdreg $0xFFFFFFFF  }
0xad: {  	[dreg:$0x0] =	wrdreg $0x60  }
0xae: {  	[dreg:$0x2] =	wrdreg s24  }
0xaf: {  	[dreg:$0x3] =	wrdreg $0x0  }
0xb0: {  	[dreg:$0x4] =	wrdreg $0x9  }
0xb1: {  	_ =	task.clear_ibuf [dreg:s6], $0x5FFFF;
	_ =	strace $0x90000046  }
0xb2: {  	s29 =	simm.s32 $0x9;
	_ =	strace $0x80000048  }
0xb3: {  	_ =	swait.ge [sflag:s29], $0x1  }
0xb4: {  	[sflag:s29] =	ssyncadd.s32 $0xFFFFFFFF  }
0xb5: {  	_ =	strace $0x90000048  }
0xb6: {  	_ =	sfence  }
0xb7: {  	s30 =	sld [smem:$0x0];
	_ =	sdelay $0x2  }
0xb8: {  	s31 =	sshll.u32 s1, $0xD;
	s1 =	sshrl.u32 s1, $0x2  }
0xb9: {  	s3 =	sand.u32 $0x4000, s31;
	s1 =	sadd.s32 s1, s30  }
0xba: {  	s0 =	sor.u32 s3, s0;
	s1 =	sshll.u32 s1, $0x11  }
0xbb: {  	s0 =	sor.u32 s1, s0  }
0xbc: {  	s0 =	sadd.s32 $0x8F2B, s0  }
0xbd: {  	[sflag:s0] =	ssyncadd.remote.s32 $0x1  }
0xbe: {  	_ =	sfence.sel $0xFFFF  }
0xbf: {  	[dreg:$0x0] =	wrdreg $0xFFFFFFFF;
	(pc) =	sbr.abs _section_cstart, $3  }
0xc0: {  	[dreg:$0x1] =	wrdreg $0xFFFFFFFF  }
0xc1: {  	_ =	task.clear_ibuf [dreg:s6], $0x2FFFF;
	_ =	strace $0x9FFFFFFF  }
0xc2: {  	(tm) =	ssettm $0x7FFFFFFF  }
0xc3: {  	_ =	shalt  }
tec
execute0_lowered:
.L_overlay_start_1:
0x0: {  	(tag) =	ssettag $0x1  }
0x1: {  	s4 =	rddreg [dreg:$0x0]  }
0x2: {  	s1 =	rddreg [dreg:$0x1]  }
0x3: {  	s2 =	srdreg.scid;
	s0 =	rddreg [dreg:$0x2]  }
0x4: {  	s3 =	simm.s32 $0x0;
	s15 =	simm.s32 $0x16318;
	s16 =	simm.s32 $0x18398  }
0x5: {  	s17 =	simm.s32 $0x18418;
	s18 =	simm.s32 $0x18498;
	s19 =	simm.s32 $0x18518  }
0x6: {  	s20 =	simm.s32 $0x18598;
	s21 =	simm.s32 $0x18618;
	s22 =	simm.s32 $0x18698  }
0x7: {  	s24 =	simm.s32 $0x0;
	s5 =	sand.u32 $0x1, s2;
	s2 =	stileid.u32  }
0x8: {  	[smem:$0x7FF] =	sst s3;
	s8 =	sadd.s32 $0x18C00, s4;
	s6 =	smul.u32 $0xA000, s5  }
0x9: {  	s7 =	smul.u32 $0x4E, s2;
	_ =	strace $0x80000047;
	s25 =	smin.u32 s2, $0x2  }
0xa: {  	s26 =	ssub.s32 $0x2, s5;
	s10 =	smul.u32 $0x138800, s5;
	p0 =	sgt.u32 s2, $0x1  }
0xb: {  	s14 =	smul.u32 $0xA00, s2;
	s28 =	sshrl.u32 s26, $0x1;
	p1 =	sne.s32 @!p0 s2, $0x0  }
0xc: {  	s9 =	sadd.s32 s6, s4;
	s6 =	sadd.s32 s25, s7;
	s11 =	ssub.s32 s26, s28  }
0xd: {  	p1 =	por p1, p0;
	s6 =	sshll.u32 s6, $0xA;
	s31 =	sadd.s32 s14, s9  }
0xe: {  	s9 =	smax.u32 s11, $0x1;
	s11 =	simm.s32 $0x2718;
	s14 =	simm.s32 $0x40  }
0xf: {  	s4 =	sadd.s32 s6, s1;
	s12 =	sadd.s32 $0x13800, s6;
	s6 =	sadd.s32 s10, s6  }
0x10: {  	s5 =	sadd.s32 $0x13800, s4;
	s29 =	sadd.s32 s10, s12;
	s30 =	sshrl.u32 s6, $0x3  }
0x11: {  	s6 =	sadd.s32 $0x138800, s1;
	s23 =	sadd.s32 s12, s1;
	s10 =	sadd.s32 $0x4C00, s31  }
0x12: {  	s12 =	simm.s32 $0x1;
	s13 =	sshrl.u32 s29, $0x3;
	s7 =	sadd.s32 s8, s30  }
0x13: {  	v0 =	vimm.f32 $0.0e+00;
	v1 =	vimm.f32 $1.000000000e+00;
	s23 =	sshrl.u32 @!p0 s23, $0x3;
	s8 =	sadd.s32 s8, s13;
	s13 =	simm.s32 $0x18318  }
.LBB2_1:
0x14: {  	s25 =	simm.s32 $0x0  }
.LBB2_2:
0x15: {  	p2 =	sne.s32 s25, $0x4EE00  }
.Ltmp0:
0x16: {  	_ = 	snop;
	(pc) =	sbr.rel @p2 .LBB2_2-.Ltmp0, $3  }
0x17: {  	_ =	sdelay $0x1  }
0x18: {  	s26 =	sshra.s32 s25, $0x2  }
0x19: {  	s25 =	sadd.s32 $0x200, s25;
	[tilespmem:s26+$0x2718] =	vst v0  }
0x1a: {  	s25 =	simm.s32 $0x200;
	s26 =	simm.s32 $0x0  }
.LBB2_4:
0x1b: {  	p2 =	sne.s32 s25, $0x7E00;
	[tilespmem:s26+$0x16318] =	vst v1;
	s26 =	smov.u32 s25;
	s25 =	sadd.s32 $0x200, s25  }
.Ltmp1:
0x1c: {  	(pc) =	sbr.rel @p2 .LBB2_4-.Ltmp1, $2  }
0x1d: {  	_ =	sdelay $0x2  }
0x1e: {  	s26 =	sshra.s32 s26, $0x2  }
0x1f: {  	[tilespmem:s26+$0x16318] =	vst v1  }
0x20: {  	[spmem:s4] =	stream.linear.scatter [tilespmem:s11], [sflag:$0x1], $0x13800, $0x38;
	[tilespmem:$0x18718] =	vst v63  }
0x21: {  	_ =	swait.ge [sflag:s12], $0x13800  }
0x22: {  	[sflag:s12] =	ssyncset.done $0x0  }
0x23: {  	s25 =	simm.s32 @!p0 $0x2718;
	[sflag:s12] =	ssyncadd.s32 $0xFFFEC800  }
0x24: {  	[spmem:s5] =	stream.linear.scatter @!p0 [tilespmem:s25], [sflag:$0x1], $0x400, $0x38;
	[tilespmem:$0x18718] =	vst v63  }
0x25: {  	s25 =	simm.s32 @!p0 $0x1  }
0x26: {  	_ =	swait.ge @!p0 [sflag:s25], $0x400  }
0x27: {  	[sflag:s25] =	ssyncset.done @!p0 $0x0  }
0x28: {  	[sflag:s25] =	ssyncadd.s32 @!p0 $0xFFFFFC00;
	s25 =	simm.s32 @!p1 $0x2718  }
0x29: {  	[spmem:s6] =	stream.linear.scatter @!p1 [tilespmem:s25], [sflag:$0x1], $0x400, $0x38;
	[tilespmem:$0x18718] =	vst v63  }
0x2a: {  	s25 =	simm.s32 @!p1 $0x1  }
0x2b: {  	_ =	swait.ge @!p1 [sflag:s25], $0x400  }
0x2c: {  	[sflag:s25] =	ssyncset.done @!p1 $0x0  }
0x2d: {  	[sflag:s25] =	ssyncadd.s32 @!p1 $0xFFFFFC00  }
0x2e: {  	s31 =	sadd.s32 $0x0, s10;
	[bflag:$0x0] =	sbarrier.arrive $0xFFFF  }
0x2f: {  	[tilespmem:s13], [sflag:$0x1] =	stream.linear.gather [hbm4b:s31+s3], $0x400, $0x38;
	[tilespmem:$0x18718] =	vst v63  }
0x30: {  	_ =	swait.ge [sflag:s12], $0x400  }
0x31: {  	[sflag:s12] =	ssyncset.done $0x0  }
0x32: {  	[sflag:s12] =	ssyncadd.s32 $0xFFFFFC00  }
0x33: {  	[spmem:s1] =	stream.indirect.scatter.add.f32 [tilespmem:s15], [sflag:$0x1], $0x10, s13, s14, $0xb8;
	[tilespmem:$0x18718] =	vst v63  }
0x34: {  	_ =	swait.ge [sflag:s12], $0x400  }
0x35: {  	[sflag:s12] =	ssyncset.done $0x0  }
0x36: {  	[sflag:s12] =	ssyncadd.s32 $0xFFFFFC00  }
0x37: {  	[spmem:s1] =	stream.indirect.scatter.add.f32 [tilespmem:s15], [sflag:$0x1], $0x10, s16, s14, $0xb8;
	[tilespmem:$0x18718] =	vst v63  }
0x38: {  	_ =	swait.ge [sflag:s12], $0x400  }
0x39: {  	[sflag:s12] =	ssyncset.done $0x0  }
0x3a: {  	[sflag:s12] =	ssyncadd.s32 $0xFFFFFC00  }
0x3b: {  	[spmem:s1] =	stream.indirect.scatter.add.f32 [tilespmem:s15], [sflag:$0x1], $0x10, s17, s14, $0xb8;
	[tilespmem:$0x18718] =	vst v63  }
0x3c: {  	_ =	swait.ge [sflag:s12], $0x400  }
0x3d: {  	[sflag:s12] =	ssyncset.done $0x0  }
0x3e: {  	[sflag:s12] =	ssyncadd.s32 $0xFFFFFC00  }
0x3f: {  	[spmem:s1] =	stream.indirect.scatter.add.f32 [tilespmem:s15], [sflag:$0x1], $0x10, s18, s14, $0xb8;
	[tilespmem:$0x18718] =	vst v63  }
0x40: {  	_ =	swait.ge [sflag:s12], $0x400  }
0x41: {  	[sflag:s12] =	ssyncset.done $0x0  }
0x42: {  	[sflag:s12] =	ssyncadd.s32 $0xFFFFFC00  }
0x43: {  	[spmem:s1] =	stream.indirect.scatter.add.f32 [tilespmem:s15], [sflag:$0x1], $0x10, s19, s14, $0xb8;
	[tilespmem:$0x18718] =	vst v63  }
0x44: {  	_ =	swait.ge [sflag:s12], $0x400  }
0x45: {  	[sflag:s12] =	ssyncset.done $0x0  }
0x46: {  	[sflag:s12] =	ssyncadd.s32 $0xFFFFFC00  }
0x47: {  	[spmem:s1] =	stream.indirect.scatter.add.f32 [tilespmem:s15], [sflag:$0x1], $0x10, s20, s14, $0xb8;
	[tilespmem:$0x18718] =	vst v63  }
0x48: {  	_ =	swait.ge [sflag:s12], $0x400  }
0x49: {  	[sflag:s12] =	ssyncset.done $0x0  }
0x4a: {  	[sflag:s12] =	ssyncadd.s32 $0xFFFFFC00  }
0x4b: {  	[spmem:s1] =	stream.indirect.scatter.add.f32 [tilespmem:s15], [sflag:$0x1], $0x10, s21, s14, $0xb8;
	[tilespmem:$0x18718] =	vst v63  }
0x4c: {  	_ =	swait.ge [sflag:s12], $0x400  }
0x4d: {  	[sflag:s12] =	ssyncset.done $0x0  }
0x4e: {  	[sflag:s12] =	ssyncadd.s32 $0xFFFFFC00  }
0x4f: {  	[spmem:s1] =	stream.indirect.scatter.add.f32 [tilespmem:s15], [sflag:$0x1], $0x10, s22, s14, $0xb8;
	[tilespmem:$0x18718] =	vst v63  }
0x50: {  	_ =	swait.ge [sflag:s12], $0x400  }
0x51: {  	s28 =	simm.s32 $0x100;
	s25 =	simm.s32 $0x80;
	[sflag:s12] =	ssyncset.done $0x0  }
.LBB2_6:
0x52: {  	s29 =	sadd.s32 s25, s10  }
0x53: {  	[sflag:s12] =	ssyncadd.s32 $0xFFFFFC00;
	s25 =	smov.u32 s28;
	s26 =	sadd.s32 $0x80, s28  }
0x54: {  	[tilespmem:s13], [sflag:$0x1] =	stream.linear.gather [hbm4b:s29+s3], $0x400, $0x38;
	[tilespmem:$0x18718] =	vst v63  }
0x55: {  	p2 =	sne.s32 s28, $0x980;
	_ =	swait.ge [sflag:s12], $0x400  }
0x56: {  	[sflag:s12] =	ssyncset.done $0x0  }
0x57: {  	[sflag:s12] =	ssyncadd.s32 $0xFFFFFC00  }
0x58: {  	[spmem:s1] =	stream.indirect.scatter.add.f32 [tilespmem:s15], [sflag:$0x1], $0x10, s13, s14, $0xb8;
	[tilespmem:$0x18718] =	vst v63  }
0x59: {  	_ =	swait.ge [sflag:s12], $0x400  }
0x5a: {  	[sflag:s12] =	ssyncset.done $0x0  }
0x5b: {  	[sflag:s12] =	ssyncadd.s32 $0xFFFFFC00  }
0x5c: {  	[spmem:s1] =	stream.indirect.scatter.add.f32 [tilespmem:s15], [sflag:$0x1], $0x10, s16, s14, $0xb8;
	[tilespmem:$0x18718] =	vst v63  }
0x5d: {  	_ =	swait.ge [sflag:s12], $0x400  }
0x5e: {  	[sflag:s12] =	ssyncset.done $0x0  }
0x5f: {  	[sflag:s12] =	ssyncadd.s32 $0xFFFFFC00  }
0x60: {  	[spmem:s1] =	stream.indirect.scatter.add.f32 [tilespmem:s15], [sflag:$0x1], $0x10, s17, s14, $0xb8;
	[tilespmem:$0x18718] =	vst v63  }
0x61: {  	_ =	swait.ge [sflag:s12], $0x400  }
0x62: {  	[sflag:s12] =	ssyncset.done $0x0  }
0x63: {  	[sflag:s12] =	ssyncadd.s32 $0xFFFFFC00  }
0x64: {  	[spmem:s1] =	stream.indirect.scatter.add.f32 [tilespmem:s15], [sflag:$0x1], $0x10, s18, s14, $0xb8;
	[tilespmem:$0x18718] =	vst v63  }
0x65: {  	_ =	swait.ge [sflag:s12], $0x400  }
0x66: {  	[sflag:s12] =	ssyncset.done $0x0  }
0x67: {  	[sflag:s12] =	ssyncadd.s32 $0xFFFFFC00  }
0x68: {  	[spmem:s1] =	stream.indirect.scatter.add.f32 [tilespmem:s15], [sflag:$0x1], $0x10, s19, s14, $0xb8;
	[tilespmem:$0x18718] =	vst v63  }
0x69: {  	_ =	swait.ge [sflag:s12], $0x400  }
0x6a: {  	[sflag:s12] =	ssyncset.done $0x0  }
0x6b: {  	[sflag:s12] =	ssyncadd.s32 $0xFFFFFC00  }
0x6c: {  	[spmem:s1] =	stream.indirect.scatter.add.f32 [tilespmem:s15], [sflag:$0x1], $0x10, s20, s14, $0xb8;
	[tilespmem:$0x18718] =	vst v63  }
0x6d: {  	_ =	swait.ge [sflag:s12], $0x400  }
0x6e: {  	[sflag:s12] =	ssyncset.done $0x0  }
0x6f: {  	[sflag:s12] =	ssyncadd.s32 $0xFFFFFC00  }
0x70: {  	[spmem:s1] =	stream.indirect.scatter.add.f32 [tilespmem:s15], [sflag:$0x1], $0x10, s21, s14, $0xb8;
	[tilespmem:$0x18718] =	vst v63  }
0x71: {  	_ =	swait.ge [sflag:s12], $0x400  }
.Ltmp2:
0x72: {  	[sflag:s12] =	ssyncset.done $0x0;
	(pc) =	sbr.rel @p2 .LBB2_6-.Ltmp2, $4  }
0x73: {  	[sflag:s12] =	ssyncadd.s32 $0xFFFFFC00  }
0x74: {  	[spmem:s1] =	stream.indirect.scatter.add.f32 [tilespmem:s15], [sflag:$0x1], $0x10, s22, s14, $0xb8;
	[tilespmem:$0x18718] =	vst v63  }
0x75: {  	_ =	swait.ge [sflag:s12], $0x400  }
0x76: {  	s28 =	smov.u32 s26;
	[sflag:s12] =	ssyncset.done $0x0  }
0x77: {  	s25 =	sadd.s32 s25, s10;
	[sflag:s12] =	ssyncadd.s32 $0xFFFFFC00  }
0x78: {  	[tilespmem:s13], [sflag:$0x1] =	stream.linear.gather [hbm4b:s25+s3], $0x400, $0x38;
	[tilespmem:$0x18718] =	vst v63  }
0x79: {  	_ =	swait.ge [sflag:s12], $0x400  }
0x7a: {  	[sflag:s12] =	ssyncset.done $0x0  }
0x7b: {  	[sflag:s12] =	ssyncadd.s32 $0xFFFFFC00  }
0x7c: {  	[spmem:s1] =	stream.indirect.scatter.add.f32 [tilespmem:s15], [sflag:$0x1], $0x10, s13, s14, $0xb8;
	[tilespmem:$0x18718] =	vst v63  }
0x7d: {  	_ =	swait.ge [sflag:s12], $0x400  }
0x7e: {  	[sflag:s12] =	ssyncset.done $0x0  }
0x7f: {  	[sflag:s12] =	ssyncadd.s32 $0xFFFFFC00  }
0x80: {  	[spmem:s1] =	stream.indirect.scatter.add.f32 [tilespmem:s15], [sflag:$0x1], $0x10, s16, s14, $0xb8;
	[tilespmem:$0x18718] =	vst v63  }
0x81: {  	_ =	swait.ge [sflag:s12], $0x400  }
0x82: {  	[sflag:s12] =	ssyncset.done $0x0  }
0x83: {  	[sflag:s12] =	ssyncadd.s32 $0xFFFFFC00  }
0x84: {  	[spmem:s1] =	stream.indirect.scatter.add.f32 [tilespmem:s15], [sflag:$0x1], $0x10, s17, s14, $0xb8;
	[tilespmem:$0x18718] =	vst v63  }
0x85: {  	_ =	swait.ge [sflag:s12], $0x400  }
0x86: {  	[sflag:s12] =	ssyncset.done $0x0  }
0x87: {  	[sflag:s12] =	ssyncadd.s32 $0xFFFFFC00  }
0x88: {  	[spmem:s1] =	stream.indirect.scatter.add.f32 [tilespmem:s15], [sflag:$0x1], $0x10, s18, s14, $0xb8;
	[tilespmem:$0x18718] =	vst v63  }
0x89: {  	_ =	swait.ge [sflag:s12], $0x400  }
0x8a: {  	[sflag:s12] =	ssyncset.done $0x0  }
0x8b: {  	[sflag:s12] =	ssyncadd.s32 $0xFFFFFC00  }
0x8c: {  	[spmem:s1] =	stream.indirect.scatter.add.f32 [tilespmem:s15], [sflag:$0x1], $0x10, s19, s14, $0xb8;
	[tilespmem:$0x18718] =	vst v63  }
0x8d: {  	_ =	swait.ge [sflag:s12], $0x400  }
0x8e: {  	[sflag:s12] =	ssyncset.done $0x0  }
0x8f: {  	[sflag:s12] =	ssyncadd.s32 $0xFFFFFC00  }
0x90: {  	[spmem:s1] =	stream.indirect.scatter.add.f32 [tilespmem:s15], [sflag:$0x1], $0x10, s20, s14, $0xb8;
	[tilespmem:$0x18718] =	vst v63  }
0x91: {  	_ =	swait.ge [sflag:s12], $0x400  }
0x92: {  	[sflag:s12] =	ssyncset.done $0x0  }
0x93: {  	[sflag:s12] =	ssyncadd.s32 $0xFFFFFC00  }
0x94: {  	[spmem:s1] =	stream.indirect.scatter.add.f32 [tilespmem:s15], [sflag:$0x1], $0x10, s21, s14, $0xb8;
	[tilespmem:$0x18718] =	vst v63  }
0x95: {  	_ =	swait.ge [sflag:s12], $0x400  }
0x96: {  	[sflag:s12] =	ssyncset.done $0x0  }
0x97: {  	[sflag:s12] =	ssyncadd.s32 $0xFFFFFC00  }
0x98: {  	[spmem:s1] =	stream.indirect.scatter.add.f32 [tilespmem:s15], [sflag:$0x1], $0x10, s22, s14, $0xb8;
	[tilespmem:$0x18718] =	vst v63  }
0x99: {  	_ =	swait.ge [sflag:s12], $0x400  }
0x9a: {  	[sflag:s12] =	ssyncset.done $0x0  }
0x9b: {  	s31 =	sshll.u32 s2, $0x6;
	[sflag:s12] =	ssyncadd.s32 $0xFFFFFC00  }
0x9c: {  	s26 =	sshrl.u32 s4, $0x3;
	s25 =	sor.u32 $0x1C01, s31;
	[bflag:$0x0] =	sbarrier.arrive $0xFFFF  }
0x9d: {  	[hbm:s7], [sflag:s25] =	dma.local [spmem:s26], $0x2700  }
0x9e: {  	_ =	swait.ge [sflag:s12], $0x2700  }
0x9f: {  	s24 =	sadd.s32 $0x1, s24;
	[sflag:s12] =	ssyncset.done $0x0  }
0xa0: {  	p2 =	sne.s32 s24, s9;
	[sflag:s12] =	ssyncadd.s32 $0xFFFFD900  }
0xa1: {  	[hbm:s8], [sflag:s25] =	dma.local @!p0 [spmem:s23], $0x80  }
.Ltmp3:
0xa2: {  	_ = 	snop;
	(pc) =	sbr.rel @p2 .LBB2_1-.Ltmp3, $4  }
0xa3: {  	s25 =	simm.s32 @!p0 $0x1  }
0xa4: {  	_ =	swait.ge @!p0 [sflag:s25], $0x80  }
0xa5: {  	[sflag:s25] =	ssyncset.done @!p0 $0x0  }
0xa6: {  	[sflag:s25] =	ssyncadd.s32 @!p0 $0xFFFFFF80  }
0xa7: {  	_ =	sfence.sel $0x180000  }
0xa8: {  	[bflag:$0x0] =	sbarrier.arrive $0xFFFF  }
0xa9: {  	p0 =	sne.s32 s2, $0x0;
	_ =	strace $0x90000047  }
0xaa: {  	s0 =	sadd.s32 @!p0 $0x100000, s0;
	[bflag:$0x2] =	sbarrier.arrive $0xFFFF  }
0xab: {  	[sflag:s0] =	ssyncadd.tile.s32 @!p0 $0x1;
	_ =	shalt  }
.Lfunc_end2:
_tile_overlayer_lowered:
.L_overlay_start_2:
0xac: {  	(tag) =	ssettag $0x2  }
0xad: {  	s0 =	rddreg [dreg:$0x0];
	s2 =	stileid.u32  }
0xae: {  	s1 =	rddreg [dreg:$0x1];
	p0 =	sne.s32 s2, $0x0  }
0xaf: {  	s3 =	rddreg [dreg:$0x2];
	[bflag:$0x3] =	sbarrier.arrive $0xFFFF;
	s2 =	simm.s32 @!p0 $0x1C01  }
0xb0: {  	[timem:s3], [sflag:s2] =	dma.local @!p0 [hbm:s0], s1  }
0xb1: {  	s0 =	simm.s32 @!p0 $0x1  }
0xb2: {  	_ =	swait.ge @!p0 [sflag:s0], s1  }
0xb3: {  	s1 =	ssub.s32 @!p0 $0x0, s1;
	[sflag:s0] =	ssyncset.done @!p0 $0x0  }
0xb4: {  	[sflag:s0] =	ssyncadd.s32 @!p0 s1  }
0xb5: {  	[bflag:$0x3] =	sbarrier.arrive $0xFFFF  }
0xb6: {  	_ =	shalt  }

// kernel: kernel.13.cloned.1.call-start
scs
__scs_entry_jumppad:
0x0: {  	(pc) =	sbr.rel $0x88, $3  }
0x1: {  	(tag) =	ssettag $0x0;
	lr =	simm.s32 $0x1  }
0x2: {  	[smem:$0x3F8B] =	sst lr;
	_ =	strace $0xD0000000  }
0x3: {  	_ = 	snop  }
0x4: {  	_ = 	snop  }
0x5: {  	_ = 	snop  }
0x6: {  	_ = 	snop  }
0x7: {  	_ = 	snop  }
__scs_overlays_trampoline_lowered:
0x8: {  	[smem:$0x3F9A] =	sst s0  }
0x9: {  	[smem:$0x3F9B] =	sst s1  }
0xa: {  	[smem:$0x3F9C] =	sst s2  }
0xb: {  	[smem:$0x3F9D] =	sst s3  }
0xc: {  	[smem:$0x3F9E] =	sst s4  }
0xd: {  	[smem:$0x3F9F] =	sst s5  }
0xe: {  	[smem:$0x3FA0] =	sst s6  }
0xf: {  	[smem:$0x3FA1] =	sst s7  }
0x10: {  	[smem:$0x3FA2] =	sst s8  }
0x11: {  	[smem:$0x3FA3] =	sst s9;
	s0 =	simm.s32 @!p0 $0x0  }
0x12: {  	s1 =	sld [smem:$0x3F89];
	s0 =	simm.s32 @p0 $0x1  }
0x13: {  	[smem:$0x3FA4] =	sst s0;
	s0 =	simm.s32 @!p1 $0x0  }
0x14: {  	s2 =	sld [smem:$0x3F88];
	s0 =	simm.s32 @p1 $0x1  }
0x15: {  	[smem:$0x3FA5] =	sst s0;
	s0 =	simm.s32 @!p2 $0x0  }
0x16: {  	s3 =	sld [smem:$0x3FDB];
	s0 =	simm.s32 @p2 $0x1  }
0x17: {  	s4 =	simm.s32 $0x1BF5;
	[smem:$0x3FA7] =	sst s0  }
0x18: {  	s0 =	sld [smem:$0x3F8A];
	_ =	swait.ge [sflag:s4], $0x0  }
0x19: {  	s7 =	sld [smem:$0x3F8B]  }
0x1a: {  	s8 =	sadd.s32 $0xFFFFE003, lr  }
0x1b: {  	s9 =	sadd.s32 $0xFFFFFEF7, lr;
	s5 =	simm.s32 $0xFFFFFFFF;
	p2 =	slt.u32 s8, $0xFFFFF086  }
0x1c: {  	p1 =	slt.u32 s9, $0xF7A;
	s5 =	simm.s32 @!p2 $0x0  }
0x1d: {  	s5 =	simm.s32 @p1 $0x1;
	p0 =	seq.s32 s7, s2  }
0x1e: {  	s7 =	smul.u32 @!p0 $0xF7A, s2;
	p2 =	seq.s32 @!p0 s5, $0x0  }
0x1f: {  	s9 =	smul.u32 $0xF7A, s1;
	s8 =	simm.s32 @!p0 $0x1BF5;
	p2 =	por !p2, p0  }
0x20: {  	[sflag:s8] =	ssyncset.s32 @!p0 $0xFFFFF086;
	s6 =	sadd.s32 @!p0 s3, s7;
	s7 =	simm.s32 @!p0 $0x108  }
0x21: {  	s3 =	sadd.s32 s3, s9;
	s6 =	sadd.s32 @!p0 $0x88, s6;
	s7 =	simm.s32 @p2 $0x1082  }
0x22: {  	[simem:s7], [sflag:s8] =	dma.local @!p0 [hbm:s6], $0xF7A  }
0x23: {  	s9 =	sor.u32 $0xD0000000, s2;
	s6 =	simm.s32 $0x108;
	_ =	swait.ge @!p0 [sflag:s8], $0x0  }
0x24: {  	s3 =	sadd.s32 $0x88, s3;
	s6 =	simm.s32 @!p1 $0x1082;
	[sflag:s4] =	ssyncset.s32 $0xFFFFF086  }
0x25: {  	[simem:s6], [sflag:s4] =	dma.local [hbm:s3], $0xF7A  }
0x26: {  	[smem:$0x3F8B] =	sst s1;
	(tag) =	ssettag s2;
	_ =	strace s9  }
0x27: {  	s1 =	sld [smem:$0x3F9B]  }
0x28: {  	s2 =	sld [smem:$0x3F9C]  }
0x29: {  	s4 =	sld [smem:$0x3F9E]  }
0x2a: {  	p0 =	seq.s32 s5, $0x0;
	s5 =	sld [smem:$0x3F9F]  }
0x2b: {  	s6 =	sld [smem:$0x3FA0]  }
0x2c: {  	s7 =	sld [smem:$0x3FA1]  }
0x2d: {  	s3 =	simm.s32 $0x108;
	s8 =	sld [smem:$0x3FA2]  }
0x2e: {  	s3 =	simm.s32 @!p0 $0x1082;
	s9 =	sld [smem:$0x3FA3]  }
0x2f: {  	lr =	sadd.s32 s0, s3;
	s0 =	sld [smem:$0x3F9A]  }
0x30: {  	s3 =	sld [smem:$0x3F9D]  }
0x31: {  	[smem:$0x3FA6] =	sst s10  }
0x32: {  	s10 =	sld [smem:$0x3FA4];
	_ =	sdelay $0x3  }
0x33: {  	p0 =	seq.s32 s10, $0x1;
	s10 =	sld [smem:$0x3FA6];
	_ =	sdelay $0x3  }
0x34: {  	[smem:$0x3FA6] =	sst s10  }
0x35: {  	s10 =	sld [smem:$0x3FA5];
	_ =	sdelay $0x3  }
0x36: {  	p1 =	seq.s32 s10, $0x1;
	s10 =	sld [smem:$0x3FA6];
	_ =	sdelay $0x3  }
0x37: {  	[smem:$0x3FA6] =	sst s10  }
0x38: {  	s10 =	sld [smem:$0x3FA7]  }
0x39: {  	_ = 	snop;
	(pc) =	sbr.ind lr, $3  }
0x3a: {  	_ = 	snop  }
0x3b: {  	_ = 	snop  }
0x3c: {  	p2 =	seq.s32 s10, $0x1;
	s10 =	sld [smem:$0x3FA6]  }
0x3d: {  	_ =	shalt  }
0x3e: {  	_ =	shalt  }
0x3f: {  	_ =	shalt  }
0x40: {  	_ =	shalt  }
0x41: {  	_ =	shalt  }
0x42: {  	_ =	shalt  }
0x43: {  	_ =	shalt  }
0x44: {  	_ =	shalt  }
0x45: {  	_ =	shalt  }
0x46: {  	_ =	shalt  }
0x47: {  	_ =	shalt  }
0x48: {  	_ =	shalt  }
0x49: {  	_ =	shalt  }
0x4a: {  	_ =	shalt  }
0x4b: {  	_ =	shalt  }
0x4c: {  	_ =	shalt  }
0x4d: {  	_ =	shalt  }
0x4e: {  	_ =	shalt  }
0x4f: {  	_ =	shalt  }
0x50: {  	_ =	shalt  }
0x51: {  	_ =	shalt  }
0x52: {  	_ =	shalt  }
0x53: {  	_ =	shalt  }
0x54: {  	_ =	shalt  }
0x55: {  	_ =	shalt  }
0x56: {  	_ =	shalt  }
0x57: {  	_ =	shalt  }
0x58: {  	_ =	shalt  }
0x59: {  	_ =	shalt  }
0x5a: {  	_ =	shalt  }
0x5b: {  	_ =	shalt  }
0x5c: {  	_ =	shalt  }
0x5d: {  	_ =	shalt  }
0x5e: {  	_ =	shalt  }
0x5f: {  	_ =	shalt  }
0x60: {  	_ =	shalt  }
0x61: {  	_ =	shalt  }
0x62: {  	_ =	shalt  }
0x63: {  	_ =	shalt  }
0x64: {  	_ =	shalt  }
0x65: {  	_ =	shalt  }
0x66: {  	_ =	shalt  }
0x67: {  	_ =	shalt  }
0x68: {  	_ =	shalt  }
0x69: {  	_ =	shalt  }
0x6a: {  	_ =	shalt  }
0x6b: {  	_ =	shalt  }
0x6c: {  	_ =	shalt  }
0x6d: {  	_ =	shalt  }
0x6e: {  	_ =	shalt  }
0x6f: {  	_ =	shalt  }
0x70: {  	_ =	shalt  }
0x71: {  	_ =	shalt  }
0x72: {  	_ =	shalt  }
0x73: {  	_ =	shalt  }
0x74: {  	_ =	shalt  }
0x75: {  	_ =	shalt  }
0x76: {  	_ =	shalt  }
0x77: {  	_ =	shalt  }
0x78: {  	_ =	shalt  }
0x79: {  	_ =	shalt  }
0x7a: {  	_ =	shalt  }
0x7b: {  	_ =	shalt  }
0x7c: {  	_ =	shalt  }
0x7d: {  	_ =	shalt  }
0x7e: {  	_ =	shalt  }
0x7f: {  	_ =	shalt  }
0x80: {  	_ =	shalt  }
0x81: {  	_ =	shalt  }
0x82: {  	_ =	shalt  }
0x83: {  	_ =	shalt  }
0x84: {  	_ =	shalt  }
0x85: {  	_ =	shalt  }
0x86: {  	_ =	shalt  }
0x87: {  	_ =	shalt  }
.Lfunc_end0:
.L_simem_size_0:
called_computation.1_lowered:
.L_overlay_start_0:
0x88: {  	s2 =	sld [smem:$0x3FD9]  }
0x89: {  	s3 =	sld [smem:$0x3FFE];
	_ =	sdelay $0x1  }
0x8a: {  	s1 =	srdreg.scid  }
0x8b: {  	s0 =	sand.u32 $0x1, s1  }
0x8c: {  	s16 =	sshll.u32 s0, $0xA;
	s2 =	sadd.s32 s3, s2  }
0x8d: {  	s2 =	sadd.s32 s2, s16  }
0x8e: {  	[smem:$0x3FB2] =	sst s2  }
0x8f: {  	_ = 	snop  }
0x90: {  	(tm) =	ssettm $0x1  }
0x91: {  	s17 =	sld [smem:$0x3FFB];
	_ =	sdelay $0x3  }
0x92: {  	_ =	strace s17  }
0x93: {  	s2 =	sld [smem:$0x3FFC];
	_ =	sdelay $0x3  }
0x94: {  	_ =	strace s2  }
0x95: {  	s2 =	sld [smem:$0x3FFD];
	_ =	sdelay $0x3  }
0x96: {  	_ =	strace s2  }
0x97: {  	_ =	strace $0x8FFFFFFF  }
0x98: {  	s18 =	sld [smem:$0x3FDB];
	_ =	sdelay $0x1  }
0x99: {  	s19 =	simm.s32 $_scs_section_size  }
0x9a: {  	s4 =	simm.s32 $_size__tile_overlayer_lowered;
	s5 =	simm.s32 $_tile_overlayer_lowered  }
0x9b: {  	s22 =	simm.s32 $0x1BFF;
	s21 =	sshll.u32 s5, $0x1;
	s2 =	sadd.s32 s19, s18  }
0x9c: {  	s6 =	simm.s32 $0x0;
	s20 =	sshll.u32 s4, $0x1;
	s4 =	sadd.s32 s21, s2  }
0x9d: {  	[timem:s6], [sflag:s22] =	dma.local [hbm:s4], s20  }
0x9e: {  	_ =	swait.ge [sflag:s22], s20  }
0x9f: {  	s3 =	ssub.s32 $0x0, s20;
	[sflag:s22] =	ssyncset.done $0x0  }
0xa0: {  	[sflag:s22] =	ssyncadd.s32 s3;
	_ =	sdelay $0x1  }
0xa1: {  	s23 =	simm.s32 $0x1B8B  }
0xa2: {  	_ =	swait.ge [sflag:s23], $0x1  }
0xa3: {  	[sflag:s23] =	ssyncset.done $0x0  }
0xa4: {  	s25 =	simm.s32 $0x1B8E;
	s24 =	sld [smem:$0x3FFE];
	[sflag:s23] =	ssyncadd.s32 $0xFFFFFFFF  }
0xa5: {  	s26 =	simm.s32 $execute0_lowered;
	[smem:$0x3FD2] =	sst s25  }
0xa6: {  	s4 =	sshll.u32 s26, $0x1;
	_ =	strace $0x80000049;
	[dreg:$0x1] =	wrdreg $0xFFFFFFFF  }
0xa7: {  	s28 =	simm.s32 $_size_execute0_lowered;
	s2 =	sadd.s32 s2, s4;
	[dreg:$0x0] =	wrdreg $0x0  }
0xa8: {  	s4 =	sshll.u32 s28, $0x1;
	[dreg:$0x2] =	wrdreg s2  }
0xa9: {  	[dreg:$0x3] =	wrdreg s4  }
0xaa: {  	[dreg:$0x4] =	wrdreg $0xC0  }
0xab: {  	_ =	task [dreg:s6], $0x5FFFF  }
0xac: {  	[dreg:$0x1] =	wrdreg $0xFFFFFFFF  }
0xad: {  	[dreg:$0x0] =	wrdreg $0x60  }
0xae: {  	[dreg:$0x2] =	wrdreg s24  }
0xaf: {  	[dreg:$0x3] =	wrdreg $0x0  }
0xb0: {  	[dreg:$0x4] =	wrdreg $0x9  }
0xb1: {  	_ =	task.clear_ibuf [dreg:s6], $0x5FFFF;
	_ =	strace $0x90000049  }
0xb2: {  	s29 =	simm.s32 $0x9;
	_ =	strace $0x8000004B  }
0xb3: {  	_ =	swait.ge [sflag:s29], $0x1  }
0xb4: {  	[sflag:s29] =	ssyncadd.s32 $0xFFFFFFFF  }
0xb5: {  	_ =	strace $0x9000004B  }
0xb6: {  	_ =	sfence  }
0xb7: {  	s30 =	sld [smem:$0x0];
	_ =	sdelay $0x2  }
0xb8: {  	s31 =	sshll.u32 s1, $0xD;
	s1 =	sshrl.u32 s1, $0x2  }
0xb9: {  	s3 =	sand.u32 $0x4000, s31;
	s1 =	sadd.s32 s1, s30  }
0xba: {  	s0 =	sor.u32 s3, s0;
	s1 =	sshll.u32 s1, $0x11  }
0xbb: {  	s0 =	sor.u32 s1, s0  }
0xbc: {  	s0 =	sadd.s32 $0x8F2B, s0  }
0xbd: {  	[sflag:s0] =	ssyncadd.remote.s32 $0x1  }
0xbe: {  	_ =	sfence.sel $0xFFFF  }
0xbf: {  	[dreg:$0x0] =	wrdreg $0xFFFFFFFF;
	(pc) =	sbr.abs _section_cstart, $3  }
0xc0: {  	[dreg:$0x1] =	wrdreg $0xFFFFFFFF  }
0xc1: {  	_ =	task.clear_ibuf [dreg:s6], $0x2FFFF;
	_ =	strace $0x9FFFFFFF  }
0xc2: {  	(tm) =	ssettm $0x7FFFFFFF  }
0xc3: {  	_ =	shalt  }
tec
execute0_lowered:
.L_overlay_start_1:
0x0: {  	(tag) =	ssettag $0x1  }
0x1: {  	s0 =	rddreg [dreg:$0x0]  }
0x2: {  	s2 =	rddreg [dreg:$0x1];
	s1 =	simm.s32 $0x0;
	s13 =	stileid.u32  }
0x3: {  	s15 =	srdreg.scid;
	s28 =	simm.s32 $0x1A8C0;
	s29 =	simm.s32 $0x2  }
0x4: {  	s30 =	simm.s32 $0x5;
	s31 =	simm.s32 $0x3;
	[smem:$0x7FF] =	sst s1  }
0x5: {  	s3 =	smul.u32 $0x4E, s13;
	s4 =	sadd.s32 $0x8EE00, s0;
	s1 =	sand.u32 $0x1, s15  }
0x6: {  	s5 =	smin.u32 s13, $0x2;
	s7 =	sadd.s32 $0x7AE00, s0;
	s8 =	sadd.s32 $0x66E00, s0  }
0x7: {  	s0 =	sadd.s32 $0xDD000, s0;
	s20 =	sshll.u32 s13, $0x6;
	s10 =	smul.u32 $0xA000, s13  }
0x8: {  	p0 =	sgt.u32 s13, $0x1;
	s16 =	smul.u32 $0x138800, s1;
	s1 =	ssub.s32 $0x2, s1  }
0x9: {  	_ =	strace $0x8000004A;
	s3 =	sadd.s32 s5, s3;
	s6 =	sshrl.u32 s1, $0x1  }
0xa: {  	s10 =	sshrl.u32 s10, $0x3;
	s3 =	sshll.u32 s3, $0xA;
	s1 =	ssub.s32 s1, s6  }
0xb: {  	s6 =	sor.u32 $0x1C0B, s20;
	s5 =	sshrl.u32 s16, $0x3;
	s22 =	sadd.s32 s7, s10  }
0xc: {  	s23 =	sadd.s32 s8, s10;
	s20 =	simm.s32 $0x40;
	s9 =	sadd.s32 s16, s3  }
0xd: {  	s17 =	sadd.s32 $0x13800, s3;
	s3 =	sadd.s32 s3, s2;
	[dreg:$0x7] =	wrdreg s22  }
0xe: {  	[dreg:$0x8] =	wrdreg s23;
	s11 =	sadd.s32 s4, s5;
	s14 =	smax.u32 s1, $0x1  }
0xf: {  	s23 =	simm.s32 $0x168C0;
	s1 =	simm.s32 $0x4;
	s22 =	simm.s32 $0x8  }
0x10: {  	s12 =	sshrl.u32 s9, $0x3;
	[dreg:$0x3] =	wrdreg s3;
	s19 =	sadd.s32 s16, s17  }
0x11: {  	s9 =	sadd.s32 s17, s2;
	s16 =	smul.u32 $0x1400, s13;
	s17 =	simm.s32 $0xB  }
0x12: {  	s18 =	sadd.s32 s4, s12;
	s3 =	sshrl.u32 s19, $0x3;
	[dreg:$0x5] =	wrdreg s9  }
0x13: {  	s24 =	sadd.s32 s0, s12;
	s19 =	simm.s32 $0x7;
	[dreg:$0x4] =	wrdreg s18  }
0x14: {  	s21 =	sadd.s32 s4, s3;
	[dreg:$0x9] =	wrdreg s24;
	s0 =	sadd.s32 s0, s3  }
0x15: {  	s25 =	sadd.s32 s16, s8;
	s26 =	sadd.s32 s16, s7;
	[dreg:$0x6] =	wrdreg s21  }
0x16: {  	s18 =	simm.s32 $0x138C0;
	s24 =	simm.s32 $0x0;
	[dreg:$0xa] =	wrdreg s0  }
0x17: {  	s15 =	sadd.s32 $0x80, s25;
	s16 =	sadd.s32 $0x80, s26;
	s21 =	simm.s32 $0x148C0  }
0x18: {  	s25 =	simm.s32 $0x188C0;
	s26 =	simm.s32 $0x1;
	s0 =	simm.s32 $0x6  }
.LBB2_1:
0x19: {  	s3 =	rddreg [dreg:$0x3]  }
0x1a: {  	s4 =	rddreg [dreg:$0x4];
	s3 =	sshrl.u32 s3, $0x3  }
0x1b: {  	[spmem:s3], [sflag:s6] =	dma.local [hbm:s4], $0x2700  }
0x1c: {  	_ =	swait.ge [sflag:s17], $0x2700  }
0x1d: {  	[sflag:s17] =	ssyncset.done $0x0;
	s4 =	rddreg [dreg:$0x5]  }
0x1e: {  	s5 =	rddreg [dreg:$0x6];
	[sflag:s17] =	ssyncadd.s32 $0xFFFFD900;
	s4 =	sshrl.u32 @!p0 s4, $0x3  }
0x1f: {  	[spmem:s4], [sflag:s6] =	dma.local @!p0 [hbm:s5], $0x80  }
0x20: {  	s5 =	simm.s32 @!p0 $0xB  }
0x21: {  	_ =	swait.ge @!p0 [sflag:s5], $0x80  }
0x22: {  	[sflag:s5] =	ssyncset.done @!p0 $0x0  }
0x23: {  	s9 =	simm.s32 $0x0;
	s7 =	rddreg [dreg:$0x7];
	[sflag:s5] =	ssyncadd.s32 @!p0 $0xFFFFFF80  }
0x24: {  	[tilespmem:s18], [sflag:$0xB] =	stream.linear.gather [hbm4b:s7+s9], $0x400, $0x38;
	[tilespmem:$0x1C8C0] =	vst v63  }
0x25: {  	_ =	swait.ge [sflag:s17], $0x400  }
0x26: {  	[sflag:s17] =	ssyncset.done $0x0  }
0x27: {  	s8 =	simm.s32 $0x140C0;
	s10 =	rddreg [dreg:$0x8];
	[sflag:s17] =	ssyncadd.s32 $0xFFFFFC00  }
0x28: {  	[tilespmem:s8], [sflag:$0xB] =	stream.linear.gather [hbm4b:s10+s9], $0x400, $0x38;
	[tilespmem:$0x1C8C0] =	vst v63  }
0x29: {  	_ =	swait.ge [sflag:s17], $0x400  }
0x2a: {  	[sflag:s17] =	ssyncset.done $0x0  }
0x2b: {  	[sflag:s17] =	ssyncadd.s32 $0xFFFFFC00  }
0x2c: {  	[bflag:$0x0] =	sbarrier.arrive $0xFFFF  }
0x2d: {  	[tilespmem:s21], [sflag:$0x1] =	stream.indirect.gather [hbm4b:s11+s20], $0x80, s18, s20, $0xb8;
	[tilespmem:$0x1C8C0] =	vst v63  }
0x2e: {  	s12 =	simm.s32 $0x13940  }
0x2f: {  	[tilespmem:s23], [sflag:$0x2] =	stream.indirect.gather [hbm4b:s11+s20], $0x80, s12, s20, $0xb8;
	[tilespmem:$0x1C8C0] =	vst v63  }
0x30: {  	s13 =	simm.s32 $0x139C0;
	s5 =	simm.s32 $0x0;
	s7 =	simm.s32 $0x0  }
0x31: {  	[tilespmem:s25], [sflag:$0x3] =	stream.indirect.gather [hbm4b:s11+s20], $0x80, s13, s20, $0xb8;
	[tilespmem:$0x1C8C0] =	vst v63  }
.LBB2_2:
0x32: {  	p1 =	seq.s32 s5, $0x1380  }
0x33: {  	s8 =	sand.u32 @!p1 $0x400, s7  }
0x34: {  	s9 =	sxor.u32 @!p1 $0x400, s8  }
0x35: {  	s12 =	sadd.s32 @!p1 s5, s16;
	s13 =	simm.s32 @!p1 $0x0;
	s10 =	sor.u32 @!p1 $0x138C0, s9  }
0x36: {  	[tilespmem:s10], [sflag:$0x9] =	stream.linear.gather @!p1 [hbm4b:s12+s13], $0x400, $0x38;
	[tilespmem:$0x1C8C0] =	vst v63  }
0x37: {  	s9 =	sor.u32 @!p1 $0x140C0, s9;
	s10 =	sadd.s32 @!p1 s5, s15  }
0x38: {  	[tilespmem:s9], [sflag:$0xA] =	stream.linear.gather @!p1 [hbm4b:s10+s13], $0x400, $0x38;
	[tilespmem:$0x1C8C0] =	vst v63  }
0x39: {  	_ =	swait.ge [sflag:s26], $0x2000  }
0x3a: {  	p2 =	seq.s32 s5, $0x0;
	s8 =	simm.s32 @p1 $0x400;
	[sflag:s26] =	ssyncset.done $0x0  }
0x3b: {  	s10 =	sadd.s32 $0x140C0, s8;
	s9 =	simm.s32 @!p2 $0x8;
	[sflag:s26] =	ssyncadd.s32 $0xFFFFE000  }
0x3c: {  	[spmem:s2] =	stream.indirect.scatter.add.f32 [tilespmem:s21], [sflag:$0x5], $0x80, s10, s20, $0xb8;
	[tilespmem:$0x1C8C0] =	vst v63  }
0x3d: {  	_ =	swait.ge @!p2 [sflag:s9], $0x2000  }
0x3e: {  	[sflag:s9] =	ssyncset.done @!p2 $0x0  }
0x3f: {  	s12 =	sadd.s32 $0x13A40, s8;
	[sflag:s9] =	ssyncadd.s32 @!p2 $0xFFFFE000  }
0x40: {  	[tilespmem:s28], [sflag:$0x4] =	stream.indirect.gather [hbm4b:s11+s20], $0x80, s12, s20, $0xb8;
	[tilespmem:$0x1C8C0] =	vst v63  }
0x41: {  	_ =	swait.ge [sflag:s29], $0x2000  }
0x42: {  	[sflag:s29] =	ssyncset.done $0x0  }
0x43: {  	s13 =	sadd.s32 $0x14140, s8;
	[sflag:s29] =	ssyncadd.s32 $0xFFFFE000  }
0x44: {  	[spmem:s2] =	stream.indirect.scatter.add.f32 [tilespmem:s23], [sflag:$0x6], $0x80, s13, s20, $0xb8;
	[tilespmem:$0x1C8C0] =	vst v63  }
0x45: {  	_ =	swait.ge [sflag:s30], $0x2000  }
0x46: {  	[sflag:s30] =	ssyncset.done $0x0  }
0x47: {  	s10 =	sadd.s32 $0x13AC0, s8;
	[sflag:s30] =	ssyncadd.s32 $0xFFFFE000  }
0x48: {  	[tilespmem:s21], [sflag:$0x1] =	stream.indirect.gather [hbm4b:s11+s20], $0x80, s10, s20, $0xb8;
	[tilespmem:$0x1C8C0] =	vst v63  }
0x49: {  	_ =	swait.ge [sflag:s31], $0x2000  }
0x4a: {  	[sflag:s31] =	ssyncset.done $0x0  }
0x4b: {  	s12 =	sadd.s32 $0x141C0, s8;
	[sflag:s31] =	ssyncadd.s32 $0xFFFFE000  }
0x4c: {  	[spmem:s2] =	stream.indirect.scatter.add.f32 [tilespmem:s25], [sflag:$0x7], $0x80, s12, s20, $0xb8;
	[tilespmem:$0x1C8C0] =	vst v63  }
0x4d: {  	_ =	swait.ge [sflag:s0], $0x2000  }
0x4e: {  	[sflag:s0] =	ssyncset.done $0x0  }
0x4f: {  	s13 =	sadd.s32 $0x13B40, s8;
	[sflag:s0] =	ssyncadd.s32 $0xFFFFE000  }
0x50: {  	[tilespmem:s23], [sflag:$0x2] =	stream.indirect.gather [hbm4b:s11+s20], $0x80, s13, s20, $0xb8;
	[tilespmem:$0x1C8C0] =	vst v63  }
0x51: {  	_ =	swait.ge [sflag:s1], $0x2000  }
0x52: {  	[sflag:s1] =	ssyncset.done $0x0  }
0x53: {  	s10 =	sadd.s32 $0x14240, s8;
	[sflag:s1] =	ssyncadd.s32 $0xFFFFE000  }
0x54: {  	[spmem:s2] =	stream.indirect.scatter.add.f32 [tilespmem:s28], [sflag:$0x8], $0x80, s10, s20, $0xb8;
	[tilespmem:$0x1C8C0] =	vst v63  }
0x55: {  	_ =	swait.ge [sflag:s19], $0x2000  }
0x56: {  	[sflag:s19] =	ssyncset.done $0x0  }
0x57: {  	s12 =	sadd.s32 $0x13BC0, s8;
	[sflag:s19] =	ssyncadd.s32 $0xFFFFE000  }
0x58: {  	[tilespmem:s25], [sflag:$0x3] =	stream.indirect.gather [hbm4b:s11+s20], $0x80, s12, s20, $0xb8;
	[tilespmem:$0x1C8C0] =	vst v63  }
0x59: {  	_ =	swait.ge [sflag:s26], $0x2000  }
0x5a: {  	[sflag:s26] =	ssyncset.done $0x0  }
0x5b: {  	s13 =	sadd.s32 $0x142C0, s8;
	[sflag:s26] =	ssyncadd.s32 $0xFFFFE000  }
0x5c: {  	[spmem:s2] =	stream.indirect.scatter.add.f32 [tilespmem:s21], [sflag:$0x5], $0x80, s13, s20, $0xb8;
	[tilespmem:$0x1C8C0] =	vst v63  }
0x5d: {  	_ =	swait.ge [sflag:s22], $0x2000  }
0x5e: {  	[sflag:s22] =	ssyncset.done $0x0  }
0x5f: {  	s10 =	sadd.s32 $0x13C40, s8;
	[sflag:s22] =	ssyncadd.s32 $0xFFFFE000  }
0x60: {  	[tilespmem:s28], [sflag:$0x4] =	stream.indirect.gather [hbm4b:s11+s20], $0x80, s10, s20, $0xb8;
	[tilespmem:$0x1C8C0] =	vst v63  }
0x61: {  	_ =	swait.ge [sflag:s29], $0x2000  }
0x62: {  	[sflag:s29] =	ssyncset.done $0x0  }
0x63: {  	s12 =	sadd.s32 $0x14340, s8;
	[sflag:s29] =	ssyncadd.s32 $0xFFFFE000  }
0x64: {  	[spmem:s2] =	stream.indirect.scatter.add.f32 [tilespmem:s23], [sflag:$0x6], $0x80, s12, s20, $0xb8;
	[tilespmem:$0x1C8C0] =	vst v63  }
0x65: {  	_ =	swait.ge [sflag:s30], $0x2000  }
0x66: {  	[sflag:s30] =	ssyncset.done $0x0  }
0x67: {  	s9 =	simm.s32 @p1 $0x3;
	[sflag:s30] =	ssyncadd.s32 $0xFFFFE000  }
0x68: {  	_ =	swait.ge @p1 [sflag:s9], $0x2000  }
0x69: {  	s10 =	simm.s32 @p1 $0x40;
	[sflag:s9] =	ssyncset.done @p1 $0x0  }
0x6a: {  	s12 =	simm.s32 @p1 $0x188C0;
	[sflag:s9] =	ssyncadd.s32 @p1 $0xFFFFE000;
	s9 =	sadd.s32 @p1 $0x143C0, s8  }
0x6b: {  	[spmem:s2] =	stream.indirect.scatter.add.f32 @p1 [tilespmem:s12], [sflag:$0x7], $0x80, s9, s10, $0xb8;
	[tilespmem:$0x1C8C0] =	vst v63  }
0x6c: {  	s9 =	simm.s32 @p1 $0x6  }
0x6d: {  	_ =	swait.ge @p1 [sflag:s9], $0x2000  }
0x6e: {  	[sflag:s9] =	ssyncset.done @p1 $0x0  }
0x6f: {  	[sflag:s9] =	ssyncadd.s32 @p1 $0xFFFFE000;
	s9 =	simm.s32 @!p1 $0x9  }
0x70: {  	_ =	swait.ge @!p1 [sflag:s9], $0x400  }
0x71: {  	[sflag:s9] =	ssyncset.done @!p1 $0x0  }
0x72: {  	[sflag:s9] =	ssyncadd.s32 @!p1 $0xFFFFFC00;
	s9 =	simm.s32 @!p1 $0xA  }
0x73: {  	_ =	swait.ge @!p1 [sflag:s9], $0x400  }
0x74: {  	[sflag:s9] =	ssyncset.done @!p1 $0x0  }
0x75: {  	[sflag:s9] =	ssyncadd.s32 @!p1 $0xFFFFFC00;
	s9 =	sxor.u32 @!p1 $0x400, s8  }
0x76: {  	s10 =	simm.s32 @!p1 $0x40;
	s12 =	simm.s32 @!p1 $0x148C0;
	s9 =	sadd.s32 @!p1 $0x138C0, s9  }
0x77: {  	[tilespmem:s12], [sflag:$0x1] =	stream.indirect.gather @!p1 [hbm4b:s11+s10], $0x80, s9, s10, $0xb8;
	[tilespmem:$0x1C8C0] =	vst v63  }
0x78: {  	s9 =	simm.s32 @!p1 $0x3  }
0x79: {  	_ =	swait.ge @!p1 [sflag:s9], $0x2000  }
0x7a: {  	[sflag:s9] =	ssyncset.done @!p1 $0x0  }
0x7b: {  	s12 =	simm.s32 @!p1 $0x188C0;
	[sflag:s9] =	ssyncadd.s32 @!p1 $0xFFFFE000;
	s9 =	sadd.s32 @!p1 $0x143C0, s8  }
0x7c: {  	[spmem:s2] =	stream.indirect.scatter.add.f32 @!p1 [tilespmem:s12], [sflag:$0x7], $0x80, s9, s10, $0xb8;
	[tilespmem:$0x1C8C0] =	vst v63  }
0x7d: {  	s9 =	simm.s32 @!p1 $0x6  }
0x7e: {  	_ =	swait.ge @!p1 [sflag:s9], $0x2000  }
0x7f: {  	[sflag:s9] =	ssyncset.done @!p1 $0x0  }
0x80: {  	s13 =	simm.s32 @!p1 $0x168C0;
	[sflag:s9] =	ssyncadd.s32 @!p1 $0xFFFFE000;
	s9 =	ssub.s32 @!p1 $0x13D40, s8  }
0x81: {  	[tilespmem:s13], [sflag:$0x2] =	stream.indirect.gather @!p1 [hbm4b:s11+s10], $0x80, s9, s10, $0xb8;
	[tilespmem:$0x1C8C0] =	vst v63  }
0x82: {  	s5 =	sadd.s32 @!p1 $0x80, s5;
	_ =	swait.ge [sflag:s1], $0x2000  }
0x83: {  	p2 =	sne.s32 @!p1 s5, $0x1400;
	[sflag:s1] =	ssyncset.done $0x0  }
0x84: {  	p2 =	por p1, !p2;
	s13 =	sadd.s32 $0x14440, s8;
	[sflag:s1] =	ssyncadd.s32 $0xFFFFE000  }
0x85: {  	[spmem:s2] =	stream.indirect.scatter.add.f32 [tilespmem:s28], [sflag:$0x8], $0x80, s13, s20, $0xb8;
	[tilespmem:$0x1C8C0] =	vst v63  }
.Ltmp0:
0x86: {  	_ = 	snop;
	(pc) =	sbr.rel @!p2 .LBB2_2-.Ltmp0, $4  }
0x87: {  	_ =	swait.ge [sflag:s19], $0x2000  }
0x88: {  	[sflag:s19] =	ssyncset.done $0x0  }
0x89: {  	s7 =	sadd.s32 @!p1 $0x400, s7;
	s8 =	ssub.s32 @!p1 $0x13DC0, s8;
	[sflag:s19] =	ssyncadd.s32 $0xFFFFE000  }
0x8a: {  	[tilespmem:s12], [sflag:$0x3] =	stream.indirect.gather @!p1 [hbm4b:s11+s10], $0x80, s8, s10, $0xb8;
	[tilespmem:$0x1C8C0] =	vst v63  }
0x8b: {  	_ =	swait.ge [sflag:s22], $0x2000  }
0x8c: {  	[sflag:s22] =	ssyncset.done $0x0  }
0x8d: {  	[sflag:s22] =	ssyncadd.s32 $0xFFFFE000  }
0x8e: {  	[bflag:$0x0] =	sbarrier.arrive $0xFFFF  }
0x8f: {  	s5 =	rddreg [dreg:$0x9]  }
0x90: {  	[hbm:s5], [sflag:s6] =	dma.local [spmem:s3], $0x2700  }
0x91: {  	_ =	swait.ge [sflag:s17], $0x2700  }
0x92: {  	s24 =	sadd.s32 $0x1, s24;
	[sflag:s17] =	ssyncset.done $0x0  }
0x93: {  	p1 =	sne.s32 s24, s14;
	s3 =	rddreg [dreg:$0xa];
	[sflag:s17] =	ssyncadd.s32 $0xFFFFD900  }
0x94: {  	[hbm:s3], [sflag:s6] =	dma.local @!p0 [spmem:s4], $0x80  }
.Ltmp1:
0x95: {  	_ = 	snop;
	(pc) =	sbr.rel @p1 .LBB2_1-.Ltmp1, $4  }
0x96: {  	s3 =	simm.s32 @!p0 $0xB  }
0x97: {  	_ =	swait.ge @!p0 [sflag:s3], $0x80  }
0x98: {  	[sflag:s3] =	ssyncset.done @!p0 $0x0  }
0x99: {  	[sflag:s3] =	ssyncadd.s32 @!p0 $0xFFFFFF80  }
0x9a: {  	_ =	sfence.sel $0x180000  }
0x9b: {  	[bflag:$0x0] =	sbarrier.arrive $0xFFFF  }
0x9c: {  	_ =	strace $0x9000004A  }
0x9d: {  	s0 =	stileid.u32;
	[bflag:$0x2] =	sbarrier.arrive $0xFFFF  }
0x9e: {  	p0 =	sne.s32 s0, $0x0;
	s0 =	rddreg [dreg:$0x2]  }
0x9f: {  	s0 =	sadd.s32 @!p0 $0x100000, s0  }
0xa0: {  	[sflag:s0] =	ssyncadd.tile.s32 @!p0 $0x1;
	_ =	shalt  }
.Lfunc_end2:
_tile_overlayer_lowered:
.L_overlay_start_2:
0xa1: {  	(tag) =	ssettag $0x2  }
0xa2: {  	s0 =	rddreg [dreg:$0x0];
	s2 =	stileid.u32  }
0xa3: {  	s1 =	rddreg [dreg:$0x1];
	p0 =	sne.s32 s2, $0x0  }
0xa4: {  	s3 =	rddreg [dreg:$0x2];
	[bflag:$0x3] =	sbarrier.arrive $0xFFFF;
	s2 =	simm.s32 @!p0 $0x1C0B  }
0xa5: {  	[timem:s3], [sflag:s2] =	dma.local @!p0 [hbm:s0], s1  }
0xa6: {  	s0 =	simm.s32 @!p0 $0xB  }
0xa7: {  	_ =	swait.ge @!p0 [sflag:s0], s1  }
0xa8: {  	s1 =	ssub.s32 @!p0 $0x0, s1;
	[sflag:s0] =	ssyncset.done @!p0 $0x0  }
0xa9: {  	[sflag:s0] =	ssyncadd.s32 @!p0 s1  }
0xaa: {  	[bflag:$0x3] =	sbarrier.arrive $0xFFFF  }
0xab: {  	_ =	shalt  }

// kernel: kernel.16.cloned.1.call-start
scs
__scs_entry_jumppad:
0x0: {  	(pc) =	sbr.rel $0x88, $3  }
0x1: {  	(tag) =	ssettag $0x0;
	lr =	simm.s32 $0x1  }
0x2: {  	[smem:$0x3F8B] =	sst lr;
	_ =	strace $0xD0000000  }
0x3: {  	_ = 	snop  }
0x4: {  	_ = 	snop  }
0x5: {  	_ = 	snop  }
0x6: {  	_ = 	snop  }
0x7: {  	_ = 	snop  }
__scs_overlays_trampoline_lowered:
0x8: {  	[smem:$0x3F9A] =	sst s0  }
0x9: {  	[smem:$0x3F9B] =	sst s1  }
0xa: {  	[smem:$0x3F9C] =	sst s2  }
0xb: {  	[smem:$0x3F9D] =	sst s3  }
0xc: {  	[smem:$0x3F9E] =	sst s4  }
0xd: {  	[smem:$0x3F9F] =	sst s5  }
0xe: {  	[smem:$0x3FA0] =	sst s6  }
0xf: {  	[smem:$0x3FA1] =	sst s7  }
0x10: {  	[smem:$0x3FA2] =	sst s8  }
0x11: {  	[smem:$0x3FA3] =	sst s9;
	s0 =	simm.s32 @!p0 $0x0  }
0x12: {  	s1 =	sld [smem:$0x3F89];
	s0 =	simm.s32 @p0 $0x1  }
0x13: {  	[smem:$0x3FA4] =	sst s0;
	s0 =	simm.s32 @!p1 $0x0  }
0x14: {  	s2 =	sld [smem:$0x3F88];
	s0 =	simm.s32 @p1 $0x1  }
0x15: {  	[smem:$0x3FA5] =	sst s0;
	s0 =	simm.s32 @!p2 $0x0  }
0x16: {  	s3 =	sld [smem:$0x3FDB];
	s0 =	simm.s32 @p2 $0x1  }
0x17: {  	s4 =	simm.s32 $0x1BF5;
	[smem:$0x3FA7] =	sst s0  }
0x18: {  	s0 =	sld [smem:$0x3F8A];
	_ =	swait.ge [sflag:s4], $0x0  }
0x19: {  	s7 =	sld [smem:$0x3F8B]  }
0x1a: {  	s8 =	sadd.s32 $0xFFFFE003, lr  }
0x1b: {  	s9 =	sadd.s32 $0xFFFFFEF7, lr;
	s5 =	simm.s32 $0xFFFFFFFF;
	p2 =	slt.u32 s8, $0xFFFFF086  }
0x1c: {  	p1 =	slt.u32 s9, $0xF7A;
	s5 =	simm.s32 @!p2 $0x0  }
0x1d: {  	s5 =	simm.s32 @p1 $0x1;
	p0 =	seq.s32 s7, s2  }
0x1e: {  	s7 =	smul.u32 @!p0 $0xF7A, s2;
	p2 =	seq.s32 @!p0 s5, $0x0  }
0x1f: {  	s9 =	smul.u32 $0xF7A, s1;
	s8 =	simm.s32 @!p0 $0x1BF5;
	p2 =	por !p2, p0  }
0x20: {  	[sflag:s8] =	ssyncset.s32 @!p0 $0xFFFFF086;
	s6 =	sadd.s32 @!p0 s3, s7;
	s7 =	simm.s32 @!p0 $0x108  }
0x21: {  	s3 =	sadd.s32 s3, s9;
	s6 =	sadd.s32 @!p0 $0x88, s6;
	s7 =	simm.s32 @p2 $0x1082  }
0x22: {  	[simem:s7], [sflag:s8] =	dma.local @!p0 [hbm:s6], $0xF7A  }
0x23: {  	s9 =	sor.u32 $0xD0000000, s2;
	s6 =	simm.s32 $0x108;
	_ =	swait.ge @!p0 [sflag:s8], $0x0  }
0x24: {  	s3 =	sadd.s32 $0x88, s3;
	s6 =	simm.s32 @!p1 $0x1082;
	[sflag:s4] =	ssyncset.s32 $0xFFFFF086  }
0x25: {  	[simem:s6], [sflag:s4] =	dma.local [hbm:s3], $0xF7A  }
0x26: {  	[smem:$0x3F8B] =	sst s1;
	(tag) =	ssettag s2;
	_ =	strace s9  }
0x27: {  	s1 =	sld [smem:$0x3F9B]  }
0x28: {  	s2 =	sld [smem:$0x3F9C]  }
0x29: {  	s4 =	sld [smem:$0x3F9E]  }
0x2a: {  	p0 =	seq.s32 s5, $0x0;
	s5 =	sld [smem:$0x3F9F]  }
0x2b: {  	s6 =	sld [smem:$0x3FA0]  }
0x2c: {  	s7 =	sld [smem:$0x3FA1]  }
0x2d: {  	s3 =	simm.s32 $0x108;
	s8 =	sld [smem:$0x3FA2]  }
0x2e: {  	s3 =	simm.s32 @!p0 $0x1082;
	s9 =	sld [smem:$0x3FA3]  }
0x2f: {  	lr =	sadd.s32 s0, s3;
	s0 =	sld [smem:$0x3F9A]  }
0x30: {  	s3 =	sld [smem:$0x3F9D]  }
0x31: {  	[smem:$0x3FA6] =	sst s10  }
0x32: {  	s10 =	sld [smem:$0x3FA4];
	_ =	sdelay $0x3  }
0x33: {  	p0 =	seq.s32 s10, $0x1;
	s10 =	sld [smem:$0x3FA6];
	_ =	sdelay $0x3  }
0x34: {  	[smem:$0x3FA6] =	sst s10  }
0x35: {  	s10 =	sld [smem:$0x3FA5];
	_ =	sdelay $0x3  }
0x36: {  	p1 =	seq.s32 s10, $0x1;
	s10 =	sld [smem:$0x3FA6];
	_ =	sdelay $0x3  }
0x37: {  	[smem:$0x3FA6] =	sst s10  }
0x38: {  	s10 =	sld [smem:$0x3FA7]  }
0x39: {  	_ = 	snop;
	(pc) =	sbr.ind lr, $3  }
0x3a: {  	_ = 	snop  }
0x3b: {  	_ = 	snop  }
0x3c: {  	p2 =	seq.s32 s10, $0x1;
	s10 =	sld [smem:$0x3FA6]  }
0x3d: {  	_ =	shalt  }
0x3e: {  	_ =	shalt  }
0x3f: {  	_ =	shalt  }
0x40: {  	_ =	shalt  }
0x41: {  	_ =	shalt  }
0x42: {  	_ =	shalt  }
0x43: {  	_ =	shalt  }
0x44: {  	_ =	shalt  }
0x45: {  	_ =	shalt  }
0x46: {  	_ =	shalt  }
0x47: {  	_ =	shalt  }
0x48: {  	_ =	shalt  }
0x49: {  	_ =	shalt  }
0x4a: {  	_ =	shalt  }
0x4b: {  	_ =	shalt  }
0x4c: {  	_ =	shalt  }
0x4d: {  	_ =	shalt  }
0x4e: {  	_ =	shalt  }
0x4f: {  	_ =	shalt  }
0x50: {  	_ =	shalt  }
0x51: {  	_ =	shalt  }
0x52: {  	_ =	shalt  }
0x53: {  	_ =	shalt  }
0x54: {  	_ =	shalt  }
0x55: {  	_ =	shalt  }
0x56: {  	_ =	shalt  }
0x57: {  	_ =	shalt  }
0x58: {  	_ =	shalt  }
0x59: {  	_ =	shalt  }
0x5a: {  	_ =	shalt  }
0x5b: {  	_ =	shalt  }
0x5c: {  	_ =	shalt  }
0x5d: {  	_ =	shalt  }
0x5e: {  	_ =	shalt  }
0x5f: {  	_ =	shalt  }
0x60: {  	_ =	shalt  }
0x61: {  	_ =	shalt  }
0x62: {  	_ =	shalt  }
0x63: {  	_ =	shalt  }
0x64: {  	_ =	shalt  }
0x65: {  	_ =	shalt  }
0x66: {  	_ =	shalt  }
0x67: {  	_ =	shalt  }
0x68: {  	_ =	shalt  }
0x69: {  	_ =	shalt  }
0x6a: {  	_ =	shalt  }
0x6b: {  	_ =	shalt  }
0x6c: {  	_ =	shalt  }
0x6d: {  	_ =	shalt  }
0x6e: {  	_ =	shalt  }
0x6f: {  	_ =	shalt  }
0x70: {  	_ =	shalt  }
0x71: {  	_ =	shalt  }
0x72: {  	_ =	shalt  }
0x73: {  	_ =	shalt  }
0x74: {  	_ =	shalt  }
0x75: {  	_ =	shalt  }
0x76: {  	_ =	shalt  }
0x77: {  	_ =	shalt  }
0x78: {  	_ =	shalt  }
0x79: {  	_ =	shalt  }
0x7a: {  	_ =	shalt  }
0x7b: {  	_ =	shalt  }
0x7c: {  	_ =	shalt  }
0x7d: {  	_ =	shalt  }
0x7e: {  	_ =	shalt  }
0x7f: {  	_ =	shalt  }
0x80: {  	_ =	shalt  }
0x81: {  	_ =	shalt  }
0x82: {  	_ =	shalt  }
0x83: {  	_ =	shalt  }
0x84: {  	_ =	shalt  }
0x85: {  	_ =	shalt  }
0x86: {  	_ =	shalt  }
0x87: {  	_ =	shalt  }
.Lfunc_end0:
.L_simem_size_0:
called_computation.2_lowered:
.L_overlay_start_0:
0x88: {  	s2 =	sld [smem:$0x3FD9]  }
0x89: {  	s3 =	sld [smem:$0x3FFE];
	_ =	sdelay $0x1  }
0x8a: {  	s1 =	srdreg.scid  }
0x8b: {  	s0 =	sand.u32 $0x1, s1  }
0x8c: {  	s16 =	sshll.u32 s0, $0xA;
	s2 =	sadd.s32 s3, s2  }
0x8d: {  	s2 =	sadd.s32 s2, s16  }
0x8e: {  	[smem:$0x3FB2] =	sst s2  }
0x8f: {  	_ = 	snop  }
0x90: {  	(tm) =	ssettm $0x1  }
0x91: {  	s17 =	sld [smem:$0x3FFB];
	_ =	sdelay $0x3  }
0x92: {  	_ =	strace s17  }
0x93: {  	s2 =	sld [smem:$0x3FFC];
	_ =	sdelay $0x3  }
0x94: {  	_ =	strace s2  }
0x95: {  	s2 =	sld [smem:$0x3FFD];
	_ =	sdelay $0x3  }
0x96: {  	_ =	strace s2  }
0x97: {  	_ =	strace $0x8FFFFFFF  }
0x98: {  	s18 =	sld [smem:$0x3FDB];
	_ =	sdelay $0x1  }
0x99: {  	s19 =	simm.s32 $_scs_section_size  }
0x9a: {  	s4 =	simm.s32 $_size__tile_overlayer_lowered;
	s5 =	simm.s32 $_tile_overlayer_lowered  }
0x9b: {  	s22 =	simm.s32 $0x1BFF;
	s21 =	sshll.u32 s5, $0x1;
	s2 =	sadd.s32 s19, s18  }
0x9c: {  	s6 =	simm.s32 $0x0;
	s20 =	sshll.u32 s4, $0x1;
	s4 =	sadd.s32 s21, s2  }
0x9d: {  	[timem:s6], [sflag:s22] =	dma.local [hbm:s4], s20  }
0x9e: {  	_ =	swait.ge [sflag:s22], s20  }
0x9f: {  	s3 =	ssub.s32 $0x0, s20;
	[sflag:s22] =	ssyncset.done $0x0  }
0xa0: {  	[sflag:s22] =	ssyncadd.s32 s3;
	_ =	sdelay $0x1  }
0xa1: {  	s23 =	simm.s32 $0x1B8B  }
0xa2: {  	_ =	swait.ge [sflag:s23], $0x1  }
0xa3: {  	[sflag:s23] =	ssyncset.done $0x0  }
0xa4: {  	s25 =	simm.s32 $0x1B8E;
	s24 =	sld [smem:$0x3FFE];
	[sflag:s23] =	ssyncadd.s32 $0xFFFFFFFF  }
0xa5: {  	s26 =	simm.s32 $execute0_lowered;
	[smem:$0x3FD2] =	sst s25  }
0xa6: {  	s4 =	sshll.u32 s26, $0x1;
	_ =	strace $0x8000004C;
	[dreg:$0x1] =	wrdreg $0xFFFFFFFF  }
0xa7: {  	s28 =	simm.s32 $_size_execute0_lowered;
	s2 =	sadd.s32 s2, s4;
	[dreg:$0x0] =	wrdreg $0x0  }
0xa8: {  	s4 =	sshll.u32 s28, $0x1;
	[dreg:$0x2] =	wrdreg s2  }
0xa9: {  	[dreg:$0x3] =	wrdreg s4  }
0xaa: {  	[dreg:$0x4] =	wrdreg $0xC0  }
0xab: {  	_ =	task [dreg:s6], $0x5FFFF  }
0xac: {  	[dreg:$0x1] =	wrdreg $0xFFFFFFFF  }
0xad: {  	[dreg:$0x0] =	wrdreg $0x60  }
0xae: {  	[dreg:$0x2] =	wrdreg s24  }
0xaf: {  	[dreg:$0x3] =	wrdreg $0x0  }
0xb0: {  	[dreg:$0x4] =	wrdreg $0x9  }
0xb1: {  	_ =	task.clear_ibuf [dreg:s6], $0x5FFFF;
	_ =	strace $0x9000004C  }
0xb2: {  	s29 =	simm.s32 $0x9;
	_ =	strace $0x8000004E  }
0xb3: {  	_ =	swait.ge [sflag:s29], $0x1  }
0xb4: {  	[sflag:s29] =	ssyncadd.s32 $0xFFFFFFFF  }
0xb5: {  	_ =	strace $0x9000004E  }
0xb6: {  	_ =	sfence  }
0xb7: {  	s30 =	sld [smem:$0x0];
	_ =	sdelay $0x2  }
0xb8: {  	s31 =	sshll.u32 s1, $0xD;
	s1 =	sshrl.u32 s1, $0x2  }
0xb9: {  	s3 =	sand.u32 $0x4000, s31;
	s1 =	sadd.s32 s1, s30  }
0xba: {  	s0 =	sor.u32 s3, s0;
	s1 =	sshll.u32 s1, $0x11  }
0xbb: {  	s0 =	sor.u32 s1, s0  }
0xbc: {  	s0 =	sadd.s32 $0x8F2B, s0  }
0xbd: {  	[sflag:s0] =	ssyncadd.remote.s32 $0x1  }
0xbe: {  	_ =	sfence.sel $0xFFFF  }
0xbf: {  	[dreg:$0x0] =	wrdreg $0xFFFFFFFF;
	(pc) =	sbr.abs _section_cstart, $3  }
0xc0: {  	[dreg:$0x1] =	wrdreg $0xFFFFFFFF  }
0xc1: {  	_ =	task.clear_ibuf [dreg:s6], $0x2FFFF;
	_ =	strace $0x9FFFFFFF  }
0xc2: {  	(tm) =	ssettm $0x7FFFFFFF  }
0xc3: {  	_ =	shalt  }
tec
execute0_lowered:
.L_overlay_start_1:
0x0: {  	(tag) =	ssettag $0x1  }
0x1: {  	s0 =	rddreg [dreg:$0x0]  }
0x2: {  	s2 =	rddreg [dreg:$0x1];
	s1 =	simm.s32 $0x0;
	s13 =	stileid.u32  }
0x3: {  	s15 =	srdreg.scid;
	s28 =	simm.s32 $0x1A8C0;
	s29 =	simm.s32 $0x2  }
0x4: {  	s30 =	simm.s32 $0x5;
	s31 =	simm.s32 $0x3;
	[smem:$0x7FF] =	sst s1  }
0x5: {  	s3 =	smul.u32 $0x4E, s13;
	s4 =	sadd.s32 $0x8EE00, s0;
	s1 =	sand.u32 $0x1, s15  }
0x6: {  	s5 =	smin.u32 s13, $0x2;
	s7 =	sadd.s32 $0x7AE00, s0;
	s8 =	sadd.s32 $0x66E00, s0  }
0x7: {  	s0 =	sadd.s32 $0xDD000, s0;
	s20 =	sshll.u32 s13, $0x6;
	s10 =	smul.u32 $0xA000, s13  }
0x8: {  	p0 =	sgt.u32 s13, $0x1;
	s16 =	smul.u32 $0x138800, s1;
	s1 =	ssub.s32 $0x2, s1  }
0x9: {  	_ =	strace $0x8000004D;
	s3 =	sadd.s32 s5, s3;
	s6 =	sshrl.u32 s1, $0x1  }
0xa: {  	s10 =	sshrl.u32 s10, $0x3;
	s3 =	sshll.u32 s3, $0xA;
	s1 =	ssub.s32 s1, s6  }
0xb: {  	s6 =	sor.u32 $0x1C0B, s20;
	s5 =	sshrl.u32 s16, $0x3;
	s22 =	sadd.s32 s7, s10  }
0xc: {  	s23 =	sadd.s32 s8, s10;
	s20 =	simm.s32 $0x40;
	s9 =	sadd.s32 s16, s3  }
0xd: {  	s17 =	sadd.s32 $0x13800, s3;
	s3 =	sadd.s32 s3, s2;
	[dreg:$0x7] =	wrdreg s22  }
0xe: {  	[dreg:$0x8] =	wrdreg s23;
	s11 =	sadd.s32 s4, s5;
	s14 =	smax.u32 s1, $0x1  }
0xf: {  	s23 =	simm.s32 $0x168C0;
	s1 =	simm.s32 $0x4;
	s22 =	simm.s32 $0x8  }
0x10: {  	s12 =	sshrl.u32 s9, $0x3;
	[dreg:$0x3] =	wrdreg s3;
	s19 =	sadd.s32 s16, s17  }
0x11: {  	s9 =	sadd.s32 s17, s2;
	s16 =	smul.u32 $0x1400, s13;
	s17 =	simm.s32 $0xB  }
0x12: {  	s18 =	sadd.s32 s4, s12;
	s3 =	sshrl.u32 s19, $0x3;
	[dreg:$0x5] =	wrdreg s9  }
0x13: {  	s24 =	sadd.s32 s0, s12;
	s19 =	simm.s32 $0x7;
	[dreg:$0x4] =	wrdreg s18  }
0x14: {  	s21 =	sadd.s32 s4, s3;
	[dreg:$0x9] =	wrdreg s24;
	s0 =	sadd.s32 s0, s3  }
0x15: {  	s25 =	sadd.s32 s16, s8;
	s26 =	sadd.s32 s16, s7;
	[dreg:$0x6] =	wrdreg s21  }
0x16: {  	s18 =	simm.s32 $0x138C0;
	s24 =	simm.s32 $0x0;
	[dreg:$0xa] =	wrdreg s0  }
0x17: {  	s15 =	sadd.s32 $0x80, s25;
	s16 =	sadd.s32 $0x80, s26;
	s21 =	simm.s32 $0x148C0  }
0x18: {  	s25 =	simm.s32 $0x188C0;
	s26 =	simm.s32 $0x1;
	s0 =	simm.s32 $0x6  }
.LBB2_1:
0x19: {  	s3 =	rddreg [dreg:$0x3]  }
0x1a: {  	s4 =	rddreg [dreg:$0x4];
	s3 =	sshrl.u32 s3, $0x3  }
0x1b: {  	[spmem:s3], [sflag:s6] =	dma.local [hbm:s4], $0x2700  }
0x1c: {  	_ =	swait.ge [sflag:s17], $0x2700  }
0x1d: {  	[sflag:s17] =	ssyncset.done $0x0;
	s4 =	rddreg [dreg:$0x5]  }
0x1e: {  	s5 =	rddreg [dreg:$0x6];
	[sflag:s17] =	ssyncadd.s32 $0xFFFFD900;
	s4 =	sshrl.u32 @!p0 s4, $0x3  }
0x1f: {  	[spmem:s4], [sflag:s6] =	dma.local @!p0 [hbm:s5], $0x80  }
0x20: {  	s5 =	simm.s32 @!p0 $0xB  }
0x21: {  	_ =	swait.ge @!p0 [sflag:s5], $0x80  }
0x22: {  	[sflag:s5] =	ssyncset.done @!p0 $0x0  }
0x23: {  	s9 =	simm.s32 $0x0;
	s7 =	rddreg [dreg:$0x7];
	[sflag:s5] =	ssyncadd.s32 @!p0 $0xFFFFFF80  }
0x24: {  	[tilespmem:s18], [sflag:$0xB] =	stream.linear.gather [hbm4b:s7+s9], $0x400, $0x38;
	[tilespmem:$0x1C8C0] =	vst v63  }
0x25: {  	_ =	swait.ge [sflag:s17], $0x400  }
0x26: {  	[sflag:s17] =	ssyncset.done $0x0  }
0x27: {  	s8 =	simm.s32 $0x140C0;
	s10 =	rddreg [dreg:$0x8];
	[sflag:s17] =	ssyncadd.s32 $0xFFFFFC00  }
0x28: {  	[tilespmem:s8], [sflag:$0xB] =	stream.linear.gather [hbm4b:s10+s9], $0x400, $0x38;
	[tilespmem:$0x1C8C0] =	vst v63  }
0x29: {  	_ =	swait.ge [sflag:s17], $0x400  }
0x2a: {  	[sflag:s17] =	ssyncset.done $0x0  }
0x2b: {  	[sflag:s17] =	ssyncadd.s32 $0xFFFFFC00  }
0x2c: {  	[bflag:$0x0] =	sbarrier.arrive $0xFFFF  }
0x2d: {  	[tilespmem:s21], [sflag:$0x1] =	stream.indirect.gather [hbm4b:s11+s20], $0x80, s18, s20, $0xb8;
	[tilespmem:$0x1C8C0] =	vst v63  }
0x2e: {  	s12 =	simm.s32 $0x13940  }
0x2f: {  	[tilespmem:s23], [sflag:$0x2] =	stream.indirect.gather [hbm4b:s11+s20], $0x80, s12, s20, $0xb8;
	[tilespmem:$0x1C8C0] =	vst v63  }
0x30: {  	s13 =	simm.s32 $0x139C0;
	s5 =	simm.s32 $0x0;
	s7 =	simm.s32 $0x0  }
0x31: {  	[tilespmem:s25], [sflag:$0x3] =	stream.indirect.gather [hbm4b:s11+s20], $0x80, s13, s20, $0xb8;
	[tilespmem:$0x1C8C0] =	vst v63  }
.LBB2_2:
0x32: {  	p1 =	seq.s32 s5, $0x1380  }
0x33: {  	s8 =	sand.u32 @!p1 $0x400, s7  }
0x34: {  	s9 =	sxor.u32 @!p1 $0x400, s8  }
0x35: {  	s12 =	sadd.s32 @!p1 s5, s16;
	s13 =	simm.s32 @!p1 $0x0;
	s10 =	sor.u32 @!p1 $0x138C0, s9  }
0x36: {  	[tilespmem:s10], [sflag:$0x9] =	stream.linear.gather @!p1 [hbm4b:s12+s13], $0x400, $0x38;
	[tilespmem:$0x1C8C0] =	vst v63  }
0x37: {  	s9 =	sor.u32 @!p1 $0x140C0, s9;
	s10 =	sadd.s32 @!p1 s5, s15  }
0x38: {  	[tilespmem:s9], [sflag:$0xA] =	stream.linear.gather @!p1 [hbm4b:s10+s13], $0x400, $0x38;
	[tilespmem:$0x1C8C0] =	vst v63  }
0x39: {  	_ =	swait.ge [sflag:s26], $0x2000  }
0x3a: {  	p2 =	seq.s32 s5, $0x0;
	s8 =	simm.s32 @p1 $0x400;
	[sflag:s26] =	ssyncset.done $0x0  }
0x3b: {  	s10 =	sadd.s32 $0x140C0, s8;
	s9 =	simm.s32 @!p2 $0x8;
	[sflag:s26] =	ssyncadd.s32 $0xFFFFE000  }
0x3c: {  	[spmem:s2] =	stream.indirect.scatter.add.f32 [tilespmem:s21], [sflag:$0x5], $0x80, s10, s20, $0xb8;
	[tilespmem:$0x1C8C0] =	vst v63  }
0x3d: {  	_ =	swait.ge @!p2 [sflag:s9], $0x2000  }
0x3e: {  	[sflag:s9] =	ssyncset.done @!p2 $0x0  }
0x3f: {  	s12 =	sadd.s32 $0x13A40, s8;
	[sflag:s9] =	ssyncadd.s32 @!p2 $0xFFFFE000  }
0x40: {  	[tilespmem:s28], [sflag:$0x4] =	stream.indirect.gather [hbm4b:s11+s20], $0x80, s12, s20, $0xb8;
	[tilespmem:$0x1C8C0] =	vst v63  }
0x41: {  	_ =	swait.ge [sflag:s29], $0x2000  }
0x42: {  	[sflag:s29] =	ssyncset.done $0x0  }
0x43: {  	s13 =	sadd.s32 $0x14140, s8;
	[sflag:s29] =	ssyncadd.s32 $0xFFFFE000  }
0x44: {  	[spmem:s2] =	stream.indirect.scatter.add.f32 [tilespmem:s23], [sflag:$0x6], $0x80, s13, s20, $0xb8;
	[tilespmem:$0x1C8C0] =	vst v63  }
0x45: {  	_ =	swait.ge [sflag:s30], $0x2000  }
0x46: {  	[sflag:s30] =	ssyncset.done $0x0  }
0x47: {  	s10 =	sadd.s32 $0x13AC0, s8;
	[sflag:s30] =	ssyncadd.s32 $0xFFFFE000  }
0x48: {  	[tilespmem:s21], [sflag:$0x1] =	stream.indirect.gather [hbm4b:s11+s20], $0x80, s10, s20, $0xb8;
	[tilespmem:$0x1C8C0] =	vst v63  }
0x49: {  	_ =	swait.ge [sflag:s31], $0x2000  }
0x4a: {  	[sflag:s31] =	ssyncset.done $0x0  }
0x4b: {  	s12 =	sadd.s32 $0x141C0, s8;
	[sflag:s31] =	ssyncadd.s32 $0xFFFFE000  }
0x4c: {  	[spmem:s2] =	stream.indirect.scatter.add.f32 [tilespmem:s25], [sflag:$0x7], $0x80, s12, s20, $0xb8;
	[tilespmem:$0x1C8C0] =	vst v63  }
0x4d: {  	_ =	swait.ge [sflag:s0], $0x2000  }
0x4e: {  	[sflag:s0] =	ssyncset.done $0x0  }
0x4f: {  	s13 =	sadd.s32 $0x13B40, s8;
	[sflag:s0] =	ssyncadd.s32 $0xFFFFE000  }
0x50: {  	[tilespmem:s23], [sflag:$0x2] =	stream.indirect.gather [hbm4b:s11+s20], $0x80, s13, s20, $0xb8;
	[tilespmem:$0x1C8C0] =	vst v63  }
0x51: {  	_ =	swait.ge [sflag:s1], $0x2000  }
0x52: {  	[sflag:s1] =	ssyncset.done $0x0  }
0x53: {  	s10 =	sadd.s32 $0x14240, s8;
	[sflag:s1] =	ssyncadd.s32 $0xFFFFE000  }
0x54: {  	[spmem:s2] =	stream.indirect.scatter.add.f32 [tilespmem:s28], [sflag:$0x8], $0x80, s10, s20, $0xb8;
	[tilespmem:$0x1C8C0] =	vst v63  }
0x55: {  	_ =	swait.ge [sflag:s19], $0x2000  }
0x56: {  	[sflag:s19] =	ssyncset.done $0x0  }
0x57: {  	s12 =	sadd.s32 $0x13BC0, s8;
	[sflag:s19] =	ssyncadd.s32 $0xFFFFE000  }
0x58: {  	[tilespmem:s25], [sflag:$0x3] =	stream.indirect.gather [hbm4b:s11+s20], $0x80, s12, s20, $0xb8;
	[tilespmem:$0x1C8C0] =	vst v63  }
0x59: {  	_ =	swait.ge [sflag:s26], $0x2000  }
0x5a: {  	[sflag:s26] =	ssyncset.done $0x0  }
0x5b: {  	s13 =	sadd.s32 $0x142C0, s8;
	[sflag:s26] =	ssyncadd.s32 $0xFFFFE000  }
0x5c: {  	[spmem:s2] =	stream.indirect.scatter.add.f32 [tilespmem:s21], [sflag:$0x5], $0x80, s13, s20, $0xb8;
	[tilespmem:$0x1C8C0] =	vst v63  }
0x5d: {  	_ =	swait.ge [sflag:s22], $0x2000  }
0x5e: {  	[sflag:s22] =	ssyncset.done $0x0  }
0x5f: {  	s10 =	sadd.s32 $0x13C40, s8;
	[sflag:s22] =	ssyncadd.s32 $0xFFFFE000  }
0x60: {  	[tilespmem:s28], [sflag:$0x4] =	stream.indirect.gather [hbm4b:s11+s20], $0x80, s10, s20, $0xb8;
	[tilespmem:$0x1C8C0] =	vst v63  }
0x61: {  	_ =	swait.ge [sflag:s29], $0x2000  }
0x62: {  	[sflag:s29] =	ssyncset.done $0x0  }
0x63: {  	s12 =	sadd.s32 $0x14340, s8;
	[sflag:s29] =	ssyncadd.s32 $0xFFFFE000  }
0x64: {  	[spmem:s2] =	stream.indirect.scatter.add.f32 [tilespmem:s23], [sflag:$0x6], $0x80, s12, s20, $0xb8;
	[tilespmem:$0x1C8C0] =	vst v63  }
0x65: {  	_ =	swait.ge [sflag:s30], $0x2000  }
0x66: {  	[sflag:s30] =	ssyncset.done $0x0  }
0x67: {  	s9 =	simm.s32 @p1 $0x3;
	[sflag:s30] =	ssyncadd.s32 $0xFFFFE000  }
0x68: {  	_ =	swait.ge @p1 [sflag:s9], $0x2000  }
0x69: {  	s10 =	simm.s32 @p1 $0x40;
	[sflag:s9] =	ssyncset.done @p1 $0x0  }
0x6a: {  	s12 =	simm.s32 @p1 $0x188C0;
	[sflag:s9] =	ssyncadd.s32 @p1 $0xFFFFE000;
	s9 =	sadd.s32 @p1 $0x143C0, s8  }
0x6b: {  	[spmem:s2] =	stream.indirect.scatter.add.f32 @p1 [tilespmem:s12], [sflag:$0x7], $0x80, s9, s10, $0xb8;
	[tilespmem:$0x1C8C0] =	vst v63  }
0x6c: {  	s9 =	simm.s32 @p1 $0x6  }
0x6d: {  	_ =	swait.ge @p1 [sflag:s9], $0x2000  }
0x6e: {  	[sflag:s9] =	ssyncset.done @p1 $0x0  }
0x6f: {  	[sflag:s9] =	ssyncadd.s32 @p1 $0xFFFFE000;
	s9 =	simm.s32 @!p1 $0x9  }
0x70: {  	_ =	swait.ge @!p1 [sflag:s9], $0x400  }
0x71: {  	[sflag:s9] =	ssyncset.done @!p1 $0x0  }
0x72: {  	[sflag:s9] =	ssyncadd.s32 @!p1 $0xFFFFFC00;
	s9 =	simm.s32 @!p1 $0xA  }
0x73: {  	_ =	swait.ge @!p1 [sflag:s9], $0x400  }
0x74: {  	[sflag:s9] =	ssyncset.done @!p1 $0x0  }
0x75: {  	[sflag:s9] =	ssyncadd.s32 @!p1 $0xFFFFFC00;
	s9 =	sxor.u32 @!p1 $0x400, s8  }
0x76: {  	s10 =	simm.s32 @!p1 $0x40;
	s12 =	simm.s32 @!p1 $0x148C0;
	s9 =	sadd.s32 @!p1 $0x138C0, s9  }
0x77: {  	[tilespmem:s12], [sflag:$0x1] =	stream.indirect.gather @!p1 [hbm4b:s11+s10], $0x80, s9, s10, $0xb8;
	[tilespmem:$0x1C8C0] =	vst v63  }
0x78: {  	s9 =	simm.s32 @!p1 $0x3  }
0x79: {  	_ =	swait.ge @!p1 [sflag:s9], $0x2000  }
0x7a: {  	[sflag:s9] =	ssyncset.done @!p1 $0x0  }
0x7b: {  	s12 =	simm.s32 @!p1 $0x188C0;
	[sflag:s9] =	ssyncadd.s32 @!p1 $0xFFFFE000;
	s9 =	sadd.s32 @!p1 $0x143C0, s8  }
0x7c: {  	[spmem:s2] =	stream.indirect.scatter.add.f32 @!p1 [tilespmem:s12], [sflag:$0x7], $0x80, s9, s10, $0xb8;
	[tilespmem:$0x1C8C0] =	vst v63  }
0x7d: {  	s9 =	simm.s32 @!p1 $0x6  }
0x7e: {  	_ =	swait.ge @!p1 [sflag:s9], $0x2000  }
0x7f: {  	[sflag:s9] =	ssyncset.done @!p1 $0x0  }
0x80: {  	s13 =	simm.s32 @!p1 $0x168C0;
	[sflag:s9] =	ssyncadd.s32 @!p1 $0xFFFFE000;
	s9 =	ssub.s32 @!p1 $0x13D40, s8  }
0x81: {  	[tilespmem:s13], [sflag:$0x2] =	stream.indirect.gather @!p1 [hbm4b:s11+s10], $0x80, s9, s10, $0xb8;
	[tilespmem:$0x1C8C0] =	vst v63  }
0x82: {  	s5 =	sadd.s32 @!p1 $0x80, s5;
	_ =	swait.ge [sflag:s1], $0x2000  }
0x83: {  	p2 =	sne.s32 @!p1 s5, $0x1400;
	[sflag:s1] =	ssyncset.done $0x0  }
0x84: {  	p2 =	por p1, !p2;
	s13 =	sadd.s32 $0x14440, s8;
	[sflag:s1] =	ssyncadd.s32 $0xFFFFE000  }
0x85: {  	[spmem:s2] =	stream.indirect.scatter.add.f32 [tilespmem:s28], [sflag:$0x8], $0x80, s13, s20, $0xb8;
	[tilespmem:$0x1C8C0] =	vst v63  }
.Ltmp0:
0x86: {  	_ = 	snop;
	(pc) =	sbr.rel @!p2 .LBB2_2-.Ltmp0, $4  }
0x87: {  	_ =	swait.ge [sflag:s19], $0x2000  }
0x88: {  	[sflag:s19] =	ssyncset.done $0x0  }
0x89: {  	s7 =	sadd.s32 @!p1 $0x400, s7;
	s8 =	ssub.s32 @!p1 $0x13DC0, s8;
	[sflag:s19] =	ssyncadd.s32 $0xFFFFE000  }
0x8a: {  	[tilespmem:s12], [sflag:$0x3] =	stream.indirect.gather @!p1 [hbm4b:s11+s10], $0x80, s8, s10, $0xb8;
	[tilespmem:$0x1C8C0] =	vst v63  }
0x8b: {  	_ =	swait.ge [sflag:s22], $0x2000  }
0x8c: {  	[sflag:s22] =	ssyncset.done $0x0  }
0x8d: {  	[sflag:s22] =	ssyncadd.s32 $0xFFFFE000  }
0x8e: {  	[bflag:$0x0] =	sbarrier.arrive $0xFFFF  }
0x8f: {  	s5 =	rddreg [dreg:$0x9]  }
0x90: {  	[hbm:s5], [sflag:s6] =	dma.local [spmem:s3], $0x2700  }
0x91: {  	_ =	swait.ge [sflag:s17], $0x2700  }
0x92: {  	s24 =	sadd.s32 $0x1, s24;
	[sflag:s17] =	ssyncset.done $0x0  }
0x93: {  	p1 =	sne.s32 s24, s14;
	s3 =	rddreg [dreg:$0xa];
	[sflag:s17] =	ssyncadd.s32 $0xFFFFD900  }
0x94: {  	[hbm:s3], [sflag:s6] =	dma.local @!p0 [spmem:s4], $0x80  }
.Ltmp1:
0x95: {  	_ = 	snop;
	(pc) =	sbr.rel @p1 .LBB2_1-.Ltmp1, $4  }
0x96: {  	s3 =	simm.s32 @!p0 $0xB  }
0x97: {  	_ =	swait.ge @!p0 [sflag:s3], $0x80  }
0x98: {  	[sflag:s3] =	ssyncset.done @!p0 $0x0  }
0x99: {  	[sflag:s3] =	ssyncadd.s32 @!p0 $0xFFFFFF80  }
0x9a: {  	_ =	sfence.sel $0x180000  }
0x9b: {  	[bflag:$0x0] =	sbarrier.arrive $0xFFFF  }
0x9c: {  	_ =	strace $0x9000004D  }
0x9d: {  	s0 =	stileid.u32;
	[bflag:$0x2] =	sbarrier.arrive $0xFFFF  }
0x9e: {  	p0 =	sne.s32 s0, $0x0;
	s0 =	rddreg [dreg:$0x2]  }
0x9f: {  	s0 =	sadd.s32 @!p0 $0x100000, s0  }
0xa0: {  	[sflag:s0] =	ssyncadd.tile.s32 @!p0 $0x1;
	_ =	shalt  }
.Lfunc_end2:
_tile_overlayer_lowered:
.L_overlay_start_2:
0xa1: {  	(tag) =	ssettag $0x2  }
0xa2: {  	s0 =	rddreg [dreg:$0x0];
	s2 =	stileid.u32  }
0xa3: {  	s1 =	rddreg [dreg:$0x1];
	p0 =	sne.s32 s2, $0x0  }
0xa4: {  	s3 =	rddreg [dreg:$0x2];
	[bflag:$0x3] =	sbarrier.arrive $0xFFFF;
	s2 =	simm.s32 @!p0 $0x1C0B  }
0xa5: {  	[timem:s3], [sflag:s2] =	dma.local @!p0 [hbm:s0], s1  }
0xa6: {  	s0 =	simm.s32 @!p0 $0xB  }
0xa7: {  	_ =	swait.ge @!p0 [sflag:s0], s1  }
0xa8: {  	s1 =	ssub.s32 @!p0 $0x0, s1;
	[sflag:s0] =	ssyncset.done @!p0 $0x0  }
0xa9: {  	[sflag:s0] =	ssyncadd.s32 @!p0 s1  }
0xaa: {  	[bflag:$0x3] =	sbarrier.arrive $0xFFFF  }
0xab: {  	_ =	shalt  }

// kernel: kernel.19.cloned.1.call-start
scs
__scs_entry_jumppad:
0x0: {  	(pc) =	sbr.rel $0x88, $3  }
0x1: {  	(tag) =	ssettag $0x0;
	lr =	simm.s32 $0x1  }
0x2: {  	[smem:$0x3F8B] =	sst lr;
	_ =	strace $0xD0000000  }
0x3: {  	_ = 	snop  }
0x4: {  	_ = 	snop  }
0x5: {  	_ = 	snop  }
0x6: {  	_ = 	snop  }
0x7: {  	_ = 	snop  }
__scs_overlays_trampoline_lowered:
0x8: {  	[smem:$0x3F9A] =	sst s0  }
0x9: {  	[smem:$0x3F9B] =	sst s1  }
0xa: {  	[smem:$0x3F9C] =	sst s2  }
0xb: {  	[smem:$0x3F9D] =	sst s3  }
0xc: {  	[smem:$0x3F9E] =	sst s4  }
0xd: {  	[smem:$0x3F9F] =	sst s5  }
0xe: {  	[smem:$0x3FA0] =	sst s6  }
0xf: {  	[smem:$0x3FA1] =	sst s7  }
0x10: {  	[smem:$0x3FA2] =	sst s8  }
0x11: {  	[smem:$0x3FA3] =	sst s9;
	s0 =	simm.s32 @!p0 $0x0  }
0x12: {  	s1 =	sld [smem:$0x3F89];
	s0 =	simm.s32 @p0 $0x1  }
0x13: {  	[smem:$0x3FA4] =	sst s0;
	s0 =	simm.s32 @!p1 $0x0  }
0x14: {  	s2 =	sld [smem:$0x3F88];
	s0 =	simm.s32 @p1 $0x1  }
0x15: {  	[smem:$0x3FA5] =	sst s0;
	s0 =	simm.s32 @!p2 $0x0  }
0x16: {  	s3 =	sld [smem:$0x3FDB];
	s0 =	simm.s32 @p2 $0x1  }
0x17: {  	s4 =	simm.s32 $0x1BF5;
	[smem:$0x3FA7] =	sst s0  }
0x18: {  	s0 =	sld [smem:$0x3F8A];
	_ =	swait.ge [sflag:s4], $0x0  }
0x19: {  	s7 =	sld [smem:$0x3F8B]  }
0x1a: {  	s8 =	sadd.s32 $0xFFFFE003, lr  }
0x1b: {  	s9 =	sadd.s32 $0xFFFFFEF7, lr;
	s5 =	simm.s32 $0xFFFFFFFF;
	p2 =	slt.u32 s8, $0xFFFFF086  }
0x1c: {  	p1 =	slt.u32 s9, $0xF7A;
	s5 =	simm.s32 @!p2 $0x0  }
0x1d: {  	s5 =	simm.s32 @p1 $0x1;
	p0 =	seq.s32 s7, s2  }
0x1e: {  	s7 =	smul.u32 @!p0 $0xF7A, s2;
	p2 =	seq.s32 @!p0 s5, $0x0  }
0x1f: {  	s9 =	smul.u32 $0xF7A, s1;
	s8 =	simm.s32 @!p0 $0x1BF5;
	p2 =	por !p2, p0  }
0x20: {  	[sflag:s8] =	ssyncset.s32 @!p0 $0xFFFFF086;
	s6 =	sadd.s32 @!p0 s3, s7;
	s7 =	simm.s32 @!p0 $0x108  }
0x21: {  	s3 =	sadd.s32 s3, s9;
	s6 =	sadd.s32 @!p0 $0x88, s6;
	s7 =	simm.s32 @p2 $0x1082  }
0x22: {  	[simem:s7], [sflag:s8] =	dma.local @!p0 [hbm:s6], $0xF7A  }
0x23: {  	s9 =	sor.u32 $0xD0000000, s2;
	s6 =	simm.s32 $0x108;
	_ =	swait.ge @!p0 [sflag:s8], $0x0  }
0x24: {  	s3 =	sadd.s32 $0x88, s3;
	s6 =	simm.s32 @!p1 $0x1082;
	[sflag:s4] =	ssyncset.s32 $0xFFFFF086  }
0x25: {  	[simem:s6], [sflag:s4] =	dma.local [hbm:s3], $0xF7A  }
0x26: {  	[smem:$0x3F8B] =	sst s1;
	(tag) =	ssettag s2;
	_ =	strace s9  }
0x27: {  	s1 =	sld [smem:$0x3F9B]  }
0x28: {  	s2 =	sld [smem:$0x3F9C]  }
0x29: {  	s4 =	sld [smem:$0x3F9E]  }
0x2a: {  	p0 =	seq.s32 s5, $0x0;
	s5 =	sld [smem:$0x3F9F]  }
0x2b: {  	s6 =	sld [smem:$0x3FA0]  }
0x2c: {  	s7 =	sld [smem:$0x3FA1]  }
0x2d: {  	s3 =	simm.s32 $0x108;
	s8 =	sld [smem:$0x3FA2]  }
0x2e: {  	s3 =	simm.s32 @!p0 $0x1082;
	s9 =	sld [smem:$0x3FA3]  }
0x2f: {  	lr =	sadd.s32 s0, s3;
	s0 =	sld [smem:$0x3F9A]  }
0x30: {  	s3 =	sld [smem:$0x3F9D]  }
0x31: {  	[smem:$0x3FA6] =	sst s10  }
0x32: {  	s10 =	sld [smem:$0x3FA4];
	_ =	sdelay $0x3  }
0x33: {  	p0 =	seq.s32 s10, $0x1;
	s10 =	sld [smem:$0x3FA6];
	_ =	sdelay $0x3  }
0x34: {  	[smem:$0x3FA6] =	sst s10  }
0x35: {  	s10 =	sld [smem:$0x3FA5];
	_ =	sdelay $0x3  }
0x36: {  	p1 =	seq.s32 s10, $0x1;
	s10 =	sld [smem:$0x3FA6];
	_ =	sdelay $0x3  }
0x37: {  	[smem:$0x3FA6] =	sst s10  }
0x38: {  	s10 =	sld [smem:$0x3FA7]  }
0x39: {  	_ = 	snop;
	(pc) =	sbr.ind lr, $3  }
0x3a: {  	_ = 	snop  }
0x3b: {  	_ = 	snop  }
0x3c: {  	p2 =	seq.s32 s10, $0x1;
	s10 =	sld [smem:$0x3FA6]  }
0x3d: {  	_ =	shalt  }
0x3e: {  	_ =	shalt  }
0x3f: {  	_ =	shalt  }
0x40: {  	_ =	shalt  }
0x41: {  	_ =	shalt  }
0x42: {  	_ =	shalt  }
0x43: {  	_ =	shalt  }
0x44: {  	_ =	shalt  }
0x45: {  	_ =	shalt  }
0x46: {  	_ =	shalt  }
0x47: {  	_ =	shalt  }
0x48: {  	_ =	shalt  }
0x49: {  	_ =	shalt  }
0x4a: {  	_ =	shalt  }
0x4b: {  	_ =	shalt  }
0x4c: {  	_ =	shalt  }
0x4d: {  	_ =	shalt  }
0x4e: {  	_ =	shalt  }
0x4f: {  	_ =	shalt  }
0x50: {  	_ =	shalt  }
0x51: {  	_ =	shalt  }
0x52: {  	_ =	shalt  }
0x53: {  	_ =	shalt  }
0x54: {  	_ =	shalt  }
0x55: {  	_ =	shalt  }
0x56: {  	_ =	shalt  }
0x57: {  	_ =	shalt  }
0x58: {  	_ =	shalt  }
0x59: {  	_ =	shalt  }
0x5a: {  	_ =	shalt  }
0x5b: {  	_ =	shalt  }
0x5c: {  	_ =	shalt  }
0x5d: {  	_ =	shalt  }
0x5e: {  	_ =	shalt  }
0x5f: {  	_ =	shalt  }
0x60: {  	_ =	shalt  }
0x61: {  	_ =	shalt  }
0x62: {  	_ =	shalt  }
0x63: {  	_ =	shalt  }
0x64: {  	_ =	shalt  }
0x65: {  	_ =	shalt  }
0x66: {  	_ =	shalt  }
0x67: {  	_ =	shalt  }
0x68: {  	_ =	shalt  }
0x69: {  	_ =	shalt  }
0x6a: {  	_ =	shalt  }
0x6b: {  	_ =	shalt  }
0x6c: {  	_ =	shalt  }
0x6d: {  	_ =	shalt  }
0x6e: {  	_ =	shalt  }
0x6f: {  	_ =	shalt  }
0x70: {  	_ =	shalt  }
0x71: {  	_ =	shalt  }
0x72: {  	_ =	shalt  }
0x73: {  	_ =	shalt  }
0x74: {  	_ =	shalt  }
0x75: {  	_ =	shalt  }
0x76: {  	_ =	shalt  }
0x77: {  	_ =	shalt  }
0x78: {  	_ =	shalt  }
0x79: {  	_ =	shalt  }
0x7a: {  	_ =	shalt  }
0x7b: {  	_ =	shalt  }
0x7c: {  	_ =	shalt  }
0x7d: {  	_ =	shalt  }
0x7e: {  	_ =	shalt  }
0x7f: {  	_ =	shalt  }
0x80: {  	_ =	shalt  }
0x81: {  	_ =	shalt  }
0x82: {  	_ =	shalt  }
0x83: {  	_ =	shalt  }
0x84: {  	_ =	shalt  }
0x85: {  	_ =	shalt  }
0x86: {  	_ =	shalt  }
0x87: {  	_ =	shalt  }
.Lfunc_end0:
.L_simem_size_0:
called_computation.3_lowered:
.L_overlay_start_0:
0x88: {  	s2 =	sld [smem:$0x3FD9]  }
0x89: {  	s3 =	sld [smem:$0x3FFE];
	_ =	sdelay $0x1  }
0x8a: {  	s1 =	srdreg.scid  }
0x8b: {  	s0 =	sand.u32 $0x1, s1  }
0x8c: {  	s16 =	sshll.u32 s0, $0xA;
	s2 =	sadd.s32 s3, s2  }
0x8d: {  	s2 =	sadd.s32 s2, s16  }
0x8e: {  	[smem:$0x3FB2] =	sst s2  }
0x8f: {  	_ = 	snop  }
0x90: {  	(tm) =	ssettm $0x1  }
0x91: {  	s17 =	sld [smem:$0x3FFB];
	_ =	sdelay $0x3  }
0x92: {  	_ =	strace s17  }
0x93: {  	s2 =	sld [smem:$0x3FFC];
	_ =	sdelay $0x3  }
0x94: {  	_ =	strace s2  }
0x95: {  	s2 =	sld [smem:$0x3FFD];
	_ =	sdelay $0x3  }
0x96: {  	_ =	strace s2  }
0x97: {  	_ =	strace $0x8FFFFFFF  }
0x98: {  	s18 =	sld [smem:$0x3FDB];
	_ =	sdelay $0x1  }
0x99: {  	s19 =	simm.s32 $_scs_section_size  }
0x9a: {  	s4 =	simm.s32 $_size__tile_overlayer_lowered;
	s5 =	simm.s32 $_tile_overlayer_lowered  }
0x9b: {  	s22 =	simm.s32 $0x1BFF;
	s21 =	sshll.u32 s5, $0x1;
	s2 =	sadd.s32 s19, s18  }
0x9c: {  	s6 =	simm.s32 $0x0;
	s20 =	sshll.u32 s4, $0x1;
	s4 =	sadd.s32 s21, s2  }
0x9d: {  	[timem:s6], [sflag:s22] =	dma.local [hbm:s4], s20  }
0x9e: {  	_ =	swait.ge [sflag:s22], s20  }
0x9f: {  	s3 =	ssub.s32 $0x0, s20;
	[sflag:s22] =	ssyncset.done $0x0  }
0xa0: {  	[sflag:s22] =	ssyncadd.s32 s3;
	_ =	sdelay $0x1  }
0xa1: {  	s23 =	simm.s32 $0x1B8B  }
0xa2: {  	_ =	swait.ge [sflag:s23], $0x1  }
0xa3: {  	[sflag:s23] =	ssyncset.done $0x0  }
0xa4: {  	s25 =	simm.s32 $0x1B8E;
	s24 =	sld [smem:$0x3FFE];
	[sflag:s23] =	ssyncadd.s32 $0xFFFFFFFF  }
0xa5: {  	s26 =	simm.s32 $execute0_lowered;
	[smem:$0x3FD2] =	sst s25  }
0xa6: {  	s4 =	sshll.u32 s26, $0x1;
	_ =	strace $0x8000004F;
	[dreg:$0x1] =	wrdreg $0xFFFFFFFF  }
0xa7: {  	s28 =	simm.s32 $_size_execute0_lowered;
	s2 =	sadd.s32 s2, s4;
	[dreg:$0x0] =	wrdreg $0x0  }
0xa8: {  	s4 =	sshll.u32 s28, $0x1;
	[dreg:$0x2] =	wrdreg s2  }
0xa9: {  	[dreg:$0x3] =	wrdreg s4  }
0xaa: {  	[dreg:$0x4] =	wrdreg $0xC0  }
0xab: {  	_ =	task [dreg:s6], $0x5FFFF  }
0xac: {  	[dreg:$0x1] =	wrdreg $0xFFFFFFFF  }
0xad: {  	[dreg:$0x0] =	wrdreg $0x60  }
0xae: {  	[dreg:$0x2] =	wrdreg s24  }
0xaf: {  	[dreg:$0x3] =	wrdreg $0x0  }
0xb0: {  	[dreg:$0x4] =	wrdreg $0x9  }
0xb1: {  	_ =	task.clear_ibuf [dreg:s6], $0x5FFFF;
	_ =	strace $0x9000004F  }
0xb2: {  	s29 =	simm.s32 $0x9;
	_ =	strace $0x80000051  }
0xb3: {  	_ =	swait.ge [sflag:s29], $0x1  }
0xb4: {  	[sflag:s29] =	ssyncadd.s32 $0xFFFFFFFF  }
0xb5: {  	_ =	strace $0x90000051  }
0xb6: {  	_ =	sfence  }
0xb7: {  	s30 =	sld [smem:$0x0];
	_ =	sdelay $0x2  }
0xb8: {  	s31 =	sshll.u32 s1, $0xD;
	s1 =	sshrl.u32 s1, $0x2  }
0xb9: {  	s3 =	sand.u32 $0x4000, s31;
	s1 =	sadd.s32 s1, s30  }
0xba: {  	s0 =	sor.u32 s3, s0;
	s1 =	sshll.u32 s1, $0x11  }
0xbb: {  	s0 =	sor.u32 s1, s0  }
0xbc: {  	s0 =	sadd.s32 $0x8F2B, s0  }
0xbd: {  	[sflag:s0] =	ssyncadd.remote.s32 $0x1  }
0xbe: {  	_ =	sfence.sel $0xFFFF  }
0xbf: {  	[dreg:$0x0] =	wrdreg $0xFFFFFFFF;
	(pc) =	sbr.abs _section_cstart, $3  }
0xc0: {  	[dreg:$0x1] =	wrdreg $0xFFFFFFFF  }
0xc1: {  	_ =	task.clear_ibuf [dreg:s6], $0x2FFFF;
	_ =	strace $0x9FFFFFFF  }
0xc2: {  	(tm) =	ssettm $0x7FFFFFFF  }
0xc3: {  	_ =	shalt  }
tec
execute0_lowered:
.L_overlay_start_1:
0x0: {  	(tag) =	ssettag $0x1  }
0x1: {  	s0 =	rddreg [dreg:$0x0]  }
0x2: {  	s2 =	rddreg [dreg:$0x1];
	s1 =	simm.s32 $0x0;
	s13 =	stileid.u32  }
0x3: {  	s15 =	srdreg.scid;
	s28 =	simm.s32 $0x1A8C0;
	s29 =	simm.s32 $0x2  }
0x4: {  	s30 =	simm.s32 $0x5;
	s31 =	simm.s32 $0x3;
	[smem:$0x7FF] =	sst s1  }
0x5: {  	s3 =	smul.u32 $0x4E, s13;
	s4 =	sadd.s32 $0x8EE00, s0;
	s1 =	sand.u32 $0x1, s15  }
0x6: {  	s5 =	smin.u32 s13, $0x2;
	s7 =	sadd.s32 $0x7AE00, s0;
	s8 =	sadd.s32 $0x66E00, s0  }
0x7: {  	s0 =	sadd.s32 $0xDD000, s0;
	s20 =	sshll.u32 s13, $0x6;
	s10 =	smul.u32 $0xA000, s13  }
0x8: {  	p0 =	sgt.u32 s13, $0x1;
	s16 =	smul.u32 $0x138800, s1;
	s1 =	ssub.s32 $0x2, s1  }
0x9: {  	_ =	strace $0x80000050;
	s3 =	sadd.s32 s5, s3;
	s6 =	sshrl.u32 s1, $0x1  }
0xa: {  	s10 =	sshrl.u32 s10, $0x3;
	s3 =	sshll.u32 s3, $0xA;
	s1 =	ssub.s32 s1, s6  }
0xb: {  	s6 =	sor.u32 $0x1C0B, s20;
	s5 =	sshrl.u32 s16, $0x3;
	s22 =	sadd.s32 s7, s10  }
0xc: {  	s23 =	sadd.s32 s8, s10;
	s20 =	simm.s32 $0x40;
	s9 =	sadd.s32 s16, s3  }
0xd: {  	s17 =	sadd.s32 $0x13800, s3;
	s3 =	sadd.s32 s3, s2;
	[dreg:$0x7] =	wrdreg s22  }
0xe: {  	[dreg:$0x8] =	wrdreg s23;
	s11 =	sadd.s32 s4, s5;
	s14 =	smax.u32 s1, $0x1  }
0xf: {  	s23 =	simm.s32 $0x168C0;
	s1 =	simm.s32 $0x4;
	s22 =	simm.s32 $0x8  }
0x10: {  	s12 =	sshrl.u32 s9, $0x3;
	[dreg:$0x3] =	wrdreg s3;
	s19 =	sadd.s32 s16, s17  }
0x11: {  	s9 =	sadd.s32 s17, s2;
	s16 =	smul.u32 $0x1400, s13;
	s17 =	simm.s32 $0xB  }
0x12: {  	s18 =	sadd.s32 s4, s12;
	s3 =	sshrl.u32 s19, $0x3;
	[dreg:$0x5] =	wrdreg s9  }
0x13: {  	s24 =	sadd.s32 s0, s12;
	s19 =	simm.s32 $0x7;
	[dreg:$0x4] =	wrdreg s18  }
0x14: {  	s21 =	sadd.s32 s4, s3;
	[dreg:$0x9] =	wrdreg s24;
	s0 =	sadd.s32 s0, s3  }
0x15: {  	s25 =	sadd.s32 s16, s8;
	s26 =	sadd.s32 s16, s7;
	[dreg:$0x6] =	wrdreg s21  }
0x16: {  	s18 =	simm.s32 $0x138C0;
	s24 =	simm.s32 $0x0;
	[dreg:$0xa] =	wrdreg s0  }
0x17: {  	s15 =	sadd.s32 $0x80, s25;
	s16 =	sadd.s32 $0x80, s26;
	s21 =	simm.s32 $0x148C0  }
0x18: {  	s25 =	simm.s32 $0x188C0;
	s26 =	simm.s32 $0x1;
	s0 =	simm.s32 $0x6  }
.LBB2_1:
0x19: {  	s3 =	rddreg [dreg:$0x3]  }
0x1a: {  	s4 =	rddreg [dreg:$0x4];
	s3 =	sshrl.u32 s3, $0x3  }
0x1b: {  	[spmem:s3], [sflag:s6] =	dma.local [hbm:s4], $0x2700  }
0x1c: {  	_ =	swait.ge [sflag:s17], $0x2700  }
0x1d: {  	[sflag:s17] =	ssyncset.done $0x0;
	s4 =	rddreg [dreg:$0x5]  }
0x1e: {  	s5 =	rddreg [dreg:$0x6];
	[sflag:s17] =	ssyncadd.s32 $0xFFFFD900;
	s4 =	sshrl.u32 @!p0 s4, $0x3  }
0x1f: {  	[spmem:s4], [sflag:s6] =	dma.local @!p0 [hbm:s5], $0x80  }
0x20: {  	s5 =	simm.s32 @!p0 $0xB  }
0x21: {  	_ =	swait.ge @!p0 [sflag:s5], $0x80  }
0x22: {  	[sflag:s5] =	ssyncset.done @!p0 $0x0  }
0x23: {  	s9 =	simm.s32 $0x0;
	s7 =	rddreg [dreg:$0x7];
	[sflag:s5] =	ssyncadd.s32 @!p0 $0xFFFFFF80  }
0x24: {  	[tilespmem:s18], [sflag:$0xB] =	stream.linear.gather [hbm4b:s7+s9], $0x400, $0x38;
	[tilespmem:$0x1C8C0] =	vst v63  }
0x25: {  	_ =	swait.ge [sflag:s17], $0x400  }
0x26: {  	[sflag:s17] =	ssyncset.done $0x0  }
0x27: {  	s8 =	simm.s32 $0x140C0;
	s10 =	rddreg [dreg:$0x8];
	[sflag:s17] =	ssyncadd.s32 $0xFFFFFC00  }
0x28: {  	[tilespmem:s8], [sflag:$0xB] =	stream.linear.gather [hbm4b:s10+s9], $0x400, $0x38;
	[tilespmem:$0x1C8C0] =	vst v63  }
0x29: {  	_ =	swait.ge [sflag:s17], $0x400  }
0x2a: {  	[sflag:s17] =	ssyncset.done $0x0  }
0x2b: {  	[sflag:s17] =	ssyncadd.s32 $0xFFFFFC00  }
0x2c: {  	[bflag:$0x0] =	sbarrier.arrive $0xFFFF  }
0x2d: {  	[tilespmem:s21], [sflag:$0x1] =	stream.indirect.gather [hbm4b:s11+s20], $0x80, s18, s20, $0xb8;
	[tilespmem:$0x1C8C0] =	vst v63  }
0x2e: {  	s12 =	simm.s32 $0x13940  }
0x2f: {  	[tilespmem:s23], [sflag:$0x2] =	stream.indirect.gather [hbm4b:s11+s20], $0x80, s12, s20, $0xb8;
	[tilespmem:$0x1C8C0] =	vst v63  }
0x30: {  	s13 =	simm.s32 $0x139C0;
	s5 =	simm.s32 $0x0;
	s7 =	simm.s32 $0x0  }
0x31: {  	[tilespmem:s25], [sflag:$0x3] =	stream.indirect.gather [hbm4b:s11+s20], $0x80, s13, s20, $0xb8;
	[tilespmem:$0x1C8C0] =	vst v63  }
.LBB2_2:
0x32: {  	p1 =	seq.s32 s5, $0x1380  }
0x33: {  	s8 =	sand.u32 @!p1 $0x400, s7  }
0x34: {  	s9 =	sxor.u32 @!p1 $0x400, s8  }
0x35: {  	s12 =	sadd.s32 @!p1 s5, s16;
	s13 =	simm.s32 @!p1 $0x0;
	s10 =	sor.u32 @!p1 $0x138C0, s9  }
0x36: {  	[tilespmem:s10], [sflag:$0x9] =	stream.linear.gather @!p1 [hbm4b:s12+s13], $0x400, $0x38;
	[tilespmem:$0x1C8C0] =	vst v63  }
0x37: {  	s9 =	sor.u32 @!p1 $0x140C0, s9;
	s10 =	sadd.s32 @!p1 s5, s15  }
0x38: {  	[tilespmem:s9], [sflag:$0xA] =	stream.linear.gather @!p1 [hbm4b:s10+s13], $0x400, $0x38;
	[tilespmem:$0x1C8C0] =	vst v63  }
0x39: {  	_ =	swait.ge [sflag:s26], $0x2000  }
0x3a: {  	p2 =	seq.s32 s5, $0x0;
	s8 =	simm.s32 @p1 $0x400;
	[sflag:s26] =	ssyncset.done $0x0  }
0x3b: {  	s10 =	sadd.s32 $0x140C0, s8;
	s9 =	simm.s32 @!p2 $0x8;
	[sflag:s26] =	ssyncadd.s32 $0xFFFFE000  }
0x3c: {  	[spmem:s2] =	stream.indirect.scatter.add.f32 [tilespmem:s21], [sflag:$0x5], $0x80, s10, s20, $0xb8;
	[tilespmem:$0x1C8C0] =	vst v63  }
0x3d: {  	_ =	swait.ge @!p2 [sflag:s9], $0x2000  }
0x3e: {  	[sflag:s9] =	ssyncset.done @!p2 $0x0  }
0x3f: {  	s12 =	sadd.s32 $0x13A40, s8;
	[sflag:s9] =	ssyncadd.s32 @!p2 $0xFFFFE000  }
0x40: {  	[tilespmem:s28], [sflag:$0x4] =	stream.indirect.gather [hbm4b:s11+s20], $0x80, s12, s20, $0xb8;
	[tilespmem:$0x1C8C0] =	vst v63  }
0x41: {  	_ =	swait.ge [sflag:s29], $0x2000  }
0x42: {  	[sflag:s29] =	ssyncset.done $0x0  }
0x43: {  	s13 =	sadd.s32 $0x14140, s8;
	[sflag:s29] =	ssyncadd.s32 $0xFFFFE000  }
0x44: {  	[spmem:s2] =	stream.indirect.scatter.add.f32 [tilespmem:s23], [sflag:$0x6], $0x80, s13, s20, $0xb8;
	[tilespmem:$0x1C8C0] =	vst v63  }
0x45: {  	_ =	swait.ge [sflag:s30], $0x2000  }
0x46: {  	[sflag:s30] =	ssyncset.done $0x0  }
0x47: {  	s10 =	sadd.s32 $0x13AC0, s8;
	[sflag:s30] =	ssyncadd.s32 $0xFFFFE000  }
0x48: {  	[tilespmem:s21], [sflag:$0x1] =	stream.indirect.gather [hbm4b:s11+s20], $0x80, s10, s20, $0xb8;
	[tilespmem:$0x1C8C0] =	vst v63  }
0x49: {  	_ =	swait.ge [sflag:s31], $0x2000  }
0x4a: {  	[sflag:s31] =	ssyncset.done $0x0  }
0x4b: {  	s12 =	sadd.s32 $0x141C0, s8;
	[sflag:s31] =	ssyncadd.s32 $0xFFFFE000  }
0x4c: {  	[spmem:s2] =	stream.indirect.scatter.add.f32 [tilespmem:s25], [sflag:$0x7], $0x80, s12, s20, $0xb8;
	[tilespmem:$0x1C8C0] =	vst v63  }
0x4d: {  	_ =	swait.ge [sflag:s0], $0x2000  }
0x4e: {  	[sflag:s0] =	ssyncset.done $0x0  }
0x4f: {  	s13 =	sadd.s32 $0x13B40, s8;
	[sflag:s0] =	ssyncadd.s32 $0xFFFFE000  }
0x50: {  	[tilespmem:s23], [sflag:$0x2] =	stream.indirect.gather [hbm4b:s11+s20], $0x80, s13, s20, $0xb8;
	[tilespmem:$0x1C8C0] =	vst v63  }
0x51: {  	_ =	swait.ge [sflag:s1], $0x2000  }
0x52: {  	[sflag:s1] =	ssyncset.done $0x0  }
0x53: {  	s10 =	sadd.s32 $0x14240, s8;
	[sflag:s1] =	ssyncadd.s32 $0xFFFFE000  }
0x54: {  	[spmem:s2] =	stream.indirect.scatter.add.f32 [tilespmem:s28], [sflag:$0x8], $0x80, s10, s20, $0xb8;
	[tilespmem:$0x1C8C0] =	vst v63  }
0x55: {  	_ =	swait.ge [sflag:s19], $0x2000  }
0x56: {  	[sflag:s19] =	ssyncset.done $0x0  }
0x57: {  	s12 =	sadd.s32 $0x13BC0, s8;
	[sflag:s19] =	ssyncadd.s32 $0xFFFFE000  }
0x58: {  	[tilespmem:s25], [sflag:$0x3] =	stream.indirect.gather [hbm4b:s11+s20], $0x80, s12, s20, $0xb8;
	[tilespmem:$0x1C8C0] =	vst v63  }
0x59: {  	_ =	swait.ge [sflag:s26], $0x2000  }
0x5a: {  	[sflag:s26] =	ssyncset.done $0x0  }
0x5b: {  	s13 =	sadd.s32 $0x142C0, s8;
	[sflag:s26] =	ssyncadd.s32 $0xFFFFE000  }
0x5c: {  	[spmem:s2] =	stream.indirect.scatter.add.f32 [tilespmem:s21], [sflag:$0x5], $0x80, s13, s20, $0xb8;
	[tilespmem:$0x1C8C0] =	vst v63  }
0x5d: {  	_ =	swait.ge [sflag:s22], $0x2000  }
0x5e: {  	[sflag:s22] =	ssyncset.done $0x0  }
0x5f: {  	s10 =	sadd.s32 $0x13C40, s8;
	[sflag:s22] =	ssyncadd.s32 $0xFFFFE000  }
0x60: {  	[tilespmem:s28], [sflag:$0x4] =	stream.indirect.gather [hbm4b:s11+s20], $0x80, s10, s20, $0xb8;
	[tilespmem:$0x1C8C0] =	vst v63  }
0x61: {  	_ =	swait.ge [sflag:s29], $0x2000  }
0x62: {  	[sflag:s29] =	ssyncset.done $0x0  }
0x63: {  	s12 =	sadd.s32 $0x14340, s8;
	[sflag:s29] =	ssyncadd.s32 $0xFFFFE000  }
0x64: {  	[spmem:s2] =	stream.indirect.scatter.add.f32 [tilespmem:s23], [sflag:$0x6], $0x80, s12, s20, $0xb8;
	[tilespmem:$0x1C8C0] =	vst v63  }
0x65: {  	_ =	swait.ge [sflag:s30], $0x2000  }
0x66: {  	[sflag:s30] =	ssyncset.done $0x0  }
0x67: {  	s9 =	simm.s32 @p1 $0x3;
	[sflag:s30] =	ssyncadd.s32 $0xFFFFE000  }
0x68: {  	_ =	swait.ge @p1 [sflag:s9], $0x2000  }
0x69: {  	s10 =	simm.s32 @p1 $0x40;
	[sflag:s9] =	ssyncset.done @p1 $0x0  }
0x6a: {  	s12 =	simm.s32 @p1 $0x188C0;
	[sflag:s9] =	ssyncadd.s32 @p1 $0xFFFFE000;
	s9 =	sadd.s32 @p1 $0x143C0, s8  }
0x6b: {  	[spmem:s2] =	stream.indirect.scatter.add.f32 @p1 [tilespmem:s12], [sflag:$0x7], $0x80, s9, s10, $0xb8;
	[tilespmem:$0x1C8C0] =	vst v63  }
0x6c: {  	s9 =	simm.s32 @p1 $0x6  }
0x6d: {  	_ =	swait.ge @p1 [sflag:s9], $0x2000  }
0x6e: {  	[sflag:s9] =	ssyncset.done @p1 $0x0  }
0x6f: {  	[sflag:s9] =	ssyncadd.s32 @p1 $0xFFFFE000;
	s9 =	simm.s32 @!p1 $0x9  }
0x70: {  	_ =	swait.ge @!p1 [sflag:s9], $0x400  }
0x71: {  	[sflag:s9] =	ssyncset.done @!p1 $0x0  }
0x72: {  	[sflag:s9] =	ssyncadd.s32 @!p1 $0xFFFFFC00;
	s9 =	simm.s32 @!p1 $0xA  }
0x73: {  	_ =	swait.ge @!p1 [sflag:s9], $0x400  }
0x74: {  	[sflag:s9] =	ssyncset.done @!p1 $0x0  }
0x75: {  	[sflag:s9] =	ssyncadd.s32 @!p1 $0xFFFFFC00;
	s9 =	sxor.u32 @!p1 $0x400, s8  }
0x76: {  	s10 =	simm.s32 @!p1 $0x40;
	s12 =	simm.s32 @!p1 $0x148C0;
	s9 =	sadd.s32 @!p1 $0x138C0, s9  }
0x77: {  	[tilespmem:s12], [sflag:$0x1] =	stream.indirect.gather @!p1 [hbm4b:s11+s10], $0x80, s9, s10, $0xb8;
	[tilespmem:$0x1C8C0] =	vst v63  }
0x78: {  	s9 =	simm.s32 @!p1 $0x3  }
0x79: {  	_ =	swait.ge @!p1 [sflag:s9], $0x2000  }
0x7a: {  	[sflag:s9] =	ssyncset.done @!p1 $0x0  }
0x7b: {  	s12 =	simm.s32 @!p1 $0x188C0;
	[sflag:s9] =	ssyncadd.s32 @!p1 $0xFFFFE000;
	s9 =	sadd.s32 @!p1 $0x143C0, s8  }
0x7c: {  	[spmem:s2] =	stream.indirect.scatter.add.f32 @!p1 [tilespmem:s12], [sflag:$0x7], $0x80, s9, s10, $0xb8;
	[tilespmem:$0x1C8C0] =	vst v63  }
0x7d: {  	s9 =	simm.s32 @!p1 $0x6  }
0x7e: {  	_ =	swait.ge @!p1 [sflag:s9], $0x2000  }
0x7f: {  	[sflag:s9] =	ssyncset.done @!p1 $0x0  }
0x80: {  	s13 =	simm.s32 @!p1 $0x168C0;
	[sflag:s9] =	ssyncadd.s32 @!p1 $0xFFFFE000;
	s9 =	ssub.s32 @!p1 $0x13D40, s8  }
0x81: {  	[tilespmem:s13], [sflag:$0x2] =	stream.indirect.gather @!p1 [hbm4b:s11+s10], $0x80, s9, s10, $0xb8;
	[tilespmem:$0x1C8C0] =	vst v63  }
0x82: {  	s5 =	sadd.s32 @!p1 $0x80, s5;
	_ =	swait.ge [sflag:s1], $0x2000  }
0x83: {  	p2 =	sne.s32 @!p1 s5, $0x1400;
	[sflag:s1] =	ssyncset.done $0x0  }
0x84: {  	p2 =	por p1, !p2;
	s13 =	sadd.s32 $0x14440, s8;
	[sflag:s1] =	ssyncadd.s32 $0xFFFFE000  }
0x85: {  	[spmem:s2] =	stream.indirect.scatter.add.f32 [tilespmem:s28], [sflag:$0x8], $0x80, s13, s20, $0xb8;
	[tilespmem:$0x1C8C0] =	vst v63  }
.Ltmp0:
0x86: {  	_ = 	snop;
	(pc) =	sbr.rel @!p2 .LBB2_2-.Ltmp0, $4  }
0x87: {  	_ =	swait.ge [sflag:s19], $0x2000  }
0x88: {  	[sflag:s19] =	ssyncset.done $0x0  }
0x89: {  	s7 =	sadd.s32 @!p1 $0x400, s7;
	s8 =	ssub.s32 @!p1 $0x13DC0, s8;
	[sflag:s19] =	ssyncadd.s32 $0xFFFFE000  }
0x8a: {  	[tilespmem:s12], [sflag:$0x3] =	stream.indirect.gather @!p1 [hbm4b:s11+s10], $0x80, s8, s10, $0xb8;
	[tilespmem:$0x1C8C0] =	vst v63  }
0x8b: {  	_ =	swait.ge [sflag:s22], $0x2000  }
0x8c: {  	[sflag:s22] =	ssyncset.done $0x0  }
0x8d: {  	[sflag:s22] =	ssyncadd.s32 $0xFFFFE000  }
0x8e: {  	[bflag:$0x0] =	sbarrier.arrive $0xFFFF  }
0x8f: {  	s5 =	rddreg [dreg:$0x9]  }
0x90: {  	[hbm:s5], [sflag:s6] =	dma.local [spmem:s3], $0x2700  }
0x91: {  	_ =	swait.ge [sflag:s17], $0x2700  }
0x92: {  	s24 =	sadd.s32 $0x1, s24;
	[sflag:s17] =	ssyncset.done $0x0  }
0x93: {  	p1 =	sne.s32 s24, s14;
	s3 =	rddreg [dreg:$0xa];
	[sflag:s17] =	ssyncadd.s32 $0xFFFFD900  }
0x94: {  	[hbm:s3], [sflag:s6] =	dma.local @!p0 [spmem:s4], $0x80  }
.Ltmp1:
0x95: {  	_ = 	snop;
	(pc) =	sbr.rel @p1 .LBB2_1-.Ltmp1, $4  }
0x96: {  	s3 =	simm.s32 @!p0 $0xB  }
0x97: {  	_ =	swait.ge @!p0 [sflag:s3], $0x80  }
0x98: {  	[sflag:s3] =	ssyncset.done @!p0 $0x0  }
0x99: {  	[sflag:s3] =	ssyncadd.s32 @!p0 $0xFFFFFF80  }
0x9a: {  	_ =	sfence.sel $0x180000  }
0x9b: {  	[bflag:$0x0] =	sbarrier.arrive $0xFFFF  }
0x9c: {  	_ =	strace $0x90000050  }
0x9d: {  	s0 =	stileid.u32;
	[bflag:$0x2] =	sbarrier.arrive $0xFFFF  }
0x9e: {  	p0 =	sne.s32 s0, $0x0;
	s0 =	rddreg [dreg:$0x2]  }
0x9f: {  	s0 =	sadd.s32 @!p0 $0x100000, s0  }
0xa0: {  	[sflag:s0] =	ssyncadd.tile.s32 @!p0 $0x1;
	_ =	shalt  }
.Lfunc_end2:
_tile_overlayer_lowered:
.L_overlay_start_2:
0xa1: {  	(tag) =	ssettag $0x2  }
0xa2: {  	s0 =	rddreg [dreg:$0x0];
	s2 =	stileid.u32  }
0xa3: {  	s1 =	rddreg [dreg:$0x1];
	p0 =	sne.s32 s2, $0x0  }
0xa4: {  	s3 =	rddreg [dreg:$0x2];
	[bflag:$0x3] =	sbarrier.arrive $0xFFFF;
	s2 =	simm.s32 @!p0 $0x1C0B  }
0xa5: {  	[timem:s3], [sflag:s2] =	dma.local @!p0 [hbm:s0], s1  }
0xa6: {  	s0 =	simm.s32 @!p0 $0xB  }
0xa7: {  	_ =	swait.ge @!p0 [sflag:s0], s1  }
0xa8: {  	s1 =	ssub.s32 @!p0 $0x0, s1;
	[sflag:s0] =	ssyncset.done @!p0 $0x0  }
0xa9: {  	[sflag:s0] =	ssyncadd.s32 @!p0 s1  }
0xaa: {  	[bflag:$0x3] =	sbarrier.arrive $0xFFFF  }
0xab: {  	_ =	shalt  }

</sc_bundles>
